<compile_context>
chip_gen: v7x
topology: tpu7x:2x2x1
jax: 0.10.2.dev20260603
libtpu: 0.0.44.dev20260713+nightly
codegen_flags: <defaults>
</compile_context>

<pallas_src>
import functools

import jax
import jax.numpy as jnp
from jax import lax
from jax.experimental import pallas as pl
from jax.experimental.pallas import tpu as pltpu
from jax.experimental.pallas import tpu_sc as plsc

L = 16
ROW = 128
NC = 2
NS = 16


@functools.lru_cache(maxsize=None)
def _make_emb_kernel(V, D, NB, SEQ):
    NW = NC * NS
    iw = NB // NW
    K = iw // ROW
    group = K * ROW
    n_group = SEQ
    assert NB % (NW * ROW) == 0 and D == 2 * L and n_group % 2 == 0

    mesh = plsc.VectorSubcoreMesh(core_axis_name="c", subcore_axis_name="s")

    @functools.partial(
        pl.kernel,
        out_type=jax.ShapeDtypeStruct((SEQ, D, NB), jnp.float32),
        mesh=mesh,
        compiler_params=pltpu.CompilerParams(
            use_tc_tiling_on_sc=False, needs_layout_passes=False
        ),
        scratch_types=[
            pltpu.VMEM((SEQ * K, ROW), jnp.int32),
            pltpu.VMEM((group, D), jnp.float32),
            pltpu.VMEM((group, D), jnp.float32),
            pltpu.VMEM((D, group + 1), jnp.float32),
            pltpu.VMEM((D, group + 1), jnp.float32),
            pltpu.VMEM((L,), jnp.float32),
            pltpu.SemaphoreType.DMA,
            pltpu.SemaphoreType.DMA,
            pltpu.SemaphoreType.DMA,
            pltpu.SemaphoreType.DMA,
        ],
    )
    def emb(table_hbm, idx_hbm, s_hbm, out_hbm,
            idx_v, r0, r1, t0, t1, sv, g0, g1, o0, o1):
        wid = lax.axis_index("s") * NC + lax.axis_index("c")
        ibase = wid * iw
        pltpu.sync_copy(idx_hbm.at[wid], idx_v)
        pltpu.sync_copy(s_hbm, sv)
        s = jnp.exp(sv[...])
        riota = lax.iota(jnp.int32, L)

        rows = (r0, r1)
        tbuf = (t0, t1)
        gsem = (g0, g1)
        osem = (o0, o1)

        def fire(g, b):
            for k in range(K):
                pltpu.make_async_copy(
                    table_hbm.at[idx_v.at[g * K + k]],
                    rows[b].at[pl.ds(k * ROW, ROW)],
                    gsem[b],
                ).start()

        def drain(b):
            pltpu.make_async_copy(
                table_hbm.at[pl.ds(0, group)], rows[b], gsem[b]
            ).wait()

        def transpose_scale(b):
            r, t = rows[b], tbuf[b]
            hi = riota + L

            def body_i(i, _):
                col = jnp.full((L,), i, dtype=jnp.int32)
                v0 = r[i, pl.ds(0, L)]
                v1 = r[i, pl.ds(L, L)]
                plsc.store_scatter(t, [riota, col], v0 * s)
                plsc.store_scatter(t, [hi, col], v1 * s)
                return 0

            lax.fori_loop(0, group, body_i, 0, unroll=4)

        def flush(g, b):
            pltpu.make_async_copy(
                tbuf[b].at[:, pl.ds(0, group)],
                out_hbm.at[g, :, pl.ds(ibase, group)],
                osem[b],
            ).start()

        def flush_wait(b):
            pltpu.make_async_copy(
                tbuf[b].at[:, pl.ds(0, group)],
                out_hbm.at[0, :, pl.ds(ibase, group)],
                osem[b],
            ).wait()

        def step(g, b, *, prefetch=True, wait_out=True):
            if prefetch:
                fire(g + 1, 1 - b)
            drain(b)
            if wait_out:
                flush_wait(b)
            transpose_scale(b)
            flush(g, b)

        fire(0, 0)
        step(0, 0, wait_out=False)
        step(1, 1, wait_out=False)

        def outer(t, _):
            go = t * 2 + 2
            step(go, 0)
            step(go + 1, 1)
            return 0

        lax.fori_loop(0, (n_group - 4) // 2, outer, 0)
        step(n_group - 2, 0)
        step(n_group - 1, 1, prefetch=False)
        flush_wait(0)
        flush_wait(1)

    return emb, NW, K


@functools.lru_cache(maxsize=None)
def _make_table_transpose(V, D):
    NW = NC * NS
    CC = 2
    CW = CC * ROW
    n_full = V // ROW
    n_chunk = n_full // CC
    out_rows = V * D // ROW
    tail = V - n_full * ROW
    tail_rows = tail * D // ROW
    count = (n_chunk + NW - 1) // NW
    assert V % 8 == 0 and D == 2 * L and n_full % CC == 0
    assert count % 2 == 1 and count >= 5

    mesh = plsc.VectorSubcoreMesh(core_axis_name="c", subcore_axis_name="s")

    @functools.partial(
        pl.kernel,
        out_type=jax.ShapeDtypeStruct((out_rows, ROW), jnp.float32),
        mesh=mesh,
        compiler_params=pltpu.CompilerParams(
            use_tc_tiling_on_sc=True, needs_layout_passes=False
        ),
        scratch_types=[
            pltpu.VMEM((D, CW + 1), jnp.float32),
            pltpu.VMEM((D, CW + 1), jnp.float32),
            pltpu.VMEM((CC * D, ROW), jnp.float32),
            pltpu.VMEM((CC * D, ROW), jnp.float32),
            pltpu.VMEM((tail_rows, ROW), jnp.float32),
            pltpu.SemaphoreType.DMA,
            pltpu.SemaphoreType.DMA,
            pltpu.SemaphoreType.DMA,
            pltpu.SemaphoreType.DMA,
        ],
    )
    def tkern(wt_hbm, tail_hbm, out_hbm,
              i0, i1, t0, t1, tailbuf, s0, s1, o0, o1):
        wid = lax.axis_index("s") * NC + lax.axis_index("c")
        tin = (i0, i1)
        tout = (t0, t1)
        sem = (s0, s1)
        osem = (o0, o1)
        riota = lax.iota(jnp.int32, L)

        def chunk_of(k):
            q = wid + NW * k
            return jnp.where(q < n_chunk, q, 0)

        def fire(k, b):
            sc = pl.multiple_of(chunk_of(k) * CW, CW)
            pltpu.make_async_copy(
                wt_hbm.at[:, pl.ds(sc, CW)],
                tin[b].at[:, pl.ds(0, CW)],
                sem[b],
            ).start()

        def drain(b):
            pltpu.make_async_copy(
                wt_hbm.at[:, pl.ds(0, CW)],
                tin[b].at[:, pl.ds(0, CW)],
                sem[b],
            ).wait()

        rlo = riota
        rhi = riota + L

        def transpose(b):
            t = tin[b], tout[b]

            def body_a(a, _):
                c0 = jnp.full((L,), a * 4, dtype=jnp.int32)
                cols = [c0, c0 + 1, c0 + 2, c0 + 3]
                vs = []
                for n in range(8):
                    rows_v = rhi if n % 2 else rlo
                    vs.append(plsc.load_gather(t[0], [rows_v, cols[n // 2]]))
                for n in range(8):
                    t[1][a, pl.ds(n * L, L)] = vs[n]
                return 0

            lax.fori_loop(0, CC * D, body_a, 0, unroll=2)

        def flush(k, b):
            orow = pl.multiple_of(chunk_of(k) * CC * D, CC * D)
            pltpu.make_async_copy(
                tout[b], out_hbm.at[pl.ds(orow, CC * D)], osem[b]
            ).start()

        def flush_wait(b):
            pltpu.make_async_copy(
                tout[b], out_hbm.at[pl.ds(0, CC * D)], osem[b]
            ).wait()

        def step(k, b, *, prefetch=True, wait_out=True):
            if prefetch:
                fire(k + 1, 1 - b)
            drain(b)
            if wait_out:
                flush_wait(b)
            transpose(b)
            flush(k, b)

        pltpu.sync_copy(tail_hbm, tailbuf)
        pltpu.sync_copy(
            tailbuf, out_hbm.at[pl.ds(out_rows - tail_rows, tail_rows)]
        )

        fire(0, 0)
        step(0, 0, wait_out=False)
        step(1, 1, wait_out=False)
        step(2, 0)

        def outer(t, _):
            ko = t * 2 + 3
            step(ko, 1)
            step(ko + 1, 0)
            return 0

        lax.fori_loop(0, (count - 5) // 2, outer, 0)
        step(count - 2, 1)
        step(count - 1, 0, prefetch=False)
        flush_wait(1)
        flush_wait(0)

    return tkern, n_full, tail


def kernel(input, weight, scale):
    V, D = weight.shape
    NB, SEQ = input.shape
    emb, NW, K = _make_emb_kernel(V, D, NB, SEQ)
    tkern, n_full, tail = _make_table_transpose(V, D)
    wtail = weight[n_full * ROW:, :].reshape(tail * D // ROW, ROW)
    wlin = tkern(weight.T, wtail).reshape(V, D)
    idxT = input.T.astype(jnp.int32)
    idx = (idxT.reshape(SEQ, NW, K, ROW)
           .transpose(1, 0, 2, 3)
           .reshape(NW, SEQ * K, ROW))
    svec = jnp.full((L,), scale, dtype=jnp.float32)
    outT = emb(wlin, idx, svec)
    return jnp.transpose(outT, (2, 0, 1))

# --- scband reference (transcript-rebuilt; emitter-appended) ---
"""Pipeline reference for scband-scaled-embedding-14594298872266 (READ-ONLY COPY).

The authoritative reference and input builder live on the scoring server;
editing this copy changes nothing except your own understanding.
"""

import jax, jax.numpy as jnp
import numpy as np

NUM_EMBEDDINGS = 1000000
EMBEDDING_DIM = 32

def setup_inputs(seed: int = 0) -> dict:
    key = jax.random.key(seed)
    k_idx, k_w = jax.random.split(key)
    indices = jax.random.randint(k_idx, (16384, 50), 0, NUM_EMBEDDINGS, dtype=jnp.int64 if jax.config.jax_enable_x64 else jnp.int32)
    weight = jax.random.normal(k_w, (NUM_EMBEDDINGS, EMBEDDING_DIM), dtype=jnp.float32) * 0.01
    scale = jnp.array(np.log(1.0 / 0.01), dtype=jnp.float32)
    return {"input": indices, "weight": weight, "scale": scale}

def reference(input, weight, scale):
    s = jnp.exp(scale)
    # ScaledEmbedding.forward: branch on input.numel() vs num_embeddings (static)
    if input.size < weight.shape[0]:
        out = jnp.take(weight, input, axis=0) * s
    else:
        out = jnp.take(weight * s, input, axis=0)
    return out

if __name__ == "__main__":
    import jax
    _d = setup_inputs()
    print(jax.jit(kernel)(*tuple(_d.values())))

</pallas_src>

<mosaic_0001>
#map = affine_map<(d0, d1) -> (0, 0)>
module attributes {stable_mosaic.version = 14 : i64} {
  func.func @tkern(%arg0: i32, %arg1: i32, %arg2: memref<32x1000000xf32, #tpu.memory_space<hbm>>, %arg3: memref<16x128xf32, #tpu.memory_space<hbm>>, %arg4: memref<250000x128xf32, #tpu.memory_space<hbm>>, %arg5: memref<32x257xf32, #tpu.memory_space<vmem>>, %arg6: memref<32x257xf32, #tpu.memory_space<vmem>>, %arg7: memref<64x128xf32, #tpu.memory_space<vmem>>, %arg8: memref<64x128xf32, #tpu.memory_space<vmem>>, %arg9: memref<16x128xf32, #tpu.memory_space<vmem>>, %arg10: memref<!tpu.dma_semaphore, #tpu.memory_space<semaphore_mem>>, %arg11: memref<!tpu.dma_semaphore, #tpu.memory_space<semaphore_mem>>, %arg12: memref<!tpu.dma_semaphore, #tpu.memory_space<semaphore_mem>>, %arg13: memref<!tpu.dma_semaphore, #tpu.memory_space<semaphore_mem>>) attributes {dimension_semantics = [#tpu.dimension_semantics<core_parallel>, #tpu.dimension_semantics<subcore_parallel>], iteration_bounds = array<i64: 2, 16>, scalar_prefetch = 0 : i64, scratch_operands = 9 : i64, tpu.core_type = #tpu.core_type<sc_vector_subcore>, window_params = [{transform_indices = #map}, {transform_indices = #map}, {transform_indices = #map}]} {
    %mul3A = arith.constant 2 : i32
    %mul3A_0 = arith.muli %arg1, %mul3A : i32
    %add3A = arith.addi %mul3A_0, %arg0 : i32
    %iota3A = tpu.iota {dimensions = array<i32: 0>} : vector<16xi32>
    %add3A_1 = arith.constant 16 : i32
    %add3A_2 = vector.broadcast %add3A_1 : i32 to vector<16xi32>
    %add3A_3 = arith.addi %iota3A, %add3A_2 : vector<16xi32>
    "tpu.region"() ({
      %run_scoped3A = tpu.sem_alloc : memref<!tpu.dma_semaphore, #tpu.memory_space<semaphore_mem>>
      tpu.enqueue_dma source(%arg3 : memref<16x128xf32, #tpu.memory_space<hbm>>) target(%arg9 : memref<16x128xf32, #tpu.memory_space<vmem>>) target_semaphore(%run_scoped3A : memref<!tpu.dma_semaphore, #tpu.memory_space<semaphore_mem>>)
      tpu.wait_dma2 semaphore(%run_scoped3A : memref<!tpu.dma_semaphore, #tpu.memory_space<semaphore_mem>>) src(%arg3 : memref<16x128xf32, #tpu.memory_space<hbm>>) dst(%arg9 : memref<16x128xf32, #tpu.memory_space<vmem>>)
      tpu.yield
    }) : () -> ()
    "tpu.region"() ({
      %run_scoped3A = tpu.sem_alloc : memref<!tpu.dma_semaphore, #tpu.memory_space<semaphore_mem>>
      %dma_start3A_299 = arith.constant 249984 : i32
      %dma_start3A_300 = arith.constant 0 : i32
      %dma_start3A_301 = tpu.memref_slice %arg4[%dma_start3A_299, %dma_start3A_300] : memref<250000x128xf32, #tpu.memory_space<hbm>> -> memref<16x128xf32, #tpu.memory_space<hbm>>
      %dma_start3A_302 = arith.constant 249984 : i32
      %dma_start3A_303 = arith.constant 0 : i32
      %dma_start3A_304 = tpu.memref_slice %arg4[%dma_start3A_302, %dma_start3A_303] : memref<250000x128xf32, #tpu.memory_space<hbm>> -> memref<16x128xf32, #tpu.memory_space<hbm>>
      tpu.enqueue_dma source(%arg9 : memref<16x128xf32, #tpu.memory_space<vmem>>) target(%dma_start3A_304 : memref<16x128xf32, #tpu.memory_space<hbm>>) target_semaphore(%run_scoped3A : memref<!tpu.dma_semaphore, #tpu.memory_space<semaphore_mem>>)
      %dma_wait3A_305 = arith.constant 249984 : i32
      %dma_wait3A_306 = arith.constant 0 : i32
      %dma_wait3A_307 = tpu.memref_slice %arg4[%dma_wait3A_305, %dma_wait3A_306] : memref<250000x128xf32, #tpu.memory_space<hbm>> -> memref<16x128xf32, #tpu.memory_space<hbm>>
      %dma_wait3A_308 = arith.constant 249984 : i32
      %dma_wait3A_309 = arith.constant 0 : i32
      %dma_wait3A_310 = tpu.memref_slice %arg4[%dma_wait3A_308, %dma_wait3A_309] : memref<250000x128xf32, #tpu.memory_space<hbm>> -> memref<16x128xf32, #tpu.memory_space<hbm>>
      tpu.wait_dma2 semaphore(%run_scoped3A : memref<!tpu.dma_semaphore, #tpu.memory_space<semaphore_mem>>) src(%arg9 : memref<16x128xf32, #tpu.memory_space<vmem>>) dst(%dma_wait3A_310 : memref<16x128xf32, #tpu.memory_space<hbm>>)
      tpu.yield
    }) : () -> ()
    %add3A_4 = arith.constant 0 : i32
    %add3A_5 = arith.addi %add3A, %add3A_4 : i32
    %lt3A = arith.constant 3906 : i32
    %lt3A_6 = arith.cmpi slt, %add3A_5, %lt3A : i32
    %jit3A = arith.constant 0 : i32
    %select_n3A = arith.select %lt3A_6, %add3A_5, %jit3A : i32
    %mul3A_7 = arith.constant 256 : i32
    %mul3A_8 = arith.muli %select_n3A, %mul3A_7 : i32
    %multiple_of3A = tpu.assume_multiple %mul3A_8, 256 : i32
    %dma_start3A = arith.constant 0 : i32
    %dma_start3A_9 = arith.constant 0 : i32
    %dma_start3A_10 = tpu.memref_slice %arg5[%dma_start3A, %dma_start3A_9] : memref<32x257xf32, #tpu.memory_space<vmem>> -> memref<32x256xf32, #tpu.memory_space<vmem>>
    %dma_start3A_11 = arith.constant 0 : i32
    %dma_start3A_12 = tpu.memref_slice %arg2[%dma_start3A_11, %multiple_of3A] : memref<32x1000000xf32, #tpu.memory_space<hbm>> -> memref<32x256xf32, #tpu.memory_space<hbm>>
    %dma_start3A_13 = arith.constant 0 : i32
    %dma_start3A_14 = arith.constant 0 : i32
    %dma_start3A_15 = tpu.memref_slice %arg5[%dma_start3A_13, %dma_start3A_14] : memref<32x257xf32, #tpu.memory_space<vmem>> -> memref<32x256xf32, #tpu.memory_space<vmem>>
    %dma_start3A_16 = arith.constant 0 : i32
    %dma_start3A_17 = tpu.memref_slice %arg2[%dma_start3A_16, %multiple_of3A] : memref<32x1000000xf32, #tpu.memory_space<hbm>> -> memref<32x256xf32, #tpu.memory_space<hbm>>
    tpu.enqueue_dma source(%dma_start3A_17 : memref<32x256xf32, #tpu.memory_space<hbm>>) target(%dma_start3A_15 : memref<32x256xf32, #tpu.memory_space<vmem>>) target_semaphore(%arg10 : memref<!tpu.dma_semaphore, #tpu.memory_space<semaphore_mem>>)
    %add3A_18 = arith.constant 32 : i32
    %add3A_19 = arith.addi %add3A, %add3A_18 : i32
    %lt3A_20 = arith.constant 3906 : i32
    %lt3A_21 = arith.cmpi slt, %add3A_19, %lt3A_20 : i32
    %jit3A_22 = arith.constant 0 : i32
    %select_n3A_23 = arith.select %lt3A_21, %add3A_19, %jit3A_22 : i32
    %mul3A_24 = arith.constant 256 : i32
    %mul3A_25 = arith.muli %select_n3A_23, %mul3A_24 : i32
    %multiple_of3A_26 = tpu.assume_multiple %mul3A_25, 256 : i32
    %dma_start3A_27 = arith.constant 0 : i32
    %dma_start3A_28 = arith.constant 0 : i32
    %dma_start3A_29 = tpu.memref_slice %arg6[%dma_start3A_27, %dma_start3A_28] : memref<32x257xf32, #tpu.memory_space<vmem>> -> memref<32x256xf32, #tpu.memory_space<vmem>>
    %dma_start3A_30 = arith.constant 0 : i32
    %dma_start3A_31 = tpu.memref_slice %arg2[%dma_start3A_30, %multiple_of3A_26] : memref<32x1000000xf32, #tpu.memory_space<hbm>> -> memref<32x256xf32, #tpu.memory_space<hbm>>
    %dma_start3A_32 = arith.constant 0 : i32
    %dma_start3A_33 = arith.constant 0 : i32
    %dma_start3A_34 = tpu.memref_slice %arg6[%dma_start3A_32, %dma_start3A_33] : memref<32x257xf32, #tpu.memory_space<vmem>> -> memref<32x256xf32, #tpu.memory_space<vmem>>
    %dma_start3A_35 = arith.constant 0 : i32
    %dma_start3A_36 = tpu.memref_slice %arg2[%dma_start3A_35, %multiple_of3A_26] : memref<32x1000000xf32, #tpu.memory_space<hbm>> -> memref<32x256xf32, #tpu.memory_space<hbm>>
    tpu.enqueue_dma source(%dma_start3A_36 : memref<32x256xf32, #tpu.memory_space<hbm>>) target(%dma_start3A_34 : memref<32x256xf32, #tpu.memory_space<vmem>>) target_semaphore(%arg11 : memref<!tpu.dma_semaphore, #tpu.memory_space<semaphore_mem>>)
    %dma_wait3A = arith.constant 0 : i32
    %dma_wait3A_37 = arith.constant 0 : i32
    %dma_wait3A_38 = tpu.memref_slice %arg5[%dma_wait3A, %dma_wait3A_37] : memref<32x257xf32, #tpu.memory_space<vmem>> -> memref<32x256xf32, #tpu.memory_space<vmem>>
    %dma_wait3A_39 = arith.constant 0 : i32
    %dma_wait3A_40 = arith.constant 0 : i32
    %dma_wait3A_41 = tpu.memref_slice %arg2[%dma_wait3A_39, %dma_wait3A_40] : memref<32x1000000xf32, #tpu.memory_space<hbm>> -> memref<32x256xf32, #tpu.memory_space<hbm>>
    %dma_wait3A_42 = arith.constant 0 : i32
    %dma_wait3A_43 = arith.constant 0 : i32
    %dma_wait3A_44 = tpu.memref_slice %arg5[%dma_wait3A_42, %dma_wait3A_43] : memref<32x257xf32, #tpu.memory_space<vmem>> -> memref<32x256xf32, #tpu.memory_space<vmem>>
    %dma_wait3A_45 = arith.constant 0 : i32
    %dma_wait3A_46 = arith.constant 0 : i32
    %dma_wait3A_47 = tpu.memref_slice %arg2[%dma_wait3A_45, %dma_wait3A_46] : memref<32x1000000xf32, #tpu.memory_space<hbm>> -> memref<32x256xf32, #tpu.memory_space<hbm>>
    tpu.wait_dma2 semaphore(%arg10 : memref<!tpu.dma_semaphore, #tpu.memory_space<semaphore_mem>>) src(%dma_wait3A_47 : memref<32x256xf32, #tpu.memory_space<hbm>>) dst(%dma_wait3A_44 : memref<32x256xf32, #tpu.memory_space<vmem>>)
    %scan3A = arith.constant 0 : i32
    %scan3A_48 = arith.constant 0 : i32
    %scan3A_49 = arith.constant 64 : i32
    %scan3A_50 = arith.addi %scan3A_48, %scan3A_49 : i32
    %scan3A_51 = arith.constant 2 : i32
    %scan3A_52 = scf.for %scan3A_299 = %scan3A_48 to %scan3A_50 step %scan3A_51 iter_args(%scan3A_300 = %scan3A) -> (i32)  : i32 {
      %mul3A_301 = arith.constant 4 : i32
      %mul3A_302 = arith.muli %scan3A_299, %mul3A_301 : i32
      %broadcast_in_dim3A = vector.broadcast %mul3A_302 : i32 to vector<16xi32>
      %add3A_303 = arith.constant 1 : i32
      %add3A_304 = vector.broadcast %add3A_303 : i32 to vector<16xi32>
      %add3A_305 = arith.addi %broadcast_in_dim3A, %add3A_304 : vector<16xi32>
      %add3A_306 = arith.constant 2 : i32
      %add3A_307 = vector.broadcast %add3A_306 : i32 to vector<16xi32>
      %add3A_308 = arith.addi %broadcast_in_dim3A, %add3A_307 : vector<16xi32>
      %add3A_309 = arith.constant 3 : i32
      %add3A_310 = vector.broadcast %add3A_309 : i32 to vector<16xi32>
      %add3A_311 = arith.addi %broadcast_in_dim3A, %add3A_310 : vector<16xi32>
      %gather3A = tpu.vector_load_idx %arg5[%iota3A, %broadcast_in_dim3A] : memref<32x257xf32, #tpu.memory_space<vmem>>[vector<16xi32>, vector<16xi32>], vector<16xf32>,
      %gather3A_312 = tpu.vector_load_idx %arg5[%add3A_3, %broadcast_in_dim3A] : memref<32x257xf32, #tpu.memory_space<vmem>>[vector<16xi32>, vector<16xi32>], vector<16xf32>,
      %gather3A_313 = tpu.vector_load_idx %arg5[%iota3A, %add3A_305] : memref<32x257xf32, #tpu.memory_space<vmem>>[vector<16xi32>, vector<16xi32>], vector<16xf32>,
      %gather3A_314 = tpu.vector_load_idx %arg5[%add3A_3, %add3A_305] : memref<32x257xf32, #tpu.memory_space<vmem>>[vector<16xi32>, vector<16xi32>], vector<16xf32>,
      %gather3A_315 = tpu.vector_load_idx %arg5[%iota3A, %add3A_308] : memref<32x257xf32, #tpu.memory_space<vmem>>[vector<16xi32>, vector<16xi32>], vector<16xf32>,
      %gather3A_316 = tpu.vector_load_idx %arg5[%add3A_3, %add3A_308] : memref<32x257xf32, #tpu.memory_space<vmem>>[vector<16xi32>, vector<16xi32>], vector<16xf32>,
      %gather3A_317 = tpu.vector_load_idx %arg5[%iota3A, %add3A_311] : memref<32x257xf32, #tpu.memory_space<vmem>>[vector<16xi32>, vector<16xi32>], vector<16xf32>,
      %gather3A_318 = tpu.vector_load_idx %arg5[%add3A_3, %add3A_311] : memref<32x257xf32, #tpu.memory_space<vmem>>[vector<16xi32>, vector<16xi32>], vector<16xf32>,
      %swap3A = arith.index_cast %scan3A_299 : i32 to index
      %swap3A_319 = arith.constant 0 : index
      %swap3A_320 = tpu.vector_load %arg7[%swap3A, %swap3A_319] {strides = array<i32>} : memref<64x128xf32, #tpu.memory_space<vmem>>, vector<16xf32>,
      tpu.vector_store %arg7[%swap3A, %swap3A_319], %gather3A {strides = array<i32>} : memref<64x128xf32, #tpu.memory_space<vmem>>, vector<16xf32>,
      %swap3A_321 = arith.index_cast %scan3A_299 : i32 to index
      %swap3A_322 = arith.constant 16 : index
      %swap3A_323 = tpu.vector_load %arg7[%swap3A_321, %swap3A_322] {strides = array<i32>} : memref<64x128xf32, #tpu.memory_space<vmem>>, vector<16xf32>,
      tpu.vector_store %arg7[%swap3A_321, %swap3A_322], %gather3A_312 {strides = array<i32>} : memref<64x128xf32, #tpu.memory_space<vmem>>, vector<16xf32>,
      %swap3A_324 = arith.index_cast %scan3A_299 : i32 to index
      %swap3A_325 = arith.constant 32 : index
      %swap3A_326 = tpu.vector_load %arg7[%swap3A_324, %swap3A_325] {strides = array<i32>} : memref<64x128xf32, #tpu.memory_space<vmem>>, vector<16xf32>,
      tpu.vector_store %arg7[%swap3A_324, %swap3A_325], %gather3A_313 {strides = array<i32>} : memref<64x128xf32, #tpu.memory_space<vmem>>, vector<16xf32>,
      %swap3A_327 = arith.index_cast %scan3A_299 : i32 to index
      %swap3A_328 = arith.constant 48 : index
      %swap3A_329 = tpu.vector_load %arg7[%swap3A_327, %swap3A_328] {strides = array<i32>} : memref<64x128xf32, #tpu.memory_space<vmem>>, vector<16xf32>,
      tpu.vector_store %arg7[%swap3A_327, %swap3A_328], %gather3A_314 {strides = array<i32>} : memref<64x128xf32, #tpu.memory_space<vmem>>, vector<16xf32>,
      %swap3A_330 = arith.index_cast %scan3A_299 : i32 to index
      %swap3A_331 = arith.constant 64 : index
      %swap3A_332 = tpu.vector_load %arg7[%swap3A_330, %swap3A_331] {strides = array<i32>} : memref<64x128xf32, #tpu.memory_space<vmem>>, vector<16xf32>,
      tpu.vector_store %arg7[%swap3A_330, %swap3A_331], %gather3A_315 {strides = array<i32>} : memref<64x128xf32, #tpu.memory_space<vmem>>, vector<16xf32>,
      %swap3A_333 = arith.index_cast %scan3A_299 : i32 to index
      %swap3A_334 = arith.constant 80 : index
      %swap3A_335 = tpu.vector_load %arg7[%swap3A_333, %swap3A_334] {strides = array<i32>} : memref<64x128xf32, #tpu.memory_space<vmem>>, vector<16xf32>,
      tpu.vector_store %arg7[%swap3A_333, %swap3A_334], %gather3A_316 {strides = array<i32>} : memref<64x128xf32, #tpu.memory_space<vmem>>, vector<16xf32>,
      %swap3A_336 = arith.index_cast %scan3A_299 : i32 to index
      %swap3A_337 = arith.constant 96 : index
      %swap3A_338 = tpu.vector_load %arg7[%swap3A_336, %swap3A_337] {strides = array<i32>} : memref<64x128xf32, #tpu.memory_space<vmem>>, vector<16xf32>,
      tpu.vector_store %arg7[%swap3A_336, %swap3A_337], %gather3A_317 {strides = array<i32>} : memref<64x128xf32, #tpu.memory_space<vmem>>, vector<16xf32>,
      %swap3A_339 = arith.index_cast %scan3A_299 : i32 to index
      %swap3A_340 = arith.constant 112 : index
      %swap3A_341 = tpu.vector_load %arg7[%swap3A_339, %swap3A_340] {strides = array<i32>} : memref<64x128xf32, #tpu.memory_space<vmem>>, vector<16xf32>,
      tpu.vector_store %arg7[%swap3A_339, %swap3A_340], %gather3A_318 {strides = array<i32>} : memref<64x128xf32, #tpu.memory_space<vmem>>, vector<16xf32>,
      %scan3A_342 = arith.constant 0 : i32
      %scan3A_343 = arith.constant 1 : i32
      %scan3A_344 = arith.addi %scan3A_299, %scan3A_343 : i32
      %mul3A_345 = arith.constant 4 : i32
      %mul3A_346 = arith.muli %scan3A_344, %mul3A_345 : i32
      %broadcast_in_dim3A_347 = vector.broadcast %mul3A_346 : i32 to vector<16xi32>
      %add3A_348 = arith.constant 1 : i32
      %add3A_349 = vector.broadcast %add3A_348 : i32 to vector<16xi32>
      %add3A_350 = arith.addi %broadcast_in_dim3A_347, %add3A_349 : vector<16xi32>
      %add3A_351 = arith.constant 2 : i32
      %add3A_352 = vector.broadcast %add3A_351 : i32 to vector<16xi32>
      %add3A_353 = arith.addi %broadcast_in_dim3A_347, %add3A_352 : vector<16xi32>
      %add3A_354 = arith.constant 3 : i32
      %add3A_355 = vector.broadcast %add3A_354 : i32 to vector<16xi32>
      %add3A_356 = arith.addi %broadcast_in_dim3A_347, %add3A_355 : vector<16xi32>
      %gather3A_357 = tpu.vector_load_idx %arg5[%iota3A, %broadcast_in_dim3A_347] : memref<32x257xf32, #tpu.memory_space<vmem>>[vector<16xi32>, vector<16xi32>], vector<16xf32>,
      %gather3A_358 = tpu.vector_load_idx %arg5[%add3A_3, %broadcast_in_dim3A_347] : memref<32x257xf32, #tpu.memory_space<vmem>>[vector<16xi32>, vector<16xi32>], vector<16xf32>,
      %gather3A_359 = tpu.vector_load_idx %arg5[%iota3A, %add3A_350] : memref<32x257xf32, #tpu.memory_space<vmem>>[vector<16xi32>, vector<16xi32>], vector<16xf32>,
      %gather3A_360 = tpu.vector_load_idx %arg5[%add3A_3, %add3A_350] : memref<32x257xf32, #tpu.memory_space<vmem>>[vector<16xi32>, vector<16xi32>], vector<16xf32>,
      %gather3A_361 = tpu.vector_load_idx %arg5[%iota3A, %add3A_353] : memref<32x257xf32, #tpu.memory_space<vmem>>[vector<16xi32>, vector<16xi32>], vector<16xf32>,
      %gather3A_362 = tpu.vector_load_idx %arg5[%add3A_3, %add3A_353] : memref<32x257xf32, #tpu.memory_space<vmem>>[vector<16xi32>, vector<16xi32>], vector<16xf32>,
      %gather3A_363 = tpu.vector_load_idx %arg5[%iota3A, %add3A_356] : memref<32x257xf32, #tpu.memory_space<vmem>>[vector<16xi32>, vector<16xi32>], vector<16xf32>,
      %gather3A_364 = tpu.vector_load_idx %arg5[%add3A_3, %add3A_356] : memref<32x257xf32, #tpu.memory_space<vmem>>[vector<16xi32>, vector<16xi32>], vector<16xf32>,
      %swap3A_365 = arith.index_cast %scan3A_344 : i32 to index
      %swap3A_366 = arith.constant 0 : index
      %swap3A_367 = tpu.vector_load %arg7[%swap3A_365, %swap3A_366] {strides = array<i32>} : memref<64x128xf32, #tpu.memory_space<vmem>>, vector<16xf32>,
      tpu.vector_store %arg7[%swap3A_365, %swap3A_366], %gather3A_357 {strides = array<i32>} : memref<64x128xf32, #tpu.memory_space<vmem>>, vector<16xf32>,
      %swap3A_368 = arith.index_cast %scan3A_344 : i32 to index
      %swap3A_369 = arith.constant 16 : index
      %swap3A_370 = tpu.vector_load %arg7[%swap3A_368, %swap3A_369] {strides = array<i32>} : memref<64x128xf32, #tpu.memory_space<vmem>>, vector<16xf32>,
      tpu.vector_store %arg7[%swap3A_368, %swap3A_369], %gather3A_358 {strides = array<i32>} : memref<64x128xf32, #tpu.memory_space<vmem>>, vector<16xf32>,
      %swap3A_371 = arith.index_cast %scan3A_344 : i32 to index
      %swap3A_372 = arith.constant 32 : index
      %swap3A_373 = tpu.vector_load %arg7[%swap3A_371, %swap3A_372] {strides = array<i32>} : memref<64x128xf32, #tpu.memory_space<vmem>>, vector<16xf32>,
      tpu.vector_store %arg7[%swap3A_371, %swap3A_372], %gather3A_359 {strides = array<i32>} : memref<64x128xf32, #tpu.memory_space<vmem>>, vector<16xf32>,
      %swap3A_374 = arith.index_cast %scan3A_344 : i32 to index
      %swap3A_375 = arith.constant 48 : index
      %swap3A_376 = tpu.vector_load %arg7[%swap3A_374, %swap3A_375] {strides = array<i32>} : memref<64x128xf32, #tpu.memory_space<vmem>>, vector<16xf32>,
      tpu.vector_store %arg7[%swap3A_374, %swap3A_375], %gather3A_360 {strides = array<i32>} : memref<64x128xf32, #tpu.memory_space<vmem>>, vector<16xf32>,
      %swap3A_377 = arith.index_cast %scan3A_344 : i32 to index
      %swap3A_378 = arith.constant 64 : index
      %swap3A_379 = tpu.vector_load %arg7[%swap3A_377, %swap3A_378] {strides = array<i32>} : memref<64x128xf32, #tpu.memory_space<vmem>>, vector<16xf32>,
      tpu.vector_store %arg7[%swap3A_377, %swap3A_378], %gather3A_361 {strides = array<i32>} : memref<64x128xf32, #tpu.memory_space<vmem>>, vector<16xf32>,
      %swap3A_380 = arith.index_cast %scan3A_344 : i32 to index
      %swap3A_381 = arith.constant 80 : index
      %swap3A_382 = tpu.vector_load %arg7[%swap3A_380, %swap3A_381] {strides = array<i32>} : memref<64x128xf32, #tpu.memory_space<vmem>>, vector<16xf32>,
      tpu.vector_store %arg7[%swap3A_380, %swap3A_381], %gather3A_362 {strides = array<i32>} : memref<64x128xf32, #tpu.memory_space<vmem>>, vector<16xf32>,
      %swap3A_383 = arith.index_cast %scan3A_344 : i32 to index
      %swap3A_384 = arith.constant 96 : index
      %swap3A_385 = tpu.vector_load %arg7[%swap3A_383, %swap3A_384] {strides = array<i32>} : memref<64x128xf32, #tpu.memory_space<vmem>>, vector<16xf32>,
      tpu.vector_store %arg7[%swap3A_383, %swap3A_384], %gather3A_363 {strides = array<i32>} : memref<64x128xf32, #tpu.memory_space<vmem>>, vector<16xf32>,
      %swap3A_386 = arith.index_cast %scan3A_344 : i32 to index
      %swap3A_387 = arith.constant 112 : index
      %swap3A_388 = tpu.vector_load %arg7[%swap3A_386, %swap3A_387] {strides = array<i32>} : memref<64x128xf32, #tpu.memory_space<vmem>>, vector<16xf32>,
      tpu.vector_store %arg7[%swap3A_386, %swap3A_387], %gather3A_364 {strides = array<i32>} : memref<64x128xf32, #tpu.memory_space<vmem>>, vector<16xf32>,
      %scan3A_389 = arith.constant 0 : i32
      scf.yield %scan3A_389 : i32
    }
    %scan3A_53 = arith.constant 64 : i32
    %add3A_54 = arith.constant 0 : i32
    %add3A_55 = arith.addi %add3A, %add3A_54 : i32
    %lt3A_56 = arith.constant 3906 : i32
    %lt3A_57 = arith.cmpi slt, %add3A_55, %lt3A_56 : i32
    %jit3A_58 = arith.constant 0 : i32
    %select_n3A_59 = arith.select %lt3A_57, %add3A_55, %jit3A_58 : i32
    %mul3A_60 = arith.constant 2 : i32
    %mul3A_61 = arith.muli %select_n3A_59, %mul3A_60 : i32
    %mul3A_62 = arith.constant 32 : i32
    %mul3A_63 = arith.muli %mul3A_61, %mul3A_62 : i32
    %multiple_of3A_64 = tpu.assume_multiple %mul3A_63, 64 : i32
    %dma_start3A_65 = arith.constant 0 : i32
    %dma_start3A_66 = tpu.memref_slice %arg4[%multiple_of3A_64, %dma_start3A_65] : memref<250000x128xf32, #tpu.memory_space<hbm>> -> memref<64x128xf32, #tpu.memory_space<hbm>>
    %dma_start3A_67 = arith.constant 0 : i32
    %dma_start3A_68 = tpu.memref_slice %arg4[%multiple_of3A_64, %dma_start3A_67] : memref<250000x128xf32, #tpu.memory_space<hbm>> -> memref<64x128xf32, #tpu.memory_space<hbm>>
    tpu.enqueue_dma source(%arg7 : memref<64x128xf32, #tpu.memory_space<vmem>>) target(%dma_start3A_68 : memref<64x128xf32, #tpu.memory_space<hbm>>) target_semaphore(%arg12 : memref<!tpu.dma_semaphore, #tpu.memory_space<semaphore_mem>>)
    %add3A_69 = arith.constant 64 : i32
    %add3A_70 = arith.addi %add3A, %add3A_69 : i32
    %lt3A_71 = arith.constant 3906 : i32
    %lt3A_72 = arith.cmpi slt, %add3A_70, %lt3A_71 : i32
    %jit3A_73 = arith.constant 0 : i32
    %select_n3A_74 = arith.select %lt3A_72, %add3A_70, %jit3A_73 : i32
    %mul3A_75 = arith.constant 256 : i32
    %mul3A_76 = arith.muli %select_n3A_74, %mul3A_75 : i32
    %multiple_of3A_77 = tpu.assume_multiple %mul3A_76, 256 : i32
    %dma_start3A_78 = arith.constant 0 : i32
    %dma_start3A_79 = arith.constant 0 : i32
    %dma_start3A_80 = tpu.memref_slice %arg5[%dma_start3A_78, %dma_start3A_79] : memref<32x257xf32, #tpu.memory_space<vmem>> -> memref<32x256xf32, #tpu.memory_space<vmem>>
    %dma_start3A_81 = arith.constant 0 : i32
    %dma_start3A_82 = tpu.memref_slice %arg2[%dma_start3A_81, %multiple_of3A_77] : memref<32x1000000xf32, #tpu.memory_space<hbm>> -> memref<32x256xf32, #tpu.memory_space<hbm>>
    %dma_start3A_83 = arith.constant 0 : i32
    %dma_start3A_84 = arith.constant 0 : i32
    %dma_start3A_85 = tpu.memref_slice %arg5[%dma_start3A_83, %dma_start3A_84] : memref<32x257xf32, #tpu.memory_space<vmem>> -> memref<32x256xf32, #tpu.memory_space<vmem>>
    %dma_start3A_86 = arith.constant 0 : i32
    %dma_start3A_87 = tpu.memref_slice %arg2[%dma_start3A_86, %multiple_of3A_77] : memref<32x1000000xf32, #tpu.memory_space<hbm>> -> memref<32x256xf32, #tpu.memory_space<hbm>>
    tpu.enqueue_dma source(%dma_start3A_87 : memref<32x256xf32, #tpu.memory_space<hbm>>) target(%dma_start3A_85 : memref<32x256xf32, #tpu.memory_space<vmem>>) target_semaphore(%arg10 : memref<!tpu.dma_semaphore, #tpu.memory_space<semaphore_mem>>)
    %dma_wait3A_88 = arith.constant 0 : i32
    %dma_wait3A_89 = arith.constant 0 : i32
    %dma_wait3A_90 = tpu.memref_slice %arg6[%dma_wait3A_88, %dma_wait3A_89] : memref<32x257xf32, #tpu.memory_space<vmem>> -> memref<32x256xf32, #tpu.memory_space<vmem>>
    %dma_wait3A_91 = arith.constant 0 : i32
    %dma_wait3A_92 = arith.constant 0 : i32
    %dma_wait3A_93 = tpu.memref_slice %arg2[%dma_wait3A_91, %dma_wait3A_92] : memref<32x1000000xf32, #tpu.memory_space<hbm>> -> memref<32x256xf32, #tpu.memory_space<hbm>>
    %dma_wait3A_94 = arith.constant 0 : i32
    %dma_wait3A_95 = arith.constant 0 : i32
    %dma_wait3A_96 = tpu.memref_slice %arg6[%dma_wait3A_94, %dma_wait3A_95] : memref<32x257xf32, #tpu.memory_space<vmem>> -> memref<32x256xf32, #tpu.memory_space<vmem>>
    %dma_wait3A_97 = arith.constant 0 : i32
    %dma_wait3A_98 = arith.constant 0 : i32
    %dma_wait3A_99 = tpu.memref_slice %arg2[%dma_wait3A_97, %dma_wait3A_98] : memref<32x1000000xf32, #tpu.memory_space<hbm>> -> memref<32x256xf32, #tpu.memory_space<hbm>>
    tpu.wait_dma2 semaphore(%arg11 : memref<!tpu.dma_semaphore, #tpu.memory_space<semaphore_mem>>) src(%dma_wait3A_99 : memref<32x256xf32, #tpu.memory_space<hbm>>) dst(%dma_wait3A_96 : memref<32x256xf32, #tpu.memory_space<vmem>>)
    %scan3A_100 = arith.constant 0 : i32
    %scan3A_101 = arith.constant 0 : i32
    %scan3A_102 = arith.constant 64 : i32
    %scan3A_103 = arith.addi %scan3A_101, %scan3A_102 : i32
    %scan3A_104 = arith.constant 2 : i32
    %scan3A_105 = scf.for %scan3A_299 = %scan3A_101 to %scan3A_103 step %scan3A_104 iter_args(%scan3A_300 = %scan3A_100) -> (i32)  : i32 {
      %mul3A_301 = arith.constant 4 : i32
      %mul3A_302 = arith.muli %scan3A_299, %mul3A_301 : i32
      %broadcast_in_dim3A = vector.broadcast %mul3A_302 : i32 to vector<16xi32>
      %add3A_303 = arith.constant 1 : i32
      %add3A_304 = vector.broadcast %add3A_303 : i32 to vector<16xi32>
      %add3A_305 = arith.addi %broadcast_in_dim3A, %add3A_304 : vector<16xi32>
      %add3A_306 = arith.constant 2 : i32
      %add3A_307 = vector.broadcast %add3A_306 : i32 to vector<16xi32>
      %add3A_308 = arith.addi %broadcast_in_dim3A, %add3A_307 : vector<16xi32>
      %add3A_309 = arith.constant 3 : i32
      %add3A_310 = vector.broadcast %add3A_309 : i32 to vector<16xi32>
      %add3A_311 = arith.addi %broadcast_in_dim3A, %add3A_310 : vector<16xi32>
      %gather3A = tpu.vector_load_idx %arg6[%iota3A, %broadcast_in_dim3A] : memref<32x257xf32, #tpu.memory_space<vmem>>[vector<16xi32>, vector<16xi32>], vector<16xf32>,
      %gather3A_312 = tpu.vector_load_idx %arg6[%add3A_3, %broadcast_in_dim3A] : memref<32x257xf32, #tpu.memory_space<vmem>>[vector<16xi32>, vector<16xi32>], vector<16xf32>,
      %gather3A_313 = tpu.vector_load_idx %arg6[%iota3A, %add3A_305] : memref<32x257xf32, #tpu.memory_space<vmem>>[vector<16xi32>, vector<16xi32>], vector<16xf32>,
      %gather3A_314 = tpu.vector_load_idx %arg6[%add3A_3, %add3A_305] : memref<32x257xf32, #tpu.memory_space<vmem>>[vector<16xi32>, vector<16xi32>], vector<16xf32>,
      %gather3A_315 = tpu.vector_load_idx %arg6[%iota3A, %add3A_308] : memref<32x257xf32, #tpu.memory_space<vmem>>[vector<16xi32>, vector<16xi32>], vector<16xf32>,
      %gather3A_316 = tpu.vector_load_idx %arg6[%add3A_3, %add3A_308] : memref<32x257xf32, #tpu.memory_space<vmem>>[vector<16xi32>, vector<16xi32>], vector<16xf32>,
      %gather3A_317 = tpu.vector_load_idx %arg6[%iota3A, %add3A_311] : memref<32x257xf32, #tpu.memory_space<vmem>>[vector<16xi32>, vector<16xi32>], vector<16xf32>,
      %gather3A_318 = tpu.vector_load_idx %arg6[%add3A_3, %add3A_311] : memref<32x257xf32, #tpu.memory_space<vmem>>[vector<16xi32>, vector<16xi32>], vector<16xf32>,
      %swap3A = arith.index_cast %scan3A_299 : i32 to index
      %swap3A_319 = arith.constant 0 : index
      %swap3A_320 = tpu.vector_load %arg8[%swap3A, %swap3A_319] {strides = array<i32>} : memref<64x128xf32, #tpu.memory_space<vmem>>, vector<16xf32>,
      tpu.vector_store %arg8[%swap3A, %swap3A_319], %gather3A {strides = array<i32>} : memref<64x128xf32, #tpu.memory_space<vmem>>, vector<16xf32>,
      %swap3A_321 = arith.index_cast %scan3A_299 : i32 to index
      %swap3A_322 = arith.constant 16 : index
      %swap3A_323 = tpu.vector_load %arg8[%swap3A_321, %swap3A_322] {strides = array<i32>} : memref<64x128xf32, #tpu.memory_space<vmem>>, vector<16xf32>,
      tpu.vector_store %arg8[%swap3A_321, %swap3A_322], %gather3A_312 {strides = array<i32>} : memref<64x128xf32, #tpu.memory_space<vmem>>, vector<16xf32>,
      %swap3A_324 = arith.index_cast %scan3A_299 : i32 to index
      %swap3A_325 = arith.constant 32 : index
      %swap3A_326 = tpu.vector_load %arg8[%swap3A_324, %swap3A_325] {strides = array<i32>} : memref<64x128xf32, #tpu.memory_space<vmem>>, vector<16xf32>,
      tpu.vector_store %arg8[%swap3A_324, %swap3A_325], %gather3A_313 {strides = array<i32>} : memref<64x128xf32, #tpu.memory_space<vmem>>, vector<16xf32>,
      %swap3A_327 = arith.index_cast %scan3A_299 : i32 to index
      %swap3A_328 = arith.constant 48 : index
      %swap3A_329 = tpu.vector_load %arg8[%swap3A_327, %swap3A_328] {strides = array<i32>} : memref<64x128xf32, #tpu.memory_space<vmem>>, vector<16xf32>,
      tpu.vector_store %arg8[%swap3A_327, %swap3A_328], %gather3A_314 {strides = array<i32>} : memref<64x128xf32, #tpu.memory_space<vmem>>, vector<16xf32>,
      %swap3A_330 = arith.index_cast %scan3A_299 : i32 to index
      %swap3A_331 = arith.constant 64 : index
      %swap3A_332 = tpu.vector_load %arg8[%swap3A_330, %swap3A_331] {strides = array<i32>} : memref<64x128xf32, #tpu.memory_space<vmem>>, vector<16xf32>,
      tpu.vector_store %arg8[%swap3A_330, %swap3A_331], %gather3A_315 {strides = array<i32>} : memref<64x128xf32, #tpu.memory_space<vmem>>, vector<16xf32>,
      %swap3A_333 = arith.index_cast %scan3A_299 : i32 to index
      %swap3A_334 = arith.constant 80 : index
      %swap3A_335 = tpu.vector_load %arg8[%swap3A_333, %swap3A_334] {strides = array<i32>} : memref<64x128xf32, #tpu.memory_space<vmem>>, vector<16xf32>,
      tpu.vector_store %arg8[%swap3A_333, %swap3A_334], %gather3A_316 {strides = array<i32>} : memref<64x128xf32, #tpu.memory_space<vmem>>, vector<16xf32>,
      %swap3A_336 = arith.index_cast %scan3A_299 : i32 to index
      %swap3A_337 = arith.constant 96 : index
      %swap3A_338 = tpu.vector_load %arg8[%swap3A_336, %swap3A_337] {strides = array<i32>} : memref<64x128xf32, #tpu.memory_space<vmem>>, vector<16xf32>,
      tpu.vector_store %arg8[%swap3A_336, %swap3A_337], %gather3A_317 {strides = array<i32>} : memref<64x128xf32, #tpu.memory_space<vmem>>, vector<16xf32>,
      %swap3A_339 = arith.index_cast %scan3A_299 : i32 to index
      %swap3A_340 = arith.constant 112 : index
      %swap3A_341 = tpu.vector_load %arg8[%swap3A_339, %swap3A_340] {strides = array<i32>} : memref<64x128xf32, #tpu.memory_space<vmem>>, vector<16xf32>,
      tpu.vector_store %arg8[%swap3A_339, %swap3A_340], %gather3A_318 {strides = array<i32>} : memref<64x128xf32, #tpu.memory_space<vmem>>, vector<16xf32>,
      %scan3A_342 = arith.constant 0 : i32
      %scan3A_343 = arith.constant 1 : i32
      %scan3A_344 = arith.addi %scan3A_299, %scan3A_343 : i32
      %mul3A_345 = arith.constant 4 : i32
      %mul3A_346 = arith.muli %scan3A_344, %mul3A_345 : i32
      %broadcast_in_dim3A_347 = vector.broadcast %mul3A_346 : i32 to vector<16xi32>
      %add3A_348 = arith.constant 1 : i32
      %add3A_349 = vector.broadcast %add3A_348 : i32 to vector<16xi32>
      %add3A_350 = arith.addi %broadcast_in_dim3A_347, %add3A_349 : vector<16xi32>
      %add3A_351 = arith.constant 2 : i32
      %add3A_352 = vector.broadcast %add3A_351 : i32 to vector<16xi32>
      %add3A_353 = arith.addi %broadcast_in_dim3A_347, %add3A_352 : vector<16xi32>
      %add3A_354 = arith.constant 3 : i32
      %add3A_355 = vector.broadcast %add3A_354 : i32 to vector<16xi32>
      %add3A_356 = arith.addi %broadcast_in_dim3A_347, %add3A_355 : vector<16xi32>
      %gather3A_357 = tpu.vector_load_idx %arg6[%iota3A, %broadcast_in_dim3A_347] : memref<32x257xf32, #tpu.memory_space<vmem>>[vector<16xi32>, vector<16xi32>], vector<16xf32>,
      %gather3A_358 = tpu.vector_load_idx %arg6[%add3A_3, %broadcast_in_dim3A_347] : memref<32x257xf32, #tpu.memory_space<vmem>>[vector<16xi32>, vector<16xi32>], vector<16xf32>,
      %gather3A_359 = tpu.vector_load_idx %arg6[%iota3A, %add3A_350] : memref<32x257xf32, #tpu.memory_space<vmem>>[vector<16xi32>, vector<16xi32>], vector<16xf32>,
      %gather3A_360 = tpu.vector_load_idx %arg6[%add3A_3, %add3A_350] : memref<32x257xf32, #tpu.memory_space<vmem>>[vector<16xi32>, vector<16xi32>], vector<16xf32>,
      %gather3A_361 = tpu.vector_load_idx %arg6[%iota3A, %add3A_353] : memref<32x257xf32, #tpu.memory_space<vmem>>[vector<16xi32>, vector<16xi32>], vector<16xf32>,
      %gather3A_362 = tpu.vector_load_idx %arg6[%add3A_3, %add3A_353] : memref<32x257xf32, #tpu.memory_space<vmem>>[vector<16xi32>, vector<16xi32>], vector<16xf32>,
      %gather3A_363 = tpu.vector_load_idx %arg6[%iota3A, %add3A_356] : memref<32x257xf32, #tpu.memory_space<vmem>>[vector<16xi32>, vector<16xi32>], vector<16xf32>,
      %gather3A_364 = tpu.vector_load_idx %arg6[%add3A_3, %add3A_356] : memref<32x257xf32, #tpu.memory_space<vmem>>[vector<16xi32>, vector<16xi32>], vector<16xf32>,
      %swap3A_365 = arith.index_cast %scan3A_344 : i32 to index
      %swap3A_366 = arith.constant 0 : index
      %swap3A_367 = tpu.vector_load %arg8[%swap3A_365, %swap3A_366] {strides = array<i32>} : memref<64x128xf32, #tpu.memory_space<vmem>>, vector<16xf32>,
      tpu.vector_store %arg8[%swap3A_365, %swap3A_366], %gather3A_357 {strides = array<i32>} : memref<64x128xf32, #tpu.memory_space<vmem>>, vector<16xf32>,
      %swap3A_368 = arith.index_cast %scan3A_344 : i32 to index
      %swap3A_369 = arith.constant 16 : index
      %swap3A_370 = tpu.vector_load %arg8[%swap3A_368, %swap3A_369] {strides = array<i32>} : memref<64x128xf32, #tpu.memory_space<vmem>>, vector<16xf32>,
      tpu.vector_store %arg8[%swap3A_368, %swap3A_369], %gather3A_358 {strides = array<i32>} : memref<64x128xf32, #tpu.memory_space<vmem>>, vector<16xf32>,
      %swap3A_371 = arith.index_cast %scan3A_344 : i32 to index
      %swap3A_372 = arith.constant 32 : index
      %swap3A_373 = tpu.vector_load %arg8[%swap3A_371, %swap3A_372] {strides = array<i32>} : memref<64x128xf32, #tpu.memory_space<vmem>>, vector<16xf32>,
      tpu.vector_store %arg8[%swap3A_371, %swap3A_372], %gather3A_359 {strides = array<i32>} : memref<64x128xf32, #tpu.memory_space<vmem>>, vector<16xf32>,
      %swap3A_374 = arith.index_cast %scan3A_344 : i32 to index
      %swap3A_375 = arith.constant 48 : index
      %swap3A_376 = tpu.vector_load %arg8[%swap3A_374, %swap3A_375] {strides = array<i32>} : memref<64x128xf32, #tpu.memory_space<vmem>>, vector<16xf32>,
      tpu.vector_store %arg8[%swap3A_374, %swap3A_375], %gather3A_360 {strides = array<i32>} : memref<64x128xf32, #tpu.memory_space<vmem>>, vector<16xf32>,
      %swap3A_377 = arith.index_cast %scan3A_344 : i32 to index
      %swap3A_378 = arith.constant 64 : index
      %swap3A_379 = tpu.vector_load %arg8[%swap3A_377, %swap3A_378] {strides = array<i32>} : memref<64x128xf32, #tpu.memory_space<vmem>>, vector<16xf32>,
      tpu.vector_store %arg8[%swap3A_377, %swap3A_378], %gather3A_361 {strides = array<i32>} : memref<64x128xf32, #tpu.memory_space<vmem>>, vector<16xf32>,
      %swap3A_380 = arith.index_cast %scan3A_344 : i32 to index
      %swap3A_381 = arith.constant 80 : index
      %swap3A_382 = tpu.vector_load %arg8[%swap3A_380, %swap3A_381] {strides = array<i32>} : memref<64x128xf32, #tpu.memory_space<vmem>>, vector<16xf32>,
      tpu.vector_store %arg8[%swap3A_380, %swap3A_381], %gather3A_362 {strides = array<i32>} : memref<64x128xf32, #tpu.memory_space<vmem>>, vector<16xf32>,
      %swap3A_383 = arith.index_cast %scan3A_344 : i32 to index
      %swap3A_384 = arith.constant 96 : index
      %swap3A_385 = tpu.vector_load %arg8[%swap3A_383, %swap3A_384] {strides = array<i32>} : memref<64x128xf32, #tpu.memory_space<vmem>>, vector<16xf32>,
      tpu.vector_store %arg8[%swap3A_383, %swap3A_384], %gather3A_363 {strides = array<i32>} : memref<64x128xf32, #tpu.memory_space<vmem>>, vector<16xf32>,
      %swap3A_386 = arith.index_cast %scan3A_344 : i32 to index
      %swap3A_387 = arith.constant 112 : index
      %swap3A_388 = tpu.vector_load %arg8[%swap3A_386, %swap3A_387] {strides = array<i32>} : memref<64x128xf32, #tpu.memory_space<vmem>>, vector<16xf32>,
      tpu.vector_store %arg8[%swap3A_386, %swap3A_387], %gather3A_364 {strides = array<i32>} : memref<64x128xf32, #tpu.memory_space<vmem>>, vector<16xf32>,
      %scan3A_389 = arith.constant 0 : i32
      scf.yield %scan3A_389 : i32
    }
    %scan3A_106 = arith.constant 64 : i32
    %add3A_107 = arith.constant 32 : i32
    %add3A_108 = arith.addi %add3A, %add3A_107 : i32
    %lt3A_109 = arith.constant 3906 : i32
    %lt3A_110 = arith.cmpi slt, %add3A_108, %lt3A_109 : i32
    %jit3A_111 = arith.constant 0 : i32
    %select_n3A_112 = arith.select %lt3A_110, %add3A_108, %jit3A_111 : i32
    %mul3A_113 = arith.constant 2 : i32
    %mul3A_114 = arith.muli %select_n3A_112, %mul3A_113 : i32
    %mul3A_115 = arith.constant 32 : i32
    %mul3A_116 = arith.muli %mul3A_114, %mul3A_115 : i32
    %multiple_of3A_117 = tpu.assume_multiple %mul3A_116, 64 : i32
    %dma_start3A_118 = arith.constant 0 : i32
    %dma_start3A_119 = tpu.memref_slice %arg4[%multiple_of3A_117, %dma_start3A_118] : memref<250000x128xf32, #tpu.memory_space<hbm>> -> memref<64x128xf32, #tpu.memory_space<hbm>>
    %dma_start3A_120 = arith.constant 0 : i32
    %dma_start3A_121 = tpu.memref_slice %arg4[%multiple_of3A_117, %dma_start3A_120] : memref<250000x128xf32, #tpu.memory_space<hbm>> -> memref<64x128xf32, #tpu.memory_space<hbm>>
    tpu.enqueue_dma source(%arg8 : memref<64x128xf32, #tpu.memory_space<vmem>>) target(%dma_start3A_121 : memref<64x128xf32, #tpu.memory_space<hbm>>) target_semaphore(%arg13 : memref<!tpu.dma_semaphore, #tpu.memory_space<semaphore_mem>>)
    %add3A_122 = arith.constant 96 : i32
    %add3A_123 = arith.addi %add3A, %add3A_122 : i32
    %lt3A_124 = arith.constant 3906 : i32
    %lt3A_125 = arith.cmpi slt, %add3A_123, %lt3A_124 : i32
    %jit3A_126 = arith.constant 0 : i32
    %select_n3A_127 = arith.select %lt3A_125, %add3A_123, %jit3A_126 : i32
    %mul3A_128 = arith.constant 256 : i32
    %mul3A_129 = arith.muli %select_n3A_127, %mul3A_128 : i32
    %multiple_of3A_130 = tpu.assume_multiple %mul3A_129, 256 : i32
    %dma_start3A_131 = arith.constant 0 : i32
    %dma_start3A_132 = arith.constant 0 : i32
    %dma_start3A_133 = tpu.memref_slice %arg6[%dma_start3A_131, %dma_start3A_132] : memref<32x257xf32, #tpu.memory_space<vmem>> -> memref<32x256xf32, #tpu.memory_space<vmem>>
    %dma_start3A_134 = arith.constant 0 : i32
    %dma_start3A_135 = tpu.memref_slice %arg2[%dma_start3A_134, %multiple_of3A_130] : memref<32x1000000xf32, #tpu.memory_space<hbm>> -> memref<32x256xf32, #tpu.memory_space<hbm>>
    %dma_start3A_136 = arith.constant 0 : i32
    %dma_start3A_137 = arith.constant 0 : i32
    %dma_start3A_138 = tpu.memref_slice %arg6[%dma_start3A_136, %dma_start3A_137] : memref<32x257xf32, #tpu.memory_space<vmem>> -> memref<32x256xf32, #tpu.memory_space<vmem>>
    %dma_start3A_139 = arith.constant 0 : i32
    %dma_start3A_140 = tpu.memref_slice %arg2[%dma_start3A_139, %multiple_of3A_130] : memref<32x1000000xf32, #tpu.memory_space<hbm>> -> memref<32x256xf32, #tpu.memory_space<hbm>>
    tpu.enqueue_dma source(%dma_start3A_140 : memref<32x256xf32, #tpu.memory_space<hbm>>) target(%dma_start3A_138 : memref<32x256xf32, #tpu.memory_space<vmem>>) target_semaphore(%arg11 : memref<!tpu.dma_semaphore, #tpu.memory_space<semaphore_mem>>)
    %dma_wait3A_141 = arith.constant 0 : i32
    %dma_wait3A_142 = arith.constant 0 : i32
    %dma_wait3A_143 = tpu.memref_slice %arg5[%dma_wait3A_141, %dma_wait3A_142] : memref<32x257xf32, #tpu.memory_space<vmem>> -> memref<32x256xf32, #tpu.memory_space<vmem>>
    %dma_wait3A_144 = arith.constant 0 : i32
    %dma_wait3A_145 = arith.constant 0 : i32
    %dma_wait3A_146 = tpu.memref_slice %arg2[%dma_wait3A_144, %dma_wait3A_145] : memref<32x1000000xf32, #tpu.memory_space<hbm>> -> memref<32x256xf32, #tpu.memory_space<hbm>>
    %dma_wait3A_147 = arith.constant 0 : i32
    %dma_wait3A_148 = arith.constant 0 : i32
    %dma_wait3A_149 = tpu.memref_slice %arg5[%dma_wait3A_147, %dma_wait3A_148] : memref<32x257xf32, #tpu.memory_space<vmem>> -> memref<32x256xf32, #tpu.memory_space<vmem>>
    %dma_wait3A_150 = arith.constant 0 : i32
    %dma_wait3A_151 = arith.constant 0 : i32
    %dma_wait3A_152 = tpu.memref_slice %arg2[%dma_wait3A_150, %dma_wait3A_151] : memref<32x1000000xf32, #tpu.memory_space<hbm>> -> memref<32x256xf32, #tpu.memory_space<hbm>>
    tpu.wait_dma2 semaphore(%arg10 : memref<!tpu.dma_semaphore, #tpu.memory_space<semaphore_mem>>) src(%dma_wait3A_152 : memref<32x256xf32, #tpu.memory_space<hbm>>) dst(%dma_wait3A_149 : memref<32x256xf32, #tpu.memory_space<vmem>>)
    %dma_wait3A_153 = arith.constant 0 : i32
    %dma_wait3A_154 = arith.constant 0 : i32
    %dma_wait3A_155 = tpu.memref_slice %arg4[%dma_wait3A_153, %dma_wait3A_154] : memref<250000x128xf32, #tpu.memory_space<hbm>> -> memref<64x128xf32, #tpu.memory_space<hbm>>
    %dma_wait3A_156 = arith.constant 0 : i32
    %dma_wait3A_157 = arith.constant 0 : i32
    %dma_wait3A_158 = tpu.memref_slice %arg4[%dma_wait3A_156, %dma_wait3A_157] : memref<250000x128xf32, #tpu.memory_space<hbm>> -> memref<64x128xf32, #tpu.memory_space<hbm>>
    tpu.wait_dma2 semaphore(%arg12 : memref<!tpu.dma_semaphore, #tpu.memory_space<semaphore_mem>>) src(%arg7 : memref<64x128xf32, #tpu.memory_space<vmem>>) dst(%dma_wait3A_158 : memref<64x128xf32, #tpu.memory_space<hbm>>)
    %scan3A_159 = arith.constant 0 : i32
    %scan3A_160 = arith.constant 0 : i32
    %scan3A_161 = arith.constant 64 : i32
    %scan3A_162 = arith.addi %scan3A_160, %scan3A_161 : i32
    %scan3A_163 = arith.constant 2 : i32
    %scan3A_164 = scf.for %scan3A_299 = %scan3A_160 to %scan3A_162 step %scan3A_163 iter_args(%scan3A_300 = %scan3A_159) -> (i32)  : i32 {
      %mul3A_301 = arith.constant 4 : i32
      %mul3A_302 = arith.muli %scan3A_299, %mul3A_301 : i32
      %broadcast_in_dim3A = vector.broadcast %mul3A_302 : i32 to vector<16xi32>
      %add3A_303 = arith.constant 1 : i32
      %add3A_304 = vector.broadcast %add3A_303 : i32 to vector<16xi32>
      %add3A_305 = arith.addi %broadcast_in_dim3A, %add3A_304 : vector<16xi32>
      %add3A_306 = arith.constant 2 : i32
      %add3A_307 = vector.broadcast %add3A_306 : i32 to vector<16xi32>
      %add3A_308 = arith.addi %broadcast_in_dim3A, %add3A_307 : vector<16xi32>
      %add3A_309 = arith.constant 3 : i32
      %add3A_310 = vector.broadcast %add3A_309 : i32 to vector<16xi32>
      %add3A_311 = arith.addi %broadcast_in_dim3A, %add3A_310 : vector<16xi32>
      %gather3A = tpu.vector_load_idx %arg5[%iota3A, %broadcast_in_dim3A] : memref<32x257xf32, #tpu.memory_space<vmem>>[vector<16xi32>, vector<16xi32>], vector<16xf32>,
      %gather3A_312 = tpu.vector_load_idx %arg5[%add3A_3, %broadcast_in_dim3A] : memref<32x257xf32, #tpu.memory_space<vmem>>[vector<16xi32>, vector<16xi32>], vector<16xf32>,
      %gather3A_313 = tpu.vector_load_idx %arg5[%iota3A, %add3A_305] : memref<32x257xf32, #tpu.memory_space<vmem>>[vector<16xi32>, vector<16xi32>], vector<16xf32>,
      %gather3A_314 = tpu.vector_load_idx %arg5[%add3A_3, %add3A_305] : memref<32x257xf32, #tpu.memory_space<vmem>>[vector<16xi32>, vector<16xi32>], vector<16xf32>,
      %gather3A_315 = tpu.vector_load_idx %arg5[%iota3A, %add3A_308] : memref<32x257xf32, #tpu.memory_space<vmem>>[vector<16xi32>, vector<16xi32>], vector<16xf32>,
      %gather3A_316 = tpu.vector_load_idx %arg5[%add3A_3, %add3A_308] : memref<32x257xf32, #tpu.memory_space<vmem>>[vector<16xi32>, vector<16xi32>], vector<16xf32>,
      %gather3A_317 = tpu.vector_load_idx %arg5[%iota3A, %add3A_311] : memref<32x257xf32, #tpu.memory_space<vmem>>[vector<16xi32>, vector<16xi32>], vector<16xf32>,
      %gather3A_318 = tpu.vector_load_idx %arg5[%add3A_3, %add3A_311] : memref<32x257xf32, #tpu.memory_space<vmem>>[vector<16xi32>, vector<16xi32>], vector<16xf32>,
      %swap3A = arith.index_cast %scan3A_299 : i32 to index
      %swap3A_319 = arith.constant 0 : index
      %swap3A_320 = tpu.vector_load %arg7[%swap3A, %swap3A_319] {strides = array<i32>} : memref<64x128xf32, #tpu.memory_space<vmem>>, vector<16xf32>,
      tpu.vector_store %arg7[%swap3A, %swap3A_319], %gather3A {strides = array<i32>} : memref<64x128xf32, #tpu.memory_space<vmem>>, vector<16xf32>,
      %swap3A_321 = arith.index_cast %scan3A_299 : i32 to index
      %swap3A_322 = arith.constant 16 : index
      %swap3A_323 = tpu.vector_load %arg7[%swap3A_321, %swap3A_322] {strides = array<i32>} : memref<64x128xf32, #tpu.memory_space<vmem>>, vector<16xf32>,
      tpu.vector_store %arg7[%swap3A_321, %swap3A_322], %gather3A_312 {strides = array<i32>} : memref<64x128xf32, #tpu.memory_space<vmem>>, vector<16xf32>,
      %swap3A_324 = arith.index_cast %scan3A_299 : i32 to index
      %swap3A_325 = arith.constant 32 : index
      %swap3A_326 = tpu.vector_load %arg7[%swap3A_324, %swap3A_325] {strides = array<i32>} : memref<64x128xf32, #tpu.memory_space<vmem>>, vector<16xf32>,
      tpu.vector_store %arg7[%swap3A_324, %swap3A_325], %gather3A_313 {strides = array<i32>} : memref<64x128xf32, #tpu.memory_space<vmem>>, vector<16xf32>,
      %swap3A_327 = arith.index_cast %scan3A_299 : i32 to index
      %swap3A_328 = arith.constant 48 : index
      %swap3A_329 = tpu.vector_load %arg7[%swap3A_327, %swap3A_328] {strides = array<i32>} : memref<64x128xf32, #tpu.memory_space<vmem>>, vector<16xf32>,
      tpu.vector_store %arg7[%swap3A_327, %swap3A_328], %gather3A_314 {strides = array<i32>} : memref<64x128xf32, #tpu.memory_space<vmem>>, vector<16xf32>,
      %swap3A_330 = arith.index_cast %scan3A_299 : i32 to index
      %swap3A_331 = arith.constant 64 : index
      %swap3A_332 = tpu.vector_load %arg7[%swap3A_330, %swap3A_331] {strides = array<i32>} : memref<64x128xf32, #tpu.memory_space<vmem>>, vector<16xf32>,
      tpu.vector_store %arg7[%swap3A_330, %swap3A_331], %gather3A_315 {strides = array<i32>} : memref<64x128xf32, #tpu.memory_space<vmem>>, vector<16xf32>,
      %swap3A_333 = arith.index_cast %scan3A_299 : i32 to index
      %swap3A_334 = arith.constant 80 : index
      %swap3A_335 = tpu.vector_load %arg7[%swap3A_333, %swap3A_334] {strides = array<i32>} : memref<64x128xf32, #tpu.memory_space<vmem>>, vector<16xf32>,
      tpu.vector_store %arg7[%swap3A_333, %swap3A_334], %gather3A_316 {strides = array<i32>} : memref<64x128xf32, #tpu.memory_space<vmem>>, vector<16xf32>,
      %swap3A_336 = arith.index_cast %scan3A_299 : i32 to index
      %swap3A_337 = arith.constant 96 : index
      %swap3A_338 = tpu.vector_load %arg7[%swap3A_336, %swap3A_337] {strides = array<i32>} : memref<64x128xf32, #tpu.memory_space<vmem>>, vector<16xf32>,
      tpu.vector_store %arg7[%swap3A_336, %swap3A_337], %gather3A_317 {strides = array<i32>} : memref<64x128xf32, #tpu.memory_space<vmem>>, vector<16xf32>,
      %swap3A_339 = arith.index_cast %scan3A_299 : i32 to index
      %swap3A_340 = arith.constant 112 : index
      %swap3A_341 = tpu.vector_load %arg7[%swap3A_339, %swap3A_340] {strides = array<i32>} : memref<64x128xf32, #tpu.memory_space<vmem>>, vector<16xf32>,
      tpu.vector_store %arg7[%swap3A_339, %swap3A_340], %gather3A_318 {strides = array<i32>} : memref<64x128xf32, #tpu.memory_space<vmem>>, vector<16xf32>,
      %scan3A_342 = arith.constant 0 : i32
      %scan3A_343 = arith.constant 1 : i32
      %scan3A_344 = arith.addi %scan3A_299, %scan3A_343 : i32
      %mul3A_345 = arith.constant 4 : i32
      %mul3A_346 = arith.muli %scan3A_344, %mul3A_345 : i32
      %broadcast_in_dim3A_347 = vector.broadcast %mul3A_346 : i32 to vector<16xi32>
      %add3A_348 = arith.constant 1 : i32
      %add3A_349 = vector.broadcast %add3A_348 : i32 to vector<16xi32>
      %add3A_350 = arith.addi %broadcast_in_dim3A_347, %add3A_349 : vector<16xi32>
      %add3A_351 = arith.constant 2 : i32
      %add3A_352 = vector.broadcast %add3A_351 : i32 to vector<16xi32>
      %add3A_353 = arith.addi %broadcast_in_dim3A_347, %add3A_352 : vector<16xi32>
      %add3A_354 = arith.constant 3 : i32
      %add3A_355 = vector.broadcast %add3A_354 : i32 to vector<16xi32>
      %add3A_356 = arith.addi %broadcast_in_dim3A_347, %add3A_355 : vector<16xi32>
      %gather3A_357 = tpu.vector_load_idx %arg5[%iota3A, %broadcast_in_dim3A_347] : memref<32x257xf32, #tpu.memory_space<vmem>>[vector<16xi32>, vector<16xi32>], vector<16xf32>,
      %gather3A_358 = tpu.vector_load_idx %arg5[%add3A_3, %broadcast_in_dim3A_347] : memref<32x257xf32, #tpu.memory_space<vmem>>[vector<16xi32>, vector<16xi32>], vector<16xf32>,
      %gather3A_359 = tpu.vector_load_idx %arg5[%iota3A, %add3A_350] : memref<32x257xf32, #tpu.memory_space<vmem>>[vector<16xi32>, vector<16xi32>], vector<16xf32>,
      %gather3A_360 = tpu.vector_load_idx %arg5[%add3A_3, %add3A_350] : memref<32x257xf32, #tpu.memory_space<vmem>>[vector<16xi32>, vector<16xi32>], vector<16xf32>,
      %gather3A_361 = tpu.vector_load_idx %arg5[%iota3A, %add3A_353] : memref<32x257xf32, #tpu.memory_space<vmem>>[vector<16xi32>, vector<16xi32>], vector<16xf32>,
      %gather3A_362 = tpu.vector_load_idx %arg5[%add3A_3, %add3A_353] : memref<32x257xf32, #tpu.memory_space<vmem>>[vector<16xi32>, vector<16xi32>], vector<16xf32>,
      %gather3A_363 = tpu.vector_load_idx %arg5[%iota3A, %add3A_356] : memref<32x257xf32, #tpu.memory_space<vmem>>[vector<16xi32>, vector<16xi32>], vector<16xf32>,
      %gather3A_364 = tpu.vector_load_idx %arg5[%add3A_3, %add3A_356] : memref<32x257xf32, #tpu.memory_space<vmem>>[vector<16xi32>, vector<16xi32>], vector<16xf32>,
      %swap3A_365 = arith.index_cast %scan3A_344 : i32 to index
      %swap3A_366 = arith.constant 0 : index
      %swap3A_367 = tpu.vector_load %arg7[%swap3A_365, %swap3A_366] {strides = array<i32>} : memref<64x128xf32, #tpu.memory_space<vmem>>, vector<16xf32>,
      tpu.vector_store %arg7[%swap3A_365, %swap3A_366], %gather3A_357 {strides = array<i32>} : memref<64x128xf32, #tpu.memory_space<vmem>>, vector<16xf32>,
      %swap3A_368 = arith.index_cast %scan3A_344 : i32 to index
      %swap3A_369 = arith.constant 16 : index
      %swap3A_370 = tpu.vector_load %arg7[%swap3A_368, %swap3A_369] {strides = array<i32>} : memref<64x128xf32, #tpu.memory_space<vmem>>, vector<16xf32>,
      tpu.vector_store %arg7[%swap3A_368, %swap3A_369], %gather3A_358 {strides = array<i32>} : memref<64x128xf32, #tpu.memory_space<vmem>>, vector<16xf32>,
      %swap3A_371 = arith.index_cast %scan3A_344 : i32 to index
      %swap3A_372 = arith.constant 32 : index
      %swap3A_373 = tpu.vector_load %arg7[%swap3A_371, %swap3A_372] {strides = array<i32>} : memref<64x128xf32, #tpu.memory_space<vmem>>, vector<16xf32>,
      tpu.vector_store %arg7[%swap3A_371, %swap3A_372], %gather3A_359 {strides = array<i32>} : memref<64x128xf32, #tpu.memory_space<vmem>>, vector<16xf32>,
      %swap3A_374 = arith.index_cast %scan3A_344 : i32 to index
      %swap3A_375 = arith.constant 48 : index
      %swap3A_376 = tpu.vector_load %arg7[%swap3A_374, %swap3A_375] {strides = array<i32>} : memref<64x128xf32, #tpu.memory_space<vmem>>, vector<16xf32>,
      tpu.vector_store %arg7[%swap3A_374, %swap3A_375], %gather3A_360 {strides = array<i32>} : memref<64x128xf32, #tpu.memory_space<vmem>>, vector<16xf32>,
      %swap3A_377 = arith.index_cast %scan3A_344 : i32 to index
      %swap3A_378 = arith.constant 64 : index
      %swap3A_379 = tpu.vector_load %arg7[%swap3A_377, %swap3A_378] {strides = array<i32>} : memref<64x128xf32, #tpu.memory_space<vmem>>, vector<16xf32>,
      tpu.vector_store %arg7[%swap3A_377, %swap3A_378], %gather3A_361 {strides = array<i32>} : memref<64x128xf32, #tpu.memory_space<vmem>>, vector<16xf32>,
      %swap3A_380 = arith.index_cast %scan3A_344 : i32 to index
      %swap3A_381 = arith.constant 80 : index
      %swap3A_382 = tpu.vector_load %arg7[%swap3A_380, %swap3A_381] {strides = array<i32>} : memref<64x128xf32, #tpu.memory_space<vmem>>, vector<16xf32>,
      tpu.vector_store %arg7[%swap3A_380, %swap3A_381], %gather3A_362 {strides = array<i32>} : memref<64x128xf32, #tpu.memory_space<vmem>>, vector<16xf32>,
      %swap3A_383 = arith.index_cast %scan3A_344 : i32 to index
      %swap3A_384 = arith.constant 96 : index
      %swap3A_385 = tpu.vector_load %arg7[%swap3A_383, %swap3A_384] {strides = array<i32>} : memref<64x128xf32, #tpu.memory_space<vmem>>, vector<16xf32>,
      tpu.vector_store %arg7[%swap3A_383, %swap3A_384], %gather3A_363 {strides = array<i32>} : memref<64x128xf32, #tpu.memory_space<vmem>>, vector<16xf32>,
      %swap3A_386 = arith.index_cast %scan3A_344 : i32 to index
      %swap3A_387 = arith.constant 112 : index
      %swap3A_388 = tpu.vector_load %arg7[%swap3A_386, %swap3A_387] {strides = array<i32>} : memref<64x128xf32, #tpu.memory_space<vmem>>, vector<16xf32>,
      tpu.vector_store %arg7[%swap3A_386, %swap3A_387], %gather3A_364 {strides = array<i32>} : memref<64x128xf32, #tpu.memory_space<vmem>>, vector<16xf32>,
      %scan3A_389 = arith.constant 0 : i32
      scf.yield %scan3A_389 : i32
    }
    %scan3A_165 = arith.constant 64 : i32
    %add3A_166 = arith.constant 64 : i32
    %add3A_167 = arith.addi %add3A, %add3A_166 : i32
    %lt3A_168 = arith.constant 3906 : i32
    %lt3A_169 = arith.cmpi slt, %add3A_167, %lt3A_168 : i32
    %jit3A_170 = arith.constant 0 : i32
    %select_n3A_171 = arith.select %lt3A_169, %add3A_167, %jit3A_170 : i32
    %mul3A_172 = arith.constant 2 : i32
    %mul3A_173 = arith.muli %select_n3A_171, %mul3A_172 : i32
    %mul3A_174 = arith.constant 32 : i32
    %mul3A_175 = arith.muli %mul3A_173, %mul3A_174 : i32
    %multiple_of3A_176 = tpu.assume_multiple %mul3A_175, 64 : i32
    %dma_start3A_177 = arith.constant 0 : i32
    %dma_start3A_178 = tpu.memref_slice %arg4[%multiple_of3A_176, %dma_start3A_177] : memref<250000x128xf32, #tpu.memory_space<hbm>> -> memref<64x128xf32, #tpu.memory_space<hbm>>
    %dma_start3A_179 = arith.constant 0 : i32
    %dma_start3A_180 = tpu.memref_slice %arg4[%multiple_of3A_176, %dma_start3A_179] : memref<250000x128xf32, #tpu.memory_space<hbm>> -> memref<64x128xf32, #tpu.memory_space<hbm>>
    tpu.enqueue_dma source(%arg7 : memref<64x128xf32, #tpu.memory_space<vmem>>) target(%dma_start3A_180 : memref<64x128xf32, #tpu.memory_space<hbm>>) target_semaphore(%arg12 : memref<!tpu.dma_semaphore, #tpu.memory_space<semaphore_mem>>)
    %scan3A_181 = arith.constant 0 : i32
    %scan3A_182 = arith.constant 0 : i32
    %scan3A_183 = arith.constant 59 : i32
    %scan3A_184 = arith.addi %scan3A_182, %scan3A_183 : i32
    %scan3A_185 = arith.constant 1 : i32
    %scan3A_186 = scf.for %scan3A_299 = %scan3A_182 to %scan3A_184 step %scan3A_185 iter_args(%scan3A_300 = %scan3A_181) -> (i32)  : i32 {
      %mul3A_301 = arith.constant 2 : i32
      %mul3A_302 = arith.muli %scan3A_299, %mul3A_301 : i32
      %add3A_303 = arith.constant 3 : i32
      %add3A_304 = arith.addi %mul3A_302, %add3A_303 : i32
      %add3A_305 = arith.constant 1 : i32
      %add3A_306 = arith.addi %add3A_304, %add3A_305 : i32
      %mul3A_307 = arith.constant 32 : i32
      %mul3A_308 = arith.muli %mul3A_307, %add3A_306 : i32
      %add3A_309 = arith.addi %add3A, %mul3A_308 : i32
      %lt3A_310 = arith.constant 3906 : i32
      %lt3A_311 = arith.cmpi slt, %add3A_309, %lt3A_310 : i32
      %jit3A_312 = arith.constant 0 : i32
      %select_n3A_313 = arith.select %lt3A_311, %add3A_309, %jit3A_312 : i32
      %mul3A_314 = arith.constant 256 : i32
      %mul3A_315 = arith.muli %select_n3A_313, %mul3A_314 : i32
      %multiple_of3A_316 = tpu.assume_multiple %mul3A_315, 256 : i32
      %dma_start3A_317 = arith.constant 0 : i32
      %dma_start3A_318 = arith.constant 0 : i32
      %dma_start3A_319 = tpu.memref_slice %arg5[%dma_start3A_317, %dma_start3A_318] : memref<32x257xf32, #tpu.memory_space<vmem>> -> memref<32x256xf32, #tpu.memory_space<vmem>>
      %dma_start3A_320 = arith.constant 0 : i32
      %dma_start3A_321 = tpu.memref_slice %arg2[%dma_start3A_320, %multiple_of3A_316] : memref<32x1000000xf32, #tpu.memory_space<hbm>> -> memref<32x256xf32, #tpu.memory_space<hbm>>
      %dma_start3A_322 = arith.constant 0 : i32
      %dma_start3A_323 = arith.constant 0 : i32
      %dma_start3A_324 = tpu.memref_slice %arg5[%dma_start3A_322, %dma_start3A_323] : memref<32x257xf32, #tpu.memory_space<vmem>> -> memref<32x256xf32, #tpu.memory_space<vmem>>
      %dma_start3A_325 = arith.constant 0 : i32
      %dma_start3A_326 = tpu.memref_slice %arg2[%dma_start3A_325, %multiple_of3A_316] : memref<32x1000000xf32, #tpu.memory_space<hbm>> -> memref<32x256xf32, #tpu.memory_space<hbm>>
      tpu.enqueue_dma source(%dma_start3A_326 : memref<32x256xf32, #tpu.memory_space<hbm>>) target(%dma_start3A_324 : memref<32x256xf32, #tpu.memory_space<vmem>>) target_semaphore(%arg10 : memref<!tpu.dma_semaphore, #tpu.memory_space<semaphore_mem>>)
      %dma_wait3A_327 = arith.constant 0 : i32
      %dma_wait3A_328 = arith.constant 0 : i32
      %dma_wait3A_329 = tpu.memref_slice %arg6[%dma_wait3A_327, %dma_wait3A_328] : memref<32x257xf32, #tpu.memory_space<vmem>> -> memref<32x256xf32, #tpu.memory_space<vmem>>
      %dma_wait3A_330 = arith.constant 0 : i32
      %dma_wait3A_331 = arith.constant 0 : i32
      %dma_wait3A_332 = tpu.memref_slice %arg2[%dma_wait3A_330, %dma_wait3A_331] : memref<32x1000000xf32, #tpu.memory_space<hbm>> -> memref<32x256xf32, #tpu.memory_space<hbm>>
      %dma_wait3A_333 = arith.constant 0 : i32
      %dma_wait3A_334 = arith.constant 0 : i32
      %dma_wait3A_335 = tpu.memref_slice %arg6[%dma_wait3A_333, %dma_wait3A_334] : memref<32x257xf32, #tpu.memory_space<vmem>> -> memref<32x256xf32, #tpu.memory_space<vmem>>
      %dma_wait3A_336 = arith.constant 0 : i32
      %dma_wait3A_337 = arith.constant 0 : i32
      %dma_wait3A_338 = tpu.memref_slice %arg2[%dma_wait3A_336, %dma_wait3A_337] : memref<32x1000000xf32, #tpu.memory_space<hbm>> -> memref<32x256xf32, #tpu.memory_space<hbm>>
      tpu.wait_dma2 semaphore(%arg11 : memref<!tpu.dma_semaphore, #tpu.memory_space<semaphore_mem>>) src(%dma_wait3A_338 : memref<32x256xf32, #tpu.memory_space<hbm>>) dst(%dma_wait3A_335 : memref<32x256xf32, #tpu.memory_space<vmem>>)
      %dma_wait3A_339 = arith.constant 0 : i32
      %dma_wait3A_340 = arith.constant 0 : i32
      %dma_wait3A_341 = tpu.memref_slice %arg4[%dma_wait3A_339, %dma_wait3A_340] : memref<250000x128xf32, #tpu.memory_space<hbm>> -> memref<64x128xf32, #tpu.memory_space<hbm>>
      %dma_wait3A_342 = arith.constant 0 : i32
      %dma_wait3A_343 = arith.constant 0 : i32
      %dma_wait3A_344 = tpu.memref_slice %arg4[%dma_wait3A_342, %dma_wait3A_343] : memref<250000x128xf32, #tpu.memory_space<hbm>> -> memref<64x128xf32, #tpu.memory_space<hbm>>
      tpu.wait_dma2 semaphore(%arg13 : memref<!tpu.dma_semaphore, #tpu.memory_space<semaphore_mem>>) src(%arg8 : memref<64x128xf32, #tpu.memory_space<vmem>>) dst(%dma_wait3A_344 : memref<64x128xf32, #tpu.memory_space<hbm>>)
      %scan3A_345 = arith.constant 0 : i32
      %scan3A_346 = arith.constant 0 : i32
      %scan3A_347 = arith.constant 64 : i32
      %scan3A_348 = arith.addi %scan3A_346, %scan3A_347 : i32
      %scan3A_349 = arith.constant 2 : i32
      %scan3A_350 = scf.for %scan3A_434 = %scan3A_346 to %scan3A_348 step %scan3A_349 iter_args(%scan3A_435 = %scan3A_345) -> (i32)  : i32 {
        %mul3A_436 = arith.constant 4 : i32
        %mul3A_437 = arith.muli %scan3A_434, %mul3A_436 : i32
        %broadcast_in_dim3A = vector.broadcast %mul3A_437 : i32 to vector<16xi32>
        %add3A_438 = arith.constant 1 : i32
        %add3A_439 = vector.broadcast %add3A_438 : i32 to vector<16xi32>
        %add3A_440 = arith.addi %broadcast_in_dim3A, %add3A_439 : vector<16xi32>
        %add3A_441 = arith.constant 2 : i32
        %add3A_442 = vector.broadcast %add3A_441 : i32 to vector<16xi32>
        %add3A_443 = arith.addi %broadcast_in_dim3A, %add3A_442 : vector<16xi32>
        %add3A_444 = arith.constant 3 : i32
        %add3A_445 = vector.broadcast %add3A_444 : i32 to vector<16xi32>
        %add3A_446 = arith.addi %broadcast_in_dim3A, %add3A_445 : vector<16xi32>
        %gather3A = tpu.vector_load_idx %arg6[%iota3A, %broadcast_in_dim3A] : memref<32x257xf32, #tpu.memory_space<vmem>>[vector<16xi32>, vector<16xi32>], vector<16xf32>,
        %gather3A_447 = tpu.vector_load_idx %arg6[%add3A_3, %broadcast_in_dim3A] : memref<32x257xf32, #tpu.memory_space<vmem>>[vector<16xi32>, vector<16xi32>], vector<16xf32>,
        %gather3A_448 = tpu.vector_load_idx %arg6[%iota3A, %add3A_440] : memref<32x257xf32, #tpu.memory_space<vmem>>[vector<16xi32>, vector<16xi32>], vector<16xf32>,
        %gather3A_449 = tpu.vector_load_idx %arg6[%add3A_3, %add3A_440] : memref<32x257xf32, #tpu.memory_space<vmem>>[vector<16xi32>, vector<16xi32>], vector<16xf32>,
        %gather3A_450 = tpu.vector_load_idx %arg6[%iota3A, %add3A_443] : memref<32x257xf32, #tpu.memory_space<vmem>>[vector<16xi32>, vector<16xi32>], vector<16xf32>,
        %gather3A_451 = tpu.vector_load_idx %arg6[%add3A_3, %add3A_443] : memref<32x257xf32, #tpu.memory_space<vmem>>[vector<16xi32>, vector<16xi32>], vector<16xf32>,
        %gather3A_452 = tpu.vector_load_idx %arg6[%iota3A, %add3A_446] : memref<32x257xf32, #tpu.memory_space<vmem>>[vector<16xi32>, vector<16xi32>], vector<16xf32>,
        %gather3A_453 = tpu.vector_load_idx %arg6[%add3A_3, %add3A_446] : memref<32x257xf32, #tpu.memory_space<vmem>>[vector<16xi32>, vector<16xi32>], vector<16xf32>,
        %swap3A = arith.index_cast %scan3A_434 : i32 to index
        %swap3A_454 = arith.constant 0 : index
        %swap3A_455 = tpu.vector_load %arg8[%swap3A, %swap3A_454] {strides = array<i32>} : memref<64x128xf32, #tpu.memory_space<vmem>>, vector<16xf32>,
        tpu.vector_store %arg8[%swap3A, %swap3A_454], %gather3A {strides = array<i32>} : memref<64x128xf32, #tpu.memory_space<vmem>>, vector<16xf32>,
        %swap3A_456 = arith.index_cast %scan3A_434 : i32 to index
        %swap3A_457 = arith.constant 16 : index
        %swap3A_458 = tpu.vector_load %arg8[%swap3A_456, %swap3A_457] {strides = array<i32>} : memref<64x128xf32, #tpu.memory_space<vmem>>, vector<16xf32>,
        tpu.vector_store %arg8[%swap3A_456, %swap3A_457], %gather3A_447 {strides = array<i32>} : memref<64x128xf32, #tpu.memory_space<vmem>>, vector<16xf32>,
        %swap3A_459 = arith.index_cast %scan3A_434 : i32 to index
        %swap3A_460 = arith.constant 32 : index
        %swap3A_461 = tpu.vector_load %arg8[%swap3A_459, %swap3A_460] {strides = array<i32>} : memref<64x128xf32, #tpu.memory_space<vmem>>, vector<16xf32>,
        tpu.vector_store %arg8[%swap3A_459, %swap3A_460], %gather3A_448 {strides = array<i32>} : memref<64x128xf32, #tpu.memory_space<vmem>>, vector<16xf32>,
        %swap3A_462 = arith.index_cast %scan3A_434 : i32 to index
        %swap3A_463 = arith.constant 48 : index
        %swap3A_464 = tpu.vector_load %arg8[%swap3A_462, %swap3A_463] {strides = array<i32>} : memref<64x128xf32, #tpu.memory_space<vmem>>, vector<16xf32>,
        tpu.vector_store %arg8[%swap3A_462, %swap3A_463], %gather3A_449 {strides = array<i32>} : memref<64x128xf32, #tpu.memory_space<vmem>>, vector<16xf32>,
        %swap3A_465 = arith.index_cast %scan3A_434 : i32 to index
        %swap3A_466 = arith.constant 64 : index
        %swap3A_467 = tpu.vector_load %arg8[%swap3A_465, %swap3A_466] {strides = array<i32>} : memref<64x128xf32, #tpu.memory_space<vmem>>, vector<16xf32>,
        tpu.vector_store %arg8[%swap3A_465, %swap3A_466], %gather3A_450 {strides = array<i32>} : memref<64x128xf32, #tpu.memory_space<vmem>>, vector<16xf32>,
        %swap3A_468 = arith.index_cast %scan3A_434 : i32 to index
        %swap3A_469 = arith.constant 80 : index
        %swap3A_470 = tpu.vector_load %arg8[%swap3A_468, %swap3A_469] {strides = array<i32>} : memref<64x128xf32, #tpu.memory_space<vmem>>, vector<16xf32>,
        tpu.vector_store %arg8[%swap3A_468, %swap3A_469], %gather3A_451 {strides = array<i32>} : memref<64x128xf32, #tpu.memory_space<vmem>>, vector<16xf32>,
        %swap3A_471 = arith.index_cast %scan3A_434 : i32 to index
        %swap3A_472 = arith.constant 96 : index
        %swap3A_473 = tpu.vector_load %arg8[%swap3A_471, %swap3A_472] {strides = array<i32>} : memref<64x128xf32, #tpu.memory_space<vmem>>, vector<16xf32>,
        tpu.vector_store %arg8[%swap3A_471, %swap3A_472], %gather3A_452 {strides = array<i32>} : memref<64x128xf32, #tpu.memory_space<vmem>>, vector<16xf32>,
        %swap3A_474 = arith.index_cast %scan3A_434 : i32 to index
        %swap3A_475 = arith.constant 112 : index
        %swap3A_476 = tpu.vector_load %arg8[%swap3A_474, %swap3A_475] {strides = array<i32>} : memref<64x128xf32, #tpu.memory_space<vmem>>, vector<16xf32>,
        tpu.vector_store %arg8[%swap3A_474, %swap3A_475], %gather3A_453 {strides = array<i32>} : memref<64x128xf32, #tpu.memory_space<vmem>>, vector<16xf32>,
        %scan3A_477 = arith.constant 0 : i32
        %scan3A_478 = arith.constant 1 : i32
        %scan3A_479 = arith.addi %scan3A_434, %scan3A_478 : i32
        %mul3A_480 = arith.constant 4 : i32
        %mul3A_481 = arith.muli %scan3A_479, %mul3A_480 : i32
        %broadcast_in_dim3A_482 = vector.broadcast %mul3A_481 : i32 to vector<16xi32>
        %add3A_483 = arith.constant 1 : i32
        %add3A_484 = vector.broadcast %add3A_483 : i32 to vector<16xi32>
        %add3A_485 = arith.addi %broadcast_in_dim3A_482, %add3A_484 : vector<16xi32>
        %add3A_486 = arith.constant 2 : i32
        %add3A_487 = vector.broadcast %add3A_486 : i32 to vector<16xi32>
        %add3A_488 = arith.addi %broadcast_in_dim3A_482, %add3A_487 : vector<16xi32>
        %add3A_489 = arith.constant 3 : i32
        %add3A_490 = vector.broadcast %add3A_489 : i32 to vector<16xi32>
        %add3A_491 = arith.addi %broadcast_in_dim3A_482, %add3A_490 : vector<16xi32>
        %gather3A_492 = tpu.vector_load_idx %arg6[%iota3A, %broadcast_in_dim3A_482] : memref<32x257xf32, #tpu.memory_space<vmem>>[vector<16xi32>, vector<16xi32>], vector<16xf32>,
        %gather3A_493 = tpu.vector_load_idx %arg6[%add3A_3, %broadcast_in_dim3A_482] : memref<32x257xf32, #tpu.memory_space<vmem>>[vector<16xi32>, vector<16xi32>], vector<16xf32>,
        %gather3A_494 = tpu.vector_load_idx %arg6[%iota3A, %add3A_485] : memref<32x257xf32, #tpu.memory_space<vmem>>[vector<16xi32>, vector<16xi32>], vector<16xf32>,
        %gather3A_495 = tpu.vector_load_idx %arg6[%add3A_3, %add3A_485] : memref<32x257xf32, #tpu.memory_space<vmem>>[vector<16xi32>, vector<16xi32>], vector<16xf32>,
        %gather3A_496 = tpu.vector_load_idx %arg6[%iota3A, %add3A_488] : memref<32x257xf32, #tpu.memory_space<vmem>>[vector<16xi32>, vector<16xi32>], vector<16xf32>,
        %gather3A_497 = tpu.vector_load_idx %arg6[%add3A_3, %add3A_488] : memref<32x257xf32, #tpu.memory_space<vmem>>[vector<16xi32>, vector<16xi32>], vector<16xf32>,
        %gather3A_498 = tpu.vector_load_idx %arg6[%iota3A, %add3A_491] : memref<32x257xf32, #tpu.memory_space<vmem>>[vector<16xi32>, vector<16xi32>], vector<16xf32>,
        %gather3A_499 = tpu.vector_load_idx %arg6[%add3A_3, %add3A_491] : memref<32x257xf32, #tpu.memory_space<vmem>>[vector<16xi32>, vector<16xi32>], vector<16xf32>,
        %swap3A_500 = arith.index_cast %scan3A_479 : i32 to index
        %swap3A_501 = arith.constant 0 : index
        %swap3A_502 = tpu.vector_load %arg8[%swap3A_500, %swap3A_501] {strides = array<i32>} : memref<64x128xf32, #tpu.memory_space<vmem>>, vector<16xf32>,
        tpu.vector_store %arg8[%swap3A_500, %swap3A_501], %gather3A_492 {strides = array<i32>} : memref<64x128xf32, #tpu.memory_space<vmem>>, vector<16xf32>,
        %swap3A_503 = arith.index_cast %scan3A_479 : i32 to index
        %swap3A_504 = arith.constant 16 : index
        %swap3A_505 = tpu.vector_load %arg8[%swap3A_503, %swap3A_504] {strides = array<i32>} : memref<64x128xf32, #tpu.memory_space<vmem>>, vector<16xf32>,
        tpu.vector_store %arg8[%swap3A_503, %swap3A_504], %gather3A_493 {strides = array<i32>} : memref<64x128xf32, #tpu.memory_space<vmem>>, vector<16xf32>,
        %swap3A_506 = arith.index_cast %scan3A_479 : i32 to index
        %swap3A_507 = arith.constant 32 : index
        %swap3A_508 = tpu.vector_load %arg8[%swap3A_506, %swap3A_507] {strides = array<i32>} : memref<64x128xf32, #tpu.memory_space<vmem>>, vector<16xf32>,
        tpu.vector_store %arg8[%swap3A_506, %swap3A_507], %gather3A_494 {strides = array<i32>} : memref<64x128xf32, #tpu.memory_space<vmem>>, vector<16xf32>,
        %swap3A_509 = arith.index_cast %scan3A_479 : i32 to index
        %swap3A_510 = arith.constant 48 : index
        %swap3A_511 = tpu.vector_load %arg8[%swap3A_509, %swap3A_510] {strides = array<i32>} : memref<64x128xf32, #tpu.memory_space<vmem>>, vector<16xf32>,
        tpu.vector_store %arg8[%swap3A_509, %swap3A_510], %gather3A_495 {strides = array<i32>} : memref<64x128xf32, #tpu.memory_space<vmem>>, vector<16xf32>,
        %swap3A_512 = arith.index_cast %scan3A_479 : i32 to index
        %swap3A_513 = arith.constant 64 : index
        %swap3A_514 = tpu.vector_load %arg8[%swap3A_512, %swap3A_513] {strides = array<i32>} : memref<64x128xf32, #tpu.memory_space<vmem>>, vector<16xf32>,
        tpu.vector_store %arg8[%swap3A_512, %swap3A_513], %gather3A_496 {strides = array<i32>} : memref<64x128xf32, #tpu.memory_space<vmem>>, vector<16xf32>,
        %swap3A_515 = arith.index_cast %scan3A_479 : i32 to index
        %swap3A_516 = arith.constant 80 : index
        %swap3A_517 = tpu.vector_load %arg8[%swap3A_515, %swap3A_516] {strides = array<i32>} : memref<64x128xf32, #tpu.memory_space<vmem>>, vector<16xf32>,
        tpu.vector_store %arg8[%swap3A_515, %swap3A_516], %gather3A_497 {strides = array<i32>} : memref<64x128xf32, #tpu.memory_space<vmem>>, vector<16xf32>,
        %swap3A_518 = arith.index_cast %scan3A_479 : i32 to index
        %swap3A_519 = arith.constant 96 : index
        %swap3A_520 = tpu.vector_load %arg8[%swap3A_518, %swap3A_519] {strides = array<i32>} : memref<64x128xf32, #tpu.memory_space<vmem>>, vector<16xf32>,
        tpu.vector_store %arg8[%swap3A_518, %swap3A_519], %gather3A_498 {strides = array<i32>} : memref<64x128xf32, #tpu.memory_space<vmem>>, vector<16xf32>,
        %swap3A_521 = arith.index_cast %scan3A_479 : i32 to index
        %swap3A_522 = arith.constant 112 : index
        %swap3A_523 = tpu.vector_load %arg8[%swap3A_521, %swap3A_522] {strides = array<i32>} : memref<64x128xf32, #tpu.memory_space<vmem>>, vector<16xf32>,
        tpu.vector_store %arg8[%swap3A_521, %swap3A_522], %gather3A_499 {strides = array<i32>} : memref<64x128xf32, #tpu.memory_space<vmem>>, vector<16xf32>,
        %scan3A_524 = arith.constant 0 : i32
        scf.yield %scan3A_524 : i32
      }
      %scan3A_351 = arith.constant 64 : i32
      %mul3A_352 = arith.constant 32 : i32
      %mul3A_353 = arith.muli %mul3A_352, %add3A_304 : i32
      %add3A_354 = arith.addi %add3A, %mul3A_353 : i32
      %lt3A_355 = arith.constant 3906 : i32
      %lt3A_356 = arith.cmpi slt, %add3A_354, %lt3A_355 : i32
      %jit3A_357 = arith.constant 0 : i32
      %select_n3A_358 = arith.select %lt3A_356, %add3A_354, %jit3A_357 : i32
      %mul3A_359 = arith.constant 2 : i32
      %mul3A_360 = arith.muli %select_n3A_358, %mul3A_359 : i32
      %mul3A_361 = arith.constant 32 : i32
      %mul3A_362 = arith.muli %mul3A_360, %mul3A_361 : i32
      %multiple_of3A_363 = tpu.assume_multiple %mul3A_362, 64 : i32
      %dma_start3A_364 = arith.constant 0 : i32
      %dma_start3A_365 = tpu.memref_slice %arg4[%multiple_of3A_363, %dma_start3A_364] : memref<250000x128xf32, #tpu.memory_space<hbm>> -> memref<64x128xf32, #tpu.memory_space<hbm>>
      %dma_start3A_366 = arith.constant 0 : i32
      %dma_start3A_367 = tpu.memref_slice %arg4[%multiple_of3A_363, %dma_start3A_366] : memref<250000x128xf32, #tpu.memory_space<hbm>> -> memref<64x128xf32, #tpu.memory_space<hbm>>
      tpu.enqueue_dma source(%arg8 : memref<64x128xf32, #tpu.memory_space<vmem>>) target(%dma_start3A_367 : memref<64x128xf32, #tpu.memory_space<hbm>>) target_semaphore(%arg13 : memref<!tpu.dma_semaphore, #tpu.memory_space<semaphore_mem>>)
      %add3A_368 = arith.constant 1 : i32
      %add3A_369 = arith.addi %add3A_304, %add3A_368 : i32
      %add3A_370 = arith.constant 1 : i32
      %add3A_371 = arith.addi %add3A_369, %add3A_370 : i32
      %mul3A_372 = arith.constant 32 : i32
      %mul3A_373 = arith.muli %mul3A_372, %add3A_371 : i32
      %add3A_374 = arith.addi %add3A, %mul3A_373 : i32
      %lt3A_375 = arith.constant 3906 : i32
      %lt3A_376 = arith.cmpi slt, %add3A_374, %lt3A_375 : i32
      %jit3A_377 = arith.constant 0 : i32
      %select_n3A_378 = arith.select %lt3A_376, %add3A_374, %jit3A_377 : i32
      %mul3A_379 = arith.constant 256 : i32
      %mul3A_380 = arith.muli %select_n3A_378, %mul3A_379 : i32
      %multiple_of3A_381 = tpu.assume_multiple %mul3A_380, 256 : i32
      %dma_start3A_382 = arith.constant 0 : i32
      %dma_start3A_383 = arith.constant 0 : i32
      %dma_start3A_384 = tpu.memref_slice %arg6[%dma_start3A_382, %dma_start3A_383] : memref<32x257xf32, #tpu.memory_space<vmem>> -> memref<32x256xf32, #tpu.memory_space<vmem>>
      %dma_start3A_385 = arith.constant 0 : i32
      %dma_start3A_386 = tpu.memref_slice %arg2[%dma_start3A_385, %multiple_of3A_381] : memref<32x1000000xf32, #tpu.memory_space<hbm>> -> memref<32x256xf32, #tpu.memory_space<hbm>>
      %dma_start3A_387 = arith.constant 0 : i32
      %dma_start3A_388 = arith.constant 0 : i32
      %dma_start3A_389 = tpu.memref_slice %arg6[%dma_start3A_387, %dma_start3A_388] : memref<32x257xf32, #tpu.memory_space<vmem>> -> memref<32x256xf32, #tpu.memory_space<vmem>>
      %dma_start3A_390 = arith.constant 0 : i32
      %dma_start3A_391 = tpu.memref_slice %arg2[%dma_start3A_390, %multiple_of3A_381] : memref<32x1000000xf32, #tpu.memory_space<hbm>> -> memref<32x256xf32, #tpu.memory_space<hbm>>
      tpu.enqueue_dma source(%dma_start3A_391 : memref<32x256xf32, #tpu.memory_space<hbm>>) target(%dma_start3A_389 : memref<32x256xf32, #tpu.memory_space<vmem>>) target_semaphore(%arg11 : memref<!tpu.dma_semaphore, #tpu.memory_space<semaphore_mem>>)
      %dma_wait3A_392 = arith.constant 0 : i32
      %dma_wait3A_393 = arith.constant 0 : i32
      %dma_wait3A_394 = tpu.memref_slice %arg5[%dma_wait3A_392, %dma_wait3A_393] : memref<32x257xf32, #tpu.memory_space<vmem>> -> memref<32x256xf32, #tpu.memory_space<vmem>>
      %dma_wait3A_395 = arith.constant 0 : i32
      %dma_wait3A_396 = arith.constant 0 : i32
      %dma_wait3A_397 = tpu.memref_slice %arg2[%dma_wait3A_395, %dma_wait3A_396] : memref<32x1000000xf32, #tpu.memory_space<hbm>> -> memref<32x256xf32, #tpu.memory_space<hbm>>
      %dma_wait3A_398 = arith.constant 0 : i32
      %dma_wait3A_399 = arith.constant 0 : i32
      %dma_wait3A_400 = tpu.memref_slice %arg5[%dma_wait3A_398, %dma_wait3A_399] : memref<32x257xf32, #tpu.memory_space<vmem>> -> memref<32x256xf32, #tpu.memory_space<vmem>>
      %dma_wait3A_401 = arith.constant 0 : i32
      %dma_wait3A_402 = arith.constant 0 : i32
      %dma_wait3A_403 = tpu.memref_slice %arg2[%dma_wait3A_401, %dma_wait3A_402] : memref<32x1000000xf32, #tpu.memory_space<hbm>> -> memref<32x256xf32, #tpu.memory_space<hbm>>
      tpu.wait_dma2 semaphore(%arg10 : memref<!tpu.dma_semaphore, #tpu.memory_space<semaphore_mem>>) src(%dma_wait3A_403 : memref<32x256xf32, #tpu.memory_space<hbm>>) dst(%dma_wait3A_400 : memref<32x256xf32, #tpu.memory_space<vmem>>)
      %dma_wait3A_404 = arith.constant 0 : i32
      %dma_wait3A_405 = arith.constant 0 : i32
      %dma_wait3A_406 = tpu.memref_slice %arg4[%dma_wait3A_404, %dma_wait3A_405] : memref<250000x128xf32, #tpu.memory_space<hbm>> -> memref<64x128xf32, #tpu.memory_space<hbm>>
      %dma_wait3A_407 = arith.constant 0 : i32
      %dma_wait3A_408 = arith.constant 0 : i32
      %dma_wait3A_409 = tpu.memref_slice %arg4[%dma_wait3A_407, %dma_wait3A_408] : memref<250000x128xf32, #tpu.memory_space<hbm>> -> memref<64x128xf32, #tpu.memory_space<hbm>>
      tpu.wait_dma2 semaphore(%arg12 : memref<!tpu.dma_semaphore, #tpu.memory_space<semaphore_mem>>) src(%arg7 : memref<64x128xf32, #tpu.memory_space<vmem>>) dst(%dma_wait3A_409 : memref<64x128xf32, #tpu.memory_space<hbm>>)
      %scan3A_410 = arith.constant 0 : i32
      %scan3A_411 = arith.constant 0 : i32
      %scan3A_412 = arith.constant 64 : i32
      %scan3A_413 = arith.addi %scan3A_411, %scan3A_412 : i32
      %scan3A_414 = arith.constant 2 : i32
      %scan3A_415 = scf.for %scan3A_434 = %scan3A_411 to %scan3A_413 step %scan3A_414 iter_args(%scan3A_435 = %scan3A_410) -> (i32)  : i32 {
        %mul3A_436 = arith.constant 4 : i32
        %mul3A_437 = arith.muli %scan3A_434, %mul3A_436 : i32
        %broadcast_in_dim3A = vector.broadcast %mul3A_437 : i32 to vector<16xi32>
        %add3A_438 = arith.constant 1 : i32
        %add3A_439 = vector.broadcast %add3A_438 : i32 to vector<16xi32>
        %add3A_440 = arith.addi %broadcast_in_dim3A, %add3A_439 : vector<16xi32>
        %add3A_441 = arith.constant 2 : i32
        %add3A_442 = vector.broadcast %add3A_441 : i32 to vector<16xi32>
        %add3A_443 = arith.addi %broadcast_in_dim3A, %add3A_442 : vector<16xi32>
        %add3A_444 = arith.constant 3 : i32
        %add3A_445 = vector.broadcast %add3A_444 : i32 to vector<16xi32>
        %add3A_446 = arith.addi %broadcast_in_dim3A, %add3A_445 : vector<16xi32>
        %gather3A = tpu.vector_load_idx %arg5[%iota3A, %broadcast_in_dim3A] : memref<32x257xf32, #tpu.memory_space<vmem>>[vector<16xi32>, vector<16xi32>], vector<16xf32>,
        %gather3A_447 = tpu.vector_load_idx %arg5[%add3A_3, %broadcast_in_dim3A] : memref<32x257xf32, #tpu.memory_space<vmem>>[vector<16xi32>, vector<16xi32>], vector<16xf32>,
        %gather3A_448 = tpu.vector_load_idx %arg5[%iota3A, %add3A_440] : memref<32x257xf32, #tpu.memory_space<vmem>>[vector<16xi32>, vector<16xi32>], vector<16xf32>,
        %gather3A_449 = tpu.vector_load_idx %arg5[%add3A_3, %add3A_440] : memref<32x257xf32, #tpu.memory_space<vmem>>[vector<16xi32>, vector<16xi32>], vector<16xf32>,
        %gather3A_450 = tpu.vector_load_idx %arg5[%iota3A, %add3A_443] : memref<32x257xf32, #tpu.memory_space<vmem>>[vector<16xi32>, vector<16xi32>], vector<16xf32>,
        %gather3A_451 = tpu.vector_load_idx %arg5[%add3A_3, %add3A_443] : memref<32x257xf32, #tpu.memory_space<vmem>>[vector<16xi32>, vector<16xi32>], vector<16xf32>,
        %gather3A_452 = tpu.vector_load_idx %arg5[%iota3A, %add3A_446] : memref<32x257xf32, #tpu.memory_space<vmem>>[vector<16xi32>, vector<16xi32>], vector<16xf32>,
        %gather3A_453 = tpu.vector_load_idx %arg5[%add3A_3, %add3A_446] : memref<32x257xf32, #tpu.memory_space<vmem>>[vector<16xi32>, vector<16xi32>], vector<16xf32>,
        %swap3A = arith.index_cast %scan3A_434 : i32 to index
        %swap3A_454 = arith.constant 0 : index
        %swap3A_455 = tpu.vector_load %arg7[%swap3A, %swap3A_454] {strides = array<i32>} : memref<64x128xf32, #tpu.memory_space<vmem>>, vector<16xf32>,
        tpu.vector_store %arg7[%swap3A, %swap3A_454], %gather3A {strides = array<i32>} : memref<64x128xf32, #tpu.memory_space<vmem>>, vector<16xf32>,
        %swap3A_456 = arith.index_cast %scan3A_434 : i32 to index
        %swap3A_457 = arith.constant 16 : index
        %swap3A_458 = tpu.vector_load %arg7[%swap3A_456, %swap3A_457] {strides = array<i32>} : memref<64x128xf32, #tpu.memory_space<vmem>>, vector<16xf32>,
        tpu.vector_store %arg7[%swap3A_456, %swap3A_457], %gather3A_447 {strides = array<i32>} : memref<64x128xf32, #tpu.memory_space<vmem>>, vector<16xf32>,
        %swap3A_459 = arith.index_cast %scan3A_434 : i32 to index
        %swap3A_460 = arith.constant 32 : index
        %swap3A_461 = tpu.vector_load %arg7[%swap3A_459, %swap3A_460] {strides = array<i32>} : memref<64x128xf32, #tpu.memory_space<vmem>>, vector<16xf32>,
        tpu.vector_store %arg7[%swap3A_459, %swap3A_460], %gather3A_448 {strides = array<i32>} : memref<64x128xf32, #tpu.memory_space<vmem>>, vector<16xf32>,
        %swap3A_462 = arith.index_cast %scan3A_434 : i32 to index
        %swap3A_463 = arith.constant 48 : index
        %swap3A_464 = tpu.vector_load %arg7[%swap3A_462, %swap3A_463] {strides = array<i32>} : memref<64x128xf32, #tpu.memory_space<vmem>>, vector<16xf32>,
        tpu.vector_store %arg7[%swap3A_462, %swap3A_463], %gather3A_449 {strides = array<i32>} : memref<64x128xf32, #tpu.memory_space<vmem>>, vector<16xf32>,
        %swap3A_465 = arith.index_cast %scan3A_434 : i32 to index
        %swap3A_466 = arith.constant 64 : index
        %swap3A_467 = tpu.vector_load %arg7[%swap3A_465, %swap3A_466] {strides = array<i32>} : memref<64x128xf32, #tpu.memory_space<vmem>>, vector<16xf32>,
        tpu.vector_store %arg7[%swap3A_465, %swap3A_466], %gather3A_450 {strides = array<i32>} : memref<64x128xf32, #tpu.memory_space<vmem>>, vector<16xf32>,
        %swap3A_468 = arith.index_cast %scan3A_434 : i32 to index
        %swap3A_469 = arith.constant 80 : index
        %swap3A_470 = tpu.vector_load %arg7[%swap3A_468, %swap3A_469] {strides = array<i32>} : memref<64x128xf32, #tpu.memory_space<vmem>>, vector<16xf32>,
        tpu.vector_store %arg7[%swap3A_468, %swap3A_469], %gather3A_451 {strides = array<i32>} : memref<64x128xf32, #tpu.memory_space<vmem>>, vector<16xf32>,
        %swap3A_471 = arith.index_cast %scan3A_434 : i32 to index
        %swap3A_472 = arith.constant 96 : index
        %swap3A_473 = tpu.vector_load %arg7[%swap3A_471, %swap3A_472] {strides = array<i32>} : memref<64x128xf32, #tpu.memory_space<vmem>>, vector<16xf32>,
        tpu.vector_store %arg7[%swap3A_471, %swap3A_472], %gather3A_452 {strides = array<i32>} : memref<64x128xf32, #tpu.memory_space<vmem>>, vector<16xf32>,
        %swap3A_474 = arith.index_cast %scan3A_434 : i32 to index
        %swap3A_475 = arith.constant 112 : index
        %swap3A_476 = tpu.vector_load %arg7[%swap3A_474, %swap3A_475] {strides = array<i32>} : memref<64x128xf32, #tpu.memory_space<vmem>>, vector<16xf32>,
        tpu.vector_store %arg7[%swap3A_474, %swap3A_475], %gather3A_453 {strides = array<i32>} : memref<64x128xf32, #tpu.memory_space<vmem>>, vector<16xf32>,
        %scan3A_477 = arith.constant 0 : i32
        %scan3A_478 = arith.constant 1 : i32
        %scan3A_479 = arith.addi %scan3A_434, %scan3A_478 : i32
        %mul3A_480 = arith.constant 4 : i32
        %mul3A_481 = arith.muli %scan3A_479, %mul3A_480 : i32
        %broadcast_in_dim3A_482 = vector.broadcast %mul3A_481 : i32 to vector<16xi32>
        %add3A_483 = arith.constant 1 : i32
        %add3A_484 = vector.broadcast %add3A_483 : i32 to vector<16xi32>
        %add3A_485 = arith.addi %broadcast_in_dim3A_482, %add3A_484 : vector<16xi32>
        %add3A_486 = arith.constant 2 : i32
        %add3A_487 = vector.broadcast %add3A_486 : i32 to vector<16xi32>
        %add3A_488 = arith.addi %broadcast_in_dim3A_482, %add3A_487 : vector<16xi32>
        %add3A_489 = arith.constant 3 : i32
        %add3A_490 = vector.broadcast %add3A_489 : i32 to vector<16xi32>
        %add3A_491 = arith.addi %broadcast_in_dim3A_482, %add3A_490 : vector<16xi32>
        %gather3A_492 = tpu.vector_load_idx %arg5[%iota3A, %broadcast_in_dim3A_482] : memref<32x257xf32, #tpu.memory_space<vmem>>[vector<16xi32>, vector<16xi32>], vector<16xf32>,
        %gather3A_493 = tpu.vector_load_idx %arg5[%add3A_3, %broadcast_in_dim3A_482] : memref<32x257xf32, #tpu.memory_space<vmem>>[vector<16xi32>, vector<16xi32>], vector<16xf32>,
        %gather3A_494 = tpu.vector_load_idx %arg5[%iota3A, %add3A_485] : memref<32x257xf32, #tpu.memory_space<vmem>>[vector<16xi32>, vector<16xi32>], vector<16xf32>,
        %gather3A_495 = tpu.vector_load_idx %arg5[%add3A_3, %add3A_485] : memref<32x257xf32, #tpu.memory_space<vmem>>[vector<16xi32>, vector<16xi32>], vector<16xf32>,
        %gather3A_496 = tpu.vector_load_idx %arg5[%iota3A, %add3A_488] : memref<32x257xf32, #tpu.memory_space<vmem>>[vector<16xi32>, vector<16xi32>], vector<16xf32>,
        %gather3A_497 = tpu.vector_load_idx %arg5[%add3A_3, %add3A_488] : memref<32x257xf32, #tpu.memory_space<vmem>>[vector<16xi32>, vector<16xi32>], vector<16xf32>,
        %gather3A_498 = tpu.vector_load_idx %arg5[%iota3A, %add3A_491] : memref<32x257xf32, #tpu.memory_space<vmem>>[vector<16xi32>, vector<16xi32>], vector<16xf32>,
        %gather3A_499 = tpu.vector_load_idx %arg5[%add3A_3, %add3A_491] : memref<32x257xf32, #tpu.memory_space<vmem>>[vector<16xi32>, vector<16xi32>], vector<16xf32>,
        %swap3A_500 = arith.index_cast %scan3A_479 : i32 to index
        %swap3A_501 = arith.constant 0 : index
        %swap3A_502 = tpu.vector_load %arg7[%swap3A_500, %swap3A_501] {strides = array<i32>} : memref<64x128xf32, #tpu.memory_space<vmem>>, vector<16xf32>,
        tpu.vector_store %arg7[%swap3A_500, %swap3A_501], %gather3A_492 {strides = array<i32>} : memref<64x128xf32, #tpu.memory_space<vmem>>, vector<16xf32>,
        %swap3A_503 = arith.index_cast %scan3A_479 : i32 to index
        %swap3A_504 = arith.constant 16 : index
        %swap3A_505 = tpu.vector_load %arg7[%swap3A_503, %swap3A_504] {strides = array<i32>} : memref<64x128xf32, #tpu.memory_space<vmem>>, vector<16xf32>,
        tpu.vector_store %arg7[%swap3A_503, %swap3A_504], %gather3A_493 {strides = array<i32>} : memref<64x128xf32, #tpu.memory_space<vmem>>, vector<16xf32>,
        %swap3A_506 = arith.index_cast %scan3A_479 : i32 to index
        %swap3A_507 = arith.constant 32 : index
        %swap3A_508 = tpu.vector_load %arg7[%swap3A_506, %swap3A_507] {strides = array<i32>} : memref<64x128xf32, #tpu.memory_space<vmem>>, vector<16xf32>,
        tpu.vector_store %arg7[%swap3A_506, %swap3A_507], %gather3A_494 {strides = array<i32>} : memref<64x128xf32, #tpu.memory_space<vmem>>, vector<16xf32>,
        %swap3A_509 = arith.index_cast %scan3A_479 : i32 to index
        %swap3A_510 = arith.constant 48 : index
        %swap3A_511 = tpu.vector_load %arg7[%swap3A_509, %swap3A_510] {strides = array<i32>} : memref<64x128xf32, #tpu.memory_space<vmem>>, vector<16xf32>,
        tpu.vector_store %arg7[%swap3A_509, %swap3A_510], %gather3A_495 {strides = array<i32>} : memref<64x128xf32, #tpu.memory_space<vmem>>, vector<16xf32>,
        %swap3A_512 = arith.index_cast %scan3A_479 : i32 to index
        %swap3A_513 = arith.constant 64 : index
        %swap3A_514 = tpu.vector_load %arg7[%swap3A_512, %swap3A_513] {strides = array<i32>} : memref<64x128xf32, #tpu.memory_space<vmem>>, vector<16xf32>,
        tpu.vector_store %arg7[%swap3A_512, %swap3A_513], %gather3A_496 {strides = array<i32>} : memref<64x128xf32, #tpu.memory_space<vmem>>, vector<16xf32>,
        %swap3A_515 = arith.index_cast %scan3A_479 : i32 to index
        %swap3A_516 = arith.constant 80 : index
        %swap3A_517 = tpu.vector_load %arg7[%swap3A_515, %swap3A_516] {strides = array<i32>} : memref<64x128xf32, #tpu.memory_space<vmem>>, vector<16xf32>,
        tpu.vector_store %arg7[%swap3A_515, %swap3A_516], %gather3A_497 {strides = array<i32>} : memref<64x128xf32, #tpu.memory_space<vmem>>, vector<16xf32>,
        %swap3A_518 = arith.index_cast %scan3A_479 : i32 to index
        %swap3A_519 = arith.constant 96 : index
        %swap3A_520 = tpu.vector_load %arg7[%swap3A_518, %swap3A_519] {strides = array<i32>} : memref<64x128xf32, #tpu.memory_space<vmem>>, vector<16xf32>,
        tpu.vector_store %arg7[%swap3A_518, %swap3A_519], %gather3A_498 {strides = array<i32>} : memref<64x128xf32, #tpu.memory_space<vmem>>, vector<16xf32>,
        %swap3A_521 = arith.index_cast %scan3A_479 : i32 to index
        %swap3A_522 = arith.constant 112 : index
        %swap3A_523 = tpu.vector_load %arg7[%swap3A_521, %swap3A_522] {strides = array<i32>} : memref<64x128xf32, #tpu.memory_space<vmem>>, vector<16xf32>,
        tpu.vector_store %arg7[%swap3A_521, %swap3A_522], %gather3A_499 {strides = array<i32>} : memref<64x128xf32, #tpu.memory_space<vmem>>, vector<16xf32>,
        %scan3A_524 = arith.constant 0 : i32
        scf.yield %scan3A_524 : i32
      }
      %scan3A_416 = arith.constant 64 : i32
      %mul3A_417 = arith.constant 32 : i32
      %mul3A_418 = arith.muli %mul3A_417, %add3A_369 : i32
      %add3A_419 = arith.addi %add3A, %mul3A_418 : i32
      %lt3A_420 = arith.constant 3906 : i32
      %lt3A_421 = arith.cmpi slt, %add3A_419, %lt3A_420 : i32
      %jit3A_422 = arith.constant 0 : i32
      %select_n3A_423 = arith.select %lt3A_421, %add3A_419, %jit3A_422 : i32
      %mul3A_424 = arith.constant 2 : i32
      %mul3A_425 = arith.muli %select_n3A_423, %mul3A_424 : i32
      %mul3A_426 = arith.constant 32 : i32
      %mul3A_427 = arith.muli %mul3A_425, %mul3A_426 : i32
      %multiple_of3A_428 = tpu.assume_multiple %mul3A_427, 64 : i32
      %dma_start3A_429 = arith.constant 0 : i32
      %dma_start3A_430 = tpu.memref_slice %arg4[%multiple_of3A_428, %dma_start3A_429] : memref<250000x128xf32, #tpu.memory_space<hbm>> -> memref<64x128xf32, #tpu.memory_space<hbm>>
      %dma_start3A_431 = arith.constant 0 : i32
      %dma_start3A_432 = tpu.memref_slice %arg4[%multiple_of3A_428, %dma_start3A_431] : memref<250000x128xf32, #tpu.memory_space<hbm>> -> memref<64x128xf32, #tpu.memory_space<hbm>>
      tpu.enqueue_dma source(%arg7 : memref<64x128xf32, #tpu.memory_space<vmem>>) target(%dma_start3A_432 : memref<64x128xf32, #tpu.memory_space<hbm>>) target_semaphore(%arg12 : memref<!tpu.dma_semaphore, #tpu.memory_space<semaphore_mem>>)
      %scan3A_433 = arith.constant 0 : i32
      scf.yield %scan3A_433 : i32
    }
    %scan3A_187 = arith.constant 59 : i32
    %add3A_188 = arith.constant 3904 : i32
    %add3A_189 = arith.addi %add3A, %add3A_188 : i32
    %lt3A_190 = arith.constant 3906 : i32
    %lt3A_191 = arith.cmpi slt, %add3A_189, %lt3A_190 : i32
    %jit3A_192 = arith.constant 0 : i32
    %select_n3A_193 = arith.select %lt3A_191, %add3A_189, %jit3A_192 : i32
    %mul3A_194 = arith.constant 256 : i32
    %mul3A_195 = arith.muli %select_n3A_193, %mul3A_194 : i32
    %multiple_of3A_196 = tpu.assume_multiple %mul3A_195, 256 : i32
    %dma_start3A_197 = arith.constant 0 : i32
    %dma_start3A_198 = arith.constant 0 : i32
    %dma_start3A_199 = tpu.memref_slice %arg5[%dma_start3A_197, %dma_start3A_198] : memref<32x257xf32, #tpu.memory_space<vmem>> -> memref<32x256xf32, #tpu.memory_space<vmem>>
    %dma_start3A_200 = arith.constant 0 : i32
    %dma_start3A_201 = tpu.memref_slice %arg2[%dma_start3A_200, %multiple_of3A_196] : memref<32x1000000xf32, #tpu.memory_space<hbm>> -> memref<32x256xf32, #tpu.memory_space<hbm>>
    %dma_start3A_202 = arith.constant 0 : i32
    %dma_start3A_203 = arith.constant 0 : i32
    %dma_start3A_204 = tpu.memref_slice %arg5[%dma_start3A_202, %dma_start3A_203] : memref<32x257xf32, #tpu.memory_space<vmem>> -> memref<32x256xf32, #tpu.memory_space<vmem>>
    %dma_start3A_205 = arith.constant 0 : i32
    %dma_start3A_206 = tpu.memref_slice %arg2[%dma_start3A_205, %multiple_of3A_196] : memref<32x1000000xf32, #tpu.memory_space<hbm>> -> memref<32x256xf32, #tpu.memory_space<hbm>>
    tpu.enqueue_dma source(%dma_start3A_206 : memref<32x256xf32, #tpu.memory_space<hbm>>) target(%dma_start3A_204 : memref<32x256xf32, #tpu.memory_space<vmem>>) target_semaphore(%arg10 : memref<!tpu.dma_semaphore, #tpu.memory_space<semaphore_mem>>)
    %dma_wait3A_207 = arith.constant 0 : i32
    %dma_wait3A_208 = arith.constant 0 : i32
    %dma_wait3A_209 = tpu.memref_slice %arg6[%dma_wait3A_207, %dma_wait3A_208] : memref<32x257xf32, #tpu.memory_space<vmem>> -> memref<32x256xf32, #tpu.memory_space<vmem>>
    %dma_wait3A_210 = arith.constant 0 : i32
    %dma_wait3A_211 = arith.constant 0 : i32
    %dma_wait3A_212 = tpu.memref_slice %arg2[%dma_wait3A_210, %dma_wait3A_211] : memref<32x1000000xf32, #tpu.memory_space<hbm>> -> memref<32x256xf32, #tpu.memory_space<hbm>>
    %dma_wait3A_213 = arith.constant 0 : i32
    %dma_wait3A_214 = arith.constant 0 : i32
    %dma_wait3A_215 = tpu.memref_slice %arg6[%dma_wait3A_213, %dma_wait3A_214] : memref<32x257xf32, #tpu.memory_space<vmem>> -> memref<32x256xf32, #tpu.memory_space<vmem>>
    %dma_wait3A_216 = arith.constant 0 : i32
    %dma_wait3A_217 = arith.constant 0 : i32
    %dma_wait3A_218 = tpu.memref_slice %arg2[%dma_wait3A_216, %dma_wait3A_217] : memref<32x1000000xf32, #tpu.memory_space<hbm>> -> memref<32x256xf32, #tpu.memory_space<hbm>>
    tpu.wait_dma2 semaphore(%arg11 : memref<!tpu.dma_semaphore, #tpu.memory_space<semaphore_mem>>) src(%dma_wait3A_218 : memref<32x256xf32, #tpu.memory_space<hbm>>) dst(%dma_wait3A_215 : memref<32x256xf32, #tpu.memory_space<vmem>>)
    %dma_wait3A_219 = arith.constant 0 : i32
    %dma_wait3A_220 = arith.constant 0 : i32
    %dma_wait3A_221 = tpu.memref_slice %arg4[%dma_wait3A_219, %dma_wait3A_220] : memref<250000x128xf32, #tpu.memory_space<hbm>> -> memref<64x128xf32, #tpu.memory_space<hbm>>
    %dma_wait3A_222 = arith.constant 0 : i32
    %dma_wait3A_223 = arith.constant 0 : i32
    %dma_wait3A_224 = tpu.memref_slice %arg4[%dma_wait3A_222, %dma_wait3A_223] : memref<250000x128xf32, #tpu.memory_space<hbm>> -> memref<64x128xf32, #tpu.memory_space<hbm>>
    tpu.wait_dma2 semaphore(%arg13 : memref<!tpu.dma_semaphore, #tpu.memory_space<semaphore_mem>>) src(%arg8 : memref<64x128xf32, #tpu.memory_space<vmem>>) dst(%dma_wait3A_224 : memref<64x128xf32, #tpu.memory_space<hbm>>)
    %scan3A_225 = arith.constant 0 : i32
    %scan3A_226 = arith.constant 0 : i32
    %scan3A_227 = arith.constant 64 : i32
    %scan3A_228 = arith.addi %scan3A_226, %scan3A_227 : i32
    %scan3A_229 = arith.constant 2 : i32
    %scan3A_230 = scf.for %scan3A_299 = %scan3A_226 to %scan3A_228 step %scan3A_229 iter_args(%scan3A_300 = %scan3A_225) -> (i32)  : i32 {
      %mul3A_301 = arith.constant 4 : i32
      %mul3A_302 = arith.muli %scan3A_299, %mul3A_301 : i32
      %broadcast_in_dim3A = vector.broadcast %mul3A_302 : i32 to vector<16xi32>
      %add3A_303 = arith.constant 1 : i32
      %add3A_304 = vector.broadcast %add3A_303 : i32 to vector<16xi32>
      %add3A_305 = arith.addi %broadcast_in_dim3A, %add3A_304 : vector<16xi32>
      %add3A_306 = arith.constant 2 : i32
      %add3A_307 = vector.broadcast %add3A_306 : i32 to vector<16xi32>
      %add3A_308 = arith.addi %broadcast_in_dim3A, %add3A_307 : vector<16xi32>
      %add3A_309 = arith.constant 3 : i32
      %add3A_310 = vector.broadcast %add3A_309 : i32 to vector<16xi32>
      %add3A_311 = arith.addi %broadcast_in_dim3A, %add3A_310 : vector<16xi32>
      %gather3A = tpu.vector_load_idx %arg6[%iota3A, %broadcast_in_dim3A] : memref<32x257xf32, #tpu.memory_space<vmem>>[vector<16xi32>, vector<16xi32>], vector<16xf32>,
      %gather3A_312 = tpu.vector_load_idx %arg6[%add3A_3, %broadcast_in_dim3A] : memref<32x257xf32, #tpu.memory_space<vmem>>[vector<16xi32>, vector<16xi32>], vector<16xf32>,
      %gather3A_313 = tpu.vector_load_idx %arg6[%iota3A, %add3A_305] : memref<32x257xf32, #tpu.memory_space<vmem>>[vector<16xi32>, vector<16xi32>], vector<16xf32>,
      %gather3A_314 = tpu.vector_load_idx %arg6[%add3A_3, %add3A_305] : memref<32x257xf32, #tpu.memory_space<vmem>>[vector<16xi32>, vector<16xi32>], vector<16xf32>,
      %gather3A_315 = tpu.vector_load_idx %arg6[%iota3A, %add3A_308] : memref<32x257xf32, #tpu.memory_space<vmem>>[vector<16xi32>, vector<16xi32>], vector<16xf32>,
      %gather3A_316 = tpu.vector_load_idx %arg6[%add3A_3, %add3A_308] : memref<32x257xf32, #tpu.memory_space<vmem>>[vector<16xi32>, vector<16xi32>], vector<16xf32>,
      %gather3A_317 = tpu.vector_load_idx %arg6[%iota3A, %add3A_311] : memref<32x257xf32, #tpu.memory_space<vmem>>[vector<16xi32>, vector<16xi32>], vector<16xf32>,
      %gather3A_318 = tpu.vector_load_idx %arg6[%add3A_3, %add3A_311] : memref<32x257xf32, #tpu.memory_space<vmem>>[vector<16xi32>, vector<16xi32>], vector<16xf32>,
      %swap3A = arith.index_cast %scan3A_299 : i32 to index
      %swap3A_319 = arith.constant 0 : index
      %swap3A_320 = tpu.vector_load %arg8[%swap3A, %swap3A_319] {strides = array<i32>} : memref<64x128xf32, #tpu.memory_space<vmem>>, vector<16xf32>,
      tpu.vector_store %arg8[%swap3A, %swap3A_319], %gather3A {strides = array<i32>} : memref<64x128xf32, #tpu.memory_space<vmem>>, vector<16xf32>,
      %swap3A_321 = arith.index_cast %scan3A_299 : i32 to index
      %swap3A_322 = arith.constant 16 : index
      %swap3A_323 = tpu.vector_load %arg8[%swap3A_321, %swap3A_322] {strides = array<i32>} : memref<64x128xf32, #tpu.memory_space<vmem>>, vector<16xf32>,
      tpu.vector_store %arg8[%swap3A_321, %swap3A_322], %gather3A_312 {strides = array<i32>} : memref<64x128xf32, #tpu.memory_space<vmem>>, vector<16xf32>,
      %swap3A_324 = arith.index_cast %scan3A_299 : i32 to index
      %swap3A_325 = arith.constant 32 : index
      %swap3A_326 = tpu.vector_load %arg8[%swap3A_324, %swap3A_325] {strides = array<i32>} : memref<64x128xf32, #tpu.memory_space<vmem>>, vector<16xf32>,
      tpu.vector_store %arg8[%swap3A_324, %swap3A_325], %gather3A_313 {strides = array<i32>} : memref<64x128xf32, #tpu.memory_space<vmem>>, vector<16xf32>,
      %swap3A_327 = arith.index_cast %scan3A_299 : i32 to index
      %swap3A_328 = arith.constant 48 : index
      %swap3A_329 = tpu.vector_load %arg8[%swap3A_327, %swap3A_328] {strides = array<i32>} : memref<64x128xf32, #tpu.memory_space<vmem>>, vector<16xf32>,
      tpu.vector_store %arg8[%swap3A_327, %swap3A_328], %gather3A_314 {strides = array<i32>} : memref<64x128xf32, #tpu.memory_space<vmem>>, vector<16xf32>,
      %swap3A_330 = arith.index_cast %scan3A_299 : i32 to index
      %swap3A_331 = arith.constant 64 : index
      %swap3A_332 = tpu.vector_load %arg8[%swap3A_330, %swap3A_331] {strides = array<i32>} : memref<64x128xf32, #tpu.memory_space<vmem>>, vector<16xf32>,
      tpu.vector_store %arg8[%swap3A_330, %swap3A_331], %gather3A_315 {strides = array<i32>} : memref<64x128xf32, #tpu.memory_space<vmem>>, vector<16xf32>,
      %swap3A_333 = arith.index_cast %scan3A_299 : i32 to index
      %swap3A_334 = arith.constant 80 : index
      %swap3A_335 = tpu.vector_load %arg8[%swap3A_333, %swap3A_334] {strides = array<i32>} : memref<64x128xf32, #tpu.memory_space<vmem>>, vector<16xf32>,
      tpu.vector_store %arg8[%swap3A_333, %swap3A_334], %gather3A_316 {strides = array<i32>} : memref<64x128xf32, #tpu.memory_space<vmem>>, vector<16xf32>,
      %swap3A_336 = arith.index_cast %scan3A_299 : i32 to index
      %swap3A_337 = arith.constant 96 : index
      %swap3A_338 = tpu.vector_load %arg8[%swap3A_336, %swap3A_337] {strides = array<i32>} : memref<64x128xf32, #tpu.memory_space<vmem>>, vector<16xf32>,
      tpu.vector_store %arg8[%swap3A_336, %swap3A_337], %gather3A_317 {strides = array<i32>} : memref<64x128xf32, #tpu.memory_space<vmem>>, vector<16xf32>,
      %swap3A_339 = arith.index_cast %scan3A_299 : i32 to index
      %swap3A_340 = arith.constant 112 : index
      %swap3A_341 = tpu.vector_load %arg8[%swap3A_339, %swap3A_340] {strides = array<i32>} : memref<64x128xf32, #tpu.memory_space<vmem>>, vector<16xf32>,
      tpu.vector_store %arg8[%swap3A_339, %swap3A_340], %gather3A_318 {strides = array<i32>} : memref<64x128xf32, #tpu.memory_space<vmem>>, vector<16xf32>,
      %scan3A_342 = arith.constant 0 : i32
      %scan3A_343 = arith.constant 1 : i32
      %scan3A_344 = arith.addi %scan3A_299, %scan3A_343 : i32
      %mul3A_345 = arith.constant 4 : i32
      %mul3A_346 = arith.muli %scan3A_344, %mul3A_345 : i32
      %broadcast_in_dim3A_347 = vector.broadcast %mul3A_346 : i32 to vector<16xi32>
      %add3A_348 = arith.constant 1 : i32
      %add3A_349 = vector.broadcast %add3A_348 : i32 to vector<16xi32>
      %add3A_350 = arith.addi %broadcast_in_dim3A_347, %add3A_349 : vector<16xi32>
      %add3A_351 = arith.constant 2 : i32
      %add3A_352 = vector.broadcast %add3A_351 : i32 to vector<16xi32>
      %add3A_353 = arith.addi %broadcast_in_dim3A_347, %add3A_352 : vector<16xi32>
      %add3A_354 = arith.constant 3 : i32
      %add3A_355 = vector.broadcast %add3A_354 : i32 to vector<16xi32>
      %add3A_356 = arith.addi %broadcast_in_dim3A_347, %add3A_355 : vector<16xi32>
      %gather3A_357 = tpu.vector_load_idx %arg6[%iota3A, %broadcast_in_dim3A_347] : memref<32x257xf32, #tpu.memory_space<vmem>>[vector<16xi32>, vector<16xi32>], vector<16xf32>,
      %gather3A_358 = tpu.vector_load_idx %arg6[%add3A_3, %broadcast_in_dim3A_347] : memref<32x257xf32, #tpu.memory_space<vmem>>[vector<16xi32>, vector<16xi32>], vector<16xf32>,
      %gather3A_359 = tpu.vector_load_idx %arg6[%iota3A, %add3A_350] : memref<32x257xf32, #tpu.memory_space<vmem>>[vector<16xi32>, vector<16xi32>], vector<16xf32>,
      %gather3A_360 = tpu.vector_load_idx %arg6[%add3A_3, %add3A_350] : memref<32x257xf32, #tpu.memory_space<vmem>>[vector<16xi32>, vector<16xi32>], vector<16xf32>,
      %gather3A_361 = tpu.vector_load_idx %arg6[%iota3A, %add3A_353] : memref<32x257xf32, #tpu.memory_space<vmem>>[vector<16xi32>, vector<16xi32>], vector<16xf32>,
      %gather3A_362 = tpu.vector_load_idx %arg6[%add3A_3, %add3A_353] : memref<32x257xf32, #tpu.memory_space<vmem>>[vector<16xi32>, vector<16xi32>], vector<16xf32>,
      %gather3A_363 = tpu.vector_load_idx %arg6[%iota3A, %add3A_356] : memref<32x257xf32, #tpu.memory_space<vmem>>[vector<16xi32>, vector<16xi32>], vector<16xf32>,
      %gather3A_364 = tpu.vector_load_idx %arg6[%add3A_3, %add3A_356] : memref<32x257xf32, #tpu.memory_space<vmem>>[vector<16xi32>, vector<16xi32>], vector<16xf32>,
      %swap3A_365 = arith.index_cast %scan3A_344 : i32 to index
      %swap3A_366 = arith.constant 0 : index
      %swap3A_367 = tpu.vector_load %arg8[%swap3A_365, %swap3A_366] {strides = array<i32>} : memref<64x128xf32, #tpu.memory_space<vmem>>, vector<16xf32>,
      tpu.vector_store %arg8[%swap3A_365, %swap3A_366], %gather3A_357 {strides = array<i32>} : memref<64x128xf32, #tpu.memory_space<vmem>>, vector<16xf32>,
      %swap3A_368 = arith.index_cast %scan3A_344 : i32 to index
      %swap3A_369 = arith.constant 16 : index
      %swap3A_370 = tpu.vector_load %arg8[%swap3A_368, %swap3A_369] {strides = array<i32>} : memref<64x128xf32, #tpu.memory_space<vmem>>, vector<16xf32>,
      tpu.vector_store %arg8[%swap3A_368, %swap3A_369], %gather3A_358 {strides = array<i32>} : memref<64x128xf32, #tpu.memory_space<vmem>>, vector<16xf32>,
      %swap3A_371 = arith.index_cast %scan3A_344 : i32 to index
      %swap3A_372 = arith.constant 32 : index
      %swap3A_373 = tpu.vector_load %arg8[%swap3A_371, %swap3A_372] {strides = array<i32>} : memref<64x128xf32, #tpu.memory_space<vmem>>, vector<16xf32>,
      tpu.vector_store %arg8[%swap3A_371, %swap3A_372], %gather3A_359 {strides = array<i32>} : memref<64x128xf32, #tpu.memory_space<vmem>>, vector<16xf32>,
      %swap3A_374 = arith.index_cast %scan3A_344 : i32 to index
      %swap3A_375 = arith.constant 48 : index
      %swap3A_376 = tpu.vector_load %arg8[%swap3A_374, %swap3A_375] {strides = array<i32>} : memref<64x128xf32, #tpu.memory_space<vmem>>, vector<16xf32>,
      tpu.vector_store %arg8[%swap3A_374, %swap3A_375], %gather3A_360 {strides = array<i32>} : memref<64x128xf32, #tpu.memory_space<vmem>>, vector<16xf32>,
      %swap3A_377 = arith.index_cast %scan3A_344 : i32 to index
      %swap3A_378 = arith.constant 64 : index
      %swap3A_379 = tpu.vector_load %arg8[%swap3A_377, %swap3A_378] {strides = array<i32>} : memref<64x128xf32, #tpu.memory_space<vmem>>, vector<16xf32>,
      tpu.vector_store %arg8[%swap3A_377, %swap3A_378], %gather3A_361 {strides = array<i32>} : memref<64x128xf32, #tpu.memory_space<vmem>>, vector<16xf32>,
      %swap3A_380 = arith.index_cast %scan3A_344 : i32 to index
      %swap3A_381 = arith.constant 80 : index
      %swap3A_382 = tpu.vector_load %arg8[%swap3A_380, %swap3A_381] {strides = array<i32>} : memref<64x128xf32, #tpu.memory_space<vmem>>, vector<16xf32>,
      tpu.vector_store %arg8[%swap3A_380, %swap3A_381], %gather3A_362 {strides = array<i32>} : memref<64x128xf32, #tpu.memory_space<vmem>>, vector<16xf32>,
      %swap3A_383 = arith.index_cast %scan3A_344 : i32 to index
      %swap3A_384 = arith.constant 96 : index
      %swap3A_385 = tpu.vector_load %arg8[%swap3A_383, %swap3A_384] {strides = array<i32>} : memref<64x128xf32, #tpu.memory_space<vmem>>, vector<16xf32>,
      tpu.vector_store %arg8[%swap3A_383, %swap3A_384], %gather3A_363 {strides = array<i32>} : memref<64x128xf32, #tpu.memory_space<vmem>>, vector<16xf32>,
      %swap3A_386 = arith.index_cast %scan3A_344 : i32 to index
      %swap3A_387 = arith.constant 112 : index
      %swap3A_388 = tpu.vector_load %arg8[%swap3A_386, %swap3A_387] {strides = array<i32>} : memref<64x128xf32, #tpu.memory_space<vmem>>, vector<16xf32>,
      tpu.vector_store %arg8[%swap3A_386, %swap3A_387], %gather3A_364 {strides = array<i32>} : memref<64x128xf32, #tpu.memory_space<vmem>>, vector<16xf32>,
      %scan3A_389 = arith.constant 0 : i32
      scf.yield %scan3A_389 : i32
    }
    %scan3A_231 = arith.constant 64 : i32
    %add3A_232 = arith.constant 3872 : i32
    %add3A_233 = arith.addi %add3A, %add3A_232 : i32
    %lt3A_234 = arith.constant 3906 : i32
    %lt3A_235 = arith.cmpi slt, %add3A_233, %lt3A_234 : i32
    %jit3A_236 = arith.constant 0 : i32
    %select_n3A_237 = arith.select %lt3A_235, %add3A_233, %jit3A_236 : i32
    %mul3A_238 = arith.constant 2 : i32
    %mul3A_239 = arith.muli %select_n3A_237, %mul3A_238 : i32
    %mul3A_240 = arith.constant 32 : i32
    %mul3A_241 = arith.muli %mul3A_239, %mul3A_240 : i32
    %multiple_of3A_242 = tpu.assume_multiple %mul3A_241, 64 : i32
    %dma_start3A_243 = arith.constant 0 : i32
    %dma_start3A_244 = tpu.memref_slice %arg4[%multiple_of3A_242, %dma_start3A_243] : memref<250000x128xf32, #tpu.memory_space<hbm>> -> memref<64x128xf32, #tpu.memory_space<hbm>>
    %dma_start3A_245 = arith.constant 0 : i32
    %dma_start3A_246 = tpu.memref_slice %arg4[%multiple_of3A_242, %dma_start3A_245] : memref<250000x128xf32, #tpu.memory_space<hbm>> -> memref<64x128xf32, #tpu.memory_space<hbm>>
    tpu.enqueue_dma source(%arg8 : memref<64x128xf32, #tpu.memory_space<vmem>>) target(%dma_start3A_246 : memref<64x128xf32, #tpu.memory_space<hbm>>) target_semaphore(%arg13 : memref<!tpu.dma_semaphore, #tpu.memory_space<semaphore_mem>>)
    %dma_wait3A_247 = arith.constant 0 : i32
    %dma_wait3A_248 = arith.constant 0 : i32
    %dma_wait3A_249 = tpu.memref_slice %arg5[%dma_wait3A_247, %dma_wait3A_248] : memref<32x257xf32, #tpu.memory_space<vmem>> -> memref<32x256xf32, #tpu.memory_space<vmem>>
    %dma_wait3A_250 = arith.constant 0 : i32
    %dma_wait3A_251 = arith.constant 0 : i32
    %dma_wait3A_252 = tpu.memref_slice %arg2[%dma_wait3A_250, %dma_wait3A_251] : memref<32x1000000xf32, #tpu.memory_space<hbm>> -> memref<32x256xf32, #tpu.memory_space<hbm>>
    %dma_wait3A_253 = arith.constant 0 : i32
    %dma_wait3A_254 = arith.constant 0 : i32
    %dma_wait3A_255 = tpu.memref_slice %arg5[%dma_wait3A_253, %dma_wait3A_254] : memref<32x257xf32, #tpu.memory_space<vmem>> -> memref<32x256xf32, #tpu.memory_space<vmem>>
    %dma_wait3A_256 = arith.constant 0 : i32
    %dma_wait3A_257 = arith.constant 0 : i32
    %dma_wait3A_258 = tpu.memref_slice %arg2[%dma_wait3A_256, %dma_wait3A_257] : memref<32x1000000xf32, #tpu.memory_space<hbm>> -> memref<32x256xf32, #tpu.memory_space<hbm>>
    tpu.wait_dma2 semaphore(%arg10 : memref<!tpu.dma_semaphore, #tpu.memory_space<semaphore_mem>>) src(%dma_wait3A_258 : memref<32x256xf32, #tpu.memory_space<hbm>>) dst(%dma_wait3A_255 : memref<32x256xf32, #tpu.memory_space<vmem>>)
    %dma_wait3A_259 = arith.constant 0 : i32
    %dma_wait3A_260 = arith.constant 0 : i32
    %dma_wait3A_261 = tpu.memref_slice %arg4[%dma_wait3A_259, %dma_wait3A_260] : memref<250000x128xf32, #tpu.memory_space<hbm>> -> memref<64x128xf32, #tpu.memory_space<hbm>>
    %dma_wait3A_262 = arith.constant 0 : i32
    %dma_wait3A_263 = arith.constant 0 : i32
    %dma_wait3A_264 = tpu.memref_slice %arg4[%dma_wait3A_262, %dma_wait3A_263] : memref<250000x128xf32, #tpu.memory_space<hbm>> -> memref<64x128xf32, #tpu.memory_space<hbm>>
    tpu.wait_dma2 semaphore(%arg12 : memref<!tpu.dma_semaphore, #tpu.memory_space<semaphore_mem>>) src(%arg7 : memref<64x128xf32, #tpu.memory_space<vmem>>) dst(%dma_wait3A_264 : memref<64x128xf32, #tpu.memory_space<hbm>>)
    %scan3A_265 = arith.constant 0 : i32
    %scan3A_266 = arith.constant 0 : i32
    %scan3A_267 = arith.constant 64 : i32
    %scan3A_268 = arith.addi %scan3A_266, %scan3A_267 : i32
    %scan3A_269 = arith.constant 2 : i32
    %scan3A_270 = scf.for %scan3A_299 = %scan3A_266 to %scan3A_268 step %scan3A_269 iter_args(%scan3A_300 = %scan3A_265) -> (i32)  : i32 {
      %mul3A_301 = arith.constant 4 : i32
      %mul3A_302 = arith.muli %scan3A_299, %mul3A_301 : i32
      %broadcast_in_dim3A = vector.broadcast %mul3A_302 : i32 to vector<16xi32>
      %add3A_303 = arith.constant 1 : i32
      %add3A_304 = vector.broadcast %add3A_303 : i32 to vector<16xi32>
      %add3A_305 = arith.addi %broadcast_in_dim3A, %add3A_304 : vector<16xi32>
      %add3A_306 = arith.constant 2 : i32
      %add3A_307 = vector.broadcast %add3A_306 : i32 to vector<16xi32>
      %add3A_308 = arith.addi %broadcast_in_dim3A, %add3A_307 : vector<16xi32>
      %add3A_309 = arith.constant 3 : i32
      %add3A_310 = vector.broadcast %add3A_309 : i32 to vector<16xi32>
      %add3A_311 = arith.addi %broadcast_in_dim3A, %add3A_310 : vector<16xi32>
      %gather3A = tpu.vector_load_idx %arg5[%iota3A, %broadcast_in_dim3A] : memref<32x257xf32, #tpu.memory_space<vmem>>[vector<16xi32>, vector<16xi32>], vector<16xf32>,
      %gather3A_312 = tpu.vector_load_idx %arg5[%add3A_3, %broadcast_in_dim3A] : memref<32x257xf32, #tpu.memory_space<vmem>>[vector<16xi32>, vector<16xi32>], vector<16xf32>,
      %gather3A_313 = tpu.vector_load_idx %arg5[%iota3A, %add3A_305] : memref<32x257xf32, #tpu.memory_space<vmem>>[vector<16xi32>, vector<16xi32>], vector<16xf32>,
      %gather3A_314 = tpu.vector_load_idx %arg5[%add3A_3, %add3A_305] : memref<32x257xf32, #tpu.memory_space<vmem>>[vector<16xi32>, vector<16xi32>], vector<16xf32>,
      %gather3A_315 = tpu.vector_load_idx %arg5[%iota3A, %add3A_308] : memref<32x257xf32, #tpu.memory_space<vmem>>[vector<16xi32>, vector<16xi32>], vector<16xf32>,
      %gather3A_316 = tpu.vector_load_idx %arg5[%add3A_3, %add3A_308] : memref<32x257xf32, #tpu.memory_space<vmem>>[vector<16xi32>, vector<16xi32>], vector<16xf32>,
      %gather3A_317 = tpu.vector_load_idx %arg5[%iota3A, %add3A_311] : memref<32x257xf32, #tpu.memory_space<vmem>>[vector<16xi32>, vector<16xi32>], vector<16xf32>,
      %gather3A_318 = tpu.vector_load_idx %arg5[%add3A_3, %add3A_311] : memref<32x257xf32, #tpu.memory_space<vmem>>[vector<16xi32>, vector<16xi32>], vector<16xf32>,
      %swap3A = arith.index_cast %scan3A_299 : i32 to index
      %swap3A_319 = arith.constant 0 : index
      %swap3A_320 = tpu.vector_load %arg7[%swap3A, %swap3A_319] {strides = array<i32>} : memref<64x128xf32, #tpu.memory_space<vmem>>, vector<16xf32>,
      tpu.vector_store %arg7[%swap3A, %swap3A_319], %gather3A {strides = array<i32>} : memref<64x128xf32, #tpu.memory_space<vmem>>, vector<16xf32>,
      %swap3A_321 = arith.index_cast %scan3A_299 : i32 to index
      %swap3A_322 = arith.constant 16 : index
      %swap3A_323 = tpu.vector_load %arg7[%swap3A_321, %swap3A_322] {strides = array<i32>} : memref<64x128xf32, #tpu.memory_space<vmem>>, vector<16xf32>,
      tpu.vector_store %arg7[%swap3A_321, %swap3A_322], %gather3A_312 {strides = array<i32>} : memref<64x128xf32, #tpu.memory_space<vmem>>, vector<16xf32>,
      %swap3A_324 = arith.index_cast %scan3A_299 : i32 to index
      %swap3A_325 = arith.constant 32 : index
      %swap3A_326 = tpu.vector_load %arg7[%swap3A_324, %swap3A_325] {strides = array<i32>} : memref<64x128xf32, #tpu.memory_space<vmem>>, vector<16xf32>,
      tpu.vector_store %arg7[%swap3A_324, %swap3A_325], %gather3A_313 {strides = array<i32>} : memref<64x128xf32, #tpu.memory_space<vmem>>, vector<16xf32>,
      %swap3A_327 = arith.index_cast %scan3A_299 : i32 to index
      %swap3A_328 = arith.constant 48 : index
      %swap3A_329 = tpu.vector_load %arg7[%swap3A_327, %swap3A_328] {strides = array<i32>} : memref<64x128xf32, #tpu.memory_space<vmem>>, vector<16xf32>,
      tpu.vector_store %arg7[%swap3A_327, %swap3A_328], %gather3A_314 {strides = array<i32>} : memref<64x128xf32, #tpu.memory_space<vmem>>, vector<16xf32>,
      %swap3A_330 = arith.index_cast %scan3A_299 : i32 to index
      %swap3A_331 = arith.constant 64 : index
      %swap3A_332 = tpu.vector_load %arg7[%swap3A_330, %swap3A_331] {strides = array<i32>} : memref<64x128xf32, #tpu.memory_space<vmem>>, vector<16xf32>,
      tpu.vector_store %arg7[%swap3A_330, %swap3A_331], %gather3A_315 {strides = array<i32>} : memref<64x128xf32, #tpu.memory_space<vmem>>, vector<16xf32>,
      %swap3A_333 = arith.index_cast %scan3A_299 : i32 to index
      %swap3A_334 = arith.constant 80 : index
      %swap3A_335 = tpu.vector_load %arg7[%swap3A_333, %swap3A_334] {strides = array<i32>} : memref<64x128xf32, #tpu.memory_space<vmem>>, vector<16xf32>,
      tpu.vector_store %arg7[%swap3A_333, %swap3A_334], %gather3A_316 {strides = array<i32>} : memref<64x128xf32, #tpu.memory_space<vmem>>, vector<16xf32>,
      %swap3A_336 = arith.index_cast %scan3A_299 : i32 to index
      %swap3A_337 = arith.constant 96 : index
      %swap3A_338 = tpu.vector_load %arg7[%swap3A_336, %swap3A_337] {strides = array<i32>} : memref<64x128xf32, #tpu.memory_space<vmem>>, vector<16xf32>,
      tpu.vector_store %arg7[%swap3A_336, %swap3A_337], %gather3A_317 {strides = array<i32>} : memref<64x128xf32, #tpu.memory_space<vmem>>, vector<16xf32>,
      %swap3A_339 = arith.index_cast %scan3A_299 : i32 to index
      %swap3A_340 = arith.constant 112 : index
      %swap3A_341 = tpu.vector_load %arg7[%swap3A_339, %swap3A_340] {strides = array<i32>} : memref<64x128xf32, #tpu.memory_space<vmem>>, vector<16xf32>,
      tpu.vector_store %arg7[%swap3A_339, %swap3A_340], %gather3A_318 {strides = array<i32>} : memref<64x128xf32, #tpu.memory_space<vmem>>, vector<16xf32>,
      %scan3A_342 = arith.constant 0 : i32
      %scan3A_343 = arith.constant 1 : i32
      %scan3A_344 = arith.addi %scan3A_299, %scan3A_343 : i32
      %mul3A_345 = arith.constant 4 : i32
      %mul3A_346 = arith.muli %scan3A_344, %mul3A_345 : i32
      %broadcast_in_dim3A_347 = vector.broadcast %mul3A_346 : i32 to vector<16xi32>
      %add3A_348 = arith.constant 1 : i32
      %add3A_349 = vector.broadcast %add3A_348 : i32 to vector<16xi32>
      %add3A_350 = arith.addi %broadcast_in_dim3A_347, %add3A_349 : vector<16xi32>
      %add3A_351 = arith.constant 2 : i32
      %add3A_352 = vector.broadcast %add3A_351 : i32 to vector<16xi32>
      %add3A_353 = arith.addi %broadcast_in_dim3A_347, %add3A_352 : vector<16xi32>
      %add3A_354 = arith.constant 3 : i32
      %add3A_355 = vector.broadcast %add3A_354 : i32 to vector<16xi32>
      %add3A_356 = arith.addi %broadcast_in_dim3A_347, %add3A_355 : vector<16xi32>
      %gather3A_357 = tpu.vector_load_idx %arg5[%iota3A, %broadcast_in_dim3A_347] : memref<32x257xf32, #tpu.memory_space<vmem>>[vector<16xi32>, vector<16xi32>], vector<16xf32>,
      %gather3A_358 = tpu.vector_load_idx %arg5[%add3A_3, %broadcast_in_dim3A_347] : memref<32x257xf32, #tpu.memory_space<vmem>>[vector<16xi32>, vector<16xi32>], vector<16xf32>,
      %gather3A_359 = tpu.vector_load_idx %arg5[%iota3A, %add3A_350] : memref<32x257xf32, #tpu.memory_space<vmem>>[vector<16xi32>, vector<16xi32>], vector<16xf32>,
      %gather3A_360 = tpu.vector_load_idx %arg5[%add3A_3, %add3A_350] : memref<32x257xf32, #tpu.memory_space<vmem>>[vector<16xi32>, vector<16xi32>], vector<16xf32>,
      %gather3A_361 = tpu.vector_load_idx %arg5[%iota3A, %add3A_353] : memref<32x257xf32, #tpu.memory_space<vmem>>[vector<16xi32>, vector<16xi32>], vector<16xf32>,
      %gather3A_362 = tpu.vector_load_idx %arg5[%add3A_3, %add3A_353] : memref<32x257xf32, #tpu.memory_space<vmem>>[vector<16xi32>, vector<16xi32>], vector<16xf32>,
      %gather3A_363 = tpu.vector_load_idx %arg5[%iota3A, %add3A_356] : memref<32x257xf32, #tpu.memory_space<vmem>>[vector<16xi32>, vector<16xi32>], vector<16xf32>,
      %gather3A_364 = tpu.vector_load_idx %arg5[%add3A_3, %add3A_356] : memref<32x257xf32, #tpu.memory_space<vmem>>[vector<16xi32>, vector<16xi32>], vector<16xf32>,
      %swap3A_365 = arith.index_cast %scan3A_344 : i32 to index
      %swap3A_366 = arith.constant 0 : index
      %swap3A_367 = tpu.vector_load %arg7[%swap3A_365, %swap3A_366] {strides = array<i32>} : memref<64x128xf32, #tpu.memory_space<vmem>>, vector<16xf32>,
      tpu.vector_store %arg7[%swap3A_365, %swap3A_366], %gather3A_357 {strides = array<i32>} : memref<64x128xf32, #tpu.memory_space<vmem>>, vector<16xf32>,
      %swap3A_368 = arith.index_cast %scan3A_344 : i32 to index
      %swap3A_369 = arith.constant 16 : index
      %swap3A_370 = tpu.vector_load %arg7[%swap3A_368, %swap3A_369] {strides = array<i32>} : memref<64x128xf32, #tpu.memory_space<vmem>>, vector<16xf32>,
      tpu.vector_store %arg7[%swap3A_368, %swap3A_369], %gather3A_358 {strides = array<i32>} : memref<64x128xf32, #tpu.memory_space<vmem>>, vector<16xf32>,
      %swap3A_371 = arith.index_cast %scan3A_344 : i32 to index
      %swap3A_372 = arith.constant 32 : index
      %swap3A_373 = tpu.vector_load %arg7[%swap3A_371, %swap3A_372] {strides = array<i32>} : memref<64x128xf32, #tpu.memory_space<vmem>>, vector<16xf32>,
      tpu.vector_store %arg7[%swap3A_371, %swap3A_372], %gather3A_359 {strides = array<i32>} : memref<64x128xf32, #tpu.memory_space<vmem>>, vector<16xf32>,
      %swap3A_374 = arith.index_cast %scan3A_344 : i32 to index
      %swap3A_375 = arith.constant 48 : index
      %swap3A_376 = tpu.vector_load %arg7[%swap3A_374, %swap3A_375] {strides = array<i32>} : memref<64x128xf32, #tpu.memory_space<vmem>>, vector<16xf32>,
      tpu.vector_store %arg7[%swap3A_374, %swap3A_375], %gather3A_360 {strides = array<i32>} : memref<64x128xf32, #tpu.memory_space<vmem>>, vector<16xf32>,
      %swap3A_377 = arith.index_cast %scan3A_344 : i32 to index
      %swap3A_378 = arith.constant 64 : index
      %swap3A_379 = tpu.vector_load %arg7[%swap3A_377, %swap3A_378] {strides = array<i32>} : memref<64x128xf32, #tpu.memory_space<vmem>>, vector<16xf32>,
      tpu.vector_store %arg7[%swap3A_377, %swap3A_378], %gather3A_361 {strides = array<i32>} : memref<64x128xf32, #tpu.memory_space<vmem>>, vector<16xf32>,
      %swap3A_380 = arith.index_cast %scan3A_344 : i32 to index
      %swap3A_381 = arith.constant 80 : index
      %swap3A_382 = tpu.vector_load %arg7[%swap3A_380, %swap3A_381] {strides = array<i32>} : memref<64x128xf32, #tpu.memory_space<vmem>>, vector<16xf32>,
      tpu.vector_store %arg7[%swap3A_380, %swap3A_381], %gather3A_362 {strides = array<i32>} : memref<64x128xf32, #tpu.memory_space<vmem>>, vector<16xf32>,
      %swap3A_383 = arith.index_cast %scan3A_344 : i32 to index
      %swap3A_384 = arith.constant 96 : index
      %swap3A_385 = tpu.vector_load %arg7[%swap3A_383, %swap3A_384] {strides = array<i32>} : memref<64x128xf32, #tpu.memory_space<vmem>>, vector<16xf32>,
      tpu.vector_store %arg7[%swap3A_383, %swap3A_384], %gather3A_363 {strides = array<i32>} : memref<64x128xf32, #tpu.memory_space<vmem>>, vector<16xf32>,
      %swap3A_386 = arith.index_cast %scan3A_344 : i32 to index
      %swap3A_387 = arith.constant 112 : index
      %swap3A_388 = tpu.vector_load %arg7[%swap3A_386, %swap3A_387] {strides = array<i32>} : memref<64x128xf32, #tpu.memory_space<vmem>>, vector<16xf32>,
      tpu.vector_store %arg7[%swap3A_386, %swap3A_387], %gather3A_364 {strides = array<i32>} : memref<64x128xf32, #tpu.memory_space<vmem>>, vector<16xf32>,
      %scan3A_389 = arith.constant 0 : i32
      scf.yield %scan3A_389 : i32
    }
    %scan3A_271 = arith.constant 64 : i32
    %add3A_272 = arith.constant 3904 : i32
    %add3A_273 = arith.addi %add3A, %add3A_272 : i32
    %lt3A_274 = arith.constant 3906 : i32
    %lt3A_275 = arith.cmpi slt, %add3A_273, %lt3A_274 : i32
    %jit3A_276 = arith.constant 0 : i32
    %select_n3A_277 = arith.select %lt3A_275, %add3A_273, %jit3A_276 : i32
    %mul3A_278 = arith.constant 2 : i32
    %mul3A_279 = arith.muli %select_n3A_277, %mul3A_278 : i32
    %mul3A_280 = arith.constant 32 : i32
    %mul3A_281 = arith.muli %mul3A_279, %mul3A_280 : i32
    %multiple_of3A_282 = tpu.assume_multiple %mul3A_281, 64 : i32
    %dma_start3A_283 = arith.constant 0 : i32
    %dma_start3A_284 = tpu.memref_slice %arg4[%multiple_of3A_282, %dma_start3A_283] : memref<250000x128xf32, #tpu.memory_space<hbm>> -> memref<64x128xf32, #tpu.memory_space<hbm>>
    %dma_start3A_285 = arith.constant 0 : i32
    %dma_start3A_286 = tpu.memref_slice %arg4[%multiple_of3A_282, %dma_start3A_285] : memref<250000x128xf32, #tpu.memory_space<hbm>> -> memref<64x128xf32, #tpu.memory_space<hbm>>
    tpu.enqueue_dma source(%arg7 : memref<64x128xf32, #tpu.memory_space<vmem>>) target(%dma_start3A_286 : memref<64x128xf32, #tpu.memory_space<hbm>>) target_semaphore(%arg12 : memref<!tpu.dma_semaphore, #tpu.memory_space<semaphore_mem>>)
    %dma_wait3A_287 = arith.constant 0 : i32
    %dma_wait3A_288 = arith.constant 0 : i32
    %dma_wait3A_289 = tpu.memref_slice %arg4[%dma_wait3A_287, %dma_wait3A_288] : memref<250000x128xf32, #tpu.memory_space<hbm>> -> memref<64x128xf32, #tpu.memory_space<hbm>>
    %dma_wait3A_290 = arith.constant 0 : i32
    %dma_wait3A_291 = arith.constant 0 : i32
    %dma_wait3A_292 = tpu.memref_slice %arg4[%dma_wait3A_290, %dma_wait3A_291] : memref<250000x128xf32, #tpu.memory_space<hbm>> -> memref<64x128xf32, #tpu.memory_space<hbm>>
    tpu.wait_dma2 semaphore(%arg13 : memref<!tpu.dma_semaphore, #tpu.memory_space<semaphore_mem>>) src(%arg8 : memref<64x128xf32, #tpu.memory_space<vmem>>) dst(%dma_wait3A_292 : memref<64x128xf32, #tpu.memory_space<hbm>>)
    %dma_wait3A_293 = arith.constant 0 : i32
    %dma_wait3A_294 = arith.constant 0 : i32
    %dma_wait3A_295 = tpu.memref_slice %arg4[%dma_wait3A_293, %dma_wait3A_294] : memref<250000x128xf32, #tpu.memory_space<hbm>> -> memref<64x128xf32, #tpu.memory_space<hbm>>
    %dma_wait3A_296 = arith.constant 0 : i32
    %dma_wait3A_297 = arith.constant 0 : i32
    %dma_wait3A_298 = tpu.memref_slice %arg4[%dma_wait3A_296, %dma_wait3A_297] : memref<250000x128xf32, #tpu.memory_space<hbm>> -> memref<64x128xf32, #tpu.memory_space<hbm>>
    tpu.wait_dma2 semaphore(%arg12 : memref<!tpu.dma_semaphore, #tpu.memory_space<semaphore_mem>>) src(%arg7 : memref<64x128xf32, #tpu.memory_space<vmem>>) dst(%dma_wait3A_298 : memref<64x128xf32, #tpu.memory_space<hbm>>)
    return
  }
}

#map = affine_map<(d0, d1) -> (0, 0)>
#map1 = affine_map<(d0, d1) -> (0, 0, 0)>
#map2 = affine_map<(d0, d1) -> (0)>
module attributes {stable_mosaic.version = 14 : i64} {
  func.func @emb(%arg0: i32, %arg1: i32, %arg2: memref<1000000x32xf32, #tpu.memory_space<hbm>>, %arg3: memref<32x200x128xi32, #tpu.memory_space<hbm>>, %arg4: memref<16xf32, #tpu.memory_space<hbm>>, %arg5: memref<50x32x16384xf32, #tpu.memory_space<hbm>>, %arg6: memref<200x128xi32, #tpu.memory_space<vmem>>, %arg7: memref<512x32xf32, #tpu.memory_space<vmem>>, %arg8: memref<512x32xf32, #tpu.memory_space<vmem>>, %arg9: memref<32x513xf32, #tpu.memory_space<vmem>>, %arg10: memref<32x513xf32, #tpu.memory_space<vmem>>, %arg11: memref<16xf32, #tpu.memory_space<vmem>>, %arg12: memref<!tpu.dma_semaphore, #tpu.memory_space<semaphore_mem>>, %arg13: memref<!tpu.dma_semaphore, #tpu.memory_space<semaphore_mem>>, %arg14: memref<!tpu.dma_semaphore, #tpu.memory_space<semaphore_mem>>, %arg15: memref<!tpu.dma_semaphore, #tpu.memory_space<semaphore_mem>>) attributes {dimension_semantics = [#tpu.dimension_semantics<core_parallel>, #tpu.dimension_semantics<subcore_parallel>], iteration_bounds = array<i64: 2, 16>, scalar_prefetch = 0 : i64, scratch_operands = 10 : i64, tpu.core_type = #tpu.core_type<sc_vector_subcore>, window_params = [{transform_indices = #map}, {transform_indices = #map1}, {transform_indices = #map2}, {transform_indices = #map1}]} {
    %mul3A = arith.constant 2 : i32
    %mul3A_0 = arith.muli %arg1, %mul3A : i32
    %add3A = arith.addi %mul3A_0, %arg0 : i32
    %mul3A_1 = arith.constant 512 : i32
    %mul3A_2 = arith.muli %add3A, %mul3A_1 : i32
    "tpu.region"() ({
      %run_scoped3A = tpu.sem_alloc : memref<!tpu.dma_semaphore, #tpu.memory_space<semaphore_mem>>
      %dma_start3A_336 = arith.constant 0 : i32
      %dma_start3A_337 = arith.constant 0 : i32
      %dma_start3A_338 = tpu.memref_slice %arg3[%add3A, %dma_start3A_336, %dma_start3A_337] : memref<32x200x128xi32, #tpu.memory_space<hbm>> -> memref<1x200x128xi32, #tpu.memory_space<hbm>>
      %dma_start3A_339 = tpu.memref_squeeze %dma_start3A_338 : memref<1x200x128xi32, #tpu.memory_space<hbm>> -> memref<200x128xi32, #tpu.memory_space<hbm>>
      %dma_start3A_340 = arith.constant 0 : i32
      %dma_start3A_341 = arith.constant 0 : i32
      %dma_start3A_342 = tpu.memref_slice %arg3[%add3A, %dma_start3A_340, %dma_start3A_341] : memref<32x200x128xi32, #tpu.memory_space<hbm>> -> memref<1x200x128xi32, #tpu.memory_space<hbm>>
      %dma_start3A_343 = tpu.memref_squeeze %dma_start3A_342 : memref<1x200x128xi32, #tpu.memory_space<hbm>> -> memref<200x128xi32, #tpu.memory_space<hbm>>
      tpu.enqueue_dma source(%dma_start3A_343 : memref<200x128xi32, #tpu.memory_space<hbm>>) target(%arg6 : memref<200x128xi32, #tpu.memory_space<vmem>>) target_semaphore(%run_scoped3A : memref<!tpu.dma_semaphore, #tpu.memory_space<semaphore_mem>>)
      %dma_wait3A_344 = arith.constant 0 : i32
      %dma_wait3A_345 = arith.constant 0 : i32
      %dma_wait3A_346 = tpu.memref_slice %arg3[%add3A, %dma_wait3A_344, %dma_wait3A_345] : memref<32x200x128xi32, #tpu.memory_space<hbm>> -> memref<1x200x128xi32, #tpu.memory_space<hbm>>
      %dma_wait3A_347 = tpu.memref_squeeze %dma_wait3A_346 : memref<1x200x128xi32, #tpu.memory_space<hbm>> -> memref<200x128xi32, #tpu.memory_space<hbm>>
      %dma_wait3A_348 = arith.constant 0 : i32
      %dma_wait3A_349 = arith.constant 0 : i32
      %dma_wait3A_350 = tpu.memref_slice %arg3[%add3A, %dma_wait3A_348, %dma_wait3A_349] : memref<32x200x128xi32, #tpu.memory_space<hbm>> -> memref<1x200x128xi32, #tpu.memory_space<hbm>>
      %dma_wait3A_351 = tpu.memref_squeeze %dma_wait3A_350 : memref<1x200x128xi32, #tpu.memory_space<hbm>> -> memref<200x128xi32, #tpu.memory_space<hbm>>
      tpu.wait_dma2 semaphore(%run_scoped3A : memref<!tpu.dma_semaphore, #tpu.memory_space<semaphore_mem>>) src(%dma_wait3A_351 : memref<200x128xi32, #tpu.memory_space<hbm>>) dst(%arg6 : memref<200x128xi32, #tpu.memory_space<vmem>>)
      tpu.yield
    }) : () -> ()
    "tpu.region"() ({
      %run_scoped3A = tpu.sem_alloc : memref<!tpu.dma_semaphore, #tpu.memory_space<semaphore_mem>>
      tpu.enqueue_dma source(%arg4 : memref<16xf32, #tpu.memory_space<hbm>>) target(%arg11 : memref<16xf32, #tpu.memory_space<vmem>>) target_semaphore(%run_scoped3A : memref<!tpu.dma_semaphore, #tpu.memory_space<semaphore_mem>>)
      tpu.wait_dma2 semaphore(%run_scoped3A : memref<!tpu.dma_semaphore, #tpu.memory_space<semaphore_mem>>) src(%arg4 : memref<16xf32, #tpu.memory_space<hbm>>) dst(%arg11 : memref<16xf32, #tpu.memory_space<vmem>>)
      tpu.yield
    }) : () -> ()
    %get3A = arith.constant 0 : index
    %get3A_3 = tpu.vector_load %arg11[%get3A] {strides = array<i32>} : memref<16xf32, #tpu.memory_space<vmem>>, vector<16xf32>,
    %exp3A = math.exp %get3A_3 : vector<16xf32>
    %iota3A = tpu.iota {dimensions = array<i32: 0>} : vector<16xi32>
    %dma_start3A = arith.constant 0 : i32
    %dma_start3A_4 = arith.constant 0 : i32
    %dma_start3A_5 = arith.constant 0 : i32
    %dma_start3A_6 = tpu.memref_slice %arg7[%dma_start3A_4, %dma_start3A_5] : memref<512x32xf32, #tpu.memory_space<vmem>> -> memref<128x32xf32, #tpu.memory_space<vmem>>
    %dma_start3A_7 = arith.constant 0 : i32
    %dma_start3A_8 = tpu.memref_slice %arg6[%dma_start3A, %dma_start3A_7] : memref<200x128xi32, #tpu.memory_space<vmem>> -> memref<1x128xi32, #tpu.memory_space<vmem>>
    %dma_start3A_9 = tpu.memref_squeeze %dma_start3A_8 : memref<1x128xi32, #tpu.memory_space<vmem>> -> memref<128xi32, #tpu.memory_space<vmem>>
    %dma_start3A_10 = arith.constant 0 : i32
    %dma_start3A_11 = arith.constant 0 : i32
    %dma_start3A_12 = tpu.memref_slice %arg2[%dma_start3A_10, %dma_start3A_11] : memref<1000000x32xf32, #tpu.memory_space<hbm>> -> memref<1000000x32xf32, #tpu.memory_space<hbm>>
    tpu.enqueue_indirect_dma source(%dma_start3A_12 : memref<1000000x32xf32, #tpu.memory_space<hbm>>) target(%dma_start3A_6 : memref<128x32xf32, #tpu.memory_space<vmem>>) offsets(%dma_start3A_9 : memref<128xi32, #tpu.memory_space<vmem>>) semaphore(%arg12 : memref<!tpu.dma_semaphore, #tpu.memory_space<semaphore_mem>>)
    %dma_start3A_13 = arith.constant 1 : i32
    %dma_start3A_14 = arith.constant 128 : i32
    %dma_start3A_15 = arith.constant 0 : i32
    %dma_start3A_16 = tpu.memref_slice %arg7[%dma_start3A_14, %dma_start3A_15] : memref<512x32xf32, #tpu.memory_space<vmem>> -> memref<128x32xf32, #tpu.memory_space<vmem>>
    %dma_start3A_17 = arith.constant 0 : i32
    %dma_start3A_18 = tpu.memref_slice %arg6[%dma_start3A_13, %dma_start3A_17] : memref<200x128xi32, #tpu.memory_space<vmem>> -> memref<1x128xi32, #tpu.memory_space<vmem>>
    %dma_start3A_19 = tpu.memref_squeeze %dma_start3A_18 : memref<1x128xi32, #tpu.memory_space<vmem>> -> memref<128xi32, #tpu.memory_space<vmem>>
    %dma_start3A_20 = arith.constant 0 : i32
    %dma_start3A_21 = arith.constant 0 : i32
    %dma_start3A_22 = tpu.memref_slice %arg2[%dma_start3A_20, %dma_start3A_21] : memref<1000000x32xf32, #tpu.memory_space<hbm>> -> memref<1000000x32xf32, #tpu.memory_space<hbm>>
    tpu.enqueue_indirect_dma source(%dma_start3A_22 : memref<1000000x32xf32, #tpu.memory_space<hbm>>) target(%dma_start3A_16 : memref<128x32xf32, #tpu.memory_space<vmem>>) offsets(%dma_start3A_19 : memref<128xi32, #tpu.memory_space<vmem>>) semaphore(%arg12 : memref<!tpu.dma_semaphore, #tpu.memory_space<semaphore_mem>>)
    %dma_start3A_23 = arith.constant 2 : i32
    %dma_start3A_24 = arith.constant 256 : i32
    %dma_start3A_25 = arith.constant 0 : i32
    %dma_start3A_26 = tpu.memref_slice %arg7[%dma_start3A_24, %dma_start3A_25] : memref<512x32xf32, #tpu.memory_space<vmem>> -> memref<128x32xf32, #tpu.memory_space<vmem>>
    %dma_start3A_27 = arith.constant 0 : i32
    %dma_start3A_28 = tpu.memref_slice %arg6[%dma_start3A_23, %dma_start3A_27] : memref<200x128xi32, #tpu.memory_space<vmem>> -> memref<1x128xi32, #tpu.memory_space<vmem>>
    %dma_start3A_29 = tpu.memref_squeeze %dma_start3A_28 : memref<1x128xi32, #tpu.memory_space<vmem>> -> memref<128xi32, #tpu.memory_space<vmem>>
    %dma_start3A_30 = arith.constant 0 : i32
    %dma_start3A_31 = arith.constant 0 : i32
    %dma_start3A_32 = tpu.memref_slice %arg2[%dma_start3A_30, %dma_start3A_31] : memref<1000000x32xf32, #tpu.memory_space<hbm>> -> memref<1000000x32xf32, #tpu.memory_space<hbm>>
    tpu.enqueue_indirect_dma source(%dma_start3A_32 : memref<1000000x32xf32, #tpu.memory_space<hbm>>) target(%dma_start3A_26 : memref<128x32xf32, #tpu.memory_space<vmem>>) offsets(%dma_start3A_29 : memref<128xi32, #tpu.memory_space<vmem>>) semaphore(%arg12 : memref<!tpu.dma_semaphore, #tpu.memory_space<semaphore_mem>>)
    %dma_start3A_33 = arith.constant 3 : i32
    %dma_start3A_34 = arith.constant 384 : i32
    %dma_start3A_35 = arith.constant 0 : i32
    %dma_start3A_36 = tpu.memref_slice %arg7[%dma_start3A_34, %dma_start3A_35] : memref<512x32xf32, #tpu.memory_space<vmem>> -> memref<128x32xf32, #tpu.memory_space<vmem>>
    %dma_start3A_37 = arith.constant 0 : i32
    %dma_start3A_38 = tpu.memref_slice %arg6[%dma_start3A_33, %dma_start3A_37] : memref<200x128xi32, #tpu.memory_space<vmem>> -> memref<1x128xi32, #tpu.memory_space<vmem>>
    %dma_start3A_39 = tpu.memref_squeeze %dma_start3A_38 : memref<1x128xi32, #tpu.memory_space<vmem>> -> memref<128xi32, #tpu.memory_space<vmem>>
    %dma_start3A_40 = arith.constant 0 : i32
    %dma_start3A_41 = arith.constant 0 : i32
    %dma_start3A_42 = tpu.memref_slice %arg2[%dma_start3A_40, %dma_start3A_41] : memref<1000000x32xf32, #tpu.memory_space<hbm>> -> memref<1000000x32xf32, #tpu.memory_space<hbm>>
    tpu.enqueue_indirect_dma source(%dma_start3A_42 : memref<1000000x32xf32, #tpu.memory_space<hbm>>) target(%dma_start3A_36 : memref<128x32xf32, #tpu.memory_space<vmem>>) offsets(%dma_start3A_39 : memref<128xi32, #tpu.memory_space<vmem>>) semaphore(%arg12 : memref<!tpu.dma_semaphore, #tpu.memory_space<semaphore_mem>>)
    %dma_start3A_43 = arith.constant 4 : i32
    %dma_start3A_44 = arith.constant 0 : i32
    %dma_start3A_45 = arith.constant 0 : i32
    %dma_start3A_46 = tpu.memref_slice %arg8[%dma_start3A_44, %dma_start3A_45] : memref<512x32xf32, #tpu.memory_space<vmem>> -> memref<128x32xf32, #tpu.memory_space<vmem>>
    %dma_start3A_47 = arith.constant 0 : i32
    %dma_start3A_48 = tpu.memref_slice %arg6[%dma_start3A_43, %dma_start3A_47] : memref<200x128xi32, #tpu.memory_space<vmem>> -> memref<1x128xi32, #tpu.memory_space<vmem>>
    %dma_start3A_49 = tpu.memref_squeeze %dma_start3A_48 : memref<1x128xi32, #tpu.memory_space<vmem>> -> memref<128xi32, #tpu.memory_space<vmem>>
    %dma_start3A_50 = arith.constant 0 : i32
    %dma_start3A_51 = arith.constant 0 : i32
    %dma_start3A_52 = tpu.memref_slice %arg2[%dma_start3A_50, %dma_start3A_51] : memref<1000000x32xf32, #tpu.memory_space<hbm>> -> memref<1000000x32xf32, #tpu.memory_space<hbm>>
    tpu.enqueue_indirect_dma source(%dma_start3A_52 : memref<1000000x32xf32, #tpu.memory_space<hbm>>) target(%dma_start3A_46 : memref<128x32xf32, #tpu.memory_space<vmem>>) offsets(%dma_start3A_49 : memref<128xi32, #tpu.memory_space<vmem>>) semaphore(%arg13 : memref<!tpu.dma_semaphore, #tpu.memory_space<semaphore_mem>>)
    %dma_start3A_53 = arith.constant 5 : i32
    %dma_start3A_54 = arith.constant 128 : i32
    %dma_start3A_55 = arith.constant 0 : i32
    %dma_start3A_56 = tpu.memref_slice %arg8[%dma_start3A_54, %dma_start3A_55] : memref<512x32xf32, #tpu.memory_space<vmem>> -> memref<128x32xf32, #tpu.memory_space<vmem>>
    %dma_start3A_57 = arith.constant 0 : i32
    %dma_start3A_58 = tpu.memref_slice %arg6[%dma_start3A_53, %dma_start3A_57] : memref<200x128xi32, #tpu.memory_space<vmem>> -> memref<1x128xi32, #tpu.memory_space<vmem>>
    %dma_start3A_59 = tpu.memref_squeeze %dma_start3A_58 : memref<1x128xi32, #tpu.memory_space<vmem>> -> memref<128xi32, #tpu.memory_space<vmem>>
    %dma_start3A_60 = arith.constant 0 : i32
    %dma_start3A_61 = arith.constant 0 : i32
    %dma_start3A_62 = tpu.memref_slice %arg2[%dma_start3A_60, %dma_start3A_61] : memref<1000000x32xf32, #tpu.memory_space<hbm>> -> memref<1000000x32xf32, #tpu.memory_space<hbm>>
    tpu.enqueue_indirect_dma source(%dma_start3A_62 : memref<1000000x32xf32, #tpu.memory_space<hbm>>) target(%dma_start3A_56 : memref<128x32xf32, #tpu.memory_space<vmem>>) offsets(%dma_start3A_59 : memref<128xi32, #tpu.memory_space<vmem>>) semaphore(%arg13 : memref<!tpu.dma_semaphore, #tpu.memory_space<semaphore_mem>>)
    %dma_start3A_63 = arith.constant 6 : i32
    %dma_start3A_64 = arith.constant 256 : i32
    %dma_start3A_65 = arith.constant 0 : i32
    %dma_start3A_66 = tpu.memref_slice %arg8[%dma_start3A_64, %dma_start3A_65] : memref<512x32xf32, #tpu.memory_space<vmem>> -> memref<128x32xf32, #tpu.memory_space<vmem>>
    %dma_start3A_67 = arith.constant 0 : i32
    %dma_start3A_68 = tpu.memref_slice %arg6[%dma_start3A_63, %dma_start3A_67] : memref<200x128xi32, #tpu.memory_space<vmem>> -> memref<1x128xi32, #tpu.memory_space<vmem>>
    %dma_start3A_69 = tpu.memref_squeeze %dma_start3A_68 : memref<1x128xi32, #tpu.memory_space<vmem>> -> memref<128xi32, #tpu.memory_space<vmem>>
    %dma_start3A_70 = arith.constant 0 : i32
    %dma_start3A_71 = arith.constant 0 : i32
    %dma_start3A_72 = tpu.memref_slice %arg2[%dma_start3A_70, %dma_start3A_71] : memref<1000000x32xf32, #tpu.memory_space<hbm>> -> memref<1000000x32xf32, #tpu.memory_space<hbm>>
    tpu.enqueue_indirect_dma source(%dma_start3A_72 : memref<1000000x32xf32, #tpu.memory_space<hbm>>) target(%dma_start3A_66 : memref<128x32xf32, #tpu.memory_space<vmem>>) offsets(%dma_start3A_69 : memref<128xi32, #tpu.memory_space<vmem>>) semaphore(%arg13 : memref<!tpu.dma_semaphore, #tpu.memory_space<semaphore_mem>>)
    %dma_start3A_73 = arith.constant 7 : i32
    %dma_start3A_74 = arith.constant 384 : i32
    %dma_start3A_75 = arith.constant 0 : i32
    %dma_start3A_76 = tpu.memref_slice %arg8[%dma_start3A_74, %dma_start3A_75] : memref<512x32xf32, #tpu.memory_space<vmem>> -> memref<128x32xf32, #tpu.memory_space<vmem>>
    %dma_start3A_77 = arith.constant 0 : i32
    %dma_start3A_78 = tpu.memref_slice %arg6[%dma_start3A_73, %dma_start3A_77] : memref<200x128xi32, #tpu.memory_space<vmem>> -> memref<1x128xi32, #tpu.memory_space<vmem>>
    %dma_start3A_79 = tpu.memref_squeeze %dma_start3A_78 : memref<1x128xi32, #tpu.memory_space<vmem>> -> memref<128xi32, #tpu.memory_space<vmem>>
    %dma_start3A_80 = arith.constant 0 : i32
    %dma_start3A_81 = arith.constant 0 : i32
    %dma_start3A_82 = tpu.memref_slice %arg2[%dma_start3A_80, %dma_start3A_81] : memref<1000000x32xf32, #tpu.memory_space<hbm>> -> memref<1000000x32xf32, #tpu.memory_space<hbm>>
    tpu.enqueue_indirect_dma source(%dma_start3A_82 : memref<1000000x32xf32, #tpu.memory_space<hbm>>) target(%dma_start3A_76 : memref<128x32xf32, #tpu.memory_space<vmem>>) offsets(%dma_start3A_79 : memref<128xi32, #tpu.memory_space<vmem>>) semaphore(%arg13 : memref<!tpu.dma_semaphore, #tpu.memory_space<semaphore_mem>>)
    %dma_wait3A = arith.constant 0 : i32
    %dma_wait3A_83 = arith.constant 0 : i32
    %dma_wait3A_84 = tpu.memref_slice %arg2[%dma_wait3A, %dma_wait3A_83] : memref<1000000x32xf32, #tpu.memory_space<hbm>> -> memref<512x32xf32, #tpu.memory_space<hbm>>
    %dma_wait3A_85 = arith.constant 0 : i32
    %dma_wait3A_86 = arith.constant 0 : i32
    %dma_wait3A_87 = tpu.memref_slice %arg2[%dma_wait3A_85, %dma_wait3A_86] : memref<1000000x32xf32, #tpu.memory_space<hbm>> -> memref<512x32xf32, #tpu.memory_space<hbm>>
    tpu.wait_dma2 semaphore(%arg12 : memref<!tpu.dma_semaphore, #tpu.memory_space<semaphore_mem>>) src(%dma_wait3A_87 : memref<512x32xf32, #tpu.memory_space<hbm>>) dst(%arg7 : memref<512x32xf32, #tpu.memory_space<vmem>>)
    %add3A_88 = arith.constant 16 : i32
    %add3A_89 = vector.broadcast %add3A_88 : i32 to vector<16xi32>
    %add3A_90 = arith.addi %iota3A, %add3A_89 : vector<16xi32>
    %scan3A = arith.constant 0 : i32
    %scan3A_91 = arith.constant 0 : i32
    %scan3A_92 = arith.constant 512 : i32
    %scan3A_93 = arith.addi %scan3A_91, %scan3A_92 : i32
    %scan3A_94 = arith.constant 4 : i32
    %scan3A_95 = scf.for %scan3A_336 = %scan3A_91 to %scan3A_93 step %scan3A_94 iter_args(%scan3A_337 = %scan3A) -> (i32)  : i32 {
      %broadcast_in_dim3A = vector.broadcast %scan3A_336 : i32 to vector<16xi32>
      %get3A_338 = arith.index_cast %scan3A_336 : i32 to index
      %get3A_339 = arith.constant 0 : index
      %get3A_340 = tpu.vector_load %arg7[%get3A_338, %get3A_339] {strides = array<i32>} : memref<512x32xf32, #tpu.memory_space<vmem>>, vector<16xf32>,
      %get3A_341 = arith.index_cast %scan3A_336 : i32 to index
      %get3A_342 = arith.constant 16 : index
      %get3A_343 = tpu.vector_load %arg7[%get3A_341, %get3A_342] {strides = array<i32>} : memref<512x32xf32, #tpu.memory_space<vmem>>, vector<16xf32>,
      %mul3A_344 = arith.mulf %get3A_340, %exp3A : vector<16xf32>
      tpu.vector_store_idx %arg9[%iota3A, %broadcast_in_dim3A], %mul3A_344 : memref<32x513xf32, #tpu.memory_space<vmem>>[vector<16xi32>, vector<16xi32>], vector<16xf32>,
      %mul3A_345 = arith.mulf %get3A_343, %exp3A : vector<16xf32>
      tpu.vector_store_idx %arg9[%add3A_90, %broadcast_in_dim3A], %mul3A_345 : memref<32x513xf32, #tpu.memory_space<vmem>>[vector<16xi32>, vector<16xi32>], vector<16xf32>,
      %scan3A_346 = arith.constant 0 : i32
      %scan3A_347 = arith.constant 1 : i32
      %scan3A_348 = arith.addi %scan3A_336, %scan3A_347 : i32
      %broadcast_in_dim3A_349 = vector.broadcast %scan3A_348 : i32 to vector<16xi32>
      %get3A_350 = arith.index_cast %scan3A_348 : i32 to index
      %get3A_351 = arith.constant 0 : index
      %get3A_352 = tpu.vector_load %arg7[%get3A_350, %get3A_351] {strides = array<i32>} : memref<512x32xf32, #tpu.memory_space<vmem>>, vector<16xf32>,
      %get3A_353 = arith.index_cast %scan3A_348 : i32 to index
      %get3A_354 = arith.constant 16 : index
      %get3A_355 = tpu.vector_load %arg7[%get3A_353, %get3A_354] {strides = array<i32>} : memref<512x32xf32, #tpu.memory_space<vmem>>, vector<16xf32>,
      %mul3A_356 = arith.mulf %get3A_352, %exp3A : vector<16xf32>
      tpu.vector_store_idx %arg9[%iota3A, %broadcast_in_dim3A_349], %mul3A_356 : memref<32x513xf32, #tpu.memory_space<vmem>>[vector<16xi32>, vector<16xi32>], vector<16xf32>,
      %mul3A_357 = arith.mulf %get3A_355, %exp3A : vector<16xf32>
      tpu.vector_store_idx %arg9[%add3A_90, %broadcast_in_dim3A_349], %mul3A_357 : memref<32x513xf32, #tpu.memory_space<vmem>>[vector<16xi32>, vector<16xi32>], vector<16xf32>,
      %scan3A_358 = arith.constant 0 : i32
      %scan3A_359 = arith.constant 2 : i32
      %scan3A_360 = arith.addi %scan3A_336, %scan3A_359 : i32
      %broadcast_in_dim3A_361 = vector.broadcast %scan3A_360 : i32 to vector<16xi32>
      %get3A_362 = arith.index_cast %scan3A_360 : i32 to index
      %get3A_363 = arith.constant 0 : index
      %get3A_364 = tpu.vector_load %arg7[%get3A_362, %get3A_363] {strides = array<i32>} : memref<512x32xf32, #tpu.memory_space<vmem>>, vector<16xf32>,
      %get3A_365 = arith.index_cast %scan3A_360 : i32 to index
      %get3A_366 = arith.constant 16 : index
      %get3A_367 = tpu.vector_load %arg7[%get3A_365, %get3A_366] {strides = array<i32>} : memref<512x32xf32, #tpu.memory_space<vmem>>, vector<16xf32>,
      %mul3A_368 = arith.mulf %get3A_364, %exp3A : vector<16xf32>
      tpu.vector_store_idx %arg9[%iota3A, %broadcast_in_dim3A_361], %mul3A_368 : memref<32x513xf32, #tpu.memory_space<vmem>>[vector<16xi32>, vector<16xi32>], vector<16xf32>,
      %mul3A_369 = arith.mulf %get3A_367, %exp3A : vector<16xf32>
      tpu.vector_store_idx %arg9[%add3A_90, %broadcast_in_dim3A_361], %mul3A_369 : memref<32x513xf32, #tpu.memory_space<vmem>>[vector<16xi32>, vector<16xi32>], vector<16xf32>,
      %scan3A_370 = arith.constant 0 : i32
      %scan3A_371 = arith.constant 3 : i32
      %scan3A_372 = arith.addi %scan3A_336, %scan3A_371 : i32
      %broadcast_in_dim3A_373 = vector.broadcast %scan3A_372 : i32 to vector<16xi32>
      %get3A_374 = arith.index_cast %scan3A_372 : i32 to index
      %get3A_375 = arith.constant 0 : index
      %get3A_376 = tpu.vector_load %arg7[%get3A_374, %get3A_375] {strides = array<i32>} : memref<512x32xf32, #tpu.memory_space<vmem>>, vector<16xf32>,
      %get3A_377 = arith.index_cast %scan3A_372 : i32 to index
      %get3A_378 = arith.constant 16 : index
      %get3A_379 = tpu.vector_load %arg7[%get3A_377, %get3A_378] {strides = array<i32>} : memref<512x32xf32, #tpu.memory_space<vmem>>, vector<16xf32>,
      %mul3A_380 = arith.mulf %get3A_376, %exp3A : vector<16xf32>
      tpu.vector_store_idx %arg9[%iota3A, %broadcast_in_dim3A_373], %mul3A_380 : memref<32x513xf32, #tpu.memory_space<vmem>>[vector<16xi32>, vector<16xi32>], vector<16xf32>,
      %mul3A_381 = arith.mulf %get3A_379, %exp3A : vector<16xf32>
      tpu.vector_store_idx %arg9[%add3A_90, %broadcast_in_dim3A_373], %mul3A_381 : memref<32x513xf32, #tpu.memory_space<vmem>>[vector<16xi32>, vector<16xi32>], vector<16xf32>,
      %scan3A_382 = arith.constant 0 : i32
      scf.yield %scan3A_382 : i32
    }
    %scan3A_96 = arith.constant 512 : i32
    %dma_start3A_97 = arith.constant 0 : i32
    %dma_start3A_98 = arith.constant 0 : i32
    %dma_start3A_99 = arith.constant 0 : i32
    %dma_start3A_100 = tpu.memref_slice %arg9[%dma_start3A_98, %dma_start3A_99] : memref<32x513xf32, #tpu.memory_space<vmem>> -> memref<32x512xf32, #tpu.memory_space<vmem>>
    %dma_start3A_101 = arith.constant 0 : i32
    %dma_start3A_102 = tpu.memref_slice %arg5[%dma_start3A_97, %dma_start3A_101, %mul3A_2] : memref<50x32x16384xf32, #tpu.memory_space<hbm>> -> memref<1x32x512xf32, #tpu.memory_space<hbm>>
    %dma_start3A_103 = tpu.memref_squeeze %dma_start3A_102 : memref<1x32x512xf32, #tpu.memory_space<hbm>> -> memref<32x512xf32, #tpu.memory_space<hbm>>
    %dma_start3A_104 = arith.constant 0 : i32
    %dma_start3A_105 = tpu.memref_slice %arg5[%dma_start3A_97, %dma_start3A_104, %mul3A_2] : memref<50x32x16384xf32, #tpu.memory_space<hbm>> -> memref<1x32x512xf32, #tpu.memory_space<hbm>>
    %dma_start3A_106 = tpu.memref_squeeze %dma_start3A_105 : memref<1x32x512xf32, #tpu.memory_space<hbm>> -> memref<32x512xf32, #tpu.memory_space<hbm>>
    %dma_start3A_107 = arith.constant 0 : i32
    %dma_start3A_108 = arith.constant 0 : i32
    %dma_start3A_109 = tpu.memref_slice %arg9[%dma_start3A_107, %dma_start3A_108] : memref<32x513xf32, #tpu.memory_space<vmem>> -> memref<32x512xf32, #tpu.memory_space<vmem>>
    tpu.enqueue_dma source(%dma_start3A_109 : memref<32x512xf32, #tpu.memory_space<vmem>>) target(%dma_start3A_106 : memref<32x512xf32, #tpu.memory_space<hbm>>) target_semaphore(%arg14 : memref<!tpu.dma_semaphore, #tpu.memory_space<semaphore_mem>>)
    %dma_start3A_110 = arith.constant 8 : i32
    %dma_start3A_111 = arith.constant 0 : i32
    %dma_start3A_112 = arith.constant 0 : i32
    %dma_start3A_113 = tpu.memref_slice %arg7[%dma_start3A_111, %dma_start3A_112] : memref<512x32xf32, #tpu.memory_space<vmem>> -> memref<128x32xf32, #tpu.memory_space<vmem>>
    %dma_start3A_114 = arith.constant 0 : i32
    %dma_start3A_115 = tpu.memref_slice %arg6[%dma_start3A_110, %dma_start3A_114] : memref<200x128xi32, #tpu.memory_space<vmem>> -> memref<1x128xi32, #tpu.memory_space<vmem>>
    %dma_start3A_116 = tpu.memref_squeeze %dma_start3A_115 : memref<1x128xi32, #tpu.memory_space<vmem>> -> memref<128xi32, #tpu.memory_space<vmem>>
    %dma_start3A_117 = arith.constant 0 : i32
    %dma_start3A_118 = arith.constant 0 : i32
    %dma_start3A_119 = tpu.memref_slice %arg2[%dma_start3A_117, %dma_start3A_118] : memref<1000000x32xf32, #tpu.memory_space<hbm>> -> memref<1000000x32xf32, #tpu.memory_space<hbm>>
    tpu.enqueue_indirect_dma source(%dma_start3A_119 : memref<1000000x32xf32, #tpu.memory_space<hbm>>) target(%dma_start3A_113 : memref<128x32xf32, #tpu.memory_space<vmem>>) offsets(%dma_start3A_116 : memref<128xi32, #tpu.memory_space<vmem>>) semaphore(%arg12 : memref<!tpu.dma_semaphore, #tpu.memory_space<semaphore_mem>>)
    %dma_start3A_120 = arith.constant 9 : i32
    %dma_start3A_121 = arith.constant 128 : i32
    %dma_start3A_122 = arith.constant 0 : i32
    %dma_start3A_123 = tpu.memref_slice %arg7[%dma_start3A_121, %dma_start3A_122] : memref<512x32xf32, #tpu.memory_space<vmem>> -> memref<128x32xf32, #tpu.memory_space<vmem>>
    %dma_start3A_124 = arith.constant 0 : i32
    %dma_start3A_125 = tpu.memref_slice %arg6[%dma_start3A_120, %dma_start3A_124] : memref<200x128xi32, #tpu.memory_space<vmem>> -> memref<1x128xi32, #tpu.memory_space<vmem>>
    %dma_start3A_126 = tpu.memref_squeeze %dma_start3A_125 : memref<1x128xi32, #tpu.memory_space<vmem>> -> memref<128xi32, #tpu.memory_space<vmem>>
    %dma_start3A_127 = arith.constant 0 : i32
    %dma_start3A_128 = arith.constant 0 : i32
    %dma_start3A_129 = tpu.memref_slice %arg2[%dma_start3A_127, %dma_start3A_128] : memref<1000000x32xf32, #tpu.memory_space<hbm>> -> memref<1000000x32xf32, #tpu.memory_space<hbm>>
    tpu.enqueue_indirect_dma source(%dma_start3A_129 : memref<1000000x32xf32, #tpu.memory_space<hbm>>) target(%dma_start3A_123 : memref<128x32xf32, #tpu.memory_space<vmem>>) offsets(%dma_start3A_126 : memref<128xi32, #tpu.memory_space<vmem>>) semaphore(%arg12 : memref<!tpu.dma_semaphore, #tpu.memory_space<semaphore_mem>>)
    %dma_start3A_130 = arith.constant 10 : i32
    %dma_start3A_131 = arith.constant 256 : i32
    %dma_start3A_132 = arith.constant 0 : i32
    %dma_start3A_133 = tpu.memref_slice %arg7[%dma_start3A_131, %dma_start3A_132] : memref<512x32xf32, #tpu.memory_space<vmem>> -> memref<128x32xf32, #tpu.memory_space<vmem>>
    %dma_start3A_134 = arith.constant 0 : i32
    %dma_start3A_135 = tpu.memref_slice %arg6[%dma_start3A_130, %dma_start3A_134] : memref<200x128xi32, #tpu.memory_space<vmem>> -> memref<1x128xi32, #tpu.memory_space<vmem>>
    %dma_start3A_136 = tpu.memref_squeeze %dma_start3A_135 : memref<1x128xi32, #tpu.memory_space<vmem>> -> memref<128xi32, #tpu.memory_space<vmem>>
    %dma_start3A_137 = arith.constant 0 : i32
    %dma_start3A_138 = arith.constant 0 : i32
    %dma_start3A_139 = tpu.memref_slice %arg2[%dma_start3A_137, %dma_start3A_138] : memref<1000000x32xf32, #tpu.memory_space<hbm>> -> memref<1000000x32xf32, #tpu.memory_space<hbm>>
    tpu.enqueue_indirect_dma source(%dma_start3A_139 : memref<1000000x32xf32, #tpu.memory_space<hbm>>) target(%dma_start3A_133 : memref<128x32xf32, #tpu.memory_space<vmem>>) offsets(%dma_start3A_136 : memref<128xi32, #tpu.memory_space<vmem>>) semaphore(%arg12 : memref<!tpu.dma_semaphore, #tpu.memory_space<semaphore_mem>>)
    %dma_start3A_140 = arith.constant 11 : i32
    %dma_start3A_141 = arith.constant 384 : i32
    %dma_start3A_142 = arith.constant 0 : i32
    %dma_start3A_143 = tpu.memref_slice %arg7[%dma_start3A_141, %dma_start3A_142] : memref<512x32xf32, #tpu.memory_space<vmem>> -> memref<128x32xf32, #tpu.memory_space<vmem>>
    %dma_start3A_144 = arith.constant 0 : i32
    %dma_start3A_145 = tpu.memref_slice %arg6[%dma_start3A_140, %dma_start3A_144] : memref<200x128xi32, #tpu.memory_space<vmem>> -> memref<1x128xi32, #tpu.memory_space<vmem>>
    %dma_start3A_146 = tpu.memref_squeeze %dma_start3A_145 : memref<1x128xi32, #tpu.memory_space<vmem>> -> memref<128xi32, #tpu.memory_space<vmem>>
    %dma_start3A_147 = arith.constant 0 : i32
    %dma_start3A_148 = arith.constant 0 : i32
    %dma_start3A_149 = tpu.memref_slice %arg2[%dma_start3A_147, %dma_start3A_148] : memref<1000000x32xf32, #tpu.memory_space<hbm>> -> memref<1000000x32xf32, #tpu.memory_space<hbm>>
    tpu.enqueue_indirect_dma source(%dma_start3A_149 : memref<1000000x32xf32, #tpu.memory_space<hbm>>) target(%dma_start3A_143 : memref<128x32xf32, #tpu.memory_space<vmem>>) offsets(%dma_start3A_146 : memref<128xi32, #tpu.memory_space<vmem>>) semaphore(%arg12 : memref<!tpu.dma_semaphore, #tpu.memory_space<semaphore_mem>>)
    %dma_wait3A_150 = arith.constant 0 : i32
    %dma_wait3A_151 = arith.constant 0 : i32
    %dma_wait3A_152 = tpu.memref_slice %arg2[%dma_wait3A_150, %dma_wait3A_151] : memref<1000000x32xf32, #tpu.memory_space<hbm>> -> memref<512x32xf32, #tpu.memory_space<hbm>>
    %dma_wait3A_153 = arith.constant 0 : i32
    %dma_wait3A_154 = arith.constant 0 : i32
    %dma_wait3A_155 = tpu.memref_slice %arg2[%dma_wait3A_153, %dma_wait3A_154] : memref<1000000x32xf32, #tpu.memory_space<hbm>> -> memref<512x32xf32, #tpu.memory_space<hbm>>
    tpu.wait_dma2 semaphore(%arg13 : memref<!tpu.dma_semaphore, #tpu.memory_space<semaphore_mem>>) src(%dma_wait3A_155 : memref<512x32xf32, #tpu.memory_space<hbm>>) dst(%arg8 : memref<512x32xf32, #tpu.memory_space<vmem>>)
    %add3A_156 = arith.constant 16 : i32
    %add3A_157 = vector.broadcast %add3A_156 : i32 to vector<16xi32>
    %add3A_158 = arith.addi %iota3A, %add3A_157 : vector<16xi32>
    %scan3A_159 = arith.constant 0 : i32
    %scan3A_160 = arith.constant 0 : i32
    %scan3A_161 = arith.constant 512 : i32
    %scan3A_162 = arith.addi %scan3A_160, %scan3A_161 : i32
    %scan3A_163 = arith.constant 4 : i32
    %scan3A_164 = scf.for %scan3A_336 = %scan3A_160 to %scan3A_162 step %scan3A_163 iter_args(%scan3A_337 = %scan3A_159) -> (i32)  : i32 {
      %broadcast_in_dim3A = vector.broadcast %scan3A_336 : i32 to vector<16xi32>
      %get3A_338 = arith.index_cast %scan3A_336 : i32 to index
      %get3A_339 = arith.constant 0 : index
      %get3A_340 = tpu.vector_load %arg8[%get3A_338, %get3A_339] {strides = array<i32>} : memref<512x32xf32, #tpu.memory_space<vmem>>, vector<16xf32>,
      %get3A_341 = arith.index_cast %scan3A_336 : i32 to index
      %get3A_342 = arith.constant 16 : index
      %get3A_343 = tpu.vector_load %arg8[%get3A_341, %get3A_342] {strides = array<i32>} : memref<512x32xf32, #tpu.memory_space<vmem>>, vector<16xf32>,
      %mul3A_344 = arith.mulf %get3A_340, %exp3A : vector<16xf32>
      tpu.vector_store_idx %arg10[%iota3A, %broadcast_in_dim3A], %mul3A_344 : memref<32x513xf32, #tpu.memory_space<vmem>>[vector<16xi32>, vector<16xi32>], vector<16xf32>,
      %mul3A_345 = arith.mulf %get3A_343, %exp3A : vector<16xf32>
      tpu.vector_store_idx %arg10[%add3A_158, %broadcast_in_dim3A], %mul3A_345 : memref<32x513xf32, #tpu.memory_space<vmem>>[vector<16xi32>, vector<16xi32>], vector<16xf32>,
      %scan3A_346 = arith.constant 0 : i32
      %scan3A_347 = arith.constant 1 : i32
      %scan3A_348 = arith.addi %scan3A_336, %scan3A_347 : i32
      %broadcast_in_dim3A_349 = vector.broadcast %scan3A_348 : i32 to vector<16xi32>
      %get3A_350 = arith.index_cast %scan3A_348 : i32 to index
      %get3A_351 = arith.constant 0 : index
      %get3A_352 = tpu.vector_load %arg8[%get3A_350, %get3A_351] {strides = array<i32>} : memref<512x32xf32, #tpu.memory_space<vmem>>, vector<16xf32>,
      %get3A_353 = arith.index_cast %scan3A_348 : i32 to index
      %get3A_354 = arith.constant 16 : index
      %get3A_355 = tpu.vector_load %arg8[%get3A_353, %get3A_354] {strides = array<i32>} : memref<512x32xf32, #tpu.memory_space<vmem>>, vector<16xf32>,
      %mul3A_356 = arith.mulf %get3A_352, %exp3A : vector<16xf32>
      tpu.vector_store_idx %arg10[%iota3A, %broadcast_in_dim3A_349], %mul3A_356 : memref<32x513xf32, #tpu.memory_space<vmem>>[vector<16xi32>, vector<16xi32>], vector<16xf32>,
      %mul3A_357 = arith.mulf %get3A_355, %exp3A : vector<16xf32>
      tpu.vector_store_idx %arg10[%add3A_158, %broadcast_in_dim3A_349], %mul3A_357 : memref<32x513xf32, #tpu.memory_space<vmem>>[vector<16xi32>, vector<16xi32>], vector<16xf32>,
      %scan3A_358 = arith.constant 0 : i32
      %scan3A_359 = arith.constant 2 : i32
      %scan3A_360 = arith.addi %scan3A_336, %scan3A_359 : i32
      %broadcast_in_dim3A_361 = vector.broadcast %scan3A_360 : i32 to vector<16xi32>
      %get3A_362 = arith.index_cast %scan3A_360 : i32 to index
      %get3A_363 = arith.constant 0 : index
      %get3A_364 = tpu.vector_load %arg8[%get3A_362, %get3A_363] {strides = array<i32>} : memref<512x32xf32, #tpu.memory_space<vmem>>, vector<16xf32>,
      %get3A_365 = arith.index_cast %scan3A_360 : i32 to index
      %get3A_366 = arith.constant 16 : index
      %get3A_367 = tpu.vector_load %arg8[%get3A_365, %get3A_366] {strides = array<i32>} : memref<512x32xf32, #tpu.memory_space<vmem>>, vector<16xf32>,
      %mul3A_368 = arith.mulf %get3A_364, %exp3A : vector<16xf32>
      tpu.vector_store_idx %arg10[%iota3A, %broadcast_in_dim3A_361], %mul3A_368 : memref<32x513xf32, #tpu.memory_space<vmem>>[vector<16xi32>, vector<16xi32>], vector<16xf32>,
      %mul3A_369 = arith.mulf %get3A_367, %exp3A : vector<16xf32>
      tpu.vector_store_idx %arg10[%add3A_158, %broadcast_in_dim3A_361], %mul3A_369 : memref<32x513xf32, #tpu.memory_space<vmem>>[vector<16xi32>, vector<16xi32>], vector<16xf32>,
      %scan3A_370 = arith.constant 0 : i32
      %scan3A_371 = arith.constant 3 : i32
      %scan3A_372 = arith.addi %scan3A_336, %scan3A_371 : i32
      %broadcast_in_dim3A_373 = vector.broadcast %scan3A_372 : i32 to vector<16xi32>
      %get3A_374 = arith.index_cast %scan3A_372 : i32 to index
      %get3A_375 = arith.constant 0 : index
      %get3A_376 = tpu.vector_load %arg8[%get3A_374, %get3A_375] {strides = array<i32>} : memref<512x32xf32, #tpu.memory_space<vmem>>, vector<16xf32>,
      %get3A_377 = arith.index_cast %scan3A_372 : i32 to index
      %get3A_378 = arith.constant 16 : index
      %get3A_379 = tpu.vector_load %arg8[%get3A_377, %get3A_378] {strides = array<i32>} : memref<512x32xf32, #tpu.memory_space<vmem>>, vector<16xf32>,
      %mul3A_380 = arith.mulf %get3A_376, %exp3A : vector<16xf32>
      tpu.vector_store_idx %arg10[%iota3A, %broadcast_in_dim3A_373], %mul3A_380 : memref<32x513xf32, #tpu.memory_space<vmem>>[vector<16xi32>, vector<16xi32>], vector<16xf32>,
      %mul3A_381 = arith.mulf %get3A_379, %exp3A : vector<16xf32>
      tpu.vector_store_idx %arg10[%add3A_158, %broadcast_in_dim3A_373], %mul3A_381 : memref<32x513xf32, #tpu.memory_space<vmem>>[vector<16xi32>, vector<16xi32>], vector<16xf32>,
      %scan3A_382 = arith.constant 0 : i32
      scf.yield %scan3A_382 : i32
    }
    %scan3A_165 = arith.constant 512 : i32
    %dma_start3A_166 = arith.constant 1 : i32
    %dma_start3A_167 = arith.constant 0 : i32
    %dma_start3A_168 = arith.constant 0 : i32
    %dma_start3A_169 = tpu.memref_slice %arg10[%dma_start3A_167, %dma_start3A_168] : memref<32x513xf32, #tpu.memory_space<vmem>> -> memref<32x512xf32, #tpu.memory_space<vmem>>
    %dma_start3A_170 = arith.constant 0 : i32
    %dma_start3A_171 = tpu.memref_slice %arg5[%dma_start3A_166, %dma_start3A_170, %mul3A_2] : memref<50x32x16384xf32, #tpu.memory_space<hbm>> -> memref<1x32x512xf32, #tpu.memory_space<hbm>>
    %dma_start3A_172 = tpu.memref_squeeze %dma_start3A_171 : memref<1x32x512xf32, #tpu.memory_space<hbm>> -> memref<32x512xf32, #tpu.memory_space<hbm>>
    %dma_start3A_173 = arith.constant 0 : i32
    %dma_start3A_174 = tpu.memref_slice %arg5[%dma_start3A_166, %dma_start3A_173, %mul3A_2] : memref<50x32x16384xf32, #tpu.memory_space<hbm>> -> memref<1x32x512xf32, #tpu.memory_space<hbm>>
    %dma_start3A_175 = tpu.memref_squeeze %dma_start3A_174 : memref<1x32x512xf32, #tpu.memory_space<hbm>> -> memref<32x512xf32, #tpu.memory_space<hbm>>
    %dma_start3A_176 = arith.constant 0 : i32
    %dma_start3A_177 = arith.constant 0 : i32
    %dma_start3A_178 = tpu.memref_slice %arg10[%dma_start3A_176, %dma_start3A_177] : memref<32x513xf32, #tpu.memory_space<vmem>> -> memref<32x512xf32, #tpu.memory_space<vmem>>
    tpu.enqueue_dma source(%dma_start3A_178 : memref<32x512xf32, #tpu.memory_space<vmem>>) target(%dma_start3A_175 : memref<32x512xf32, #tpu.memory_space<hbm>>) target_semaphore(%arg15 : memref<!tpu.dma_semaphore, #tpu.memory_space<semaphore_mem>>)
    %scan3A_179 = arith.constant 0 : i32
    %scan3A_180 = arith.constant 0 : i32
    %scan3A_181 = arith.constant 23 : i32
    %scan3A_182 = arith.addi %scan3A_180, %scan3A_181 : i32
    %scan3A_183 = arith.constant 1 : i32
    %scan3A_184 = scf.for %scan3A_336 = %scan3A_180 to %scan3A_182 step %scan3A_183 iter_args(%scan3A_337 = %scan3A_179) -> (i32)  : i32 {
      %mul3A_338 = arith.constant 2 : i32
      %mul3A_339 = arith.muli %scan3A_336, %mul3A_338 : i32
      %add3A_340 = arith.constant 2 : i32
      %add3A_341 = arith.addi %mul3A_339, %add3A_340 : i32
      %add3A_342 = arith.constant 1 : i32
      %add3A_343 = arith.addi %add3A_341, %add3A_342 : i32
      %mul3A_344 = arith.constant 4 : i32
      %mul3A_345 = arith.muli %add3A_343, %mul3A_344 : i32
      %add3A_346 = arith.constant 0 : i32
      %add3A_347 = arith.addi %mul3A_345, %add3A_346 : i32
      %dma_start3A_348 = arith.constant 0 : i32
      %dma_start3A_349 = arith.constant 0 : i32
      %dma_start3A_350 = tpu.memref_slice %arg8[%dma_start3A_348, %dma_start3A_349] : memref<512x32xf32, #tpu.memory_space<vmem>> -> memref<128x32xf32, #tpu.memory_space<vmem>>
      %dma_start3A_351 = arith.constant 0 : i32
      %dma_start3A_352 = tpu.memref_slice %arg6[%add3A_347, %dma_start3A_351] : memref<200x128xi32, #tpu.memory_space<vmem>> -> memref<1x128xi32, #tpu.memory_space<vmem>>
      %dma_start3A_353 = tpu.memref_squeeze %dma_start3A_352 : memref<1x128xi32, #tpu.memory_space<vmem>> -> memref<128xi32, #tpu.memory_space<vmem>>
      %dma_start3A_354 = arith.constant 0 : i32
      %dma_start3A_355 = arith.constant 0 : i32
      %dma_start3A_356 = tpu.memref_slice %arg2[%dma_start3A_354, %dma_start3A_355] : memref<1000000x32xf32, #tpu.memory_space<hbm>> -> memref<1000000x32xf32, #tpu.memory_space<hbm>>
      tpu.enqueue_indirect_dma source(%dma_start3A_356 : memref<1000000x32xf32, #tpu.memory_space<hbm>>) target(%dma_start3A_350 : memref<128x32xf32, #tpu.memory_space<vmem>>) offsets(%dma_start3A_353 : memref<128xi32, #tpu.memory_space<vmem>>) semaphore(%arg13 : memref<!tpu.dma_semaphore, #tpu.memory_space<semaphore_mem>>)
      %mul3A_357 = arith.constant 4 : i32
      %mul3A_358 = arith.muli %add3A_343, %mul3A_357 : i32
      %add3A_359 = arith.constant 1 : i32
      %add3A_360 = arith.addi %mul3A_358, %add3A_359 : i32
      %dma_start3A_361 = arith.constant 128 : i32
      %dma_start3A_362 = arith.constant 0 : i32
      %dma_start3A_363 = tpu.memref_slice %arg8[%dma_start3A_361, %dma_start3A_362] : memref<512x32xf32, #tpu.memory_space<vmem>> -> memref<128x32xf32, #tpu.memory_space<vmem>>
      %dma_start3A_364 = arith.constant 0 : i32
      %dma_start3A_365 = tpu.memref_slice %arg6[%add3A_360, %dma_start3A_364] : memref<200x128xi32, #tpu.memory_space<vmem>> -> memref<1x128xi32, #tpu.memory_space<vmem>>
      %dma_start3A_366 = tpu.memref_squeeze %dma_start3A_365 : memref<1x128xi32, #tpu.memory_space<vmem>> -> memref<128xi32, #tpu.memory_space<vmem>>
      %dma_start3A_367 = arith.constant 0 : i32
      %dma_start3A_368 = arith.constant 0 : i32
      %dma_start3A_369 = tpu.memref_slice %arg2[%dma_start3A_367, %dma_start3A_368] : memref<1000000x32xf32, #tpu.memory_space<hbm>> -> memref<1000000x32xf32, #tpu.memory_space<hbm>>
      tpu.enqueue_indirect_dma source(%dma_start3A_369 : memref<1000000x32xf32, #tpu.memory_space<hbm>>) target(%dma_start3A_363 : memref<128x32xf32, #tpu.memory_space<vmem>>) offsets(%dma_start3A_366 : memref<128xi32, #tpu.memory_space<vmem>>) semaphore(%arg13 : memref<!tpu.dma_semaphore, #tpu.memory_space<semaphore_mem>>)
      %mul3A_370 = arith.constant 4 : i32
      %mul3A_371 = arith.muli %add3A_343, %mul3A_370 : i32
      %add3A_372 = arith.constant 2 : i32
      %add3A_373 = arith.addi %mul3A_371, %add3A_372 : i32
      %dma_start3A_374 = arith.constant 256 : i32
      %dma_start3A_375 = arith.constant 0 : i32
      %dma_start3A_376 = tpu.memref_slice %arg8[%dma_start3A_374, %dma_start3A_375] : memref<512x32xf32, #tpu.memory_space<vmem>> -> memref<128x32xf32, #tpu.memory_space<vmem>>
      %dma_start3A_377 = arith.constant 0 : i32
      %dma_start3A_378 = tpu.memref_slice %arg6[%add3A_373, %dma_start3A_377] : memref<200x128xi32, #tpu.memory_space<vmem>> -> memref<1x128xi32, #tpu.memory_space<vmem>>
      %dma_start3A_379 = tpu.memref_squeeze %dma_start3A_378 : memref<1x128xi32, #tpu.memory_space<vmem>> -> memref<128xi32, #tpu.memory_space<vmem>>
      %dma_start3A_380 = arith.constant 0 : i32
      %dma_start3A_381 = arith.constant 0 : i32
      %dma_start3A_382 = tpu.memref_slice %arg2[%dma_start3A_380, %dma_start3A_381] : memref<1000000x32xf32, #tpu.memory_space<hbm>> -> memref<1000000x32xf32, #tpu.memory_space<hbm>>
      tpu.enqueue_indirect_dma source(%dma_start3A_382 : memref<1000000x32xf32, #tpu.memory_space<hbm>>) target(%dma_start3A_376 : memref<128x32xf32, #tpu.memory_space<vmem>>) offsets(%dma_start3A_379 : memref<128xi32, #tpu.memory_space<vmem>>) semaphore(%arg13 : memref<!tpu.dma_semaphore, #tpu.memory_space<semaphore_mem>>)
      %mul3A_383 = arith.constant 4 : i32
      %mul3A_384 = arith.muli %add3A_343, %mul3A_383 : i32
      %add3A_385 = arith.constant 3 : i32
      %add3A_386 = arith.addi %mul3A_384, %add3A_385 : i32
      %dma_start3A_387 = arith.constant 384 : i32
      %dma_start3A_388 = arith.constant 0 : i32
      %dma_start3A_389 = tpu.memref_slice %arg8[%dma_start3A_387, %dma_start3A_388] : memref<512x32xf32, #tpu.memory_space<vmem>> -> memref<128x32xf32, #tpu.memory_space<vmem>>
      %dma_start3A_390 = arith.constant 0 : i32
      %dma_start3A_391 = tpu.memref_slice %arg6[%add3A_386, %dma_start3A_390] : memref<200x128xi32, #tpu.memory_space<vmem>> -> memref<1x128xi32, #tpu.memory_space<vmem>>
      %dma_start3A_392 = tpu.memref_squeeze %dma_start3A_391 : memref<1x128xi32, #tpu.memory_space<vmem>> -> memref<128xi32, #tpu.memory_space<vmem>>
      %dma_start3A_393 = arith.constant 0 : i32
      %dma_start3A_394 = arith.constant 0 : i32
      %dma_start3A_395 = tpu.memref_slice %arg2[%dma_start3A_393, %dma_start3A_394] : memref<1000000x32xf32, #tpu.memory_space<hbm>> -> memref<1000000x32xf32, #tpu.memory_space<hbm>>
      tpu.enqueue_indirect_dma source(%dma_start3A_395 : memref<1000000x32xf32, #tpu.memory_space<hbm>>) target(%dma_start3A_389 : memref<128x32xf32, #tpu.memory_space<vmem>>) offsets(%dma_start3A_392 : memref<128xi32, #tpu.memory_space<vmem>>) semaphore(%arg13 : memref<!tpu.dma_semaphore, #tpu.memory_space<semaphore_mem>>)
      %dma_wait3A_396 = arith.constant 0 : i32
      %dma_wait3A_397 = arith.constant 0 : i32
      %dma_wait3A_398 = tpu.memref_slice %arg2[%dma_wait3A_396, %dma_wait3A_397] : memref<1000000x32xf32, #tpu.memory_space<hbm>> -> memref<512x32xf32, #tpu.memory_space<hbm>>
      %dma_wait3A_399 = arith.constant 0 : i32
      %dma_wait3A_400 = arith.constant 0 : i32
      %dma_wait3A_401 = tpu.memref_slice %arg2[%dma_wait3A_399, %dma_wait3A_400] : memref<1000000x32xf32, #tpu.memory_space<hbm>> -> memref<512x32xf32, #tpu.memory_space<hbm>>
      tpu.wait_dma2 semaphore(%arg12 : memref<!tpu.dma_semaphore, #tpu.memory_space<semaphore_mem>>) src(%dma_wait3A_401 : memref<512x32xf32, #tpu.memory_space<hbm>>) dst(%arg7 : memref<512x32xf32, #tpu.memory_space<vmem>>)
      %dma_wait3A_402 = arith.constant 0 : i32
      %dma_wait3A_403 = arith.constant 0 : i32
      %dma_wait3A_404 = arith.constant 0 : i32
      %dma_wait3A_405 = tpu.memref_slice %arg9[%dma_wait3A_403, %dma_wait3A_404] : memref<32x513xf32, #tpu.memory_space<vmem>> -> memref<32x512xf32, #tpu.memory_space<vmem>>
      %dma_wait3A_406 = arith.constant 0 : i32
      %dma_wait3A_407 = tpu.memref_slice %arg5[%dma_wait3A_402, %dma_wait3A_406, %mul3A_2] : memref<50x32x16384xf32, #tpu.memory_space<hbm>> -> memref<1x32x512xf32, #tpu.memory_space<hbm>>
      %dma_wait3A_408 = tpu.memref_squeeze %dma_wait3A_407 : memref<1x32x512xf32, #tpu.memory_space<hbm>> -> memref<32x512xf32, #tpu.memory_space<hbm>>
      %dma_wait3A_409 = arith.constant 0 : i32
      %dma_wait3A_410 = tpu.memref_slice %arg5[%dma_wait3A_402, %dma_wait3A_409, %mul3A_2] : memref<50x32x16384xf32, #tpu.memory_space<hbm>> -> memref<1x32x512xf32, #tpu.memory_space<hbm>>
      %dma_wait3A_411 = tpu.memref_squeeze %dma_wait3A_410 : memref<1x32x512xf32, #tpu.memory_space<hbm>> -> memref<32x512xf32, #tpu.memory_space<hbm>>
      %dma_wait3A_412 = arith.constant 0 : i32
      %dma_wait3A_413 = arith.constant 0 : i32
      %dma_wait3A_414 = tpu.memref_slice %arg9[%dma_wait3A_412, %dma_wait3A_413] : memref<32x513xf32, #tpu.memory_space<vmem>> -> memref<32x512xf32, #tpu.memory_space<vmem>>
      tpu.wait_dma2 semaphore(%arg14 : memref<!tpu.dma_semaphore, #tpu.memory_space<semaphore_mem>>) src(%dma_wait3A_414 : memref<32x512xf32, #tpu.memory_space<vmem>>) dst(%dma_wait3A_411 : memref<32x512xf32, #tpu.memory_space<hbm>>)
      %add3A_415 = arith.constant 16 : i32
      %add3A_416 = vector.broadcast %add3A_415 : i32 to vector<16xi32>
      %add3A_417 = arith.addi %iota3A, %add3A_416 : vector<16xi32>
      %scan3A_418 = arith.constant 0 : i32
      %scan3A_419 = arith.constant 0 : i32
      %scan3A_420 = arith.constant 512 : i32
      %scan3A_421 = arith.addi %scan3A_419, %scan3A_420 : i32
      %scan3A_422 = arith.constant 4 : i32
      %scan3A_423 = scf.for %scan3A_535 = %scan3A_419 to %scan3A_421 step %scan3A_422 iter_args(%scan3A_536 = %scan3A_418) -> (i32)  : i32 {
        %broadcast_in_dim3A = vector.broadcast %scan3A_535 : i32 to vector<16xi32>
        %get3A_537 = arith.index_cast %scan3A_535 : i32 to index
        %get3A_538 = arith.constant 0 : index
        %get3A_539 = tpu.vector_load %arg7[%get3A_537, %get3A_538] {strides = array<i32>} : memref<512x32xf32, #tpu.memory_space<vmem>>, vector<16xf32>,
        %get3A_540 = arith.index_cast %scan3A_535 : i32 to index
        %get3A_541 = arith.constant 16 : index
        %get3A_542 = tpu.vector_load %arg7[%get3A_540, %get3A_541] {strides = array<i32>} : memref<512x32xf32, #tpu.memory_space<vmem>>, vector<16xf32>,
        %mul3A_543 = arith.mulf %get3A_539, %exp3A : vector<16xf32>
        tpu.vector_store_idx %arg9[%iota3A, %broadcast_in_dim3A], %mul3A_543 : memref<32x513xf32, #tpu.memory_space<vmem>>[vector<16xi32>, vector<16xi32>], vector<16xf32>,
        %mul3A_544 = arith.mulf %get3A_542, %exp3A : vector<16xf32>
        tpu.vector_store_idx %arg9[%add3A_417, %broadcast_in_dim3A], %mul3A_544 : memref<32x513xf32, #tpu.memory_space<vmem>>[vector<16xi32>, vector<16xi32>], vector<16xf32>,
        %scan3A_545 = arith.constant 0 : i32
        %scan3A_546 = arith.constant 1 : i32
        %scan3A_547 = arith.addi %scan3A_535, %scan3A_546 : i32
        %broadcast_in_dim3A_548 = vector.broadcast %scan3A_547 : i32 to vector<16xi32>
        %get3A_549 = arith.index_cast %scan3A_547 : i32 to index
        %get3A_550 = arith.constant 0 : index
        %get3A_551 = tpu.vector_load %arg7[%get3A_549, %get3A_550] {strides = array<i32>} : memref<512x32xf32, #tpu.memory_space<vmem>>, vector<16xf32>,
        %get3A_552 = arith.index_cast %scan3A_547 : i32 to index
        %get3A_553 = arith.constant 16 : index
        %get3A_554 = tpu.vector_load %arg7[%get3A_552, %get3A_553] {strides = array<i32>} : memref<512x32xf32, #tpu.memory_space<vmem>>, vector<16xf32>,
        %mul3A_555 = arith.mulf %get3A_551, %exp3A : vector<16xf32>
        tpu.vector_store_idx %arg9[%iota3A, %broadcast_in_dim3A_548], %mul3A_555 : memref<32x513xf32, #tpu.memory_space<vmem>>[vector<16xi32>, vector<16xi32>], vector<16xf32>,
        %mul3A_556 = arith.mulf %get3A_554, %exp3A : vector<16xf32>
        tpu.vector_store_idx %arg9[%add3A_417, %broadcast_in_dim3A_548], %mul3A_556 : memref<32x513xf32, #tpu.memory_space<vmem>>[vector<16xi32>, vector<16xi32>], vector<16xf32>,
        %scan3A_557 = arith.constant 0 : i32
        %scan3A_558 = arith.constant 2 : i32
        %scan3A_559 = arith.addi %scan3A_535, %scan3A_558 : i32
        %broadcast_in_dim3A_560 = vector.broadcast %scan3A_559 : i32 to vector<16xi32>
        %get3A_561 = arith.index_cast %scan3A_559 : i32 to index
        %get3A_562 = arith.constant 0 : index
        %get3A_563 = tpu.vector_load %arg7[%get3A_561, %get3A_562] {strides = array<i32>} : memref<512x32xf32, #tpu.memory_space<vmem>>, vector<16xf32>,
        %get3A_564 = arith.index_cast %scan3A_559 : i32 to index
        %get3A_565 = arith.constant 16 : index
        %get3A_566 = tpu.vector_load %arg7[%get3A_564, %get3A_565] {strides = array<i32>} : memref<512x32xf32, #tpu.memory_space<vmem>>, vector<16xf32>,
        %mul3A_567 = arith.mulf %get3A_563, %exp3A : vector<16xf32>
        tpu.vector_store_idx %arg9[%iota3A, %broadcast_in_dim3A_560], %mul3A_567 : memref<32x513xf32, #tpu.memory_space<vmem>>[vector<16xi32>, vector<16xi32>], vector<16xf32>,
        %mul3A_568 = arith.mulf %get3A_566, %exp3A : vector<16xf32>
        tpu.vector_store_idx %arg9[%add3A_417, %broadcast_in_dim3A_560], %mul3A_568 : memref<32x513xf32, #tpu.memory_space<vmem>>[vector<16xi32>, vector<16xi32>], vector<16xf32>,
        %scan3A_569 = arith.constant 0 : i32
        %scan3A_570 = arith.constant 3 : i32
        %scan3A_571 = arith.addi %scan3A_535, %scan3A_570 : i32
        %broadcast_in_dim3A_572 = vector.broadcast %scan3A_571 : i32 to vector<16xi32>
        %get3A_573 = arith.index_cast %scan3A_571 : i32 to index
        %get3A_574 = arith.constant 0 : index
        %get3A_575 = tpu.vector_load %arg7[%get3A_573, %get3A_574] {strides = array<i32>} : memref<512x32xf32, #tpu.memory_space<vmem>>, vector<16xf32>,
        %get3A_576 = arith.index_cast %scan3A_571 : i32 to index
        %get3A_577 = arith.constant 16 : index
        %get3A_578 = tpu.vector_load %arg7[%get3A_576, %get3A_577] {strides = array<i32>} : memref<512x32xf32, #tpu.memory_space<vmem>>, vector<16xf32>,
        %mul3A_579 = arith.mulf %get3A_575, %exp3A : vector<16xf32>
        tpu.vector_store_idx %arg9[%iota3A, %broadcast_in_dim3A_572], %mul3A_579 : memref<32x513xf32, #tpu.memory_space<vmem>>[vector<16xi32>, vector<16xi32>], vector<16xf32>,
        %mul3A_580 = arith.mulf %get3A_578, %exp3A : vector<16xf32>
        tpu.vector_store_idx %arg9[%add3A_417, %broadcast_in_dim3A_572], %mul3A_580 : memref<32x513xf32, #tpu.memory_space<vmem>>[vector<16xi32>, vector<16xi32>], vector<16xf32>,
        %scan3A_581 = arith.constant 0 : i32
        scf.yield %scan3A_581 : i32
      }
      %scan3A_424 = arith.constant 512 : i32
      %dma_start3A_425 = arith.constant 0 : i32
      %dma_start3A_426 = arith.constant 0 : i32
      %dma_start3A_427 = tpu.memref_slice %arg9[%dma_start3A_425, %dma_start3A_426] : memref<32x513xf32, #tpu.memory_space<vmem>> -> memref<32x512xf32, #tpu.memory_space<vmem>>
      %dma_start3A_428 = arith.constant 0 : i32
      %dma_start3A_429 = tpu.memref_slice %arg5[%add3A_341, %dma_start3A_428, %mul3A_2] : memref<50x32x16384xf32, #tpu.memory_space<hbm>> -> memref<1x32x512xf32, #tpu.memory_space<hbm>>
      %dma_start3A_430 = tpu.memref_squeeze %dma_start3A_429 : memref<1x32x512xf32, #tpu.memory_space<hbm>> -> memref<32x512xf32, #tpu.memory_space<hbm>>
      %dma_start3A_431 = arith.constant 0 : i32
      %dma_start3A_432 = tpu.memref_slice %arg5[%add3A_341, %dma_start3A_431, %mul3A_2] : memref<50x32x16384xf32, #tpu.memory_space<hbm>> -> memref<1x32x512xf32, #tpu.memory_space<hbm>>
      %dma_start3A_433 = tpu.memref_squeeze %dma_start3A_432 : memref<1x32x512xf32, #tpu.memory_space<hbm>> -> memref<32x512xf32, #tpu.memory_space<hbm>>
      %dma_start3A_434 = arith.constant 0 : i32
      %dma_start3A_435 = arith.constant 0 : i32
      %dma_start3A_436 = tpu.memref_slice %arg9[%dma_start3A_434, %dma_start3A_435] : memref<32x513xf32, #tpu.memory_space<vmem>> -> memref<32x512xf32, #tpu.memory_space<vmem>>
      tpu.enqueue_dma source(%dma_start3A_436 : memref<32x512xf32, #tpu.memory_space<vmem>>) target(%dma_start3A_433 : memref<32x512xf32, #tpu.memory_space<hbm>>) target_semaphore(%arg14 : memref<!tpu.dma_semaphore, #tpu.memory_space<semaphore_mem>>)
      %add3A_437 = arith.constant 1 : i32
      %add3A_438 = arith.addi %add3A_341, %add3A_437 : i32
      %add3A_439 = arith.constant 1 : i32
      %add3A_440 = arith.addi %add3A_438, %add3A_439 : i32
      %mul3A_441 = arith.constant 4 : i32
      %mul3A_442 = arith.muli %add3A_440, %mul3A_441 : i32
      %add3A_443 = arith.constant 0 : i32
      %add3A_444 = arith.addi %mul3A_442, %add3A_443 : i32
      %dma_start3A_445 = arith.constant 0 : i32
      %dma_start3A_446 = arith.constant 0 : i32
      %dma_start3A_447 = tpu.memref_slice %arg7[%dma_start3A_445, %dma_start3A_446] : memref<512x32xf32, #tpu.memory_space<vmem>> -> memref<128x32xf32, #tpu.memory_space<vmem>>
      %dma_start3A_448 = arith.constant 0 : i32
      %dma_start3A_449 = tpu.memref_slice %arg6[%add3A_444, %dma_start3A_448] : memref<200x128xi32, #tpu.memory_space<vmem>> -> memref<1x128xi32, #tpu.memory_space<vmem>>
      %dma_start3A_450 = tpu.memref_squeeze %dma_start3A_449 : memref<1x128xi32, #tpu.memory_space<vmem>> -> memref<128xi32, #tpu.memory_space<vmem>>
      %dma_start3A_451 = arith.constant 0 : i32
      %dma_start3A_452 = arith.constant 0 : i32
      %dma_start3A_453 = tpu.memref_slice %arg2[%dma_start3A_451, %dma_start3A_452] : memref<1000000x32xf32, #tpu.memory_space<hbm>> -> memref<1000000x32xf32, #tpu.memory_space<hbm>>
      tpu.enqueue_indirect_dma source(%dma_start3A_453 : memref<1000000x32xf32, #tpu.memory_space<hbm>>) target(%dma_start3A_447 : memref<128x32xf32, #tpu.memory_space<vmem>>) offsets(%dma_start3A_450 : memref<128xi32, #tpu.memory_space<vmem>>) semaphore(%arg12 : memref<!tpu.dma_semaphore, #tpu.memory_space<semaphore_mem>>)
      %mul3A_454 = arith.constant 4 : i32
      %mul3A_455 = arith.muli %add3A_440, %mul3A_454 : i32
      %add3A_456 = arith.constant 1 : i32
      %add3A_457 = arith.addi %mul3A_455, %add3A_456 : i32
      %dma_start3A_458 = arith.constant 128 : i32
      %dma_start3A_459 = arith.constant 0 : i32
      %dma_start3A_460 = tpu.memref_slice %arg7[%dma_start3A_458, %dma_start3A_459] : memref<512x32xf32, #tpu.memory_space<vmem>> -> memref<128x32xf32, #tpu.memory_space<vmem>>
      %dma_start3A_461 = arith.constant 0 : i32
      %dma_start3A_462 = tpu.memref_slice %arg6[%add3A_457, %dma_start3A_461] : memref<200x128xi32, #tpu.memory_space<vmem>> -> memref<1x128xi32, #tpu.memory_space<vmem>>
      %dma_start3A_463 = tpu.memref_squeeze %dma_start3A_462 : memref<1x128xi32, #tpu.memory_space<vmem>> -> memref<128xi32, #tpu.memory_space<vmem>>
      %dma_start3A_464 = arith.constant 0 : i32
      %dma_start3A_465 = arith.constant 0 : i32
      %dma_start3A_466 = tpu.memref_slice %arg2[%dma_start3A_464, %dma_start3A_465] : memref<1000000x32xf32, #tpu.memory_space<hbm>> -> memref<1000000x32xf32, #tpu.memory_space<hbm>>
      tpu.enqueue_indirect_dma source(%dma_start3A_466 : memref<1000000x32xf32, #tpu.memory_space<hbm>>) target(%dma_start3A_460 : memref<128x32xf32, #tpu.memory_space<vmem>>) offsets(%dma_start3A_463 : memref<128xi32, #tpu.memory_space<vmem>>) semaphore(%arg12 : memref<!tpu.dma_semaphore, #tpu.memory_space<semaphore_mem>>)
      %mul3A_467 = arith.constant 4 : i32
      %mul3A_468 = arith.muli %add3A_440, %mul3A_467 : i32
      %add3A_469 = arith.constant 2 : i32
      %add3A_470 = arith.addi %mul3A_468, %add3A_469 : i32
      %dma_start3A_471 = arith.constant 256 : i32
      %dma_start3A_472 = arith.constant 0 : i32
      %dma_start3A_473 = tpu.memref_slice %arg7[%dma_start3A_471, %dma_start3A_472] : memref<512x32xf32, #tpu.memory_space<vmem>> -> memref<128x32xf32, #tpu.memory_space<vmem>>
      %dma_start3A_474 = arith.constant 0 : i32
      %dma_start3A_475 = tpu.memref_slice %arg6[%add3A_470, %dma_start3A_474] : memref<200x128xi32, #tpu.memory_space<vmem>> -> memref<1x128xi32, #tpu.memory_space<vmem>>
      %dma_start3A_476 = tpu.memref_squeeze %dma_start3A_475 : memref<1x128xi32, #tpu.memory_space<vmem>> -> memref<128xi32, #tpu.memory_space<vmem>>
      %dma_start3A_477 = arith.constant 0 : i32
      %dma_start3A_478 = arith.constant 0 : i32
      %dma_start3A_479 = tpu.memref_slice %arg2[%dma_start3A_477, %dma_start3A_478] : memref<1000000x32xf32, #tpu.memory_space<hbm>> -> memref<1000000x32xf32, #tpu.memory_space<hbm>>
      tpu.enqueue_indirect_dma source(%dma_start3A_479 : memref<1000000x32xf32, #tpu.memory_space<hbm>>) target(%dma_start3A_473 : memref<128x32xf32, #tpu.memory_space<vmem>>) offsets(%dma_start3A_476 : memref<128xi32, #tpu.memory_space<vmem>>) semaphore(%arg12 : memref<!tpu.dma_semaphore, #tpu.memory_space<semaphore_mem>>)
      %mul3A_480 = arith.constant 4 : i32
      %mul3A_481 = arith.muli %add3A_440, %mul3A_480 : i32
      %add3A_482 = arith.constant 3 : i32
      %add3A_483 = arith.addi %mul3A_481, %add3A_482 : i32
      %dma_start3A_484 = arith.constant 384 : i32
      %dma_start3A_485 = arith.constant 0 : i32
      %dma_start3A_486 = tpu.memref_slice %arg7[%dma_start3A_484, %dma_start3A_485] : memref<512x32xf32, #tpu.memory_space<vmem>> -> memref<128x32xf32, #tpu.memory_space<vmem>>
      %dma_start3A_487 = arith.constant 0 : i32
      %dma_start3A_488 = tpu.memref_slice %arg6[%add3A_483, %dma_start3A_487] : memref<200x128xi32, #tpu.memory_space<vmem>> -> memref<1x128xi32, #tpu.memory_space<vmem>>
      %dma_start3A_489 = tpu.memref_squeeze %dma_start3A_488 : memref<1x128xi32, #tpu.memory_space<vmem>> -> memref<128xi32, #tpu.memory_space<vmem>>
      %dma_start3A_490 = arith.constant 0 : i32
      %dma_start3A_491 = arith.constant 0 : i32
      %dma_start3A_492 = tpu.memref_slice %arg2[%dma_start3A_490, %dma_start3A_491] : memref<1000000x32xf32, #tpu.memory_space<hbm>> -> memref<1000000x32xf32, #tpu.memory_space<hbm>>
      tpu.enqueue_indirect_dma source(%dma_start3A_492 : memref<1000000x32xf32, #tpu.memory_space<hbm>>) target(%dma_start3A_486 : memref<128x32xf32, #tpu.memory_space<vmem>>) offsets(%dma_start3A_489 : memref<128xi32, #tpu.memory_space<vmem>>) semaphore(%arg12 : memref<!tpu.dma_semaphore, #tpu.memory_space<semaphore_mem>>)
      %dma_wait3A_493 = arith.constant 0 : i32
      %dma_wait3A_494 = arith.constant 0 : i32
      %dma_wait3A_495 = tpu.memref_slice %arg2[%dma_wait3A_493, %dma_wait3A_494] : memref<1000000x32xf32, #tpu.memory_space<hbm>> -> memref<512x32xf32, #tpu.memory_space<hbm>>
      %dma_wait3A_496 = arith.constant 0 : i32
      %dma_wait3A_497 = arith.constant 0 : i32
      %dma_wait3A_498 = tpu.memref_slice %arg2[%dma_wait3A_496, %dma_wait3A_497] : memref<1000000x32xf32, #tpu.memory_space<hbm>> -> memref<512x32xf32, #tpu.memory_space<hbm>>
      tpu.wait_dma2 semaphore(%arg13 : memref<!tpu.dma_semaphore, #tpu.memory_space<semaphore_mem>>) src(%dma_wait3A_498 : memref<512x32xf32, #tpu.memory_space<hbm>>) dst(%arg8 : memref<512x32xf32, #tpu.memory_space<vmem>>)
      %dma_wait3A_499 = arith.constant 0 : i32
      %dma_wait3A_500 = arith.constant 0 : i32
      %dma_wait3A_501 = arith.constant 0 : i32
      %dma_wait3A_502 = tpu.memref_slice %arg10[%dma_wait3A_500, %dma_wait3A_501] : memref<32x513xf32, #tpu.memory_space<vmem>> -> memref<32x512xf32, #tpu.memory_space<vmem>>
      %dma_wait3A_503 = arith.constant 0 : i32
      %dma_wait3A_504 = tpu.memref_slice %arg5[%dma_wait3A_499, %dma_wait3A_503, %mul3A_2] : memref<50x32x16384xf32, #tpu.memory_space<hbm>> -> memref<1x32x512xf32, #tpu.memory_space<hbm>>
      %dma_wait3A_505 = tpu.memref_squeeze %dma_wait3A_504 : memref<1x32x512xf32, #tpu.memory_space<hbm>> -> memref<32x512xf32, #tpu.memory_space<hbm>>
      %dma_wait3A_506 = arith.constant 0 : i32
      %dma_wait3A_507 = tpu.memref_slice %arg5[%dma_wait3A_499, %dma_wait3A_506, %mul3A_2] : memref<50x32x16384xf32, #tpu.memory_space<hbm>> -> memref<1x32x512xf32, #tpu.memory_space<hbm>>
      %dma_wait3A_508 = tpu.memref_squeeze %dma_wait3A_507 : memref<1x32x512xf32, #tpu.memory_space<hbm>> -> memref<32x512xf32, #tpu.memory_space<hbm>>
      %dma_wait3A_509 = arith.constant 0 : i32
      %dma_wait3A_510 = arith.constant 0 : i32
      %dma_wait3A_511 = tpu.memref_slice %arg10[%dma_wait3A_509, %dma_wait3A_510] : memref<32x513xf32, #tpu.memory_space<vmem>> -> memref<32x512xf32, #tpu.memory_space<vmem>>
      tpu.wait_dma2 semaphore(%arg15 : memref<!tpu.dma_semaphore, #tpu.memory_space<semaphore_mem>>) src(%dma_wait3A_511 : memref<32x512xf32, #tpu.memory_space<vmem>>) dst(%dma_wait3A_508 : memref<32x512xf32, #tpu.memory_space<hbm>>)
      %add3A_512 = arith.constant 16 : i32
      %add3A_513 = vector.broadcast %add3A_512 : i32 to vector<16xi32>
      %add3A_514 = arith.addi %iota3A, %add3A_513 : vector<16xi32>
      %scan3A_515 = arith.constant 0 : i32
      %scan3A_516 = arith.constant 0 : i32
      %scan3A_517 = arith.constant 512 : i32
      %scan3A_518 = arith.addi %scan3A_516, %scan3A_517 : i32
      %scan3A_519 = arith.constant 4 : i32
      %scan3A_520 = scf.for %scan3A_535 = %scan3A_516 to %scan3A_518 step %scan3A_519 iter_args(%scan3A_536 = %scan3A_515) -> (i32)  : i32 {
        %broadcast_in_dim3A = vector.broadcast %scan3A_535 : i32 to vector<16xi32>
        %get3A_537 = arith.index_cast %scan3A_535 : i32 to index
        %get3A_538 = arith.constant 0 : index
        %get3A_539 = tpu.vector_load %arg8[%get3A_537, %get3A_538] {strides = array<i32>} : memref<512x32xf32, #tpu.memory_space<vmem>>, vector<16xf32>,
        %get3A_540 = arith.index_cast %scan3A_535 : i32 to index
        %get3A_541 = arith.constant 16 : index
        %get3A_542 = tpu.vector_load %arg8[%get3A_540, %get3A_541] {strides = array<i32>} : memref<512x32xf32, #tpu.memory_space<vmem>>, vector<16xf32>,
        %mul3A_543 = arith.mulf %get3A_539, %exp3A : vector<16xf32>
        tpu.vector_store_idx %arg10[%iota3A, %broadcast_in_dim3A], %mul3A_543 : memref<32x513xf32, #tpu.memory_space<vmem>>[vector<16xi32>, vector<16xi32>], vector<16xf32>,
        %mul3A_544 = arith.mulf %get3A_542, %exp3A : vector<16xf32>
        tpu.vector_store_idx %arg10[%add3A_514, %broadcast_in_dim3A], %mul3A_544 : memref<32x513xf32, #tpu.memory_space<vmem>>[vector<16xi32>, vector<16xi32>], vector<16xf32>,
        %scan3A_545 = arith.constant 0 : i32
        %scan3A_546 = arith.constant 1 : i32
        %scan3A_547 = arith.addi %scan3A_535, %scan3A_546 : i32
        %broadcast_in_dim3A_548 = vector.broadcast %scan3A_547 : i32 to vector<16xi32>
        %get3A_549 = arith.index_cast %scan3A_547 : i32 to index
        %get3A_550 = arith.constant 0 : index
        %get3A_551 = tpu.vector_load %arg8[%get3A_549, %get3A_550] {strides = array<i32>} : memref<512x32xf32, #tpu.memory_space<vmem>>, vector<16xf32>,
        %get3A_552 = arith.index_cast %scan3A_547 : i32 to index
        %get3A_553 = arith.constant 16 : index
        %get3A_554 = tpu.vector_load %arg8[%get3A_552, %get3A_553] {strides = array<i32>} : memref<512x32xf32, #tpu.memory_space<vmem>>, vector<16xf32>,
        %mul3A_555 = arith.mulf %get3A_551, %exp3A : vector<16xf32>
        tpu.vector_store_idx %arg10[%iota3A, %broadcast_in_dim3A_548], %mul3A_555 : memref<32x513xf32, #tpu.memory_space<vmem>>[vector<16xi32>, vector<16xi32>], vector<16xf32>,
        %mul3A_556 = arith.mulf %get3A_554, %exp3A : vector<16xf32>
        tpu.vector_store_idx %arg10[%add3A_514, %broadcast_in_dim3A_548], %mul3A_556 : memref<32x513xf32, #tpu.memory_space<vmem>>[vector<16xi32>, vector<16xi32>], vector<16xf32>,
        %scan3A_557 = arith.constant 0 : i32
        %scan3A_558 = arith.constant 2 : i32
        %scan3A_559 = arith.addi %scan3A_535, %scan3A_558 : i32
        %broadcast_in_dim3A_560 = vector.broadcast %scan3A_559 : i32 to vector<16xi32>
        %get3A_561 = arith.index_cast %scan3A_559 : i32 to index
        %get3A_562 = arith.constant 0 : index
        %get3A_563 = tpu.vector_load %arg8[%get3A_561, %get3A_562] {strides = array<i32>} : memref<512x32xf32, #tpu.memory_space<vmem>>, vector<16xf32>,
        %get3A_564 = arith.index_cast %scan3A_559 : i32 to index
        %get3A_565 = arith.constant 16 : index
        %get3A_566 = tpu.vector_load %arg8[%get3A_564, %get3A_565] {strides = array<i32>} : memref<512x32xf32, #tpu.memory_space<vmem>>, vector<16xf32>,
        %mul3A_567 = arith.mulf %get3A_563, %exp3A : vector<16xf32>
        tpu.vector_store_idx %arg10[%iota3A, %broadcast_in_dim3A_560], %mul3A_567 : memref<32x513xf32, #tpu.memory_space<vmem>>[vector<16xi32>, vector<16xi32>], vector<16xf32>,
        %mul3A_568 = arith.mulf %get3A_566, %exp3A : vector<16xf32>
        tpu.vector_store_idx %arg10[%add3A_514, %broadcast_in_dim3A_560], %mul3A_568 : memref<32x513xf32, #tpu.memory_space<vmem>>[vector<16xi32>, vector<16xi32>], vector<16xf32>,
        %scan3A_569 = arith.constant 0 : i32
        %scan3A_570 = arith.constant 3 : i32
        %scan3A_571 = arith.addi %scan3A_535, %scan3A_570 : i32
        %broadcast_in_dim3A_572 = vector.broadcast %scan3A_571 : i32 to vector<16xi32>
        %get3A_573 = arith.index_cast %scan3A_571 : i32 to index
        %get3A_574 = arith.constant 0 : index
        %get3A_575 = tpu.vector_load %arg8[%get3A_573, %get3A_574] {strides = array<i32>} : memref<512x32xf32, #tpu.memory_space<vmem>>, vector<16xf32>,
        %get3A_576 = arith.index_cast %scan3A_571 : i32 to index
        %get3A_577 = arith.constant 16 : index
        %get3A_578 = tpu.vector_load %arg8[%get3A_576, %get3A_577] {strides = array<i32>} : memref<512x32xf32, #tpu.memory_space<vmem>>, vector<16xf32>,
        %mul3A_579 = arith.mulf %get3A_575, %exp3A : vector<16xf32>
        tpu.vector_store_idx %arg10[%iota3A, %broadcast_in_dim3A_572], %mul3A_579 : memref<32x513xf32, #tpu.memory_space<vmem>>[vector<16xi32>, vector<16xi32>], vector<16xf32>,
        %mul3A_580 = arith.mulf %get3A_578, %exp3A : vector<16xf32>
        tpu.vector_store_idx %arg10[%add3A_514, %broadcast_in_dim3A_572], %mul3A_580 : memref<32x513xf32, #tpu.memory_space<vmem>>[vector<16xi32>, vector<16xi32>], vector<16xf32>,
        %scan3A_581 = arith.constant 0 : i32
        scf.yield %scan3A_581 : i32
      }
      %scan3A_521 = arith.constant 512 : i32
      %dma_start3A_522 = arith.constant 0 : i32
      %dma_start3A_523 = arith.constant 0 : i32
      %dma_start3A_524 = tpu.memref_slice %arg10[%dma_start3A_522, %dma_start3A_523] : memref<32x513xf32, #tpu.memory_space<vmem>> -> memref<32x512xf32, #tpu.memory_space<vmem>>
      %dma_start3A_525 = arith.constant 0 : i32
      %dma_start3A_526 = tpu.memref_slice %arg5[%add3A_438, %dma_start3A_525, %mul3A_2] : memref<50x32x16384xf32, #tpu.memory_space<hbm>> -> memref<1x32x512xf32, #tpu.memory_space<hbm>>
      %dma_start3A_527 = tpu.memref_squeeze %dma_start3A_526 : memref<1x32x512xf32, #tpu.memory_space<hbm>> -> memref<32x512xf32, #tpu.memory_space<hbm>>
      %dma_start3A_528 = arith.constant 0 : i32
      %dma_start3A_529 = tpu.memref_slice %arg5[%add3A_438, %dma_start3A_528, %mul3A_2] : memref<50x32x16384xf32, #tpu.memory_space<hbm>> -> memref<1x32x512xf32, #tpu.memory_space<hbm>>
      %dma_start3A_530 = tpu.memref_squeeze %dma_start3A_529 : memref<1x32x512xf32, #tpu.memory_space<hbm>> -> memref<32x512xf32, #tpu.memory_space<hbm>>
      %dma_start3A_531 = arith.constant 0 : i32
      %dma_start3A_532 = arith.constant 0 : i32
      %dma_start3A_533 = tpu.memref_slice %arg10[%dma_start3A_531, %dma_start3A_532] : memref<32x513xf32, #tpu.memory_space<vmem>> -> memref<32x512xf32, #tpu.memory_space<vmem>>
      tpu.enqueue_dma source(%dma_start3A_533 : memref<32x512xf32, #tpu.memory_space<vmem>>) target(%dma_start3A_530 : memref<32x512xf32, #tpu.memory_space<hbm>>) target_semaphore(%arg15 : memref<!tpu.dma_semaphore, #tpu.memory_space<semaphore_mem>>)
      %scan3A_534 = arith.constant 0 : i32
      scf.yield %scan3A_534 : i32
    }
    %scan3A_185 = arith.constant 23 : i32
    %dma_start3A_186 = arith.constant 196 : i32
    %dma_start3A_187 = arith.constant 0 : i32
    %dma_start3A_188 = arith.constant 0 : i32
    %dma_start3A_189 = tpu.memref_slice %arg8[%dma_start3A_187, %dma_start3A_188] : memref<512x32xf32, #tpu.memory_space<vmem>> -> memref<128x32xf32, #tpu.memory_space<vmem>>
    %dma_start3A_190 = arith.constant 0 : i32
    %dma_start3A_191 = tpu.memref_slice %arg6[%dma_start3A_186, %dma_start3A_190] : memref<200x128xi32, #tpu.memory_space<vmem>> -> memref<1x128xi32, #tpu.memory_space<vmem>>
    %dma_start3A_192 = tpu.memref_squeeze %dma_start3A_191 : memref<1x128xi32, #tpu.memory_space<vmem>> -> memref<128xi32, #tpu.memory_space<vmem>>
    %dma_start3A_193 = arith.constant 0 : i32
    %dma_start3A_194 = arith.constant 0 : i32
    %dma_start3A_195 = tpu.memref_slice %arg2[%dma_start3A_193, %dma_start3A_194] : memref<1000000x32xf32, #tpu.memory_space<hbm>> -> memref<1000000x32xf32, #tpu.memory_space<hbm>>
    tpu.enqueue_indirect_dma source(%dma_start3A_195 : memref<1000000x32xf32, #tpu.memory_space<hbm>>) target(%dma_start3A_189 : memref<128x32xf32, #tpu.memory_space<vmem>>) offsets(%dma_start3A_192 : memref<128xi32, #tpu.memory_space<vmem>>) semaphore(%arg13 : memref<!tpu.dma_semaphore, #tpu.memory_space<semaphore_mem>>)
    %dma_start3A_196 = arith.constant 197 : i32
    %dma_start3A_197 = arith.constant 128 : i32
    %dma_start3A_198 = arith.constant 0 : i32
    %dma_start3A_199 = tpu.memref_slice %arg8[%dma_start3A_197, %dma_start3A_198] : memref<512x32xf32, #tpu.memory_space<vmem>> -> memref<128x32xf32, #tpu.memory_space<vmem>>
    %dma_start3A_200 = arith.constant 0 : i32
    %dma_start3A_201 = tpu.memref_slice %arg6[%dma_start3A_196, %dma_start3A_200] : memref<200x128xi32, #tpu.memory_space<vmem>> -> memref<1x128xi32, #tpu.memory_space<vmem>>
    %dma_start3A_202 = tpu.memref_squeeze %dma_start3A_201 : memref<1x128xi32, #tpu.memory_space<vmem>> -> memref<128xi32, #tpu.memory_space<vmem>>
    %dma_start3A_203 = arith.constant 0 : i32
    %dma_start3A_204 = arith.constant 0 : i32
    %dma_start3A_205 = tpu.memref_slice %arg2[%dma_start3A_203, %dma_start3A_204] : memref<1000000x32xf32, #tpu.memory_space<hbm>> -> memref<1000000x32xf32, #tpu.memory_space<hbm>>
    tpu.enqueue_indirect_dma source(%dma_start3A_205 : memref<1000000x32xf32, #tpu.memory_space<hbm>>) target(%dma_start3A_199 : memref<128x32xf32, #tpu.memory_space<vmem>>) offsets(%dma_start3A_202 : memref<128xi32, #tpu.memory_space<vmem>>) semaphore(%arg13 : memref<!tpu.dma_semaphore, #tpu.memory_space<semaphore_mem>>)
    %dma_start3A_206 = arith.constant 198 : i32
    %dma_start3A_207 = arith.constant 256 : i32
    %dma_start3A_208 = arith.constant 0 : i32
    %dma_start3A_209 = tpu.memref_slice %arg8[%dma_start3A_207, %dma_start3A_208] : memref<512x32xf32, #tpu.memory_space<vmem>> -> memref<128x32xf32, #tpu.memory_space<vmem>>
    %dma_start3A_210 = arith.constant 0 : i32
    %dma_start3A_211 = tpu.memref_slice %arg6[%dma_start3A_206, %dma_start3A_210] : memref<200x128xi32, #tpu.memory_space<vmem>> -> memref<1x128xi32, #tpu.memory_space<vmem>>
    %dma_start3A_212 = tpu.memref_squeeze %dma_start3A_211 : memref<1x128xi32, #tpu.memory_space<vmem>> -> memref<128xi32, #tpu.memory_space<vmem>>
    %dma_start3A_213 = arith.constant 0 : i32
    %dma_start3A_214 = arith.constant 0 : i32
    %dma_start3A_215 = tpu.memref_slice %arg2[%dma_start3A_213, %dma_start3A_214] : memref<1000000x32xf32, #tpu.memory_space<hbm>> -> memref<1000000x32xf32, #tpu.memory_space<hbm>>
    tpu.enqueue_indirect_dma source(%dma_start3A_215 : memref<1000000x32xf32, #tpu.memory_space<hbm>>) target(%dma_start3A_209 : memref<128x32xf32, #tpu.memory_space<vmem>>) offsets(%dma_start3A_212 : memref<128xi32, #tpu.memory_space<vmem>>) semaphore(%arg13 : memref<!tpu.dma_semaphore, #tpu.memory_space<semaphore_mem>>)
    %dma_start3A_216 = arith.constant 199 : i32
    %dma_start3A_217 = arith.constant 384 : i32
    %dma_start3A_218 = arith.constant 0 : i32
    %dma_start3A_219 = tpu.memref_slice %arg8[%dma_start3A_217, %dma_start3A_218] : memref<512x32xf32, #tpu.memory_space<vmem>> -> memref<128x32xf32, #tpu.memory_space<vmem>>
    %dma_start3A_220 = arith.constant 0 : i32
    %dma_start3A_221 = tpu.memref_slice %arg6[%dma_start3A_216, %dma_start3A_220] : memref<200x128xi32, #tpu.memory_space<vmem>> -> memref<1x128xi32, #tpu.memory_space<vmem>>
    %dma_start3A_222 = tpu.memref_squeeze %dma_start3A_221 : memref<1x128xi32, #tpu.memory_space<vmem>> -> memref<128xi32, #tpu.memory_space<vmem>>
    %dma_start3A_223 = arith.constant 0 : i32
    %dma_start3A_224 = arith.constant 0 : i32
    %dma_start3A_225 = tpu.memref_slice %arg2[%dma_start3A_223, %dma_start3A_224] : memref<1000000x32xf32, #tpu.memory_space<hbm>> -> memref<1000000x32xf32, #tpu.memory_space<hbm>>
    tpu.enqueue_indirect_dma source(%dma_start3A_225 : memref<1000000x32xf32, #tpu.memory_space<hbm>>) target(%dma_start3A_219 : memref<128x32xf32, #tpu.memory_space<vmem>>) offsets(%dma_start3A_222 : memref<128xi32, #tpu.memory_space<vmem>>) semaphore(%arg13 : memref<!tpu.dma_semaphore, #tpu.memory_space<semaphore_mem>>)
    %dma_wait3A_226 = arith.constant 0 : i32
    %dma_wait3A_227 = arith.constant 0 : i32
    %dma_wait3A_228 = tpu.memref_slice %arg2[%dma_wait3A_226, %dma_wait3A_227] : memref<1000000x32xf32, #tpu.memory_space<hbm>> -> memref<512x32xf32, #tpu.memory_space<hbm>>
    %dma_wait3A_229 = arith.constant 0 : i32
    %dma_wait3A_230 = arith.constant 0 : i32
    %dma_wait3A_231 = tpu.memref_slice %arg2[%dma_wait3A_229, %dma_wait3A_230] : memref<1000000x32xf32, #tpu.memory_space<hbm>> -> memref<512x32xf32, #tpu.memory_space<hbm>>
    tpu.wait_dma2 semaphore(%arg12 : memref<!tpu.dma_semaphore, #tpu.memory_space<semaphore_mem>>) src(%dma_wait3A_231 : memref<512x32xf32, #tpu.memory_space<hbm>>) dst(%arg7 : memref<512x32xf32, #tpu.memory_space<vmem>>)
    %dma_wait3A_232 = arith.constant 0 : i32
    %dma_wait3A_233 = arith.constant 0 : i32
    %dma_wait3A_234 = arith.constant 0 : i32
    %dma_wait3A_235 = tpu.memref_slice %arg9[%dma_wait3A_233, %dma_wait3A_234] : memref<32x513xf32, #tpu.memory_space<vmem>> -> memref<32x512xf32, #tpu.memory_space<vmem>>
    %dma_wait3A_236 = arith.constant 0 : i32
    %dma_wait3A_237 = tpu.memref_slice %arg5[%dma_wait3A_232, %dma_wait3A_236, %mul3A_2] : memref<50x32x16384xf32, #tpu.memory_space<hbm>> -> memref<1x32x512xf32, #tpu.memory_space<hbm>>
    %dma_wait3A_238 = tpu.memref_squeeze %dma_wait3A_237 : memref<1x32x512xf32, #tpu.memory_space<hbm>> -> memref<32x512xf32, #tpu.memory_space<hbm>>
    %dma_wait3A_239 = arith.constant 0 : i32
    %dma_wait3A_240 = tpu.memref_slice %arg5[%dma_wait3A_232, %dma_wait3A_239, %mul3A_2] : memref<50x32x16384xf32, #tpu.memory_space<hbm>> -> memref<1x32x512xf32, #tpu.memory_space<hbm>>
    %dma_wait3A_241 = tpu.memref_squeeze %dma_wait3A_240 : memref<1x32x512xf32, #tpu.memory_space<hbm>> -> memref<32x512xf32, #tpu.memory_space<hbm>>
    %dma_wait3A_242 = arith.constant 0 : i32
    %dma_wait3A_243 = arith.constant 0 : i32
    %dma_wait3A_244 = tpu.memref_slice %arg9[%dma_wait3A_242, %dma_wait3A_243] : memref<32x513xf32, #tpu.memory_space<vmem>> -> memref<32x512xf32, #tpu.memory_space<vmem>>
    tpu.wait_dma2 semaphore(%arg14 : memref<!tpu.dma_semaphore, #tpu.memory_space<semaphore_mem>>) src(%dma_wait3A_244 : memref<32x512xf32, #tpu.memory_space<vmem>>) dst(%dma_wait3A_241 : memref<32x512xf32, #tpu.memory_space<hbm>>)
    %add3A_245 = arith.constant 16 : i32
    %add3A_246 = vector.broadcast %add3A_245 : i32 to vector<16xi32>
    %add3A_247 = arith.addi %iota3A, %add3A_246 : vector<16xi32>
    %scan3A_248 = arith.constant 0 : i32
    %scan3A_249 = arith.constant 0 : i32
    %scan3A_250 = arith.constant 512 : i32
    %scan3A_251 = arith.addi %scan3A_249, %scan3A_250 : i32
    %scan3A_252 = arith.constant 4 : i32
    %scan3A_253 = scf.for %scan3A_336 = %scan3A_249 to %scan3A_251 step %scan3A_252 iter_args(%scan3A_337 = %scan3A_248) -> (i32)  : i32 {
      %broadcast_in_dim3A = vector.broadcast %scan3A_336 : i32 to vector<16xi32>
      %get3A_338 = arith.index_cast %scan3A_336 : i32 to index
      %get3A_339 = arith.constant 0 : index
      %get3A_340 = tpu.vector_load %arg7[%get3A_338, %get3A_339] {strides = array<i32>} : memref<512x32xf32, #tpu.memory_space<vmem>>, vector<16xf32>,
      %get3A_341 = arith.index_cast %scan3A_336 : i32 to index
      %get3A_342 = arith.constant 16 : index
      %get3A_343 = tpu.vector_load %arg7[%get3A_341, %get3A_342] {strides = array<i32>} : memref<512x32xf32, #tpu.memory_space<vmem>>, vector<16xf32>,
      %mul3A_344 = arith.mulf %get3A_340, %exp3A : vector<16xf32>
      tpu.vector_store_idx %arg9[%iota3A, %broadcast_in_dim3A], %mul3A_344 : memref<32x513xf32, #tpu.memory_space<vmem>>[vector<16xi32>, vector<16xi32>], vector<16xf32>,
      %mul3A_345 = arith.mulf %get3A_343, %exp3A : vector<16xf32>
      tpu.vector_store_idx %arg9[%add3A_247, %broadcast_in_dim3A], %mul3A_345 : memref<32x513xf32, #tpu.memory_space<vmem>>[vector<16xi32>, vector<16xi32>], vector<16xf32>,
      %scan3A_346 = arith.constant 0 : i32
      %scan3A_347 = arith.constant 1 : i32
      %scan3A_348 = arith.addi %scan3A_336, %scan3A_347 : i32
      %broadcast_in_dim3A_349 = vector.broadcast %scan3A_348 : i32 to vector<16xi32>
      %get3A_350 = arith.index_cast %scan3A_348 : i32 to index
      %get3A_351 = arith.constant 0 : index
      %get3A_352 = tpu.vector_load %arg7[%get3A_350, %get3A_351] {strides = array<i32>} : memref<512x32xf32, #tpu.memory_space<vmem>>, vector<16xf32>,
      %get3A_353 = arith.index_cast %scan3A_348 : i32 to index
      %get3A_354 = arith.constant 16 : index
      %get3A_355 = tpu.vector_load %arg7[%get3A_353, %get3A_354] {strides = array<i32>} : memref<512x32xf32, #tpu.memory_space<vmem>>, vector<16xf32>,
      %mul3A_356 = arith.mulf %get3A_352, %exp3A : vector<16xf32>
      tpu.vector_store_idx %arg9[%iota3A, %broadcast_in_dim3A_349], %mul3A_356 : memref<32x513xf32, #tpu.memory_space<vmem>>[vector<16xi32>, vector<16xi32>], vector<16xf32>,
      %mul3A_357 = arith.mulf %get3A_355, %exp3A : vector<16xf32>
      tpu.vector_store_idx %arg9[%add3A_247, %broadcast_in_dim3A_349], %mul3A_357 : memref<32x513xf32, #tpu.memory_space<vmem>>[vector<16xi32>, vector<16xi32>], vector<16xf32>,
      %scan3A_358 = arith.constant 0 : i32
      %scan3A_359 = arith.constant 2 : i32
      %scan3A_360 = arith.addi %scan3A_336, %scan3A_359 : i32
      %broadcast_in_dim3A_361 = vector.broadcast %scan3A_360 : i32 to vector<16xi32>
      %get3A_362 = arith.index_cast %scan3A_360 : i32 to index
      %get3A_363 = arith.constant 0 : index
      %get3A_364 = tpu.vector_load %arg7[%get3A_362, %get3A_363] {strides = array<i32>} : memref<512x32xf32, #tpu.memory_space<vmem>>, vector<16xf32>,
      %get3A_365 = arith.index_cast %scan3A_360 : i32 to index
      %get3A_366 = arith.constant 16 : index
      %get3A_367 = tpu.vector_load %arg7[%get3A_365, %get3A_366] {strides = array<i32>} : memref<512x32xf32, #tpu.memory_space<vmem>>, vector<16xf32>,
      %mul3A_368 = arith.mulf %get3A_364, %exp3A : vector<16xf32>
      tpu.vector_store_idx %arg9[%iota3A, %broadcast_in_dim3A_361], %mul3A_368 : memref<32x513xf32, #tpu.memory_space<vmem>>[vector<16xi32>, vector<16xi32>], vector<16xf32>,
      %mul3A_369 = arith.mulf %get3A_367, %exp3A : vector<16xf32>
      tpu.vector_store_idx %arg9[%add3A_247, %broadcast_in_dim3A_361], %mul3A_369 : memref<32x513xf32, #tpu.memory_space<vmem>>[vector<16xi32>, vector<16xi32>], vector<16xf32>,
      %scan3A_370 = arith.constant 0 : i32
      %scan3A_371 = arith.constant 3 : i32
      %scan3A_372 = arith.addi %scan3A_336, %scan3A_371 : i32
      %broadcast_in_dim3A_373 = vector.broadcast %scan3A_372 : i32 to vector<16xi32>
      %get3A_374 = arith.index_cast %scan3A_372 : i32 to index
      %get3A_375 = arith.constant 0 : index
      %get3A_376 = tpu.vector_load %arg7[%get3A_374, %get3A_375] {strides = array<i32>} : memref<512x32xf32, #tpu.memory_space<vmem>>, vector<16xf32>,
      %get3A_377 = arith.index_cast %scan3A_372 : i32 to index
      %get3A_378 = arith.constant 16 : index
      %get3A_379 = tpu.vector_load %arg7[%get3A_377, %get3A_378] {strides = array<i32>} : memref<512x32xf32, #tpu.memory_space<vmem>>, vector<16xf32>,
      %mul3A_380 = arith.mulf %get3A_376, %exp3A : vector<16xf32>
      tpu.vector_store_idx %arg9[%iota3A, %broadcast_in_dim3A_373], %mul3A_380 : memref<32x513xf32, #tpu.memory_space<vmem>>[vector<16xi32>, vector<16xi32>], vector<16xf32>,
      %mul3A_381 = arith.mulf %get3A_379, %exp3A : vector<16xf32>
      tpu.vector_store_idx %arg9[%add3A_247, %broadcast_in_dim3A_373], %mul3A_381 : memref<32x513xf32, #tpu.memory_space<vmem>>[vector<16xi32>, vector<16xi32>], vector<16xf32>,
      %scan3A_382 = arith.constant 0 : i32
      scf.yield %scan3A_382 : i32
    }
    %scan3A_254 = arith.constant 512 : i32
    %dma_start3A_255 = arith.constant 48 : i32
    %dma_start3A_256 = arith.constant 0 : i32
    %dma_start3A_257 = arith.constant 0 : i32
    %dma_start3A_258 = tpu.memref_slice %arg9[%dma_start3A_256, %dma_start3A_257] : memref<32x513xf32, #tpu.memory_space<vmem>> -> memref<32x512xf32, #tpu.memory_space<vmem>>
    %dma_start3A_259 = arith.constant 0 : i32
    %dma_start3A_260 = tpu.memref_slice %arg5[%dma_start3A_255, %dma_start3A_259, %mul3A_2] : memref<50x32x16384xf32, #tpu.memory_space<hbm>> -> memref<1x32x512xf32, #tpu.memory_space<hbm>>
    %dma_start3A_261 = tpu.memref_squeeze %dma_start3A_260 : memref<1x32x512xf32, #tpu.memory_space<hbm>> -> memref<32x512xf32, #tpu.memory_space<hbm>>
    %dma_start3A_262 = arith.constant 0 : i32
    %dma_start3A_263 = tpu.memref_slice %arg5[%dma_start3A_255, %dma_start3A_262, %mul3A_2] : memref<50x32x16384xf32, #tpu.memory_space<hbm>> -> memref<1x32x512xf32, #tpu.memory_space<hbm>>
    %dma_start3A_264 = tpu.memref_squeeze %dma_start3A_263 : memref<1x32x512xf32, #tpu.memory_space<hbm>> -> memref<32x512xf32, #tpu.memory_space<hbm>>
    %dma_start3A_265 = arith.constant 0 : i32
    %dma_start3A_266 = arith.constant 0 : i32
    %dma_start3A_267 = tpu.memref_slice %arg9[%dma_start3A_265, %dma_start3A_266] : memref<32x513xf32, #tpu.memory_space<vmem>> -> memref<32x512xf32, #tpu.memory_space<vmem>>
    tpu.enqueue_dma source(%dma_start3A_267 : memref<32x512xf32, #tpu.memory_space<vmem>>) target(%dma_start3A_264 : memref<32x512xf32, #tpu.memory_space<hbm>>) target_semaphore(%arg14 : memref<!tpu.dma_semaphore, #tpu.memory_space<semaphore_mem>>)
    %dma_wait3A_268 = arith.constant 0 : i32
    %dma_wait3A_269 = arith.constant 0 : i32
    %dma_wait3A_270 = tpu.memref_slice %arg2[%dma_wait3A_268, %dma_wait3A_269] : memref<1000000x32xf32, #tpu.memory_space<hbm>> -> memref<512x32xf32, #tpu.memory_space<hbm>>
    %dma_wait3A_271 = arith.constant 0 : i32
    %dma_wait3A_272 = arith.constant 0 : i32
    %dma_wait3A_273 = tpu.memref_slice %arg2[%dma_wait3A_271, %dma_wait3A_272] : memref<1000000x32xf32, #tpu.memory_space<hbm>> -> memref<512x32xf32, #tpu.memory_space<hbm>>
    tpu.wait_dma2 semaphore(%arg13 : memref<!tpu.dma_semaphore, #tpu.memory_space<semaphore_mem>>) src(%dma_wait3A_273 : memref<512x32xf32, #tpu.memory_space<hbm>>) dst(%arg8 : memref<512x32xf32, #tpu.memory_space<vmem>>)
    %dma_wait3A_274 = arith.constant 0 : i32
    %dma_wait3A_275 = arith.constant 0 : i32
    %dma_wait3A_276 = arith.constant 0 : i32
    %dma_wait3A_277 = tpu.memref_slice %arg10[%dma_wait3A_275, %dma_wait3A_276] : memref<32x513xf32, #tpu.memory_space<vmem>> -> memref<32x512xf32, #tpu.memory_space<vmem>>
    %dma_wait3A_278 = arith.constant 0 : i32
    %dma_wait3A_279 = tpu.memref_slice %arg5[%dma_wait3A_274, %dma_wait3A_278, %mul3A_2] : memref<50x32x16384xf32, #tpu.memory_space<hbm>> -> memref<1x32x512xf32, #tpu.memory_space<hbm>>
    %dma_wait3A_280 = tpu.memref_squeeze %dma_wait3A_279 : memref<1x32x512xf32, #tpu.memory_space<hbm>> -> memref<32x512xf32, #tpu.memory_space<hbm>>
    %dma_wait3A_281 = arith.constant 0 : i32
    %dma_wait3A_282 = tpu.memref_slice %arg5[%dma_wait3A_274, %dma_wait3A_281, %mul3A_2] : memref<50x32x16384xf32, #tpu.memory_space<hbm>> -> memref<1x32x512xf32, #tpu.memory_space<hbm>>
    %dma_wait3A_283 = tpu.memref_squeeze %dma_wait3A_282 : memref<1x32x512xf32, #tpu.memory_space<hbm>> -> memref<32x512xf32, #tpu.memory_space<hbm>>
    %dma_wait3A_284 = arith.constant 0 : i32
    %dma_wait3A_285 = arith.constant 0 : i32
    %dma_wait3A_286 = tpu.memref_slice %arg10[%dma_wait3A_284, %dma_wait3A_285] : memref<32x513xf32, #tpu.memory_space<vmem>> -> memref<32x512xf32, #tpu.memory_space<vmem>>
    tpu.wait_dma2 semaphore(%arg15 : memref<!tpu.dma_semaphore, #tpu.memory_space<semaphore_mem>>) src(%dma_wait3A_286 : memref<32x512xf32, #tpu.memory_space<vmem>>) dst(%dma_wait3A_283 : memref<32x512xf32, #tpu.memory_space<hbm>>)
    %add3A_287 = arith.constant 16 : i32
    %add3A_288 = vector.broadcast %add3A_287 : i32 to vector<16xi32>
    %add3A_289 = arith.addi %iota3A, %add3A_288 : vector<16xi32>
    %scan3A_290 = arith.constant 0 : i32
    %scan3A_291 = arith.constant 0 : i32
    %scan3A_292 = arith.constant 512 : i32
    %scan3A_293 = arith.addi %scan3A_291, %scan3A_292 : i32
    %scan3A_294 = arith.constant 4 : i32
    %scan3A_295 = scf.for %scan3A_336 = %scan3A_291 to %scan3A_293 step %scan3A_294 iter_args(%scan3A_337 = %scan3A_290) -> (i32)  : i32 {
      %broadcast_in_dim3A = vector.broadcast %scan3A_336 : i32 to vector<16xi32>
      %get3A_338 = arith.index_cast %scan3A_336 : i32 to index
      %get3A_339 = arith.constant 0 : index
      %get3A_340 = tpu.vector_load %arg8[%get3A_338, %get3A_339] {strides = array<i32>} : memref<512x32xf32, #tpu.memory_space<vmem>>, vector<16xf32>,
      %get3A_341 = arith.index_cast %scan3A_336 : i32 to index
      %get3A_342 = arith.constant 16 : index
      %get3A_343 = tpu.vector_load %arg8[%get3A_341, %get3A_342] {strides = array<i32>} : memref<512x32xf32, #tpu.memory_space<vmem>>, vector<16xf32>,
      %mul3A_344 = arith.mulf %get3A_340, %exp3A : vector<16xf32>
      tpu.vector_store_idx %arg10[%iota3A, %broadcast_in_dim3A], %mul3A_344 : memref<32x513xf32, #tpu.memory_space<vmem>>[vector<16xi32>, vector<16xi32>], vector<16xf32>,
      %mul3A_345 = arith.mulf %get3A_343, %exp3A : vector<16xf32>
      tpu.vector_store_idx %arg10[%add3A_289, %broadcast_in_dim3A], %mul3A_345 : memref<32x513xf32, #tpu.memory_space<vmem>>[vector<16xi32>, vector<16xi32>], vector<16xf32>,
      %scan3A_346 = arith.constant 0 : i32
      %scan3A_347 = arith.constant 1 : i32
      %scan3A_348 = arith.addi %scan3A_336, %scan3A_347 : i32
      %broadcast_in_dim3A_349 = vector.broadcast %scan3A_348 : i32 to vector<16xi32>
      %get3A_350 = arith.index_cast %scan3A_348 : i32 to index
      %get3A_351 = arith.constant 0 : index
      %get3A_352 = tpu.vector_load %arg8[%get3A_350, %get3A_351] {strides = array<i32>} : memref<512x32xf32, #tpu.memory_space<vmem>>, vector<16xf32>,
      %get3A_353 = arith.index_cast %scan3A_348 : i32 to index
      %get3A_354 = arith.constant 16 : index
      %get3A_355 = tpu.vector_load %arg8[%get3A_353, %get3A_354] {strides = array<i32>} : memref<512x32xf32, #tpu.memory_space<vmem>>, vector<16xf32>,
      %mul3A_356 = arith.mulf %get3A_352, %exp3A : vector<16xf32>
      tpu.vector_store_idx %arg10[%iota3A, %broadcast_in_dim3A_349], %mul3A_356 : memref<32x513xf32, #tpu.memory_space<vmem>>[vector<16xi32>, vector<16xi32>], vector<16xf32>,
      %mul3A_357 = arith.mulf %get3A_355, %exp3A : vector<16xf32>
      tpu.vector_store_idx %arg10[%add3A_289, %broadcast_in_dim3A_349], %mul3A_357 : memref<32x513xf32, #tpu.memory_space<vmem>>[vector<16xi32>, vector<16xi32>], vector<16xf32>,
      %scan3A_358 = arith.constant 0 : i32
      %scan3A_359 = arith.constant 2 : i32
      %scan3A_360 = arith.addi %scan3A_336, %scan3A_359 : i32
      %broadcast_in_dim3A_361 = vector.broadcast %scan3A_360 : i32 to vector<16xi32>
      %get3A_362 = arith.index_cast %scan3A_360 : i32 to index
      %get3A_363 = arith.constant 0 : index
      %get3A_364 = tpu.vector_load %arg8[%get3A_362, %get3A_363] {strides = array<i32>} : memref<512x32xf32, #tpu.memory_space<vmem>>, vector<16xf32>,
      %get3A_365 = arith.index_cast %scan3A_360 : i32 to index
      %get3A_366 = arith.constant 16 : index
      %get3A_367 = tpu.vector_load %arg8[%get3A_365, %get3A_366] {strides = array<i32>} : memref<512x32xf32, #tpu.memory_space<vmem>>, vector<16xf32>,
      %mul3A_368 = arith.mulf %get3A_364, %exp3A : vector<16xf32>
      tpu.vector_store_idx %arg10[%iota3A, %broadcast_in_dim3A_361], %mul3A_368 : memref<32x513xf32, #tpu.memory_space<vmem>>[vector<16xi32>, vector<16xi32>], vector<16xf32>,
      %mul3A_369 = arith.mulf %get3A_367, %exp3A : vector<16xf32>
      tpu.vector_store_idx %arg10[%add3A_289, %broadcast_in_dim3A_361], %mul3A_369 : memref<32x513xf32, #tpu.memory_space<vmem>>[vector<16xi32>, vector<16xi32>], vector<16xf32>,
      %scan3A_370 = arith.constant 0 : i32
      %scan3A_371 = arith.constant 3 : i32
      %scan3A_372 = arith.addi %scan3A_336, %scan3A_371 : i32
      %broadcast_in_dim3A_373 = vector.broadcast %scan3A_372 : i32 to vector<16xi32>
      %get3A_374 = arith.index_cast %scan3A_372 : i32 to index
      %get3A_375 = arith.constant 0 : index
      %get3A_376 = tpu.vector_load %arg8[%get3A_374, %get3A_375] {strides = array<i32>} : memref<512x32xf32, #tpu.memory_space<vmem>>, vector<16xf32>,
      %get3A_377 = arith.index_cast %scan3A_372 : i32 to index
      %get3A_378 = arith.constant 16 : index
      %get3A_379 = tpu.vector_load %arg8[%get3A_377, %get3A_378] {strides = array<i32>} : memref<512x32xf32, #tpu.memory_space<vmem>>, vector<16xf32>,
      %mul3A_380 = arith.mulf %get3A_376, %exp3A : vector<16xf32>
      tpu.vector_store_idx %arg10[%iota3A, %broadcast_in_dim3A_373], %mul3A_380 : memref<32x513xf32, #tpu.memory_space<vmem>>[vector<16xi32>, vector<16xi32>], vector<16xf32>,
      %mul3A_381 = arith.mulf %get3A_379, %exp3A : vector<16xf32>
      tpu.vector_store_idx %arg10[%add3A_289, %broadcast_in_dim3A_373], %mul3A_381 : memref<32x513xf32, #tpu.memory_space<vmem>>[vector<16xi32>, vector<16xi32>], vector<16xf32>,
      %scan3A_382 = arith.constant 0 : i32
      scf.yield %scan3A_382 : i32
    }
    %scan3A_296 = arith.constant 512 : i32
    %dma_start3A_297 = arith.constant 49 : i32
    %dma_start3A_298 = arith.constant 0 : i32
    %dma_start3A_299 = arith.constant 0 : i32
    %dma_start3A_300 = tpu.memref_slice %arg10[%dma_start3A_298, %dma_start3A_299] : memref<32x513xf32, #tpu.memory_space<vmem>> -> memref<32x512xf32, #tpu.memory_space<vmem>>
    %dma_start3A_301 = arith.constant 0 : i32
    %dma_start3A_302 = tpu.memref_slice %arg5[%dma_start3A_297, %dma_start3A_301, %mul3A_2] : memref<50x32x16384xf32, #tpu.memory_space<hbm>> -> memref<1x32x512xf32, #tpu.memory_space<hbm>>
    %dma_start3A_303 = tpu.memref_squeeze %dma_start3A_302 : memref<1x32x512xf32, #tpu.memory_space<hbm>> -> memref<32x512xf32, #tpu.memory_space<hbm>>
    %dma_start3A_304 = arith.constant 0 : i32
    %dma_start3A_305 = tpu.memref_slice %arg5[%dma_start3A_297, %dma_start3A_304, %mul3A_2] : memref<50x32x16384xf32, #tpu.memory_space<hbm>> -> memref<1x32x512xf32, #tpu.memory_space<hbm>>
    %dma_start3A_306 = tpu.memref_squeeze %dma_start3A_305 : memref<1x32x512xf32, #tpu.memory_space<hbm>> -> memref<32x512xf32, #tpu.memory_space<hbm>>
    %dma_start3A_307 = arith.constant 0 : i32
    %dma_start3A_308 = arith.constant 0 : i32
    %dma_start3A_309 = tpu.memref_slice %arg10[%dma_start3A_307, %dma_start3A_308] : memref<32x513xf32, #tpu.memory_space<vmem>> -> memref<32x512xf32, #tpu.memory_space<vmem>>
    tpu.enqueue_dma source(%dma_start3A_309 : memref<32x512xf32, #tpu.memory_space<vmem>>) target(%dma_start3A_306 : memref<32x512xf32, #tpu.memory_space<hbm>>) target_semaphore(%arg15 : memref<!tpu.dma_semaphore, #tpu.memory_space<semaphore_mem>>)
    %dma_wait3A_310 = arith.constant 0 : i32
    %dma_wait3A_311 = arith.constant 0 : i32
    %dma_wait3A_312 = arith.constant 0 : i32
    %dma_wait3A_313 = tpu.memref_slice %arg9[%dma_wait3A_311, %dma_wait3A_312] : memref<32x513xf32, #tpu.memory_space<vmem>> -> memref<32x512xf32, #tpu.memory_space<vmem>>
    %dma_wait3A_314 = arith.constant 0 : i32
    %dma_wait3A_315 = tpu.memref_slice %arg5[%dma_wait3A_310, %dma_wait3A_314, %mul3A_2] : memref<50x32x16384xf32, #tpu.memory_space<hbm>> -> memref<1x32x512xf32, #tpu.memory_space<hbm>>
    %dma_wait3A_316 = tpu.memref_squeeze %dma_wait3A_315 : memref<1x32x512xf32, #tpu.memory_space<hbm>> -> memref<32x512xf32, #tpu.memory_space<hbm>>
    %dma_wait3A_317 = arith.constant 0 : i32
    %dma_wait3A_318 = tpu.memref_slice %arg5[%dma_wait3A_310, %dma_wait3A_317, %mul3A_2] : memref<50x32x16384xf32, #tpu.memory_space<hbm>> -> memref<1x32x512xf32, #tpu.memory_space<hbm>>
    %dma_wait3A_319 = tpu.memref_squeeze %dma_wait3A_318 : memref<1x32x512xf32, #tpu.memory_space<hbm>> -> memref<32x512xf32, #tpu.memory_space<hbm>>
    %dma_wait3A_320 = arith.constant 0 : i32
    %dma_wait3A_321 = arith.constant 0 : i32
    %dma_wait3A_322 = tpu.memref_slice %arg9[%dma_wait3A_320, %dma_wait3A_321] : memref<32x513xf32, #tpu.memory_space<vmem>> -> memref<32x512xf32, #tpu.memory_space<vmem>>
    tpu.wait_dma2 semaphore(%arg14 : memref<!tpu.dma_semaphore, #tpu.memory_space<semaphore_mem>>) src(%dma_wait3A_322 : memref<32x512xf32, #tpu.memory_space<vmem>>) dst(%dma_wait3A_319 : memref<32x512xf32, #tpu.memory_space<hbm>>)
    %dma_wait3A_323 = arith.constant 0 : i32
    %dma_wait3A_324 = arith.constant 0 : i32
    %dma_wait3A_325 = arith.constant 0 : i32
    %dma_wait3A_326 = tpu.memref_slice %arg10[%dma_wait3A_324, %dma_wait3A_325] : memref<32x513xf32, #tpu.memory_space<vmem>> -> memref<32x512xf32, #tpu.memory_space<vmem>>
    %dma_wait3A_327 = arith.constant 0 : i32
    %dma_wait3A_328 = tpu.memref_slice %arg5[%dma_wait3A_323, %dma_wait3A_327, %mul3A_2] : memref<50x32x16384xf32, #tpu.memory_space<hbm>> -> memref<1x32x512xf32, #tpu.memory_space<hbm>>
    %dma_wait3A_329 = tpu.memref_squeeze %dma_wait3A_328 : memref<1x32x512xf32, #tpu.memory_space<hbm>> -> memref<32x512xf32, #tpu.memory_space<hbm>>
    %dma_wait3A_330 = arith.constant 0 : i32
    %dma_wait3A_331 = tpu.memref_slice %arg5[%dma_wait3A_323, %dma_wait3A_330, %mul3A_2] : memref<50x32x16384xf32, #tpu.memory_space<hbm>> -> memref<1x32x512xf32, #tpu.memory_space<hbm>>
    %dma_wait3A_332 = tpu.memref_squeeze %dma_wait3A_331 : memref<1x32x512xf32, #tpu.memory_space<hbm>> -> memref<32x512xf32, #tpu.memory_space<hbm>>
    %dma_wait3A_333 = arith.constant 0 : i32
    %dma_wait3A_334 = arith.constant 0 : i32
    %dma_wait3A_335 = tpu.memref_slice %arg10[%dma_wait3A_333, %dma_wait3A_334] : memref<32x513xf32, #tpu.memory_space<vmem>> -> memref<32x512xf32, #tpu.memory_space<vmem>>
    tpu.wait_dma2 semaphore(%arg15 : memref<!tpu.dma_semaphore, #tpu.memory_space<semaphore_mem>>) src(%dma_wait3A_335 : memref<32x512xf32, #tpu.memory_space<vmem>>) dst(%dma_wait3A_332 : memref<32x512xf32, #tpu.memory_space<hbm>>)
    return
  }
}

</mosaic_0001>

<sc_bundles>
// kernel: kernel.4.cloned.1.call-start
scs
__scs_entry_jumppad:
0x0: {  	(pc) =	sbr.rel $0x88, $3  }
0x1: {  	(tag) =	ssettag $0x0;
	lr =	simm.s32 $0x1  }
0x2: {  	[smem:$0x3F9E] =	sst lr;
	_ =	strace $0xD0000000  }
0x3: {  	_ = 	snop  }
0x4: {  	_ = 	snop  }
0x5: {  	_ = 	snop  }
0x6: {  	_ = 	snop  }
0x7: {  	_ = 	snop  }
__scs_overlays_trampoline_lowered:
0x8: {  	[smem:$0x3FAD] =	sst s0  }
0x9: {  	[smem:$0x3FAE] =	sst s1  }
0xa: {  	[smem:$0x3FAF] =	sst s2  }
0xb: {  	[smem:$0x3FB0] =	sst s3  }
0xc: {  	[smem:$0x3FB1] =	sst s4  }
0xd: {  	[smem:$0x3FB2] =	sst s5  }
0xe: {  	[smem:$0x3FB3] =	sst s6  }
0xf: {  	[smem:$0x3FB4] =	sst s7  }
0x10: {  	[smem:$0x3FB5] =	sst s8  }
0x11: {  	[smem:$0x3FB6] =	sst s9;
	s0 =	simm.s32 @!p0 $0x0  }
0x12: {  	s1 =	sld [smem:$0x3F9C];
	s0 =	simm.s32 @p0 $0x1  }
0x13: {  	[smem:$0x3FB7] =	sst s0;
	s0 =	simm.s32 @!p1 $0x0  }
0x14: {  	s2 =	sld [smem:$0x3F9B];
	s0 =	simm.s32 @p1 $0x1  }
0x15: {  	[smem:$0x3FB8] =	sst s0;
	s0 =	simm.s32 @!p2 $0x0  }
0x16: {  	s3 =	sld [smem:$0x3FDB];
	s0 =	simm.s32 @p2 $0x1  }
0x17: {  	s4 =	simm.s32 $0x1BF5;
	[smem:$0x3FBA] =	sst s0  }
0x18: {  	s0 =	sld [smem:$0x3F9D];
	_ =	swait.ge [sflag:s4], $0x0  }
0x19: {  	s7 =	sld [smem:$0x3F9E]  }
0x1a: {  	s8 =	sadd.s32 $0xFFFFE003, lr  }
0x1b: {  	s9 =	sadd.s32 $0xFFFFFEF7, lr;
	s5 =	simm.s32 $0xFFFFFFFF;
	p2 =	slt.u32 s8, $0xFFFFF086  }
0x1c: {  	p1 =	slt.u32 s9, $0xF7A;
	s5 =	simm.s32 @!p2 $0x0  }
0x1d: {  	s5 =	simm.s32 @p1 $0x1;
	p0 =	seq.s32 s7, s2  }
0x1e: {  	s7 =	smul.u32 @!p0 $0xF7A, s2;
	p2 =	seq.s32 @!p0 s5, $0x0  }
0x1f: {  	s9 =	smul.u32 $0xF7A, s1;
	s8 =	simm.s32 @!p0 $0x1BF5;
	p2 =	por !p2, p0  }
0x20: {  	[sflag:s8] =	ssyncset.s32 @!p0 $0xFFFFF086;
	s6 =	sadd.s32 @!p0 s3, s7;
	s7 =	simm.s32 @!p0 $0x108  }
0x21: {  	s3 =	sadd.s32 s3, s9;
	s6 =	sadd.s32 @!p0 $0x88, s6;
	s7 =	simm.s32 @p2 $0x1082  }
0x22: {  	[simem:s7], [sflag:s8] =	dma.local @!p0 [hbm:s6], $0xF7A  }
0x23: {  	s9 =	sor.u32 $0xD0000000, s2;
	s6 =	simm.s32 $0x108;
	_ =	swait.ge @!p0 [sflag:s8], $0x0  }
0x24: {  	s3 =	sadd.s32 $0x88, s3;
	s6 =	simm.s32 @!p1 $0x1082;
	[sflag:s4] =	ssyncset.s32 $0xFFFFF086  }
0x25: {  	[simem:s6], [sflag:s4] =	dma.local [hbm:s3], $0xF7A  }
0x26: {  	[smem:$0x3F9E] =	sst s1;
	(tag) =	ssettag s2;
	_ =	strace s9  }
0x27: {  	s1 =	sld [smem:$0x3FAE]  }
0x28: {  	s2 =	sld [smem:$0x3FAF]  }
0x29: {  	s4 =	sld [smem:$0x3FB1]  }
0x2a: {  	p0 =	seq.s32 s5, $0x0;
	s5 =	sld [smem:$0x3FB2]  }
0x2b: {  	s6 =	sld [smem:$0x3FB3]  }
0x2c: {  	s7 =	sld [smem:$0x3FB4]  }
0x2d: {  	s3 =	simm.s32 $0x108;
	s8 =	sld [smem:$0x3FB5]  }
0x2e: {  	s3 =	simm.s32 @!p0 $0x1082;
	s9 =	sld [smem:$0x3FB6]  }
0x2f: {  	lr =	sadd.s32 s0, s3;
	s0 =	sld [smem:$0x3FAD]  }
0x30: {  	s3 =	sld [smem:$0x3FB0]  }
0x31: {  	[smem:$0x3FB9] =	sst s10  }
0x32: {  	s10 =	sld [smem:$0x3FB7];
	_ =	sdelay $0x3  }
0x33: {  	p0 =	seq.s32 s10, $0x1;
	s10 =	sld [smem:$0x3FB9];
	_ =	sdelay $0x3  }
0x34: {  	[smem:$0x3FB9] =	sst s10  }
0x35: {  	s10 =	sld [smem:$0x3FB8];
	_ =	sdelay $0x3  }
0x36: {  	p1 =	seq.s32 s10, $0x1;
	s10 =	sld [smem:$0x3FB9];
	_ =	sdelay $0x3  }
0x37: {  	[smem:$0x3FB9] =	sst s10  }
0x38: {  	s10 =	sld [smem:$0x3FBA]  }
0x39: {  	_ = 	snop;
	(pc) =	sbr.ind lr, $3  }
0x3a: {  	_ = 	snop  }
0x3b: {  	_ = 	snop  }
0x3c: {  	p2 =	seq.s32 s10, $0x1;
	s10 =	sld [smem:$0x3FB9]  }
0x3d: {  	_ =	shalt  }
0x3e: {  	_ =	shalt  }
0x3f: {  	_ =	shalt  }
0x40: {  	_ =	shalt  }
0x41: {  	_ =	shalt  }
0x42: {  	_ =	shalt  }
0x43: {  	_ =	shalt  }
0x44: {  	_ =	shalt  }
0x45: {  	_ =	shalt  }
0x46: {  	_ =	shalt  }
0x47: {  	_ =	shalt  }
0x48: {  	_ =	shalt  }
0x49: {  	_ =	shalt  }
0x4a: {  	_ =	shalt  }
0x4b: {  	_ =	shalt  }
0x4c: {  	_ =	shalt  }
0x4d: {  	_ =	shalt  }
0x4e: {  	_ =	shalt  }
0x4f: {  	_ =	shalt  }
0x50: {  	_ =	shalt  }
0x51: {  	_ =	shalt  }
0x52: {  	_ =	shalt  }
0x53: {  	_ =	shalt  }
0x54: {  	_ =	shalt  }
0x55: {  	_ =	shalt  }
0x56: {  	_ =	shalt  }
0x57: {  	_ =	shalt  }
0x58: {  	_ =	shalt  }
0x59: {  	_ =	shalt  }
0x5a: {  	_ =	shalt  }
0x5b: {  	_ =	shalt  }
0x5c: {  	_ =	shalt  }
0x5d: {  	_ =	shalt  }
0x5e: {  	_ =	shalt  }
0x5f: {  	_ =	shalt  }
0x60: {  	_ =	shalt  }
0x61: {  	_ =	shalt  }
0x62: {  	_ =	shalt  }
0x63: {  	_ =	shalt  }
0x64: {  	_ =	shalt  }
0x65: {  	_ =	shalt  }
0x66: {  	_ =	shalt  }
0x67: {  	_ =	shalt  }
0x68: {  	_ =	shalt  }
0x69: {  	_ =	shalt  }
0x6a: {  	_ =	shalt  }
0x6b: {  	_ =	shalt  }
0x6c: {  	_ =	shalt  }
0x6d: {  	_ =	shalt  }
0x6e: {  	_ =	shalt  }
0x6f: {  	_ =	shalt  }
0x70: {  	_ =	shalt  }
0x71: {  	_ =	shalt  }
0x72: {  	_ =	shalt  }
0x73: {  	_ =	shalt  }
0x74: {  	_ =	shalt  }
0x75: {  	_ =	shalt  }
0x76: {  	_ =	shalt  }
0x77: {  	_ =	shalt  }
0x78: {  	_ =	shalt  }
0x79: {  	_ =	shalt  }
0x7a: {  	_ =	shalt  }
0x7b: {  	_ =	shalt  }
0x7c: {  	_ =	shalt  }
0x7d: {  	_ =	shalt  }
0x7e: {  	_ =	shalt  }
0x7f: {  	_ =	shalt  }
0x80: {  	_ =	shalt  }
0x81: {  	_ =	shalt  }
0x82: {  	_ =	shalt  }
0x83: {  	_ =	shalt  }
0x84: {  	_ =	shalt  }
0x85: {  	_ =	shalt  }
0x86: {  	_ =	shalt  }
0x87: {  	_ =	shalt  }
.Lfunc_end0:
.L_simem_size_0:
called_computation_lowered:
.L_overlay_start_0:
0x88: {  	s2 =	sld [smem:$0x3FD9]  }
0x89: {  	s3 =	sld [smem:$0x3FFE];
	_ =	sdelay $0x1  }
0x8a: {  	s1 =	srdreg.scid  }
0x8b: {  	s0 =	sand.u32 $0x1, s1  }
0x8c: {  	s17 =	sshll.u32 s0, $0xA;
	s2 =	sadd.s32 s3, s2  }
0x8d: {  	s2 =	sadd.s32 s2, s17  }
0x8e: {  	[smem:$0x3FC5] =	sst s2  }
0x8f: {  	_ = 	snop  }
0x90: {  	s2 =	sld [smem:$0x3FC8];
	(tm) =	ssettm $0x1  }
0x91: {  	s18 =	sld [smem:$0x3FFB];
	_ =	sdelay $0x3  }
0x92: {  	_ =	strace s18  }
0x93: {  	s3 =	sld [smem:$0x3FFC];
	_ =	sdelay $0x3  }
0x94: {  	_ =	strace s3  }
0x95: {  	s3 =	sld [smem:$0x3FFD];
	_ =	sdelay $0x3  }
0x96: {  	_ =	strace s3  }
0x97: {  	_ =	strace $0x8FFFFFFF  }
0x98: {  	s19 =	sld [smem:$0x3FDB];
	_ =	sdelay $0x1  }
0x99: {  	s4 =	simm.s32 $_scs_section_size  }
0x9a: {  	s5 =	simm.s32 $_size__tile_overlayer_lowered;
	s6 =	simm.s32 $_tile_overlayer_lowered  }
0x9b: {  	s22 =	simm.s32 $0x1BFF;
	s21 =	sshll.u32 s6, $0x1;
	s3 =	sadd.s32 s4, s19  }
0x9c: {  	s7 =	simm.s32 $0x0;
	s20 =	sshll.u32 s5, $0x1;
	s5 =	sadd.s32 s21, s3  }
0x9d: {  	[timem:s7], [sflag:s22] =	dma.local [hbm:s5], s20  }
0x9e: {  	_ =	swait.ge [sflag:s22], s20  }
0x9f: {  	s4 =	ssub.s32 $0x0, s20;
	[sflag:s22] =	ssyncset.done $0x0  }
0xa0: {  	[sflag:s22] =	ssyncadd.s32 s4;
	_ =	sdelay $0x1  }
0xa1: {  	s23 =	simm.s32 $0x1B8B  }
0xa2: {  	_ =	swait.ge [sflag:s23], $0x1  }
0xa3: {  	[sflag:s23] =	ssyncset.done $0x0  }
0xa4: {  	s25 =	simm.s32 $0x1B8E;
	s24 =	sld [smem:$0x3FFE];
	[sflag:s23] =	ssyncadd.s32 $0xFFFFFFFF  }
0xa5: {  	s26 =	simm.s32 $execute0_lowered;
	[smem:$0x3FD2] =	sst s25  }
0xa6: {  	s5 =	sshll.u32 s26, $0x1;
	_ =	strace $0x80000046;
	[dreg:$0x1] =	wrdreg $0xFFFFFFFF  }
0xa7: {  	s28 =	simm.s32 $_size_execute0_lowered;
	s3 =	sadd.s32 s3, s5;
	[dreg:$0x0] =	wrdreg $0x0  }
0xa8: {  	s5 =	sshll.u32 s28, $0x1;
	[dreg:$0x2] =	wrdreg s3  }
0xa9: {  	[dreg:$0x3] =	wrdreg s5  }
0xaa: {  	[dreg:$0x4] =	wrdreg $0xC0  }
0xab: {  	_ =	task [dreg:s7], $0x5FFFF  }
0xac: {  	[dreg:$0x1] =	wrdreg $0xFFFFFFFF  }
0xad: {  	[dreg:$0x0] =	wrdreg $0x60  }
0xae: {  	[dreg:$0x2] =	wrdreg s2  }
0xaf: {  	[dreg:$0x3] =	wrdreg s24  }
0xb0: {  	[dreg:$0x4] =	wrdreg $0x9  }
0xb1: {  	_ =	task.clear_ibuf [dreg:s7], $0x5FFFF;
	_ =	strace $0x90000046  }
0xb2: {  	s29 =	simm.s32 $0x9;
	_ =	strace $0x80000048  }
0xb3: {  	_ =	swait.ge [sflag:s29], $0x1  }
0xb4: {  	[sflag:s29] =	ssyncadd.s32 $0xFFFFFFFF  }
0xb5: {  	_ =	strace $0x90000048  }
0xb6: {  	_ =	sfence  }
0xb7: {  	s30 =	sld [smem:$0x0];
	_ =	sdelay $0x2  }
0xb8: {  	s31 =	sshll.u32 s1, $0xD;
	s1 =	sshrl.u32 s1, $0x2  }
0xb9: {  	s3 =	sand.u32 $0x4000, s31;
	s1 =	sadd.s32 s1, s30  }
0xba: {  	s0 =	sor.u32 s3, s0;
	s1 =	sshll.u32 s1, $0x11  }
0xbb: {  	s0 =	sor.u32 s1, s0  }
0xbc: {  	s0 =	sadd.s32 $0x8F2B, s0  }
0xbd: {  	[sflag:s0] =	ssyncadd.remote.s32 $0x1  }
0xbe: {  	_ =	sfence.sel $0xFFFF  }
0xbf: {  	[dreg:$0x0] =	wrdreg $0xFFFFFFFF;
	(pc) =	sbr.abs _section_cstart, $3  }
0xc0: {  	[dreg:$0x1] =	wrdreg $0xFFFFFFFF  }
0xc1: {  	_ =	task.clear_ibuf [dreg:s7], $0x2FFFF;
	_ =	strace $0x9FFFFFFF  }
0xc2: {  	(tm) =	ssettm $0x7FFFFFFF  }
0xc3: {  	_ =	shalt  }
tec
execute0_lowered:
.L_overlay_start_1:
0x0: {  	(tag) =	ssettag $0x1  }
0x1: {  	s1 =	rddreg [dreg:$0x0]  }
0x2: {  	s0 =	rddreg [dreg:$0x1];
	s2 =	simm.s32 $0x0;
	s3 =	srdreg.scid  }
0x3: {  	s9 =	stileid.u32;
	s28 =	simm.s32 $0x3000;
	s29 =	simm.s32 $0x3C00  }
0x4: {  	s30 =	simm.s32 $0x4800;
	s31 =	simm.s32 $0x5400;
	s13 =	simm.s32 $0x4  }
0x5: {  	[smem:$0x7FF] =	sst s2;
	s3 =	sand.u32 $0x1, s3;
	s5 =	sadd.s32 $0xA00, s0  }
0x6: {  	s7 =	sshll.u32 s9, $0x1;
	p0 =	seq.s32 s9, $0x0;
	_ =	strace $0x80000047  }
0x7: {  	s4 =	ssub.s32 $0x2, s3;
	[dreg:$0x3] =	wrdreg s5;
	s5 =	sadd.s32 $0xC00, s0  }
0x8: {  	s3 =	sor.u32 s3, s7;
	s0 =	sadd.s32 $0x3D1400, s0;
	s6 =	sshrl.u32 s4, $0x1  }
0x9: {  	v0 =	vimm.s32 $0xF80;
	vm0 =	vcmask $0x300;
	v1 =	vimm.s32 $0x2780;
	[dreg:$0x4] =	wrdreg s0;
	s16 =	sshll.u32 s3, $0x8;
	s17 =	sor.u32 $0x20, s3  }
0xa: {  	vm1 =	vcmask $0x704;
	v0 =	vsel vm0, $0x0, v0;
	v1 =	vsel vm0, $0x1800, v1;
	s7 =	sor.u32 $0x40, s3;
	s19 =	sshll.u32 s3, $0xA;
	s14 =	sor.u32 $0x80, s3  }
0xb: {  	vm15 =	vcmask $0xB08;
	v0 =	vsel vm1, $0x80, v0;
	v1 =	vsel vm1, $0x1880, v1;
	s15 =	sor.u32 $0x60, s3;
	s4 =	ssub.s32 s4, s6;
	s11 =	sadd.s32 s5, s19  }
0xc: {  	vm4 =	vcmask $0xF0C;
	v0 =	vsel vm15, $0x100, v0;
	v1 =	vsel vm15, $0x1900, v1;
	s10 =	sadd.s32 s1, s16;
	s18 =	sshll.u32 s17, $0x8;
	[dreg:$0x7] =	wrdreg s11  }
0xd: {  	vm5 =	vcmask $0x1310;
	s8 =	sshll.u32 s7, $0x8;
	v0 =	vsel vm4, $0x180, v0;
	v1 =	vsel vm4, $0x1980, v1;
	s0 =	sadd.s32 s1, s18;
	[dreg:$0x5] =	wrdreg s10  }
0xe: {  	vm6 =	vcmask $0x1714;
	s21 =	sshll.u32 s17, $0xA;
	s20 =	sadd.s32 s1, s8;
	v0 =	vsel vm5, $0x200, v0;
	v1 =	vsel vm5, $0x1A00, v1;
	[dreg:$0x6] =	wrdreg s0  }
0xf: {  	vm7 =	vcmask $0x1B18;
	s22 =	sshll.u32 s7, $0xA;
	s24 =	sadd.s32 $0x3C8000, s11;
	[dreg:$0x8] =	wrdreg s20;
	v0 =	vsel vm6, $0x280, v0;
	v1 =	vsel vm6, $0x1A80, v1  }
0x10: {  	vm8 =	vcmask $0x1F1C;
	s16 =	sor.u32 $0xA0, s3;
	s25 =	smax.u32 s4, $0x1;
	[dreg:$0xb] =	wrdreg s24;
	v0 =	vsel vm7, $0x300, v0;
	v1 =	vsel vm7, $0x1B00, v1  }
0x11: {  	vm9 =	vcmask $0x2320;
	s6 =	simm.s32 $0x8000;
	s26 =	sadd.s32 $0xF4280, s10;
	[dreg:$0xd] =	wrdreg s25;
	v0 =	vsel vm8, $0x380, v0;
	v1 =	vsel vm8, $0x1B80, v1  }
0x12: {  	vm10 =	vcmask $0x2724;
	s12 =	sadd.s32 $0x6000, s10;
	s0 =	sadd.s32 s5, s21;
	[dreg:$0xe] =	wrdreg s26;
	v0 =	vsel vm9, $0xC00, v0;
	v1 =	vsel vm9, $0x2400, v1  }
0x13: {  	vm11 =	vcmask $0x2B28;
	s4 =	simm.s32 $0x2;
	[dreg:$0x9] =	wrdreg s0;
	s0 =	sadd.s32 s5, s22;
	v0 =	vsel vm10, $0xC80, v0;
	v1 =	vsel vm10, $0x2480, v1  }
0x14: {  	vm12 =	vcmask $0x2F2C;
	s11 =	simm.s32 $0x3;
	[dreg:$0xa] =	wrdreg s0;
	s0 =	sor.u32 $0xF40, s3;
	v0 =	vsel vm11, $0xD00, v0;
	v1 =	vsel vm11, $0x2500, v1  }
0x15: {  	vm13 =	vcmask $0x3330;
	s24 =	simm.s32 $0xC00;
	s25 =	simm.s32 $0x1800;
	s0 =	simm.s32 @!p0 $0x0;
	v0 =	vsel vm12, $0xD80, v0;
	v1 =	vsel vm12, $0x2580, v1  }
0x16: {  	vm14 =	vcmask $0x3734;
	s26 =	simm.s32 $0x2400;
	s23 =	sshll.u32 s0, $0x8;
	s0 =	sshll.u32 s0, $0xA;
	v0 =	vsel vm13, $0xE00, v0;
	v1 =	vsel vm13, $0x2600, v1  }
0x17: {  	vm15 =	vcmask $0x3B38;
	s21 =	simm.s32 $0x0;
	s3 =	simm.s32 $0x6000;
	s0 =	sadd.s32 s5, s0;
	v0 =	vsel vm14, $0xE80, v0;
	v1 =	vsel vm14, $0x2680, v1  }
0x18: {  	s17 =	sadd.s32 s1, s23;
	[dreg:$0xc] =	wrdreg s0;
	s0 =	simm.s32 $0x1;
	v0 =	vsel vm15, $0xF00, v0;
	v1 =	vsel vm15, $0x2700, v1  }
.LBB2_1:
0x19: {  	s7 =	rddreg [dreg:$0x3];
	s8 =	simm.s32 $0xA000;
	s9 =	simm.s32 $0x5  }
0x1a: {  	[tilespmem:s8], [sflag:$0x5] =	stream.linear.gather [hbm4b:s7+s2], $0x800, $0x38;
	[tilespmem:$0xA800] =	vst v63  }
0x1b: {  	_ =	swait.ge [sflag:s9], $0x800  }
0x1c: {  	[sflag:s9] =	ssyncset.done $0x0  }
0x1d: {  	s20 =	rddreg [dreg:$0x4];
	[sflag:s9] =	ssyncadd.s32 $0xFFFFF800  }
0x1e: {  	[hbm4b:s20+s2] =	stream.linear.scatter [tilespmem:s8], [sflag:$0x5], $0x800, $0x38;
	[tilespmem:$0xA800] =	vst v63  }
0x1f: {  	_ =	swait.ge [sflag:s9], $0x800  }
0x20: {  	[sflag:s9] =	ssyncset.done $0x0  }
0x21: {  	s22 =	rddreg [dreg:$0x5];
	[sflag:s9] =	ssyncadd.s32 $0xFFFFF800  }
0x22: {  	[tilespmem:s2], [sflag:$0x1] =	stream.linear.gather [hbm4b:s22+s2], $0x800, $0x38;
	[tilespmem:$0xA800] =	vst v63  }
0x23: {  	s23 =	rddreg [dreg:$0xe]  }
0x24: {  	[tilespmem:s24], [sflag:$0x1] =	stream.linear.gather [hbm4b:s23+s2], $0x800, $0x38;
	[tilespmem:$0xA800] =	vst v63  }
0x25: {  	s9 =	sadd.s32 $0x1E8500, s22  }
0x26: {  	[tilespmem:s25], [sflag:$0x1] =	stream.linear.gather [hbm4b:s9+s2], $0x800, $0x38;
	[tilespmem:$0xA800] =	vst v63  }
0x27: {  	s10 =	sadd.s32 $0x2DC780, s22  }
0x28: {  	[tilespmem:s26], [sflag:$0x1] =	stream.linear.gather [hbm4b:s10+s2], $0x800, $0x38;
	[tilespmem:$0xA800] =	vst v63  }
0x29: {  	s18 =	rddreg [dreg:$0x6]  }
0x2a: {  	[tilespmem:s28], [sflag:$0x2] =	stream.linear.gather [hbm4b:s18+s2], $0x800, $0x38;
	[tilespmem:$0xA800] =	vst v63  }
0x2b: {  	v2 =	vmov s2;
	s19 =	sadd.s32 $0xF4280, s18  }
0x2c: {  	v3 =	vshll.u32 v2, $0x3;
	[tilespmem:s29], [sflag:$0x2] =	stream.linear.gather [hbm4b:s19+s2], $0x800, $0x38;
	[tilespmem:$0xA800] =	vst v63  }
0x2d: {  	v2 =	vand.u32 $0x78, v2;
	v3 =	vand.u32 $0x400, v3;
	s20 =	sadd.s32 $0x1E8500, s18  }
0x2e: {  	v5 =	vor.u32 $0x3, v2;
	v4 =	vadd.s32 v0, v3;
	[tilespmem:s30], [sflag:$0x2] =	stream.linear.gather [hbm4b:s20+s2], $0x800, $0x38;
	[tilespmem:$0xA800] =	vst v63  }
0x2f: {  	v6 =	vor.u32 $0x1, v2;
	v7 =	vor.u32 v5, v4;
	s22 =	sadd.s32 $0x2DC780, s18  }
0x30: {  	v9 =	vor.u32 $0x2, v2;
	v3 =	vadd.s32 v1, v3;
	v8 =	vor.u32 v6, v4;
	[tilespmem:s31], [sflag:$0x2] =	stream.linear.gather [hbm4b:s22+s2], $0x800, $0x38;
	[tilespmem:$0xA800] =	vst v63  }
0x31: {  	v10 =	vor.u32 v9, v3;
	_ =	swait.ge [sflag:s0], $0x2000  }
0x32: {  	v6 =	vor.u32 v6, v3;
	[sflag:s0] =	ssyncset.done $0x0  }
0x33: {  	v9 =	vor.u32 v9, v4;
	[sflag:s0] =	ssyncadd.s32 $0xFFFFE000  }
0x34: {  	v11 =	vor.u32 v2, v3;
	v7 =	vld.idx.msk [tilespmem:v7+s2+$0x0], $0xffff  }
0x35: {  	v3 =	vor.u32 v5, v3;
	v12 =	vld.idx.msk [tilespmem:v8+s2+$0x0], $0xffff  }
0x36: {  	v13 =	vor.u32 v2, v4;
	v5 =	vld.idx.msk [tilespmem:v10+s2+$0x0], $0xffff  }
0x37: {  	v2 =	vld.idx.msk [tilespmem:v6+s2+$0x0], $0xffff  }
0x38: {  	v9 =	vld.idx.msk [tilespmem:v9+s2+$0x0], $0xffff  }
0x39: {  	s23 =	simm.s32 $0x4;
	v4 =	vld.idx.msk [tilespmem:v11+s2+$0x0], $0xffff  }
0x3a: {  	s9 =	simm.s32 $0x6080;
	v8 =	vld.idx.msk [tilespmem:v3+s2+$0x0], $0xffff;
	v6 =	vmov s23  }
0x3b: {  	v3 =	vld.idx.msk [tilespmem:v13+s2+$0x0], $0xffff;
	[tilespmem:s9+$0xFFFFFFE0] =	vst v7;
	v7 =	vand.u32 $0x7C, v6;
	v6 =	vshll.u32 v6, $0x3  }
0x3c: {  	s7 =	simm.s32 $0x0;
	s18 =	simm.s32 $0x0;
	s19 =	simm.s32 $0x6080;
	[tilespmem:s9+$0xFFFFFFA0] =	vst v12;
	v10 =	vand.u32 $0x400, v6;
	v6 =	vor.u32 $0x3, v7  }
.LBB2_2:
0x3d: {  	s18 =	sadd.s32 $0x2, s18;
	[tilespmem:s9+$0xFFFFFFC0] =	vst v9;
	v9 =	vadd.s32 v1, v10;
	s7 =	sadd.s32 $0x8, s7;
	s19 =	sadd.s32 $0x100, s19  }
0x3e: {  	p0 =	slt.u32 s18, $0x3E;
	[tilespmem:s9+$0xFFFFFFD0] =	vst v5;
	v5 =	vor.u32 v7, v9;
	v11 =	vor.u32 v6, v9  }
0x3f: {  	v12 =	vor.u32 $0x2, v7;
	[tilespmem:s9+$0xFFFFFFF0] =	vst v8;
	v8 =	vadd.s32 v0, v10;
	v10 =	vor.u32 $0x1, v7  }
0x40: {  	[tilespmem:s9+$0xFFFFFF90] =	vst v4;
	v4 =	vor.u32 v7, v8;
	v7 =	vor.u32 v12, v8;
	v12 =	vor.u32 v12, v9  }
0x41: {  	v9 =	vor.u32 v10, v9;
	v6 =	vor.u32 v6, v8;
	[tilespmem:s9+$0xFFFFFFB0] =	vst v2;
	v2 =	vor.u32 v10, v8  }
0x42: {  	[tilespmem:s9+$0xFFFFFF80] =	vst v3  }
0x43: {  	v3 =	vld.idx.msk [tilespmem:v11+s2+$0x0], $0xffff  }
0x44: {  	v5 =	vld.idx.msk [tilespmem:v5+s2+$0x0], $0xffff  }
0x45: {  	v7 =	vld.idx.msk [tilespmem:v7+s2+$0x0], $0xffff  }
0x46: {  	v8 =	vld.idx.msk [tilespmem:v9+s2+$0x0], $0xffff  }
0x47: {  	v9 =	vmov s7;
	v4 =	vld.idx.msk [tilespmem:v4+s2+$0x0], $0xffff  }
0x48: {  	v10 =	vshll.u32 v9, $0x3;
	v11 =	vld.idx.msk [tilespmem:v12+s2+$0x0], $0xffff  }
0x49: {  	v9 =	vand.u32 $0x78, v9;
	v10 =	vand.u32 $0x400, v10;
	v6 =	vld.idx.msk [tilespmem:v6+s2+$0x0], $0xffff  }
0x4a: {  	v13 =	vor.u32 $0x3, v9;
	v12 =	vadd.s32 v0, v10;
	v10 =	vadd.s32 v1, v10;
	v2 =	vld.idx.msk [tilespmem:v2+s2+$0x0], $0xffff  }
0x4b: {  	v16 =	vor.u32 $0x1, v9;
	v14 =	vor.u32 v9, v12;
	v15 =	vor.u32 v9, v10;
	[tilespmem:s9+$0x70] =	vst v3  }
0x4c: {  	v17 =	vor.u32 v13, v10;
	v3 =	vor.u32 v16, v12;
	v16 =	vor.u32 v16, v10;
	[tilespmem:s9+$0x30] =	vst v8  }
0x4d: {  	v8 =	vor.u32 $0x2, v9;
	v9 =	vor.u32 v13, v12;
	[tilespmem:s9+$0x40] =	vst v7  }
0x4e: {  	v7 =	vor.u32 v8, v12;
	v8 =	vor.u32 v8, v10;
	[tilespmem:s9+$0x50] =	vst v11  }
0x4f: {  	[tilespmem:s9+$0x60] =	vst v6  }
0x50: {  	[tilespmem:s9+$0x20] =	vst v2  }
0x51: {  	[tilespmem:s9+$0x10] =	vst v5  }
0x52: {  	[tilespmem:s9+$0x0] =	vst v4;
	s9 =	smov.u32 s19  }
0x53: {  	v6 =	vld.idx.msk [tilespmem:v9+s2+$0x0], $0xffff  }
0x54: {  	v10 =	vld.idx.msk [tilespmem:v3+s2+$0x0], $0xffff  }
0x55: {  	v5 =	vld.idx.msk [tilespmem:v8+s2+$0x0], $0xffff  }
0x56: {  	v2 =	vld.idx.msk [tilespmem:v16+s2+$0x0], $0xffff  }
0x57: {  	v9 =	vld.idx.msk [tilespmem:v7+s2+$0x0], $0xffff  }
.Ltmp0:
0x58: {  	v4 =	vld.idx.msk [tilespmem:v15+s2+$0x0], $0xffff;
	(pc) =	sbr.rel @p0 .LBB2_2-.Ltmp0, $4  }
0x59: {  	s8 =	sadd.s32 $0x4, s7;
	v8 =	vld.idx.msk [tilespmem:v17+s2+$0x0], $0xffff  }
0x5a: {  	v11 =	vmov s8;
	v3 =	vld.idx.msk [tilespmem:v14+s2+$0x0], $0xffff  }
0x5b: {  	v7 =	vand.u32 $0x7C, v11;
	[tilespmem:s19+$0xFFFFFFE0] =	vst v6;
	v6 =	vshll.u32 v11, $0x3  }
0x5c: {  	[tilespmem:s19+$0xFFFFFFA0] =	vst v10;
	v10 =	vand.u32 $0x400, v6;
	v6 =	vor.u32 $0x3, v7  }
0x5d: {  	[tilespmem:s9+$0xFFFFFFC0] =	vst v9;
	v9 =	vadd.s32 v1, v10  }
0x5e: {  	[tilespmem:s9+$0xFFFFFFD0] =	vst v5;
	v5 =	vor.u32 v6, v9  }
0x5f: {  	v12 =	vor.u32 $0x1, v7;
	[tilespmem:s9+$0xFFFFFFB0] =	vst v2;
	v11 =	vor.u32 v7, v9  }
0x60: {  	[tilespmem:s9+$0xFFFFFFF0] =	vst v8;
	v8 =	vadd.s32 v0, v10;
	v10 =	vor.u32 $0x2, v7;
	v2 =	vor.u32 v12, v9  }
0x61: {  	[tilespmem:s9+$0xFFFFFF90] =	vst v4;
	v4 =	vor.u32 v10, v8  }
0x62: {  	v7 =	vor.u32 v7, v8;
	[tilespmem:s9+$0xFFFFFF80] =	vst v3  }
0x63: {  	v3 =	vor.u32 v10, v9;
	v5 =	vld.idx.msk [tilespmem:v5+s2+$0x0], $0xffff  }
0x64: {  	v6 =	vor.u32 v6, v8;
	v9 =	vld.idx.msk [tilespmem:v11+s2+$0x0], $0xffff  }
0x65: {  	v8 =	vor.u32 v12, v8;
	v2 =	vld.idx.msk [tilespmem:v2+s2+$0x0], $0xffff  }
0x66: {  	v4 =	vld.idx.msk [tilespmem:v4+s2+$0x0], $0xffff  }
0x67: {  	v7 =	vld.idx.msk [tilespmem:v7+s2+$0x0], $0xffff  }
0x68: {  	v3 =	vld.idx.msk [tilespmem:v3+s2+$0x0], $0xffff  }
0x69: {  	v6 =	vld.idx.msk [tilespmem:v6+s2+$0x0], $0xffff  }
0x6a: {  	v8 =	vld.idx.msk [tilespmem:v8+s2+$0x0], $0xffff;
	[tilespmem:s9+$0x70] =	vst v5  }
0x6b: {  	[tilespmem:s9+$0x30] =	vst v2  }
0x6c: {  	[tilespmem:s9+$0x10] =	vst v9  }
0x6d: {  	[tilespmem:s9+$0x40] =	vst v4  }
0x6e: {  	[tilespmem:s9+$0x50] =	vst v3  }
0x6f: {  	[tilespmem:s9+$0x60] =	vst v6  }
0x70: {  	[tilespmem:s9+$0x20] =	vst v8  }
0x71: {  	s7 =	rddreg [dreg:$0x7];
	[tilespmem:s9+$0x0] =	vst v7;
	s9 =	simm.s32 $0x0  }
0x72: {  	[hbm4b:s7+s9] =	stream.linear.scatter [tilespmem:s3], [sflag:$0x3], $0x2000, $0x38;
	[tilespmem:$0xA800] =	vst v63  }
0x73: {  	s8 =	rddreg [dreg:$0x8]  }
0x74: {  	[tilespmem:s9], [sflag:$0x1] =	stream.linear.gather [hbm4b:s8+s9], $0x800, $0x38;
	[tilespmem:$0xA800] =	vst v63  }
0x75: {  	s19 =	sadd.s32 $0xF4280, s8;
	v2 =	vmov s9  }
0x76: {  	v3 =	vshll.u32 v2, $0x3;
	[tilespmem:s24], [sflag:$0x1] =	stream.linear.gather [hbm4b:s19+s9], $0x800, $0x38;
	[tilespmem:$0xA800] =	vst v63  }
0x77: {  	s20 =	sadd.s32 $0x1E8500, s8;
	v2 =	vand.u32 $0x78, v2;
	v3 =	vand.u32 $0x400, v3  }
0x78: {  	v5 =	vor.u32 $0x3, v2;
	v4 =	vadd.s32 v0, v3;
	[tilespmem:s25], [sflag:$0x1] =	stream.linear.gather [hbm4b:s20+s9], $0x800, $0x38;
	[tilespmem:$0xA800] =	vst v63  }
0x79: {  	s22 =	sadd.s32 $0x2DC780, s8;
	v6 =	vor.u32 $0x1, v2;
	v7 =	vor.u32 v5, v4  }
0x7a: {  	v9 =	vor.u32 $0x2, v2;
	v3 =	vadd.s32 v1, v3;
	v8 =	vor.u32 v6, v4;
	[tilespmem:s26], [sflag:$0x1] =	stream.linear.gather [hbm4b:s22+s9], $0x800, $0x38;
	[tilespmem:$0xA800] =	vst v63  }
0x7b: {  	v10 =	vor.u32 v9, v3;
	_ =	swait.ge [sflag:s4], $0x2000  }
0x7c: {  	v6 =	vor.u32 v6, v3;
	[sflag:s4] =	ssyncset.done $0x0  }
0x7d: {  	v9 =	vor.u32 v9, v4;
	[sflag:s4] =	ssyncadd.s32 $0xFFFFE000  }
0x7e: {  	v11 =	vor.u32 v2, v3;
	v7 =	vld.idx.msk [tilespmem:v7+s28+$0x0], $0xffff  }
0x7f: {  	v3 =	vor.u32 v5, v3;
	v63 =	vld.idx.msk [tilespmem:v8+s28+$0x0], $0xffff  }
0x80: {  	v13 =	vor.u32 v2, v4;
	v5 =	vld.idx.msk [tilespmem:v10+s28+$0x0], $0xffff  }
0x81: {  	v2 =	vld.idx.msk [tilespmem:v6+s28+$0x0], $0xffff  }
0x82: {  	v9 =	vld.idx.msk [tilespmem:v9+s28+$0x0], $0xffff  }
0x83: {  	s23 =	simm.s32 $0x4;
	v4 =	vld.idx.msk [tilespmem:v11+s28+$0x0], $0xffff  }
0x84: {  	s18 =	simm.s32 $0x8080;
	v8 =	vld.idx.msk [tilespmem:v3+s28+$0x0], $0xffff;
	v6 =	vmov s23  }
0x85: {  	v3 =	vld.idx.msk [tilespmem:v13+s28+$0x0], $0xffff;
	[tilespmem:s18+$0xFFFFFFE0] =	vst v7;
	v7 =	vand.u32 $0x7C, v6;
	v6 =	vshll.u32 v6, $0x3  }
0x86: {  	s7 =	simm.s32 $0x0;
	s19 =	simm.s32 $0x8080;
	[tilespmem:s18+$0xFFFFFFA0] =	vst v63;
	v10 =	vand.u32 $0x400, v6;
	v6 =	vor.u32 $0x3, v7  }
.LBB2_4:
0x87: {  	s7 =	sadd.s32 $0x2, s7;
	[tilespmem:s18+$0xFFFFFFC0] =	vst v9;
	v9 =	vadd.s32 v1, v10;
	s9 =	sadd.s32 $0x8, s9;
	s19 =	sadd.s32 $0x100, s19  }
0x88: {  	p0 =	slt.u32 s7, $0x3E;
	[tilespmem:s18+$0xFFFFFFD0] =	vst v5;
	v5 =	vor.u32 v7, v9;
	v11 =	vor.u32 v6, v9  }
0x89: {  	v12 =	vor.u32 $0x2, v7;
	[tilespmem:s18+$0xFFFFFFF0] =	vst v8;
	v8 =	vadd.s32 v0, v10;
	v10 =	vor.u32 $0x1, v7  }
0x8a: {  	[tilespmem:s18+$0xFFFFFF90] =	vst v4;
	v4 =	vor.u32 v7, v8;
	v7 =	vor.u32 v12, v8;
	v12 =	vor.u32 v12, v9  }
0x8b: {  	v9 =	vor.u32 v10, v9;
	v6 =	vor.u32 v6, v8;
	[tilespmem:s18+$0xFFFFFFB0] =	vst v2;
	v2 =	vor.u32 v10, v8  }
0x8c: {  	[tilespmem:s18+$0xFFFFFF80] =	vst v3  }
0x8d: {  	v3 =	vld.idx.msk [tilespmem:v11+s28+$0x0], $0xffff  }
0x8e: {  	v5 =	vld.idx.msk [tilespmem:v5+s28+$0x0], $0xffff  }
0x8f: {  	v7 =	vld.idx.msk [tilespmem:v7+s28+$0x0], $0xffff  }
0x90: {  	v8 =	vld.idx.msk [tilespmem:v9+s28+$0x0], $0xffff  }
0x91: {  	v9 =	vmov s9;
	v4 =	vld.idx.msk [tilespmem:v4+s28+$0x0], $0xffff  }
0x92: {  	v10 =	vshll.u32 v9, $0x3;
	v11 =	vld.idx.msk [tilespmem:v12+s28+$0x0], $0xffff  }
0x93: {  	v9 =	vand.u32 $0x78, v9;
	v10 =	vand.u32 $0x400, v10;
	v6 =	vld.idx.msk [tilespmem:v6+s28+$0x0], $0xffff  }
0x94: {  	v13 =	vor.u32 $0x3, v9;
	v12 =	vadd.s32 v0, v10;
	v10 =	vadd.s32 v1, v10;
	v2 =	vld.idx.msk [tilespmem:v2+s28+$0x0], $0xffff  }
0x95: {  	v16 =	vor.u32 $0x1, v9;
	v14 =	vor.u32 v9, v12;
	v15 =	vor.u32 v9, v10;
	[tilespmem:s18+$0x70] =	vst v3  }
0x96: {  	v17 =	vor.u32 v13, v10;
	v3 =	vor.u32 v16, v12;
	v16 =	vor.u32 v16, v10;
	[tilespmem:s18+$0x30] =	vst v8  }
0x97: {  	v8 =	vor.u32 $0x2, v9;
	v9 =	vor.u32 v13, v12;
	[tilespmem:s18+$0x40] =	vst v7  }
0x98: {  	v7 =	vor.u32 v8, v12;
	v8 =	vor.u32 v8, v10;
	[tilespmem:s18+$0x50] =	vst v11  }
0x99: {  	[tilespmem:s18+$0x60] =	vst v6  }
0x9a: {  	[tilespmem:s18+$0x20] =	vst v2  }
0x9b: {  	[tilespmem:s18+$0x10] =	vst v5  }
0x9c: {  	[tilespmem:s18+$0x0] =	vst v4;
	s18 =	smov.u32 s19  }
0x9d: {  	v6 =	vld.idx.msk [tilespmem:v9+s28+$0x0], $0xffff  }
0x9e: {  	v10 =	vld.idx.msk [tilespmem:v3+s28+$0x0], $0xffff  }
0x9f: {  	v5 =	vld.idx.msk [tilespmem:v8+s28+$0x0], $0xffff  }
0xa0: {  	v2 =	vld.idx.msk [tilespmem:v16+s28+$0x0], $0xffff  }
0xa1: {  	v9 =	vld.idx.msk [tilespmem:v7+s28+$0x0], $0xffff  }
.Ltmp1:
0xa2: {  	v4 =	vld.idx.msk [tilespmem:v15+s28+$0x0], $0xffff;
	(pc) =	sbr.rel @p0 .LBB2_4-.Ltmp1, $4  }
0xa3: {  	s8 =	sadd.s32 $0x4, s9;
	v8 =	vld.idx.msk [tilespmem:v17+s28+$0x0], $0xffff  }
0xa4: {  	v11 =	vmov s8;
	v3 =	vld.idx.msk [tilespmem:v14+s28+$0x0], $0xffff  }
0xa5: {  	v7 =	vand.u32 $0x7C, v11;
	[tilespmem:s19+$0xFFFFFFE0] =	vst v6;
	v6 =	vshll.u32 v11, $0x3  }
0xa6: {  	[tilespmem:s19+$0xFFFFFFA0] =	vst v10;
	v10 =	vand.u32 $0x400, v6;
	v6 =	vor.u32 $0x3, v7  }
0xa7: {  	[tilespmem:s18+$0xFFFFFFC0] =	vst v9;
	v9 =	vadd.s32 v1, v10  }
0xa8: {  	[tilespmem:s18+$0xFFFFFFD0] =	vst v5;
	v5 =	vor.u32 v6, v9  }
0xa9: {  	v12 =	vor.u32 $0x1, v7;
	[tilespmem:s18+$0xFFFFFFB0] =	vst v2;
	v11 =	vor.u32 v7, v9  }
0xaa: {  	[tilespmem:s18+$0xFFFFFFF0] =	vst v8;
	v8 =	vadd.s32 v0, v10;
	v10 =	vor.u32 $0x2, v7;
	v2 =	vor.u32 v12, v9  }
0xab: {  	[tilespmem:s18+$0xFFFFFF90] =	vst v4;
	v4 =	vor.u32 v10, v8  }
0xac: {  	v7 =	vor.u32 v7, v8;
	[tilespmem:s18+$0xFFFFFF80] =	vst v3  }
0xad: {  	v3 =	vor.u32 v10, v9;
	v5 =	vld.idx.msk [tilespmem:v5+s28+$0x0], $0xffff  }
0xae: {  	v6 =	vor.u32 v6, v8;
	v9 =	vld.idx.msk [tilespmem:v11+s28+$0x0], $0xffff  }
0xaf: {  	v8 =	vor.u32 v12, v8;
	v2 =	vld.idx.msk [tilespmem:v2+s28+$0x0], $0xffff  }
0xb0: {  	v4 =	vld.idx.msk [tilespmem:v4+s28+$0x0], $0xffff  }
0xb1: {  	v7 =	vld.idx.msk [tilespmem:v7+s28+$0x0], $0xffff  }
0xb2: {  	v3 =	vld.idx.msk [tilespmem:v3+s28+$0x0], $0xffff  }
0xb3: {  	v6 =	vld.idx.msk [tilespmem:v6+s28+$0x0], $0xffff  }
0xb4: {  	v8 =	vld.idx.msk [tilespmem:v8+s28+$0x0], $0xffff;
	[tilespmem:s18+$0x70] =	vst v5  }
0xb5: {  	[tilespmem:s18+$0x30] =	vst v2  }
0xb6: {  	[tilespmem:s18+$0x10] =	vst v9  }
0xb7: {  	[tilespmem:s18+$0x40] =	vst v4  }
0xb8: {  	[tilespmem:s18+$0x50] =	vst v3  }
0xb9: {  	[tilespmem:s18+$0x60] =	vst v6  }
0xba: {  	[tilespmem:s18+$0x20] =	vst v8  }
0xbb: {  	s9 =	simm.s32 $0x0;
	s7 =	rddreg [dreg:$0x9];
	[tilespmem:s18+$0x0] =	vst v7  }
0xbc: {  	[hbm4b:s7+s9] =	stream.linear.scatter [tilespmem:s6], [sflag:$0x4], $0x2000, $0x38;
	[tilespmem:$0xA800] =	vst v63  }
0xbd: {  	_ = 	snop  }
0xbe: {  	[tilespmem:s28], [sflag:$0x2] =	stream.linear.gather [hbm4b:s12+s9], $0x800, $0x38;
	[tilespmem:$0xA800] =	vst v63  }
0xbf: {  	s19 =	sadd.s32 $0xF4280, s12  }
0xc0: {  	[tilespmem:s29], [sflag:$0x2] =	stream.linear.gather [hbm4b:s19+s9], $0x800, $0x38;
	[tilespmem:$0xA800] =	vst v63  }
0xc1: {  	s20 =	sadd.s32 $0x1E8500, s12  }
0xc2: {  	v2 =	vmov s9;
	[tilespmem:s30], [sflag:$0x2] =	stream.linear.gather [hbm4b:s20+s9], $0x800, $0x38;
	[tilespmem:$0xA800] =	vst v63  }
0xc3: {  	s22 =	sadd.s32 $0x2DC780, s12;
	v3 =	vshll.u32 v2, $0x3  }
0xc4: {  	v2 =	vand.u32 $0x78, v2;
	v3 =	vand.u32 $0x400, v3;
	[tilespmem:s31], [sflag:$0x2] =	stream.linear.gather [hbm4b:s22+s9], $0x800, $0x38;
	[tilespmem:$0xA800] =	vst v63  }
0xc5: {  	v5 =	vor.u32 $0x3, v2;
	v4 =	vadd.s32 v0, v3;
	_ =	swait.ge [sflag:s0], $0x2000  }
0xc6: {  	v6 =	vor.u32 $0x1, v2;
	v7 =	vor.u32 v5, v4;
	[sflag:s0] =	ssyncset.done $0x0  }
0xc7: {  	v9 =	vor.u32 $0x2, v2;
	v3 =	vadd.s32 v1, v3;
	v8 =	vor.u32 v6, v4;
	[sflag:s0] =	ssyncadd.s32 $0xFFFFE000  }
0xc8: {  	v10 =	vor.u32 v9, v3;
	_ =	swait.ge [sflag:s11], $0x2000  }
0xc9: {  	v6 =	vor.u32 v6, v3;
	[sflag:s11] =	ssyncset.done $0x0  }
0xca: {  	v9 =	vor.u32 v9, v4;
	[sflag:s11] =	ssyncadd.s32 $0xFFFFE000  }
0xcb: {  	v11 =	vor.u32 v2, v3;
	v7 =	vld.idx.msk [tilespmem:v7+s2+$0x0], $0xffff  }
0xcc: {  	v3 =	vor.u32 v5, v3;
	v63 =	vld.idx.msk [tilespmem:v8+s2+$0x0], $0xffff  }
0xcd: {  	v13 =	vor.u32 v2, v4;
	v5 =	vld.idx.msk [tilespmem:v10+s2+$0x0], $0xffff  }
0xce: {  	v2 =	vld.idx.msk [tilespmem:v6+s2+$0x0], $0xffff  }
0xcf: {  	v9 =	vld.idx.msk [tilespmem:v9+s2+$0x0], $0xffff  }
0xd0: {  	s23 =	simm.s32 $0x4;
	v4 =	vld.idx.msk [tilespmem:v11+s2+$0x0], $0xffff  }
0xd1: {  	s18 =	simm.s32 $0x6080;
	v8 =	vld.idx.msk [tilespmem:v3+s2+$0x0], $0xffff;
	v6 =	vmov s23  }
0xd2: {  	v3 =	vld.idx.msk [tilespmem:v13+s2+$0x0], $0xffff;
	[tilespmem:s18+$0xFFFFFFE0] =	vst v7;
	v7 =	vand.u32 $0x7C, v6;
	v6 =	vshll.u32 v6, $0x3  }
0xd3: {  	s7 =	simm.s32 $0x0;
	s19 =	simm.s32 $0x6080;
	[tilespmem:s18+$0xFFFFFFA0] =	vst v63;
	v10 =	vand.u32 $0x400, v6;
	v6 =	vor.u32 $0x3, v7  }
.LBB2_6:
0xd4: {  	s7 =	sadd.s32 $0x2, s7;
	[tilespmem:s18+$0xFFFFFFC0] =	vst v9;
	v9 =	vadd.s32 v1, v10;
	s9 =	sadd.s32 $0x8, s9;
	s19 =	sadd.s32 $0x100, s19  }
0xd5: {  	p0 =	slt.u32 s7, $0x3E;
	[tilespmem:s18+$0xFFFFFFD0] =	vst v5;
	v5 =	vor.u32 v7, v9;
	v11 =	vor.u32 v6, v9  }
0xd6: {  	v12 =	vor.u32 $0x2, v7;
	[tilespmem:s18+$0xFFFFFFF0] =	vst v8;
	v8 =	vadd.s32 v0, v10;
	v10 =	vor.u32 $0x1, v7  }
0xd7: {  	[tilespmem:s18+$0xFFFFFF90] =	vst v4;
	v4 =	vor.u32 v7, v8;
	v7 =	vor.u32 v12, v8;
	v12 =	vor.u32 v12, v9  }
0xd8: {  	v9 =	vor.u32 v10, v9;
	v6 =	vor.u32 v6, v8;
	[tilespmem:s18+$0xFFFFFFB0] =	vst v2;
	v2 =	vor.u32 v10, v8  }
0xd9: {  	[tilespmem:s18+$0xFFFFFF80] =	vst v3  }
0xda: {  	v3 =	vld.idx.msk [tilespmem:v11+s2+$0x0], $0xffff  }
0xdb: {  	v5 =	vld.idx.msk [tilespmem:v5+s2+$0x0], $0xffff  }
0xdc: {  	v7 =	vld.idx.msk [tilespmem:v7+s2+$0x0], $0xffff  }
0xdd: {  	v8 =	vld.idx.msk [tilespmem:v9+s2+$0x0], $0xffff  }
0xde: {  	v9 =	vmov s9;
	v4 =	vld.idx.msk [tilespmem:v4+s2+$0x0], $0xffff  }
0xdf: {  	v10 =	vshll.u32 v9, $0x3;
	v11 =	vld.idx.msk [tilespmem:v12+s2+$0x0], $0xffff  }
0xe0: {  	v9 =	vand.u32 $0x78, v9;
	v10 =	vand.u32 $0x400, v10;
	v6 =	vld.idx.msk [tilespmem:v6+s2+$0x0], $0xffff  }
0xe1: {  	v13 =	vor.u32 $0x3, v9;
	v12 =	vadd.s32 v0, v10;
	v10 =	vadd.s32 v1, v10;
	v2 =	vld.idx.msk [tilespmem:v2+s2+$0x0], $0xffff  }
0xe2: {  	v16 =	vor.u32 $0x1, v9;
	v14 =	vor.u32 v9, v12;
	v15 =	vor.u32 v9, v10;
	[tilespmem:s18+$0x70] =	vst v3  }
0xe3: {  	v17 =	vor.u32 v13, v10;
	v3 =	vor.u32 v16, v12;
	v16 =	vor.u32 v16, v10;
	[tilespmem:s18+$0x30] =	vst v8  }
0xe4: {  	v8 =	vor.u32 $0x2, v9;
	v9 =	vor.u32 v13, v12;
	[tilespmem:s18+$0x40] =	vst v7  }
0xe5: {  	v7 =	vor.u32 v8, v12;
	v8 =	vor.u32 v8, v10;
	[tilespmem:s18+$0x50] =	vst v11  }
0xe6: {  	[tilespmem:s18+$0x60] =	vst v6  }
0xe7: {  	[tilespmem:s18+$0x20] =	vst v2  }
0xe8: {  	[tilespmem:s18+$0x10] =	vst v5  }
0xe9: {  	[tilespmem:s18+$0x0] =	vst v4;
	s18 =	smov.u32 s19  }
0xea: {  	v6 =	vld.idx.msk [tilespmem:v9+s2+$0x0], $0xffff  }
0xeb: {  	v10 =	vld.idx.msk [tilespmem:v3+s2+$0x0], $0xffff  }
0xec: {  	v5 =	vld.idx.msk [tilespmem:v8+s2+$0x0], $0xffff  }
0xed: {  	v2 =	vld.idx.msk [tilespmem:v16+s2+$0x0], $0xffff  }
0xee: {  	v9 =	vld.idx.msk [tilespmem:v7+s2+$0x0], $0xffff  }
.Ltmp2:
0xef: {  	v4 =	vld.idx.msk [tilespmem:v15+s2+$0x0], $0xffff;
	(pc) =	sbr.rel @p0 .LBB2_6-.Ltmp2, $4  }
0xf0: {  	s8 =	sadd.s32 $0x4, s9;
	v8 =	vld.idx.msk [tilespmem:v17+s2+$0x0], $0xffff  }
0xf1: {  	v11 =	vmov s8;
	v3 =	vld.idx.msk [tilespmem:v14+s2+$0x0], $0xffff  }
0xf2: {  	v7 =	vand.u32 $0x7C, v11;
	[tilespmem:s19+$0xFFFFFFE0] =	vst v6;
	v6 =	vshll.u32 v11, $0x3  }
0xf3: {  	[tilespmem:s19+$0xFFFFFFA0] =	vst v10;
	v10 =	vand.u32 $0x400, v6;
	v6 =	vor.u32 $0x3, v7  }
0xf4: {  	[tilespmem:s18+$0xFFFFFFC0] =	vst v9;
	v56 =	vadd.s32 v1, v10  }
0xf5: {  	[tilespmem:s18+$0xFFFFFFD0] =	vst v5;
	v57 =	vor.u32 v6, v56  }
0xf6: {  	v58 =	vadd.s32 v0, v10;
	v59 =	vor.u32 $0x2, v7;
	[tilespmem:s18+$0xFFFFFF90] =	vst v4;
	v11 =	vor.u32 v7, v56  }
0xf7: {  	v12 =	vor.u32 $0x1, v7;
	[tilespmem:s18+$0xFFFFFFB0] =	vst v2;
	v60 =	vor.u32 v59, v58  }
0xf8: {  	[tilespmem:s18+$0xFFFFFFF0] =	vst v8;
	v2 =	vor.u32 v12, v56  }
0xf9: {  	v61 =	vor.u32 v7, v58;
	[tilespmem:s18+$0xFFFFFF80] =	vst v3  }
0xfa: {  	v62 =	vor.u32 v6, v58;
	v5 =	vld.idx.msk [tilespmem:v57+s2+$0x0], $0xffff  }
0xfb: {  	v8 =	vor.u32 v12, v58;
	v63 =	vld.idx.msk [tilespmem:v11+s2+$0x0], $0xffff  }
0xfc: {  	v3 =	vor.u32 v59, v56;
	v4 =	vld.idx.msk [tilespmem:v60+s2+$0x0], $0xffff  }
0xfd: {  	v2 =	vld.idx.msk [tilespmem:v2+s2+$0x0], $0xffff  }
0xfe: {  	v7 =	vld.idx.msk [tilespmem:v61+s2+$0x0], $0xffff  }
0xff: {  	v6 =	vld.idx.msk [tilespmem:v62+s2+$0x0], $0xffff  }
0x100: {  	v8 =	vld.idx.msk [tilespmem:v8+s2+$0x0], $0xffff  }
0x101: {  	v3 =	vld.idx.msk [tilespmem:v3+s2+$0x0], $0xffff;
	[tilespmem:s18+$0x70] =	vst v5  }
0x102: {  	[tilespmem:s18+$0x30] =	vst v2  }
0x103: {  	[tilespmem:s18+$0x40] =	vst v4  }
0x104: {  	[tilespmem:s18+$0x60] =	vst v6  }
0x105: {  	[tilespmem:s18+$0x20] =	vst v8  }
0x106: {  	[tilespmem:s18+$0x10] =	vst v63  }
0x107: {  	[tilespmem:s18+$0x0] =	vst v7  }
0x108: {  	s7 =	rddreg [dreg:$0xa];
	s19 =	simm.s32 $0x0;
	[tilespmem:s18+$0x50] =	vst v3;
	s18 =	simm.s32 $0x0  }
0x109: {  	[hbm4b:s7+s18] =	stream.linear.scatter [tilespmem:s3], [sflag:$0x3], $0x2000, $0x38;
	[tilespmem:$0xA800] =	vst v63  }
.LBB2_8:
0x10a: {  	s23 =	sshll.u32 s19, $0x6  }
0x10b: {  	s20 =	sadd.s32 s14, s23  }
0x10c: {  	s7 =	sshll.u32 s20, $0x8  }
0x10d: {  	s7 =	sand.u32 $0x1FFFFF00, s7  }
0x10e: {  	s7 =	sadd.s32 s1, s7  }
0x10f: {  	[tilespmem:s18], [sflag:$0x1] =	stream.linear.gather [hbm4b:s7+s18], $0x800, $0x38;
	[tilespmem:$0xA800] =	vst v63  }
0x110: {  	s8 =	sadd.s32 $0xF4280, s7  }
0x111: {  	[tilespmem:s24], [sflag:$0x1] =	stream.linear.gather [hbm4b:s8+s18], $0x800, $0x38;
	[tilespmem:$0xA800] =	vst v63  }
0x112: {  	s10 =	sadd.s32 $0x1E8500, s7  }
0x113: {  	v2 =	vmov s18;
	[tilespmem:s25], [sflag:$0x1] =	stream.linear.gather [hbm4b:s10+s18], $0x800, $0x38;
	[tilespmem:$0xA800] =	vst v63  }
0x114: {  	v3 =	vshll.u32 v2, $0x3;
	s7 =	sadd.s32 $0x2DC780, s7  }
0x115: {  	v2 =	vand.u32 $0x78, v2;
	v3 =	vand.u32 $0x400, v3;
	[tilespmem:s26], [sflag:$0x1] =	stream.linear.gather [hbm4b:s7+s18], $0x800, $0x38;
	[tilespmem:$0xA800] =	vst v63  }
0x116: {  	v5 =	vor.u32 $0x3, v2;
	v4 =	vadd.s32 v0, v3;
	_ =	swait.ge [sflag:s4], $0x2000  }
0x117: {  	v6 =	vor.u32 $0x1, v2;
	v7 =	vor.u32 v5, v4;
	[sflag:s4] =	ssyncset.done $0x0  }
0x118: {  	v9 =	vor.u32 $0x2, v2;
	v3 =	vadd.s32 v1, v3;
	v8 =	vor.u32 v6, v4;
	[sflag:s4] =	ssyncadd.s32 $0xFFFFE000  }
0x119: {  	v10 =	vor.u32 v9, v3;
	_ =	swait.ge [sflag:s13], $0x2000  }
0x11a: {  	v6 =	vor.u32 v6, v3;
	[sflag:s13] =	ssyncset.done $0x0  }
0x11b: {  	v9 =	vor.u32 v9, v4;
	[sflag:s13] =	ssyncadd.s32 $0xFFFFE000  }
0x11c: {  	v11 =	vor.u32 v2, v3;
	v7 =	vld.idx.msk [tilespmem:v7+s28+$0x0], $0xffff  }
0x11d: {  	v3 =	vor.u32 v5, v3;
	v12 =	vld.idx.msk [tilespmem:v8+s28+$0x0], $0xffff  }
0x11e: {  	v13 =	vor.u32 v2, v4;
	v5 =	vld.idx.msk [tilespmem:v10+s28+$0x0], $0xffff  }
0x11f: {  	v2 =	vld.idx.msk [tilespmem:v6+s28+$0x0], $0xffff  }
0x120: {  	v9 =	vld.idx.msk [tilespmem:v9+s28+$0x0], $0xffff  }
0x121: {  	s22 =	simm.s32 $0x4;
	v4 =	vld.idx.msk [tilespmem:v11+s28+$0x0], $0xffff  }
0x122: {  	s9 =	simm.s32 $0x8080;
	v8 =	vld.idx.msk [tilespmem:v3+s28+$0x0], $0xffff;
	v6 =	vmov s22  }
0x123: {  	v3 =	vld.idx.msk [tilespmem:v13+s28+$0x0], $0xffff;
	[tilespmem:s9+$0xFFFFFFE0] =	vst v7;
	v7 =	vand.u32 $0x7C, v6;
	v6 =	vshll.u32 v6, $0x3  }
0x124: {  	s8 =	simm.s32 $0x8080;
	s7 =	simm.s32 $0x0;
	s22 =	simm.s32 $0x0;
	[tilespmem:s9+$0xFFFFFFA0] =	vst v12;
	v10 =	vand.u32 $0x400, v6;
	v6 =	vor.u32 $0x3, v7  }
.LBB2_9:
0x125: {  	s7 =	sadd.s32 $0x2, s7;
	[tilespmem:s9+$0xFFFFFFC0] =	vst v9;
	v9 =	vadd.s32 v1, v10;
	s22 =	sadd.s32 $0x8, s22;
	s8 =	sadd.s32 $0x100, s8  }
0x126: {  	p0 =	slt.u32 s7, $0x3E;
	[tilespmem:s9+$0xFFFFFFD0] =	vst v5;
	v5 =	vor.u32 v7, v9;
	v11 =	vor.u32 v6, v9  }
0x127: {  	v12 =	vor.u32 $0x2, v7;
	[tilespmem:s9+$0xFFFFFFF0] =	vst v8;
	v8 =	vadd.s32 v0, v10;
	v10 =	vor.u32 $0x1, v7  }
0x128: {  	[tilespmem:s9+$0xFFFFFF90] =	vst v4;
	v4 =	vor.u32 v7, v8;
	v7 =	vor.u32 v12, v8;
	v12 =	vor.u32 v12, v9  }
0x129: {  	v9 =	vor.u32 v10, v9;
	v6 =	vor.u32 v6, v8;
	[tilespmem:s9+$0xFFFFFFB0] =	vst v2;
	v2 =	vor.u32 v10, v8  }
0x12a: {  	[tilespmem:s9+$0xFFFFFF80] =	vst v3  }
0x12b: {  	v3 =	vld.idx.msk [tilespmem:v11+s28+$0x0], $0xffff  }
0x12c: {  	v5 =	vld.idx.msk [tilespmem:v5+s28+$0x0], $0xffff  }
0x12d: {  	v7 =	vld.idx.msk [tilespmem:v7+s28+$0x0], $0xffff  }
0x12e: {  	v8 =	vld.idx.msk [tilespmem:v9+s28+$0x0], $0xffff  }
0x12f: {  	v9 =	vmov s22;
	v4 =	vld.idx.msk [tilespmem:v4+s28+$0x0], $0xffff  }
0x130: {  	v10 =	vshll.u32 v9, $0x3;
	v11 =	vld.idx.msk [tilespmem:v12+s28+$0x0], $0xffff  }
0x131: {  	v9 =	vand.u32 $0x78, v9;
	v10 =	vand.u32 $0x400, v10;
	v6 =	vld.idx.msk [tilespmem:v6+s28+$0x0], $0xffff  }
0x132: {  	v13 =	vor.u32 $0x3, v9;
	v12 =	vadd.s32 v0, v10;
	v10 =	vadd.s32 v1, v10;
	v2 =	vld.idx.msk [tilespmem:v2+s28+$0x0], $0xffff  }
0x133: {  	v16 =	vor.u32 $0x1, v9;
	v14 =	vor.u32 v9, v12;
	v15 =	vor.u32 v9, v10;
	[tilespmem:s9+$0x70] =	vst v3  }
0x134: {  	v17 =	vor.u32 v13, v10;
	v3 =	vor.u32 v16, v12;
	v16 =	vor.u32 v16, v10;
	[tilespmem:s9+$0x30] =	vst v8  }
0x135: {  	v8 =	vor.u32 $0x2, v9;
	v9 =	vor.u32 v13, v12;
	[tilespmem:s9+$0x40] =	vst v7  }
0x136: {  	v7 =	vor.u32 v8, v12;
	v8 =	vor.u32 v8, v10;
	[tilespmem:s9+$0x50] =	vst v11  }
0x137: {  	[tilespmem:s9+$0x60] =	vst v6  }
0x138: {  	[tilespmem:s9+$0x20] =	vst v2  }
0x139: {  	[tilespmem:s9+$0x10] =	vst v5  }
0x13a: {  	[tilespmem:s9+$0x0] =	vst v4;
	s9 =	smov.u32 s8  }
0x13b: {  	v6 =	vld.idx.msk [tilespmem:v9+s28+$0x0], $0xffff  }
0x13c: {  	v10 =	vld.idx.msk [tilespmem:v3+s28+$0x0], $0xffff  }
0x13d: {  	v5 =	vld.idx.msk [tilespmem:v8+s28+$0x0], $0xffff  }
0x13e: {  	v2 =	vld.idx.msk [tilespmem:v16+s28+$0x0], $0xffff  }
0x13f: {  	v9 =	vld.idx.msk [tilespmem:v7+s28+$0x0], $0xffff  }
.Ltmp3:
0x140: {  	v4 =	vld.idx.msk [tilespmem:v15+s28+$0x0], $0xffff;
	(pc) =	sbr.rel @p0 .LBB2_9-.Ltmp3, $4  }
0x141: {  	s10 =	sadd.s32 $0x4, s22;
	v8 =	vld.idx.msk [tilespmem:v17+s28+$0x0], $0xffff  }
0x142: {  	v11 =	vmov s10;
	v3 =	vld.idx.msk [tilespmem:v14+s28+$0x0], $0xffff  }
0x143: {  	v7 =	vand.u32 $0x7C, v11;
	[tilespmem:s8+$0xFFFFFFE0] =	vst v6;
	v6 =	vshll.u32 v11, $0x3  }
0x144: {  	[tilespmem:s8+$0xFFFFFFA0] =	vst v10;
	v10 =	vand.u32 $0x400, v6;
	v6 =	vor.u32 $0x3, v7  }
0x145: {  	[tilespmem:s9+$0xFFFFFFC0] =	vst v9;
	v9 =	vadd.s32 v1, v10  }
0x146: {  	[tilespmem:s9+$0xFFFFFFD0] =	vst v5;
	v5 =	vor.u32 v6, v9  }
0x147: {  	v12 =	vor.u32 $0x1, v7;
	[tilespmem:s9+$0xFFFFFFB0] =	vst v2;
	v11 =	vor.u32 v7, v9  }
0x148: {  	[tilespmem:s9+$0xFFFFFFF0] =	vst v8;
	v8 =	vadd.s32 v0, v10;
	v10 =	vor.u32 $0x2, v7;
	v2 =	vor.u32 v12, v9  }
0x149: {  	[tilespmem:s9+$0xFFFFFF90] =	vst v4;
	v4 =	vor.u32 v10, v8  }
0x14a: {  	v7 =	vor.u32 v7, v8;
	[tilespmem:s9+$0xFFFFFF80] =	vst v3  }
0x14b: {  	v3 =	vor.u32 v10, v9;
	v5 =	vld.idx.msk [tilespmem:v5+s28+$0x0], $0xffff  }
0x14c: {  	v6 =	vor.u32 v6, v8;
	v9 =	vld.idx.msk [tilespmem:v11+s28+$0x0], $0xffff  }
0x14d: {  	v8 =	vor.u32 v12, v8;
	v2 =	vld.idx.msk [tilespmem:v2+s28+$0x0], $0xffff  }
0x14e: {  	v4 =	vld.idx.msk [tilespmem:v4+s28+$0x0], $0xffff  }
0x14f: {  	v7 =	vld.idx.msk [tilespmem:v7+s28+$0x0], $0xffff  }
0x150: {  	v3 =	vld.idx.msk [tilespmem:v3+s28+$0x0], $0xffff  }
0x151: {  	v6 =	vld.idx.msk [tilespmem:v6+s28+$0x0], $0xffff  }
0x152: {  	v8 =	vld.idx.msk [tilespmem:v8+s28+$0x0], $0xffff;
	[tilespmem:s9+$0x70] =	vst v5  }
0x153: {  	[tilespmem:s9+$0x30] =	vst v2  }
0x154: {  	[tilespmem:s9+$0x10] =	vst v9  }
0x155: {  	[tilespmem:s9+$0x40] =	vst v4  }
0x156: {  	[tilespmem:s9+$0x50] =	vst v3  }
0x157: {  	s7 =	sadd.s32 s15, s23;
	[tilespmem:s9+$0x60] =	vst v6  }
0x158: {  	s7 =	sshll.u32 s7, $0xA;
	[tilespmem:s9+$0x20] =	vst v8  }
0x159: {  	s8 =	sadd.s32 s16, s23;
	s7 =	sadd.s32 s5, s7;
	[tilespmem:s9+$0x0] =	vst v7;
	s9 =	simm.s32 $0x0  }
0x15a: {  	[hbm4b:s7+s9] =	stream.linear.scatter [tilespmem:s6], [sflag:$0x4], $0x2000, $0x38;
	[tilespmem:$0xA800] =	vst v63  }
0x15b: {  	s7 =	sshll.u32 s8, $0x8  }
0x15c: {  	s7 =	sadd.s32 s1, s7  }
0x15d: {  	[tilespmem:s28], [sflag:$0x2] =	stream.linear.gather [hbm4b:s7+s9], $0x800, $0x38;
	[tilespmem:$0xA800] =	vst v63  }
0x15e: {  	s8 =	sadd.s32 $0xF4280, s7  }
0x15f: {  	[tilespmem:s29], [sflag:$0x2] =	stream.linear.gather [hbm4b:s8+s9], $0x800, $0x38;
	[tilespmem:$0xA800] =	vst v63  }
0x160: {  	s10 =	sadd.s32 $0x1E8500, s7  }
0x161: {  	v2 =	vmov s9;
	[tilespmem:s30], [sflag:$0x2] =	stream.linear.gather [hbm4b:s10+s9], $0x800, $0x38;
	[tilespmem:$0xA800] =	vst v63  }
0x162: {  	v3 =	vshll.u32 v2, $0x3;
	s7 =	sadd.s32 $0x2DC780, s7  }
0x163: {  	v2 =	vand.u32 $0x78, v2;
	v3 =	vand.u32 $0x400, v3;
	[tilespmem:s31], [sflag:$0x2] =	stream.linear.gather [hbm4b:s7+s9], $0x800, $0x38;
	[tilespmem:$0xA800] =	vst v63  }
0x164: {  	v5 =	vor.u32 $0x3, v2;
	v4 =	vadd.s32 v0, v3;
	_ =	swait.ge [sflag:s0], $0x2000  }
0x165: {  	v6 =	vor.u32 $0x1, v2;
	v7 =	vor.u32 v5, v4;
	[sflag:s0] =	ssyncset.done $0x0  }
0x166: {  	v9 =	vor.u32 $0x2, v2;
	v3 =	vadd.s32 v1, v3;
	v8 =	vor.u32 v6, v4;
	[sflag:s0] =	ssyncadd.s32 $0xFFFFE000  }
0x167: {  	v10 =	vor.u32 v9, v3;
	_ =	swait.ge [sflag:s11], $0x2000  }
0x168: {  	v6 =	vor.u32 v6, v3;
	[sflag:s11] =	ssyncset.done $0x0  }
0x169: {  	v9 =	vor.u32 v9, v4;
	[sflag:s11] =	ssyncadd.s32 $0xFFFFE000  }
0x16a: {  	v11 =	vor.u32 v2, v3;
	v7 =	vld.idx.msk [tilespmem:v7+s2+$0x0], $0xffff  }
0x16b: {  	v3 =	vor.u32 v5, v3;
	v63 =	vld.idx.msk [tilespmem:v8+s2+$0x0], $0xffff  }
0x16c: {  	v13 =	vor.u32 v2, v4;
	v5 =	vld.idx.msk [tilespmem:v10+s2+$0x0], $0xffff  }
0x16d: {  	v2 =	vld.idx.msk [tilespmem:v6+s2+$0x0], $0xffff  }
0x16e: {  	v9 =	vld.idx.msk [tilespmem:v9+s2+$0x0], $0xffff  }
0x16f: {  	s22 =	simm.s32 $0x4;
	v4 =	vld.idx.msk [tilespmem:v11+s2+$0x0], $0xffff  }
0x170: {  	s23 =	simm.s32 $0x6080;
	v8 =	vld.idx.msk [tilespmem:v3+s2+$0x0], $0xffff;
	v6 =	vmov s22  }
0x171: {  	v3 =	vld.idx.msk [tilespmem:v13+s2+$0x0], $0xffff;
	[tilespmem:s23+$0xFFFFFFE0] =	vst v7;
	v7 =	vand.u32 $0x7C, v6;
	v6 =	vshll.u32 v6, $0x3  }
0x172: {  	s8 =	simm.s32 $0x6080;
	s7 =	simm.s32 $0x0;
	[tilespmem:s23+$0xFFFFFFA0] =	vst v63;
	v10 =	vand.u32 $0x400, v6;
	v6 =	vor.u32 $0x3, v7  }
.LBB2_11:
0x173: {  	s7 =	sadd.s32 $0x2, s7;
	[tilespmem:s23+$0xFFFFFFC0] =	vst v9;
	v9 =	vadd.s32 v1, v10;
	s9 =	sadd.s32 $0x8, s9;
	s8 =	sadd.s32 $0x100, s8  }
0x174: {  	p0 =	slt.u32 s7, $0x3E;
	[tilespmem:s23+$0xFFFFFFD0] =	vst v5;
	v5 =	vor.u32 v7, v9;
	v11 =	vor.u32 v6, v9  }
0x175: {  	v12 =	vor.u32 $0x2, v7;
	[tilespmem:s23+$0xFFFFFFF0] =	vst v8;
	v8 =	vadd.s32 v0, v10;
	v10 =	vor.u32 $0x1, v7  }
0x176: {  	[tilespmem:s23+$0xFFFFFF90] =	vst v4;
	v4 =	vor.u32 v7, v8;
	v7 =	vor.u32 v12, v8;
	v12 =	vor.u32 v12, v9  }
0x177: {  	v9 =	vor.u32 v10, v9;
	v6 =	vor.u32 v6, v8;
	[tilespmem:s23+$0xFFFFFFB0] =	vst v2;
	v2 =	vor.u32 v10, v8  }
0x178: {  	[tilespmem:s23+$0xFFFFFF80] =	vst v3  }
0x179: {  	v3 =	vld.idx.msk [tilespmem:v11+s2+$0x0], $0xffff  }
0x17a: {  	v5 =	vld.idx.msk [tilespmem:v5+s2+$0x0], $0xffff  }
0x17b: {  	v7 =	vld.idx.msk [tilespmem:v7+s2+$0x0], $0xffff  }
0x17c: {  	v8 =	vld.idx.msk [tilespmem:v9+s2+$0x0], $0xffff  }
0x17d: {  	v9 =	vmov s9;
	v4 =	vld.idx.msk [tilespmem:v4+s2+$0x0], $0xffff  }
0x17e: {  	v10 =	vshll.u32 v9, $0x3;
	v11 =	vld.idx.msk [tilespmem:v12+s2+$0x0], $0xffff  }
0x17f: {  	v9 =	vand.u32 $0x78, v9;
	v10 =	vand.u32 $0x400, v10;
	v6 =	vld.idx.msk [tilespmem:v6+s2+$0x0], $0xffff  }
0x180: {  	v13 =	vor.u32 $0x3, v9;
	v12 =	vadd.s32 v0, v10;
	v10 =	vadd.s32 v1, v10;
	v2 =	vld.idx.msk [tilespmem:v2+s2+$0x0], $0xffff  }
0x181: {  	v16 =	vor.u32 $0x1, v9;
	v14 =	vor.u32 v9, v12;
	v15 =	vor.u32 v9, v10;
	[tilespmem:s23+$0x70] =	vst v3  }
0x182: {  	v17 =	vor.u32 v13, v10;
	v3 =	vor.u32 v16, v12;
	v16 =	vor.u32 v16, v10;
	[tilespmem:s23+$0x30] =	vst v8  }
0x183: {  	v8 =	vor.u32 $0x2, v9;
	v9 =	vor.u32 v13, v12;
	[tilespmem:s23+$0x40] =	vst v7  }
0x184: {  	v7 =	vor.u32 v8, v12;
	v8 =	vor.u32 v8, v10;
	[tilespmem:s23+$0x50] =	vst v11  }
0x185: {  	[tilespmem:s23+$0x60] =	vst v6  }
0x186: {  	[tilespmem:s23+$0x20] =	vst v2  }
0x187: {  	[tilespmem:s23+$0x10] =	vst v5  }
0x188: {  	[tilespmem:s23+$0x0] =	vst v4;
	s23 =	smov.u32 s8  }
0x189: {  	v6 =	vld.idx.msk [tilespmem:v9+s2+$0x0], $0xffff  }
0x18a: {  	v10 =	vld.idx.msk [tilespmem:v3+s2+$0x0], $0xffff  }
0x18b: {  	v5 =	vld.idx.msk [tilespmem:v8+s2+$0x0], $0xffff  }
0x18c: {  	v2 =	vld.idx.msk [tilespmem:v16+s2+$0x0], $0xffff  }
0x18d: {  	v9 =	vld.idx.msk [tilespmem:v7+s2+$0x0], $0xffff  }
.Ltmp4:
0x18e: {  	v4 =	vld.idx.msk [tilespmem:v15+s2+$0x0], $0xffff;
	(pc) =	sbr.rel @p0 .LBB2_11-.Ltmp4, $4  }
0x18f: {  	s10 =	sadd.s32 $0x4, s9;
	v8 =	vld.idx.msk [tilespmem:v17+s2+$0x0], $0xffff  }
0x190: {  	v11 =	vmov s10;
	v3 =	vld.idx.msk [tilespmem:v14+s2+$0x0], $0xffff  }
0x191: {  	v7 =	vand.u32 $0x7C, v11;
	[tilespmem:s8+$0xFFFFFFE0] =	vst v6;
	v6 =	vshll.u32 v11, $0x3  }
0x192: {  	[tilespmem:s8+$0xFFFFFFA0] =	vst v10;
	v10 =	vand.u32 $0x400, v6;
	v6 =	vor.u32 $0x3, v7  }
0x193: {  	[tilespmem:s23+$0xFFFFFFC0] =	vst v9;
	v56 =	vadd.s32 v1, v10  }
0x194: {  	[tilespmem:s23+$0xFFFFFFD0] =	vst v5;
	v57 =	vor.u32 v6, v56  }
0x195: {  	v58 =	vadd.s32 v0, v10;
	v59 =	vor.u32 $0x2, v7;
	[tilespmem:s23+$0xFFFFFF90] =	vst v4;
	v11 =	vor.u32 v7, v56  }
0x196: {  	v12 =	vor.u32 $0x1, v7;
	[tilespmem:s23+$0xFFFFFFB0] =	vst v2;
	v60 =	vor.u32 v59, v58  }
0x197: {  	[tilespmem:s23+$0xFFFFFFF0] =	vst v8;
	v2 =	vor.u32 v12, v56  }
0x198: {  	v61 =	vor.u32 v7, v58;
	[tilespmem:s23+$0xFFFFFF80] =	vst v3  }
0x199: {  	v62 =	vor.u32 v6, v58;
	v5 =	vld.idx.msk [tilespmem:v57+s2+$0x0], $0xffff  }
0x19a: {  	v8 =	vor.u32 v12, v58;
	v63 =	vld.idx.msk [tilespmem:v11+s2+$0x0], $0xffff  }
0x19b: {  	v3 =	vor.u32 v59, v56;
	v4 =	vld.idx.msk [tilespmem:v60+s2+$0x0], $0xffff  }
0x19c: {  	v2 =	vld.idx.msk [tilespmem:v2+s2+$0x0], $0xffff  }
0x19d: {  	v7 =	vld.idx.msk [tilespmem:v61+s2+$0x0], $0xffff  }
0x19e: {  	v6 =	vld.idx.msk [tilespmem:v62+s2+$0x0], $0xffff  }
0x19f: {  	v8 =	vld.idx.msk [tilespmem:v8+s2+$0x0], $0xffff  }
0x1a0: {  	v3 =	vld.idx.msk [tilespmem:v3+s2+$0x0], $0xffff;
	[tilespmem:s23+$0x70] =	vst v5  }
0x1a1: {  	[tilespmem:s23+$0x30] =	vst v2  }
0x1a2: {  	s19 =	sadd.s32 $0x1, s19;
	[tilespmem:s23+$0x40] =	vst v4  }
0x1a3: {  	p0 =	sne.s32 s19, $0x3B;
	[tilespmem:s23+$0x60] =	vst v6  }
.Ltmp5:
0x1a4: {  	[tilespmem:s23+$0x20] =	vst v8;
	(pc) =	sbr.rel @p0 .LBB2_8-.Ltmp5, $4  }
0x1a5: {  	s7 =	sshll.u32 s20, $0xA;
	[tilespmem:s23+$0x10] =	vst v63  }
0x1a6: {  	s7 =	sand.u32 $0x1FFFFC00, s7;
	[tilespmem:s23+$0x0] =	vst v7  }
0x1a7: {  	s7 =	sadd.s32 s5, s7;
	[tilespmem:s23+$0x50] =	vst v3  }
0x1a8: {  	[hbm4b:s7+s2] =	stream.linear.scatter [tilespmem:s3], [sflag:$0x3], $0x2000, $0x38;
	[tilespmem:$0xA800] =	vst v63  }
0x1a9: {  	s9 =	simm.s32 $0x0  }
0x1aa: {  	[tilespmem:s9], [sflag:$0x1] =	stream.linear.gather [hbm4b:s17+s9], $0x800, $0x38;
	[tilespmem:$0xA800] =	vst v63  }
0x1ab: {  	s7 =	sadd.s32 $0xF4280, s17  }
0x1ac: {  	[tilespmem:s24], [sflag:$0x1] =	stream.linear.gather [hbm4b:s7+s9], $0x800, $0x38;
	[tilespmem:$0xA800] =	vst v63  }
0x1ad: {  	s20 =	sadd.s32 $0x1E8500, s17  }
0x1ae: {  	v2 =	vmov s9;
	[tilespmem:s25], [sflag:$0x1] =	stream.linear.gather [hbm4b:s20+s9], $0x800, $0x38;
	[tilespmem:$0xA800] =	vst v63  }
0x1af: {  	s22 =	sadd.s32 $0x2DC780, s17;
	v3 =	vshll.u32 v2, $0x3  }
0x1b0: {  	v2 =	vand.u32 $0x78, v2;
	v3 =	vand.u32 $0x400, v3;
	[tilespmem:s26], [sflag:$0x1] =	stream.linear.gather [hbm4b:s22+s9], $0x800, $0x38;
	[tilespmem:$0xA800] =	vst v63  }
0x1b1: {  	v5 =	vor.u32 $0x3, v2;
	v4 =	vadd.s32 v0, v3;
	_ =	swait.ge [sflag:s4], $0x2000  }
0x1b2: {  	v6 =	vor.u32 $0x1, v2;
	v7 =	vor.u32 v5, v4;
	[sflag:s4] =	ssyncset.done $0x0  }
0x1b3: {  	v9 =	vor.u32 $0x2, v2;
	v3 =	vadd.s32 v1, v3;
	v8 =	vor.u32 v6, v4;
	[sflag:s4] =	ssyncadd.s32 $0xFFFFE000  }
0x1b4: {  	v10 =	vor.u32 v9, v3;
	_ =	swait.ge [sflag:s13], $0x2000  }
0x1b5: {  	v6 =	vor.u32 v6, v3;
	[sflag:s13] =	ssyncset.done $0x0  }
0x1b6: {  	v9 =	vor.u32 v9, v4;
	[sflag:s13] =	ssyncadd.s32 $0xFFFFE000  }
0x1b7: {  	v11 =	vor.u32 v2, v3;
	v7 =	vld.idx.msk [tilespmem:v7+s28+$0x0], $0xffff  }
0x1b8: {  	v3 =	vor.u32 v5, v3;
	v12 =	vld.idx.msk [tilespmem:v8+s28+$0x0], $0xffff  }
0x1b9: {  	v13 =	vor.u32 v2, v4;
	v5 =	vld.idx.msk [tilespmem:v10+s28+$0x0], $0xffff  }
0x1ba: {  	v2 =	vld.idx.msk [tilespmem:v6+s28+$0x0], $0xffff  }
0x1bb: {  	v9 =	vld.idx.msk [tilespmem:v9+s28+$0x0], $0xffff  }
0x1bc: {  	s23 =	simm.s32 $0x4;
	v4 =	vld.idx.msk [tilespmem:v11+s28+$0x0], $0xffff  }
0x1bd: {  	s18 =	simm.s32 $0x8080;
	v8 =	vld.idx.msk [tilespmem:v3+s28+$0x0], $0xffff;
	v6 =	vmov s23  }
0x1be: {  	v3 =	vld.idx.msk [tilespmem:v13+s28+$0x0], $0xffff;
	[tilespmem:s18+$0xFFFFFFE0] =	vst v7;
	v7 =	vand.u32 $0x7C, v6;
	v6 =	vshll.u32 v6, $0x3  }
0x1bf: {  	s8 =	simm.s32 $0x8080;
	s7 =	simm.s32 $0x0;
	[tilespmem:s18+$0xFFFFFFA0] =	vst v12;
	v10 =	vand.u32 $0x400, v6;
	v6 =	vor.u32 $0x3, v7  }
.LBB2_14:
0x1c0: {  	s7 =	sadd.s32 $0x2, s7;
	[tilespmem:s18+$0xFFFFFFC0] =	vst v9;
	v9 =	vadd.s32 v1, v10;
	s9 =	sadd.s32 $0x8, s9;
	s8 =	sadd.s32 $0x100, s8  }
0x1c1: {  	p0 =	slt.u32 s7, $0x3E;
	[tilespmem:s18+$0xFFFFFFD0] =	vst v5;
	v5 =	vor.u32 v7, v9;
	v11 =	vor.u32 v6, v9  }
0x1c2: {  	v12 =	vor.u32 $0x2, v7;
	[tilespmem:s18+$0xFFFFFFF0] =	vst v8;
	v8 =	vadd.s32 v0, v10;
	v10 =	vor.u32 $0x1, v7  }
0x1c3: {  	[tilespmem:s18+$0xFFFFFF90] =	vst v4;
	v4 =	vor.u32 v7, v8;
	v7 =	vor.u32 v12, v8;
	v12 =	vor.u32 v12, v9  }
0x1c4: {  	v9 =	vor.u32 v10, v9;
	v6 =	vor.u32 v6, v8;
	[tilespmem:s18+$0xFFFFFFB0] =	vst v2;
	v2 =	vor.u32 v10, v8  }
0x1c5: {  	[tilespmem:s18+$0xFFFFFF80] =	vst v3  }
0x1c6: {  	v3 =	vld.idx.msk [tilespmem:v11+s28+$0x0], $0xffff  }
0x1c7: {  	v5 =	vld.idx.msk [tilespmem:v5+s28+$0x0], $0xffff  }
0x1c8: {  	v7 =	vld.idx.msk [tilespmem:v7+s28+$0x0], $0xffff  }
0x1c9: {  	v8 =	vld.idx.msk [tilespmem:v9+s28+$0x0], $0xffff  }
0x1ca: {  	v9 =	vmov s9;
	v4 =	vld.idx.msk [tilespmem:v4+s28+$0x0], $0xffff  }
0x1cb: {  	v10 =	vshll.u32 v9, $0x3;
	v11 =	vld.idx.msk [tilespmem:v12+s28+$0x0], $0xffff  }
0x1cc: {  	v9 =	vand.u32 $0x78, v9;
	v10 =	vand.u32 $0x400, v10;
	v6 =	vld.idx.msk [tilespmem:v6+s28+$0x0], $0xffff  }
0x1cd: {  	v13 =	vor.u32 $0x3, v9;
	v12 =	vadd.s32 v0, v10;
	v10 =	vadd.s32 v1, v10;
	v2 =	vld.idx.msk [tilespmem:v2+s28+$0x0], $0xffff  }
0x1ce: {  	v16 =	vor.u32 $0x1, v9;
	v14 =	vor.u32 v9, v12;
	v15 =	vor.u32 v9, v10;
	[tilespmem:s18+$0x70] =	vst v3  }
0x1cf: {  	v17 =	vor.u32 v13, v10;
	v3 =	vor.u32 v16, v12;
	v16 =	vor.u32 v16, v10;
	[tilespmem:s18+$0x30] =	vst v8  }
0x1d0: {  	v8 =	vor.u32 $0x2, v9;
	v9 =	vor.u32 v13, v12;
	[tilespmem:s18+$0x40] =	vst v7  }
0x1d1: {  	v7 =	vor.u32 v8, v12;
	v8 =	vor.u32 v8, v10;
	[tilespmem:s18+$0x50] =	vst v11  }
0x1d2: {  	[tilespmem:s18+$0x60] =	vst v6  }
0x1d3: {  	[tilespmem:s18+$0x20] =	vst v2  }
0x1d4: {  	[tilespmem:s18+$0x10] =	vst v5  }
0x1d5: {  	[tilespmem:s18+$0x0] =	vst v4;
	s18 =	smov.u32 s8  }
0x1d6: {  	v6 =	vld.idx.msk [tilespmem:v9+s28+$0x0], $0xffff  }
0x1d7: {  	v10 =	vld.idx.msk [tilespmem:v3+s28+$0x0], $0xffff  }
0x1d8: {  	v5 =	vld.idx.msk [tilespmem:v8+s28+$0x0], $0xffff  }
0x1d9: {  	v2 =	vld.idx.msk [tilespmem:v16+s28+$0x0], $0xffff  }
0x1da: {  	v9 =	vld.idx.msk [tilespmem:v7+s28+$0x0], $0xffff  }
.Ltmp6:
0x1db: {  	v4 =	vld.idx.msk [tilespmem:v15+s28+$0x0], $0xffff;
	(pc) =	sbr.rel @p0 .LBB2_14-.Ltmp6, $4  }
0x1dc: {  	s10 =	sadd.s32 $0x4, s9;
	v8 =	vld.idx.msk [tilespmem:v17+s28+$0x0], $0xffff  }
0x1dd: {  	v11 =	vmov s10;
	v3 =	vld.idx.msk [tilespmem:v14+s28+$0x0], $0xffff  }
0x1de: {  	v7 =	vand.u32 $0x7C, v11;
	[tilespmem:s8+$0xFFFFFFE0] =	vst v6;
	v6 =	vshll.u32 v11, $0x3  }
0x1df: {  	[tilespmem:s8+$0xFFFFFFA0] =	vst v10;
	v10 =	vand.u32 $0x400, v6;
	v6 =	vor.u32 $0x3, v7  }
0x1e0: {  	[tilespmem:s18+$0xFFFFFFC0] =	vst v9;
	v9 =	vadd.s32 v1, v10  }
0x1e1: {  	[tilespmem:s18+$0xFFFFFFD0] =	vst v5;
	v5 =	vor.u32 v6, v9  }
0x1e2: {  	v12 =	vor.u32 $0x1, v7;
	[tilespmem:s18+$0xFFFFFFB0] =	vst v2;
	v11 =	vor.u32 v7, v9  }
0x1e3: {  	[tilespmem:s18+$0xFFFFFFF0] =	vst v8;
	v8 =	vadd.s32 v0, v10;
	v10 =	vor.u32 $0x2, v7;
	v2 =	vor.u32 v12, v9  }
0x1e4: {  	[tilespmem:s18+$0xFFFFFF90] =	vst v4;
	v4 =	vor.u32 v10, v8  }
0x1e5: {  	v7 =	vor.u32 v7, v8;
	[tilespmem:s18+$0xFFFFFF80] =	vst v3  }
0x1e6: {  	v3 =	vor.u32 v10, v9;
	v5 =	vld.idx.msk [tilespmem:v5+s28+$0x0], $0xffff  }
0x1e7: {  	v6 =	vor.u32 v6, v8;
	v9 =	vld.idx.msk [tilespmem:v11+s28+$0x0], $0xffff  }
0x1e8: {  	v8 =	vor.u32 v12, v8;
	v2 =	vld.idx.msk [tilespmem:v2+s28+$0x0], $0xffff  }
0x1e9: {  	v4 =	vld.idx.msk [tilespmem:v4+s28+$0x0], $0xffff  }
0x1ea: {  	v7 =	vld.idx.msk [tilespmem:v7+s28+$0x0], $0xffff  }
0x1eb: {  	v3 =	vld.idx.msk [tilespmem:v3+s28+$0x0], $0xffff  }
0x1ec: {  	v6 =	vld.idx.msk [tilespmem:v6+s28+$0x0], $0xffff  }
0x1ed: {  	v8 =	vld.idx.msk [tilespmem:v8+s28+$0x0], $0xffff;
	[tilespmem:s18+$0x70] =	vst v5  }
0x1ee: {  	[tilespmem:s18+$0x30] =	vst v2  }
0x1ef: {  	[tilespmem:s18+$0x10] =	vst v9  }
0x1f0: {  	[tilespmem:s18+$0x40] =	vst v4  }
0x1f1: {  	[tilespmem:s18+$0x50] =	vst v3  }
0x1f2: {  	s9 =	simm.s32 $0x0;
	[tilespmem:s18+$0x60] =	vst v6  }
0x1f3: {  	v2 =	vmov s9;
	[tilespmem:s18+$0x20] =	vst v8  }
0x1f4: {  	s7 =	rddreg [dreg:$0xb];
	[tilespmem:s18+$0x0] =	vst v7;
	v3 =	vshll.u32 v2, $0x3  }
0x1f5: {  	v2 =	vand.u32 $0x78, v2;
	[hbm4b:s7+s9] =	stream.linear.scatter [tilespmem:s6], [sflag:$0x4], $0x2000, $0x38;
	v3 =	vand.u32 $0x400, v3;
	[tilespmem:$0xA800] =	vst v63  }
0x1f6: {  	v5 =	vor.u32 $0x3, v2;
	_ =	swait.ge [sflag:s0], $0x2000;
	v4 =	vadd.s32 v0, v3  }
0x1f7: {  	v6 =	vor.u32 $0x1, v2;
	[sflag:s0] =	ssyncset.done $0x0;
	v7 =	vor.u32 v5, v4  }
0x1f8: {  	v9 =	vor.u32 $0x2, v2;
	v3 =	vadd.s32 v1, v3;
	v8 =	vor.u32 v6, v4;
	[sflag:s0] =	ssyncadd.s32 $0xFFFFE000  }
0x1f9: {  	v10 =	vor.u32 v9, v3;
	_ =	swait.ge [sflag:s11], $0x2000  }
0x1fa: {  	v6 =	vor.u32 v6, v3;
	[sflag:s11] =	ssyncset.done $0x0  }
0x1fb: {  	v9 =	vor.u32 v9, v4;
	[sflag:s11] =	ssyncadd.s32 $0xFFFFE000  }
0x1fc: {  	v11 =	vor.u32 v2, v3;
	v7 =	vld.idx.msk [tilespmem:v7+s2+$0x0], $0xffff  }
0x1fd: {  	v3 =	vor.u32 v5, v3;
	v63 =	vld.idx.msk [tilespmem:v8+s2+$0x0], $0xffff  }
0x1fe: {  	v13 =	vor.u32 v2, v4;
	v5 =	vld.idx.msk [tilespmem:v10+s2+$0x0], $0xffff  }
0x1ff: {  	v2 =	vld.idx.msk [tilespmem:v6+s2+$0x0], $0xffff  }
0x200: {  	v9 =	vld.idx.msk [tilespmem:v9+s2+$0x0], $0xffff  }
0x201: {  	s23 =	simm.s32 $0x4;
	v4 =	vld.idx.msk [tilespmem:v11+s2+$0x0], $0xffff  }
0x202: {  	s18 =	simm.s32 $0x6080;
	v8 =	vld.idx.msk [tilespmem:v3+s2+$0x0], $0xffff;
	v6 =	vmov s23  }
0x203: {  	v3 =	vld.idx.msk [tilespmem:v13+s2+$0x0], $0xffff;
	[tilespmem:s18+$0xFFFFFFE0] =	vst v7;
	v7 =	vand.u32 $0x7C, v6;
	v6 =	vshll.u32 v6, $0x3  }
0x204: {  	s8 =	simm.s32 $0x6080;
	s7 =	simm.s32 $0x0;
	[tilespmem:s18+$0xFFFFFFA0] =	vst v63;
	v10 =	vand.u32 $0x400, v6;
	v6 =	vor.u32 $0x3, v7  }
.LBB2_16:
0x205: {  	s7 =	sadd.s32 $0x2, s7;
	[tilespmem:s18+$0xFFFFFFC0] =	vst v9;
	v9 =	vadd.s32 v1, v10;
	s9 =	sadd.s32 $0x8, s9;
	s8 =	sadd.s32 $0x100, s8  }
0x206: {  	p0 =	slt.u32 s7, $0x3E;
	[tilespmem:s18+$0xFFFFFFD0] =	vst v5;
	v5 =	vor.u32 v7, v9;
	v11 =	vor.u32 v6, v9  }
0x207: {  	v12 =	vor.u32 $0x2, v7;
	[tilespmem:s18+$0xFFFFFFF0] =	vst v8;
	v8 =	vadd.s32 v0, v10;
	v10 =	vor.u32 $0x1, v7  }
0x208: {  	[tilespmem:s18+$0xFFFFFF90] =	vst v4;
	v4 =	vor.u32 v7, v8;
	v7 =	vor.u32 v12, v8;
	v12 =	vor.u32 v12, v9  }
0x209: {  	v9 =	vor.u32 v10, v9;
	v6 =	vor.u32 v6, v8;
	[tilespmem:s18+$0xFFFFFFB0] =	vst v2;
	v2 =	vor.u32 v10, v8  }
0x20a: {  	[tilespmem:s18+$0xFFFFFF80] =	vst v3  }
0x20b: {  	v3 =	vld.idx.msk [tilespmem:v11+s2+$0x0], $0xffff  }
0x20c: {  	v5 =	vld.idx.msk [tilespmem:v5+s2+$0x0], $0xffff  }
0x20d: {  	v7 =	vld.idx.msk [tilespmem:v7+s2+$0x0], $0xffff  }
0x20e: {  	v8 =	vld.idx.msk [tilespmem:v9+s2+$0x0], $0xffff  }
0x20f: {  	v9 =	vmov s9;
	v4 =	vld.idx.msk [tilespmem:v4+s2+$0x0], $0xffff  }
0x210: {  	v10 =	vshll.u32 v9, $0x3;
	v11 =	vld.idx.msk [tilespmem:v12+s2+$0x0], $0xffff  }
0x211: {  	v9 =	vand.u32 $0x78, v9;
	v10 =	vand.u32 $0x400, v10;
	v6 =	vld.idx.msk [tilespmem:v6+s2+$0x0], $0xffff  }
0x212: {  	v13 =	vor.u32 $0x3, v9;
	v12 =	vadd.s32 v0, v10;
	v10 =	vadd.s32 v1, v10;
	v2 =	vld.idx.msk [tilespmem:v2+s2+$0x0], $0xffff  }
0x213: {  	v16 =	vor.u32 $0x1, v9;
	v14 =	vor.u32 v9, v12;
	v15 =	vor.u32 v9, v10;
	[tilespmem:s18+$0x70] =	vst v3  }
0x214: {  	v17 =	vor.u32 v13, v10;
	v3 =	vor.u32 v16, v12;
	v16 =	vor.u32 v16, v10;
	[tilespmem:s18+$0x30] =	vst v8  }
0x215: {  	v8 =	vor.u32 $0x2, v9;
	v9 =	vor.u32 v13, v12;
	[tilespmem:s18+$0x40] =	vst v7  }
0x216: {  	v7 =	vor.u32 v8, v12;
	v8 =	vor.u32 v8, v10;
	[tilespmem:s18+$0x50] =	vst v11  }
0x217: {  	[tilespmem:s18+$0x60] =	vst v6  }
0x218: {  	[tilespmem:s18+$0x20] =	vst v2  }
0x219: {  	[tilespmem:s18+$0x10] =	vst v5  }
0x21a: {  	[tilespmem:s18+$0x0] =	vst v4;
	s18 =	smov.u32 s8  }
0x21b: {  	v6 =	vld.idx.msk [tilespmem:v9+s2+$0x0], $0xffff  }
0x21c: {  	v10 =	vld.idx.msk [tilespmem:v3+s2+$0x0], $0xffff  }
0x21d: {  	v5 =	vld.idx.msk [tilespmem:v8+s2+$0x0], $0xffff  }
0x21e: {  	v2 =	vld.idx.msk [tilespmem:v16+s2+$0x0], $0xffff  }
0x21f: {  	v9 =	vld.idx.msk [tilespmem:v7+s2+$0x0], $0xffff  }
.Ltmp7:
0x220: {  	v4 =	vld.idx.msk [tilespmem:v15+s2+$0x0], $0xffff;
	(pc) =	sbr.rel @p0 .LBB2_16-.Ltmp7, $4  }
0x221: {  	s10 =	sadd.s32 $0x4, s9;
	v8 =	vld.idx.msk [tilespmem:v17+s2+$0x0], $0xffff  }
0x222: {  	v11 =	vmov s10;
	v3 =	vld.idx.msk [tilespmem:v14+s2+$0x0], $0xffff  }
0x223: {  	v7 =	vand.u32 $0x7C, v11;
	[tilespmem:s8+$0xFFFFFFE0] =	vst v6;
	v6 =	vshll.u32 v11, $0x3  }
0x224: {  	[tilespmem:s8+$0xFFFFFFA0] =	vst v10;
	v10 =	vand.u32 $0x400, v6;
	v6 =	vor.u32 $0x3, v7  }
0x225: {  	[tilespmem:s18+$0xFFFFFFC0] =	vst v9;
	v56 =	vadd.s32 v1, v10  }
0x226: {  	[tilespmem:s18+$0xFFFFFFD0] =	vst v5;
	v57 =	vor.u32 v6, v56  }
0x227: {  	v58 =	vadd.s32 v0, v10;
	v59 =	vor.u32 $0x2, v7;
	[tilespmem:s18+$0xFFFFFF90] =	vst v4;
	v11 =	vor.u32 v7, v56  }
0x228: {  	v12 =	vor.u32 $0x1, v7;
	[tilespmem:s18+$0xFFFFFFB0] =	vst v2;
	v60 =	vor.u32 v59, v58  }
0x229: {  	[tilespmem:s18+$0xFFFFFFF0] =	vst v8;
	v2 =	vor.u32 v12, v56  }
0x22a: {  	v61 =	vor.u32 v7, v58;
	[tilespmem:s18+$0xFFFFFF80] =	vst v3  }
0x22b: {  	v62 =	vor.u32 v6, v58;
	v5 =	vld.idx.msk [tilespmem:v57+s2+$0x0], $0xffff  }
0x22c: {  	v8 =	vor.u32 v12, v58;
	v63 =	vld.idx.msk [tilespmem:v11+s2+$0x0], $0xffff  }
0x22d: {  	v3 =	vor.u32 v59, v56;
	v4 =	vld.idx.msk [tilespmem:v60+s2+$0x0], $0xffff  }
0x22e: {  	v2 =	vld.idx.msk [tilespmem:v2+s2+$0x0], $0xffff  }
0x22f: {  	v7 =	vld.idx.msk [tilespmem:v61+s2+$0x0], $0xffff  }
0x230: {  	v6 =	vld.idx.msk [tilespmem:v62+s2+$0x0], $0xffff  }
0x231: {  	v8 =	vld.idx.msk [tilespmem:v8+s2+$0x0], $0xffff  }
0x232: {  	v3 =	vld.idx.msk [tilespmem:v3+s2+$0x0], $0xffff;
	[tilespmem:s18+$0x70] =	vst v5  }
0x233: {  	[tilespmem:s18+$0x30] =	vst v2  }
0x234: {  	[tilespmem:s18+$0x40] =	vst v4  }
0x235: {  	[tilespmem:s18+$0x60] =	vst v6  }
0x236: {  	[tilespmem:s18+$0x20] =	vst v8  }
0x237: {  	[tilespmem:s18+$0x10] =	vst v63  }
0x238: {  	[tilespmem:s18+$0x0] =	vst v7  }
0x239: {  	s7 =	rddreg [dreg:$0xc];
	[tilespmem:s18+$0x50] =	vst v3  }
0x23a: {  	[hbm4b:s7+s2] =	stream.linear.scatter [tilespmem:s3], [sflag:$0x3], $0x2000, $0x38;
	[tilespmem:$0xA800] =	vst v63  }
0x23b: {  	_ =	swait.ge [sflag:s13], $0x2000  }
0x23c: {  	[sflag:s13] =	ssyncset.done $0x0  }
0x23d: {  	[sflag:s13] =	ssyncadd.s32 $0xFFFFE000  }
0x23e: {  	_ =	swait.ge [sflag:s11], $0x2000  }
0x23f: {  	s21 =	sadd.s32 $0x1, s21;
	s23 =	rddreg [dreg:$0xd]  }
0x240: {  	p0 =	sne.s32 s21, s23  }
.Ltmp8:
0x241: {  	_ = 	snop;
	(pc) =	sbr.rel @p0 .LBB2_1-.Ltmp8, $3  }
0x242: {  	_ =	sdelay $0x1  }
0x243: {  	[sflag:s11] =	ssyncset.done $0x0  }
0x244: {  	[sflag:s11] =	ssyncadd.s32 $0xFFFFE000  }
0x245: {  	_ =	sfence.sel $0x180000  }
0x246: {  	[bflag:$0x0] =	sbarrier.arrive $0xFFFF  }
0x247: {  	_ =	strace $0x90000047  }
0x248: {  	s0 =	stileid.u32;
	[bflag:$0x2] =	sbarrier.arrive $0xFFFF  }
0x249: {  	p0 =	sne.s32 s0, $0x0;
	s0 =	rddreg [dreg:$0x2]  }
0x24a: {  	s0 =	sadd.s32 @!p0 $0x100000, s0  }
0x24b: {  	[sflag:s0] =	ssyncadd.tile.s32 @!p0 $0x1;
	_ =	shalt  }
.Lfunc_end2:
_tile_overlayer_lowered:
.L_overlay_start_2:
0x24c: {  	(tag) =	ssettag $0x2  }
0x24d: {  	s0 =	rddreg [dreg:$0x0];
	s2 =	stileid.u32  }
0x24e: {  	s1 =	rddreg [dreg:$0x1];
	p0 =	sne.s32 s2, $0x0  }
0x24f: {  	s3 =	rddreg [dreg:$0x2];
	[bflag:$0x3] =	sbarrier.arrive $0xFFFF;
	s2 =	simm.s32 @!p0 $0x1C05  }
0x250: {  	[timem:s3], [sflag:s2] =	dma.local @!p0 [hbm:s0], s1  }
0x251: {  	s0 =	simm.s32 @!p0 $0x5  }
0x252: {  	_ =	swait.ge @!p0 [sflag:s0], s1  }
0x253: {  	s1 =	ssub.s32 @!p0 $0x0, s1;
	[sflag:s0] =	ssyncset.done @!p0 $0x0  }
0x254: {  	[sflag:s0] =	ssyncadd.s32 @!p0 s1  }
0x255: {  	[bflag:$0x3] =	sbarrier.arrive $0xFFFF  }
0x256: {  	_ =	shalt  }

// kernel: kernel.7.cloned.1.call-start
scs
__scs_entry_jumppad:
0x0: {  	(pc) =	sbr.rel $0x88, $3  }
0x1: {  	(tag) =	ssettag $0x0;
	lr =	simm.s32 $0x1  }
0x2: {  	[smem:$0x3F9E] =	sst lr;
	_ =	strace $0xD0000000  }
0x3: {  	_ = 	snop  }
0x4: {  	_ = 	snop  }
0x5: {  	_ = 	snop  }
0x6: {  	_ = 	snop  }
0x7: {  	_ = 	snop  }
__scs_overlays_trampoline_lowered:
0x8: {  	[smem:$0x3FAD] =	sst s0  }
0x9: {  	[smem:$0x3FAE] =	sst s1  }
0xa: {  	[smem:$0x3FAF] =	sst s2  }
0xb: {  	[smem:$0x3FB0] =	sst s3  }
0xc: {  	[smem:$0x3FB1] =	sst s4  }
0xd: {  	[smem:$0x3FB2] =	sst s5  }
0xe: {  	[smem:$0x3FB3] =	sst s6  }
0xf: {  	[smem:$0x3FB4] =	sst s7  }
0x10: {  	[smem:$0x3FB5] =	sst s8  }
0x11: {  	[smem:$0x3FB6] =	sst s9;
	s0 =	simm.s32 @!p0 $0x0  }
0x12: {  	s1 =	sld [smem:$0x3F9C];
	s0 =	simm.s32 @p0 $0x1  }
0x13: {  	[smem:$0x3FB7] =	sst s0;
	s0 =	simm.s32 @!p1 $0x0  }
0x14: {  	s2 =	sld [smem:$0x3F9B];
	s0 =	simm.s32 @p1 $0x1  }
0x15: {  	[smem:$0x3FB8] =	sst s0;
	s0 =	simm.s32 @!p2 $0x0  }
0x16: {  	s3 =	sld [smem:$0x3FDB];
	s0 =	simm.s32 @p2 $0x1  }
0x17: {  	s4 =	simm.s32 $0x1BF5;
	[smem:$0x3FBA] =	sst s0  }
0x18: {  	s0 =	sld [smem:$0x3F9D];
	_ =	swait.ge [sflag:s4], $0x0  }
0x19: {  	s7 =	sld [smem:$0x3F9E]  }
0x1a: {  	s8 =	sadd.s32 $0xFFFFE003, lr  }
0x1b: {  	s9 =	sadd.s32 $0xFFFFFEF7, lr;
	s5 =	simm.s32 $0xFFFFFFFF;
	p2 =	slt.u32 s8, $0xFFFFF086  }
0x1c: {  	p1 =	slt.u32 s9, $0xF7A;
	s5 =	simm.s32 @!p2 $0x0  }
0x1d: {  	s5 =	simm.s32 @p1 $0x1;
	p0 =	seq.s32 s7, s2  }
0x1e: {  	s7 =	smul.u32 @!p0 $0xF7A, s2;
	p2 =	seq.s32 @!p0 s5, $0x0  }
0x1f: {  	s9 =	smul.u32 $0xF7A, s1;
	s8 =	simm.s32 @!p0 $0x1BF5;
	p2 =	por !p2, p0  }
0x20: {  	[sflag:s8] =	ssyncset.s32 @!p0 $0xFFFFF086;
	s6 =	sadd.s32 @!p0 s3, s7;
	s7 =	simm.s32 @!p0 $0x108  }
0x21: {  	s3 =	sadd.s32 s3, s9;
	s6 =	sadd.s32 @!p0 $0x88, s6;
	s7 =	simm.s32 @p2 $0x1082  }
0x22: {  	[simem:s7], [sflag:s8] =	dma.local @!p0 [hbm:s6], $0xF7A  }
0x23: {  	s9 =	sor.u32 $0xD0000000, s2;
	s6 =	simm.s32 $0x108;
	_ =	swait.ge @!p0 [sflag:s8], $0x0  }
0x24: {  	s3 =	sadd.s32 $0x88, s3;
	s6 =	simm.s32 @!p1 $0x1082;
	[sflag:s4] =	ssyncset.s32 $0xFFFFF086  }
0x25: {  	[simem:s6], [sflag:s4] =	dma.local [hbm:s3], $0xF7A  }
0x26: {  	[smem:$0x3F9E] =	sst s1;
	(tag) =	ssettag s2;
	_ =	strace s9  }
0x27: {  	s1 =	sld [smem:$0x3FAE]  }
0x28: {  	s2 =	sld [smem:$0x3FAF]  }
0x29: {  	s4 =	sld [smem:$0x3FB1]  }
0x2a: {  	p0 =	seq.s32 s5, $0x0;
	s5 =	sld [smem:$0x3FB2]  }
0x2b: {  	s6 =	sld [smem:$0x3FB3]  }
0x2c: {  	s7 =	sld [smem:$0x3FB4]  }
0x2d: {  	s3 =	simm.s32 $0x108;
	s8 =	sld [smem:$0x3FB5]  }
0x2e: {  	s3 =	simm.s32 @!p0 $0x1082;
	s9 =	sld [smem:$0x3FB6]  }
0x2f: {  	lr =	sadd.s32 s0, s3;
	s0 =	sld [smem:$0x3FAD]  }
0x30: {  	s3 =	sld [smem:$0x3FB0]  }
0x31: {  	[smem:$0x3FB9] =	sst s10  }
0x32: {  	s10 =	sld [smem:$0x3FB7];
	_ =	sdelay $0x3  }
0x33: {  	p0 =	seq.s32 s10, $0x1;
	s10 =	sld [smem:$0x3FB9];
	_ =	sdelay $0x3  }
0x34: {  	[smem:$0x3FB9] =	sst s10  }
0x35: {  	s10 =	sld [smem:$0x3FB8];
	_ =	sdelay $0x3  }
0x36: {  	p1 =	seq.s32 s10, $0x1;
	s10 =	sld [smem:$0x3FB9];
	_ =	sdelay $0x3  }
0x37: {  	[smem:$0x3FB9] =	sst s10  }
0x38: {  	s10 =	sld [smem:$0x3FBA]  }
0x39: {  	_ = 	snop;
	(pc) =	sbr.ind lr, $3  }
0x3a: {  	_ = 	snop  }
0x3b: {  	_ = 	snop  }
0x3c: {  	p2 =	seq.s32 s10, $0x1;
	s10 =	sld [smem:$0x3FB9]  }
0x3d: {  	_ =	shalt  }
0x3e: {  	_ =	shalt  }
0x3f: {  	_ =	shalt  }
0x40: {  	_ =	shalt  }
0x41: {  	_ =	shalt  }
0x42: {  	_ =	shalt  }
0x43: {  	_ =	shalt  }
0x44: {  	_ =	shalt  }
0x45: {  	_ =	shalt  }
0x46: {  	_ =	shalt  }
0x47: {  	_ =	shalt  }
0x48: {  	_ =	shalt  }
0x49: {  	_ =	shalt  }
0x4a: {  	_ =	shalt  }
0x4b: {  	_ =	shalt  }
0x4c: {  	_ =	shalt  }
0x4d: {  	_ =	shalt  }
0x4e: {  	_ =	shalt  }
0x4f: {  	_ =	shalt  }
0x50: {  	_ =	shalt  }
0x51: {  	_ =	shalt  }
0x52: {  	_ =	shalt  }
0x53: {  	_ =	shalt  }
0x54: {  	_ =	shalt  }
0x55: {  	_ =	shalt  }
0x56: {  	_ =	shalt  }
0x57: {  	_ =	shalt  }
0x58: {  	_ =	shalt  }
0x59: {  	_ =	shalt  }
0x5a: {  	_ =	shalt  }
0x5b: {  	_ =	shalt  }
0x5c: {  	_ =	shalt  }
0x5d: {  	_ =	shalt  }
0x5e: {  	_ =	shalt  }
0x5f: {  	_ =	shalt  }
0x60: {  	_ =	shalt  }
0x61: {  	_ =	shalt  }
0x62: {  	_ =	shalt  }
0x63: {  	_ =	shalt  }
0x64: {  	_ =	shalt  }
0x65: {  	_ =	shalt  }
0x66: {  	_ =	shalt  }
0x67: {  	_ =	shalt  }
0x68: {  	_ =	shalt  }
0x69: {  	_ =	shalt  }
0x6a: {  	_ =	shalt  }
0x6b: {  	_ =	shalt  }
0x6c: {  	_ =	shalt  }
0x6d: {  	_ =	shalt  }
0x6e: {  	_ =	shalt  }
0x6f: {  	_ =	shalt  }
0x70: {  	_ =	shalt  }
0x71: {  	_ =	shalt  }
0x72: {  	_ =	shalt  }
0x73: {  	_ =	shalt  }
0x74: {  	_ =	shalt  }
0x75: {  	_ =	shalt  }
0x76: {  	_ =	shalt  }
0x77: {  	_ =	shalt  }
0x78: {  	_ =	shalt  }
0x79: {  	_ =	shalt  }
0x7a: {  	_ =	shalt  }
0x7b: {  	_ =	shalt  }
0x7c: {  	_ =	shalt  }
0x7d: {  	_ =	shalt  }
0x7e: {  	_ =	shalt  }
0x7f: {  	_ =	shalt  }
0x80: {  	_ =	shalt  }
0x81: {  	_ =	shalt  }
0x82: {  	_ =	shalt  }
0x83: {  	_ =	shalt  }
0x84: {  	_ =	shalt  }
0x85: {  	_ =	shalt  }
0x86: {  	_ =	shalt  }
0x87: {  	_ =	shalt  }
.Lfunc_end0:
.L_simem_size_0:
called_computation.1_lowered:
.L_overlay_start_0:
0x88: {  	s2 =	sld [smem:$0x3FD9]  }
0x89: {  	s3 =	sld [smem:$0x3FFE];
	_ =	sdelay $0x1  }
0x8a: {  	s1 =	srdreg.scid  }
0x8b: {  	s0 =	sand.u32 $0x1, s1  }
0x8c: {  	s17 =	sshll.u32 s0, $0xA;
	s2 =	sadd.s32 s3, s2  }
0x8d: {  	s2 =	sadd.s32 s2, s17  }
0x8e: {  	[smem:$0x3FC5] =	sst s2  }
0x8f: {  	_ = 	snop  }
0x90: {  	s2 =	sld [smem:$0x3FD0];
	(tm) =	ssettm $0x1  }
0x91: {  	s18 =	sld [smem:$0x3FFB];
	_ =	sdelay $0x3  }
0x92: {  	_ =	strace s18  }
0x93: {  	s3 =	sld [smem:$0x3FFC];
	_ =	sdelay $0x3  }
0x94: {  	_ =	strace s3  }
0x95: {  	s3 =	sld [smem:$0x3FFD];
	_ =	sdelay $0x3  }
0x96: {  	_ =	strace s3  }
0x97: {  	_ =	strace $0x8FFFFFFF  }
0x98: {  	s19 =	sld [smem:$0x3FDB];
	_ =	sdelay $0x1  }
0x99: {  	s4 =	simm.s32 $_scs_section_size  }
0x9a: {  	s5 =	simm.s32 $_size__tile_overlayer_lowered;
	s6 =	simm.s32 $_tile_overlayer_lowered  }
0x9b: {  	s22 =	simm.s32 $0x1BFF;
	s21 =	sshll.u32 s6, $0x1;
	s3 =	sadd.s32 s4, s19  }
0x9c: {  	s7 =	simm.s32 $0x0;
	s20 =	sshll.u32 s5, $0x1;
	s5 =	sadd.s32 s21, s3  }
0x9d: {  	[timem:s7], [sflag:s22] =	dma.local [hbm:s5], s20  }
0x9e: {  	_ =	swait.ge [sflag:s22], s20  }
0x9f: {  	s4 =	ssub.s32 $0x0, s20;
	[sflag:s22] =	ssyncset.done $0x0  }
0xa0: {  	[sflag:s22] =	ssyncadd.s32 s4;
	_ =	sdelay $0x1  }
0xa1: {  	s23 =	simm.s32 $0x1B8B  }
0xa2: {  	_ =	swait.ge [sflag:s23], $0x1  }
0xa3: {  	[sflag:s23] =	ssyncset.done $0x0  }
0xa4: {  	s25 =	simm.s32 $0x1B8E;
	s24 =	sld [smem:$0x3FFE];
	[sflag:s23] =	ssyncadd.s32 $0xFFFFFFFF  }
0xa5: {  	s26 =	simm.s32 $execute0_lowered;
	[smem:$0x3FD2] =	sst s25  }
0xa6: {  	s5 =	sshll.u32 s26, $0x1;
	_ =	strace $0x80000049;
	[dreg:$0x1] =	wrdreg $0xFFFFFFFF  }
0xa7: {  	s28 =	simm.s32 $_size_execute0_lowered;
	s3 =	sadd.s32 s3, s5;
	[dreg:$0x0] =	wrdreg $0x0  }
0xa8: {  	s5 =	sshll.u32 s28, $0x1;
	[dreg:$0x2] =	wrdreg s3  }
0xa9: {  	[dreg:$0x3] =	wrdreg s5  }
0xaa: {  	[dreg:$0x4] =	wrdreg $0xC0  }
0xab: {  	_ =	task [dreg:s7], $0x5FFFF  }
0xac: {  	[dreg:$0x1] =	wrdreg $0xFFFFFFFF  }
0xad: {  	[dreg:$0x0] =	wrdreg $0x60  }
0xae: {  	[dreg:$0x2] =	wrdreg s24  }
0xaf: {  	[dreg:$0x3] =	wrdreg s2  }
0xb0: {  	[dreg:$0x4] =	wrdreg $0x9  }
0xb1: {  	_ =	task.clear_ibuf [dreg:s7], $0x5FFFF;
	_ =	strace $0x90000049  }
0xb2: {  	s29 =	simm.s32 $0x9;
	_ =	strace $0x8000004B  }
0xb3: {  	_ =	swait.ge [sflag:s29], $0x1  }
0xb4: {  	[sflag:s29] =	ssyncadd.s32 $0xFFFFFFFF  }
0xb5: {  	_ =	strace $0x9000004B  }
0xb6: {  	_ =	sfence  }
0xb7: {  	s30 =	sld [smem:$0x0];
	_ =	sdelay $0x2  }
0xb8: {  	s31 =	sshll.u32 s1, $0xD;
	s1 =	sshrl.u32 s1, $0x2  }
0xb9: {  	s3 =	sand.u32 $0x4000, s31;
	s1 =	sadd.s32 s1, s30  }
0xba: {  	s0 =	sor.u32 s3, s0;
	s1 =	sshll.u32 s1, $0x11  }
0xbb: {  	s0 =	sor.u32 s1, s0  }
0xbc: {  	s0 =	sadd.s32 $0x8F2B, s0  }
0xbd: {  	[sflag:s0] =	ssyncadd.remote.s32 $0x1  }
0xbe: {  	_ =	sfence.sel $0xFFFF  }
0xbf: {  	[dreg:$0x0] =	wrdreg $0xFFFFFFFF;
	(pc) =	sbr.abs _section_cstart, $3  }
0xc0: {  	[dreg:$0x1] =	wrdreg $0xFFFFFFFF  }
0xc1: {  	_ =	task.clear_ibuf [dreg:s7], $0x2FFFF;
	_ =	strace $0x9FFFFFFF  }
0xc2: {  	(tm) =	ssettm $0x7FFFFFFF  }
0xc3: {  	_ =	shalt  }
tec
execute0_lowered:
.L_overlay_start_1:
0x0: {  	(tag) =	ssettag $0x1  }
0x1: {  	s0 =	rddreg [dreg:$0x0]  }
0x2: {  	s1 =	rddreg [dreg:$0x1];
	s2 =	simm.s32 $0x0  }
0x3: {  	s4 =	srdreg.scid;
	s6 =	stileid.u32;
	s16 =	simm.s32 $0x80  }
0x4: {  	s17 =	simm.s32 $0x6400;
	s18 =	simm.s32 $0x7400;
	s20 =	simm.s32 $0x8400  }
0x5: {  	s22 =	simm.s32 $0x9400;
	s24 =	simm.s32 $0xA400;
	s29 =	simm.s32 $0xC400  }
0x6: {  	s31 =	simm.s32 $0xD400;
	s28 =	simm.s32 $0x12500;
	s30 =	simm.s32 $0x3  }
0x7: {  	s15 =	simm.s32 $0x4;
	[smem:$0x7FF] =	sst s2;
	s3 =	sadd.s32 $0xC00, s0  }
0x8: {  	s5 =	sand.u32 $0x1, s4;
	s6 =	sshll.u32 s6, $0x1;
	s4 =	sadd.s32 $0x3D1600, s0  }
0x9: {  	s0 =	sadd.s32 $0xA00, s0;
	_ =	strace $0x8000004A;
	s7 =	ssub.s32 $0x2, s5  }
0xa: {  	s5 =	sor.u32 s5, s6;
	[dreg:$0x3] =	wrdreg s0;
	s25 =	sshrl.u32 s7, $0x1  }
0xb: {  	s8 =	smul.u32 $0xC80, s5;
	s9 =	sshll.u32 s5, $0x6;
	s26 =	ssub.s32 s7, s25  }
0xc: {  	s6 =	sadd.s32 s4, s9;
	s25 =	simm.s32 $0x2;
	s7 =	simm.s32 $0x0  }
0xd: {  	v0 =	vlaneseq.u32;
	s1 =	sadd.s32 s1, s8;
	s8 =	sshll.u32 s5, $0x9;
	s9 =	sadd.s32 $0x10000, s6  }
0xe: {  	v0 =	vmul.u32 $0x208, v0;
	s11 =	sadd.s32 $0x300000, s6;
	s12 =	sadd.s32 $0x310000, s6;
	s0 =	smax.u32 s26, $0x1  }
0xf: {  	s26 =	simm.s32 $0xB400;
	[dreg:$0x4] =	wrdreg s1;
	s10 =	sor.u32 $0x100000, s8  }
0x10: {  	v1 =	vadd.s32 $0x2080, v0;
	[dreg:$0x5] =	wrdreg s0;
	s0 =	simm.s32 $0x1;
	s1 =	simm.s32 $0xE400  }
.LBB2_1:
0x11: {  	[dreg:$0x6] =	wrdreg s7  }
0x12: {  	s5 =	rddreg [dreg:$0x4];
	s21 =	simm.s32 $0x5  }
0x13: {  	[tilespmem:s2], [sflag:$0x5] =	stream.linear.gather [hbm4b:s5+s2], $0x6400, $0x38;
	[tilespmem:$0x16610] =	vst v63  }
0x14: {  	_ =	swait.ge [sflag:s21], $0x6400  }
0x15: {  	[sflag:s21] =	ssyncset.done $0x0  }
0x16: {  	s13 =	simm.s32 $0x16600;
	s23 =	rddreg [dreg:$0x3];
	[sflag:s21] =	ssyncadd.s32 $0xFFFF9C00  }
0x17: {  	[tilespmem:s13], [sflag:$0x5] =	stream.linear.gather [hbm4b:s23+s2], $0x10, $0x38;
	[tilespmem:$0x16610] =	vst v63  }
0x18: {  	_ =	swait.ge [sflag:s21], $0x10  }
0x19: {  	[sflag:s21] =	ssyncset.done $0x0  }
0x1a: {  	[sflag:s21] =	ssyncadd.s32 $0xFFFFFFF0  }
0x1b: {  	v2 =	vld [tilespmem:$0x16600];
	_ =	sdelay $0x1  }
0x1c: {  	[tilespmem:s17], [sflag:$0x1] =	stream.indirect.gather [hbm4b:s3+s16], $0x20, s2, s16, $0xb8;
	[tilespmem:$0x16610] =	vst v63  }
0x1d: {  	_ = 	snop  }
0x1e: {  	[tilespmem:s18], [sflag:$0x1] =	stream.indirect.gather [hbm4b:s3+s16], $0x20, s16, s16, $0xb8;
	[tilespmem:$0x16610] =	vst v63  }
0x1f: {  	s14 =	simm.s32 $0x100;
	v2 =	vmul.f32 $1.442695020e+00, v2  }
0x20: {  	[tilespmem:s20], [sflag:$0x1] =	stream.indirect.gather [hbm4b:s3+s16], $0x20, s14, s16, $0xb8;
	[tilespmem:$0x16610] =	vst v63  }
0x21: {  	s19 =	simm.s32 $0x180;
	(erf) = vpow2.f32 v2  }
0x22: {  	[tilespmem:s22], [sflag:$0x1] =	stream.indirect.gather [hbm4b:s3+s16], $0x20, s19, s16, $0xb8;
	[tilespmem:$0x16610] =	vst v63  }
0x23: {  	s21 =	simm.s32 $0x200  }
0x24: {  	[tilespmem:s24], [sflag:$0x2] =	stream.indirect.gather [hbm4b:s3+s16], $0x20, s21, s16, $0xb8;
	[tilespmem:$0x16610] =	vst v63  }
0x25: {  	s23 =	simm.s32 $0x280  }
0x26: {  	[tilespmem:s26], [sflag:$0x2] =	stream.indirect.gather [hbm4b:s3+s16], $0x20, s23, s16, $0xb8;
	[tilespmem:$0x16610] =	vst v63  }
0x27: {  	s7 =	simm.s32 $0x300  }
0x28: {  	[tilespmem:s29], [sflag:$0x2] =	stream.indirect.gather [hbm4b:s3+s16], $0x20, s7, s16, $0xb8;
	[tilespmem:$0x16610] =	vst v63  }
0x29: {  	s13 =	simm.s32 $0x380  }
0x2a: {  	[tilespmem:s31], [sflag:$0x2] =	stream.indirect.gather [hbm4b:s3+s16], $0x20, s13, s16, $0xb8;
	v2 =	vpop (erf);
	[tilespmem:$0x16610] =	vst v63  }
0x2b: {  	_ =	swait.ge [sflag:s0], $0x4000  }
0x2c: {  	[sflag:s0] =	ssyncset.done $0x0  }
0x2d: {  	s19 =	simm.s32 $0x6440;
	[sflag:s0] =	ssyncadd.s32 $0xFFFFC000  }
0x2e: {  	v3 =	vmov s2;
	v4 =	vld [tilespmem:s19+$0xFFFFFFC0]  }
0x2f: {  	v3 =	vand.u32 $0x1FC, v3;
	v5 =	vld [tilespmem:s19+$0xFFFFFFD0]  }
0x30: {  	v6 =	vadd.s32 v0, v3  }
0x31: {  	v3 =	vadd.s32 v1, v3;
	_ =	sdelay $0x1  }
0x32: {  	v4 =	vmul.f32 v4, v2  }
0x33: {  	v5 =	vmul.f32 v5, v2  }
0x34: {  	[tilespmem:v6+s1+$0x0] =	vst.idx.msk $0xffff, v4  }
0x35: {  	s14 =	simm.s32 $0x1;
	[tilespmem:v3+s1+$0x0] =	vst.idx.msk $0xffff, v5  }
0x36: {  	v3 =	vmov s14;
	v4 =	vld [tilespmem:s19+$0xFFFFFFE0]  }
0x37: {  	v5 =	vld [tilespmem:s19+$0xFFFFFFF0];
	v3 =	vand.u32 $0x1FD, v3  }
0x38: {  	v6 =	vadd.s32 v0, v3  }
0x39: {  	v3 =	vadd.s32 v1, v3;
	_ =	sdelay $0x1  }
0x3a: {  	v4 =	vmul.f32 v4, v2  }
0x3b: {  	v5 =	vmul.f32 v5, v2  }
0x3c: {  	[tilespmem:v6+s1+$0x0] =	vst.idx.msk $0xffff, v4  }
0x3d: {  	s21 =	simm.s32 $0x2;
	[tilespmem:v3+s1+$0x0] =	vst.idx.msk $0xffff, v5  }
0x3e: {  	v3 =	vmov s21;
	v4 =	vld [tilespmem:s19+$0x0]  }
0x3f: {  	v5 =	vld [tilespmem:s19+$0x10];
	v3 =	vand.u32 $0x1FE, v3  }
0x40: {  	v6 =	vadd.s32 v0, v3  }
0x41: {  	v3 =	vadd.s32 v1, v3;
	_ =	sdelay $0x1  }
0x42: {  	v4 =	vmul.f32 v4, v2  }
0x43: {  	v5 =	vmul.f32 v5, v2  }
0x44: {  	[tilespmem:v6+s1+$0x0] =	vst.idx.msk $0xffff, v4  }
0x45: {  	s23 =	simm.s32 $0x3;
	[tilespmem:v3+s1+$0x0] =	vst.idx.msk $0xffff, v5  }
0x46: {  	v3 =	vmov s23;
	v4 =	vld [tilespmem:s19+$0x20]  }
0x47: {  	v3 =	vand.u32 $0x1FF, v3  }
0x48: {  	v5 =	vld [tilespmem:s19+$0x30];
	v6 =	vadd.s32 v0, v3;
	_ =	sdelay $0x1  }
0x49: {  	v3 =	vadd.s32 v1, v3  }
0x4a: {  	v7 =	vmul.f32 v4, v2;
	_ =	sdelay $0x1  }
0x4b: {  	s5 =	simm.s32 $0x4;
	v4 =	vmul.f32 v5, v2;
	[tilespmem:v6+s1+$0x0] =	vst.idx.msk $0xffff, v7  }
.LBB2_2:
0x4c: {  	p0 =	slt.u32 s5, $0x1FC  }
0x4d: {  	[tilespmem:v3+s1+$0x0] =	vst.idx.msk $0xffff, v4;
	s19 =	sadd.s32 $0x80, s19;
	s7 =	smov.u32 s5;
	s5 =	sadd.s32 $0x4, s5  }
0x4e: {  	v3 =	vmov s7;
	v4 =	vld [tilespmem:s19+$0xFFFFFFC0]  }
0x4f: {  	v5 =	vld [tilespmem:s19+$0xFFFFFFD0];
	v3 =	vand.u32 $0x1FC, v3  }
0x50: {  	v6 =	vadd.s32 v0, v3  }
0x51: {  	v3 =	vadd.s32 v1, v3;
	_ =	sdelay $0x1  }
0x52: {  	v4 =	vmul.f32 v4, v2  }
0x53: {  	v5 =	vmul.f32 v5, v2  }
0x54: {  	[tilespmem:v6+s1+$0x0] =	vst.idx.msk $0xffff, v4  }
0x55: {  	s13 =	sadd.s32 $0x1, s7;
	[tilespmem:v3+s1+$0x0] =	vst.idx.msk $0xffff, v5  }
0x56: {  	v3 =	vmov s13;
	v4 =	vld [tilespmem:s19+$0xFFFFFFE0]  }
0x57: {  	v3 =	vand.u32 $0x1FD, v3;
	v5 =	vld [tilespmem:s19+$0xFFFFFFF0]  }
0x58: {  	v6 =	vadd.s32 v0, v3  }
0x59: {  	v3 =	vadd.s32 v1, v3;
	_ =	sdelay $0x1  }
0x5a: {  	v4 =	vmul.f32 v4, v2  }
0x5b: {  	v5 =	vmul.f32 v5, v2  }
0x5c: {  	[tilespmem:v6+s1+$0x0] =	vst.idx.msk $0xffff, v4  }
0x5d: {  	s13 =	sadd.s32 $0x2, s7;
	[tilespmem:v3+s1+$0x0] =	vst.idx.msk $0xffff, v5  }
0x5e: {  	v3 =	vmov s13;
	v4 =	vld [tilespmem:s19+$0x0]  }
0x5f: {  	v3 =	vand.u32 $0x1FE, v3;
	v5 =	vld [tilespmem:s19+$0x10]  }
0x60: {  	v6 =	vadd.s32 v0, v3  }
0x61: {  	v3 =	vadd.s32 v1, v3;
	_ =	sdelay $0x1  }
0x62: {  	v4 =	vmul.f32 v4, v2  }
0x63: {  	v5 =	vmul.f32 v5, v2  }
0x64: {  	[tilespmem:v6+s1+$0x0] =	vst.idx.msk $0xffff, v4  }
0x65: {  	s7 =	sadd.s32 $0x3, s7;
	[tilespmem:v3+s1+$0x0] =	vst.idx.msk $0xffff, v5  }
0x66: {  	v3 =	vmov s7;
	v4 =	vld [tilespmem:s19+$0x20]  }
0x67: {  	v3 =	vand.u32 $0x1FF, v3;
	v5 =	vld [tilespmem:s19+$0x30]  }
0x68: {  	v6 =	vadd.s32 v0, v3  }
.Ltmp0:
0x69: {  	v3 =	vadd.s32 v1, v3;
	(pc) =	sbr.rel @p0 .LBB2_2-.Ltmp0, $4  }
0x6a: {  	_ = 	snop  }
0x6b: {  	v7 =	vmul.f32 v4, v2  }
0x6c: {  	v4 =	vmul.f32 v5, v2  }
0x6d: {  	[tilespmem:v6+s1+$0x0] =	vst.idx.msk $0xffff, v7  }
0x6e: {  	_ =	sdelay $0x2  }
0x6f: {  	s5 =	simm.s32 $0xE400  }
0x70: {  	[tilespmem:v3+s1+$0x0] =	vst.idx.msk $0xffff, v4;
	s7 =	simm.s32 $0x800;
	s14 =	sadd.s32 $0x0, s6;
	s13 =	simm.s32 $0xE608  }
.LBB2_4:
0x71: {  	[hbm4b:s14+s2] =	stream.linear.scatter [tilespmem:s5], [sflag:$0x3], $0x200, $0x38;
	[tilespmem:$0x16610] =	vst v63  }
0x72: {  	s14 =	smov.u32 s7;
	s5 =	smov.u32 s13;
	p0 =	sne.s32 s7, $0xF800  }
.Ltmp1:
0x73: {  	s7 =	sadd.s32 $0x800, s7;
	(pc) =	sbr.rel @p0 .LBB2_4-.Ltmp1, $2  }
0x74: {  	_ =	sdelay $0x2  }
0x75: {  	s13 =	sadd.s32 $0x208, s13;
	s14 =	sadd.s32 s14, s6  }
0x76: {  	[hbm4b:s14+s2] =	stream.linear.scatter [tilespmem:s5], [sflag:$0x3], $0x200, $0x38;
	[tilespmem:$0x16610] =	vst v63  }
0x77: {  	s19 =	simm.s32 $0x400  }
0x78: {  	[tilespmem:s17], [sflag:$0x1] =	stream.indirect.gather [hbm4b:s3+s16], $0x20, s19, s16, $0xb8;
	[tilespmem:$0x16610] =	vst v63  }
0x79: {  	s21 =	simm.s32 $0x480  }
0x7a: {  	[tilespmem:s18], [sflag:$0x1] =	stream.indirect.gather [hbm4b:s3+s16], $0x20, s21, s16, $0xb8;
	[tilespmem:$0x16610] =	vst v63  }
0x7b: {  	s23 =	simm.s32 $0x500  }
0x7c: {  	[tilespmem:s20], [sflag:$0x1] =	stream.indirect.gather [hbm4b:s3+s16], $0x20, s23, s16, $0xb8;
	[tilespmem:$0x16610] =	vst v63  }
0x7d: {  	s7 =	simm.s32 $0x580  }
0x7e: {  	[tilespmem:s22], [sflag:$0x1] =	stream.indirect.gather [hbm4b:s3+s16], $0x20, s7, s16, $0xb8;
	[tilespmem:$0x16610] =	vst v63  }
0x7f: {  	_ =	swait.ge [sflag:s25], $0x4000  }
0x80: {  	[sflag:s25] =	ssyncset.done $0x0  }
0x81: {  	s13 =	simm.s32 $0x0;
	s19 =	simm.s32 $0xA440;
	[sflag:s25] =	ssyncadd.s32 $0xFFFFC000  }
0x82: {  	v3 =	vmov s13;
	v4 =	vld [tilespmem:s19+$0xFFFFFFC0]  }
0x83: {  	v3 =	vand.u32 $0x1FC, v3;
	v5 =	vld [tilespmem:s19+$0xFFFFFFD0]  }
0x84: {  	v6 =	vadd.s32 v0, v3  }
0x85: {  	v3 =	vadd.s32 v1, v3;
	_ =	sdelay $0x1  }
0x86: {  	v4 =	vmul.f32 v4, v2  }
0x87: {  	v5 =	vmul.f32 v5, v2  }
0x88: {  	[tilespmem:v6+s28+$0x0] =	vst.idx.msk $0xffff, v4  }
0x89: {  	s14 =	simm.s32 $0x1;
	[tilespmem:v3+s28+$0x0] =	vst.idx.msk $0xffff, v5  }
0x8a: {  	v3 =	vmov s14;
	v4 =	vld [tilespmem:s19+$0xFFFFFFE0]  }
0x8b: {  	v5 =	vld [tilespmem:s19+$0xFFFFFFF0];
	v3 =	vand.u32 $0x1FD, v3  }
0x8c: {  	v6 =	vadd.s32 v0, v3  }
0x8d: {  	v3 =	vadd.s32 v1, v3;
	_ =	sdelay $0x1  }
0x8e: {  	v4 =	vmul.f32 v4, v2  }
0x8f: {  	v5 =	vmul.f32 v5, v2  }
0x90: {  	[tilespmem:v6+s28+$0x0] =	vst.idx.msk $0xffff, v4  }
0x91: {  	s21 =	simm.s32 $0x2;
	[tilespmem:v3+s28+$0x0] =	vst.idx.msk $0xffff, v5  }
0x92: {  	v3 =	vmov s21;
	v4 =	vld [tilespmem:s19+$0x0]  }
0x93: {  	v5 =	vld [tilespmem:s19+$0x10];
	v3 =	vand.u32 $0x1FE, v3  }
0x94: {  	v6 =	vadd.s32 v0, v3  }
0x95: {  	v3 =	vadd.s32 v1, v3;
	_ =	sdelay $0x1  }
0x96: {  	v4 =	vmul.f32 v4, v2  }
0x97: {  	v5 =	vmul.f32 v5, v2  }
0x98: {  	[tilespmem:v6+s28+$0x0] =	vst.idx.msk $0xffff, v4  }
0x99: {  	s23 =	simm.s32 $0x3;
	[tilespmem:v3+s28+$0x0] =	vst.idx.msk $0xffff, v5  }
0x9a: {  	v3 =	vmov s23;
	v4 =	vld [tilespmem:s19+$0x20]  }
0x9b: {  	v3 =	vand.u32 $0x1FF, v3  }
0x9c: {  	v5 =	vld [tilespmem:s19+$0x30];
	v6 =	vadd.s32 v0, v3;
	_ =	sdelay $0x1  }
0x9d: {  	v3 =	vadd.s32 v1, v3  }
0x9e: {  	v7 =	vmul.f32 v4, v2;
	_ =	sdelay $0x1  }
0x9f: {  	s5 =	simm.s32 $0x4;
	v4 =	vmul.f32 v5, v2;
	[tilespmem:v6+s28+$0x0] =	vst.idx.msk $0xffff, v7  }
.LBB2_6:
0xa0: {  	p0 =	slt.u32 s5, $0x1FC  }
0xa1: {  	[tilespmem:v3+s28+$0x0] =	vst.idx.msk $0xffff, v4;
	s19 =	sadd.s32 $0x80, s19;
	s7 =	smov.u32 s5;
	s5 =	sadd.s32 $0x4, s5  }
0xa2: {  	v3 =	vmov s7;
	v4 =	vld [tilespmem:s19+$0xFFFFFFC0]  }
0xa3: {  	v5 =	vld [tilespmem:s19+$0xFFFFFFD0];
	v3 =	vand.u32 $0x1FC, v3  }
0xa4: {  	v6 =	vadd.s32 v0, v3  }
0xa5: {  	v3 =	vadd.s32 v1, v3;
	_ =	sdelay $0x1  }
0xa6: {  	v4 =	vmul.f32 v4, v2  }
0xa7: {  	v5 =	vmul.f32 v5, v2  }
0xa8: {  	[tilespmem:v6+s28+$0x0] =	vst.idx.msk $0xffff, v4  }
0xa9: {  	s13 =	sadd.s32 $0x1, s7;
	[tilespmem:v3+s28+$0x0] =	vst.idx.msk $0xffff, v5  }
0xaa: {  	v3 =	vmov s13;
	v4 =	vld [tilespmem:s19+$0xFFFFFFE0]  }
0xab: {  	v3 =	vand.u32 $0x1FD, v3;
	v5 =	vld [tilespmem:s19+$0xFFFFFFF0]  }
0xac: {  	v6 =	vadd.s32 v0, v3  }
0xad: {  	v3 =	vadd.s32 v1, v3;
	_ =	sdelay $0x1  }
0xae: {  	v4 =	vmul.f32 v4, v2  }
0xaf: {  	v5 =	vmul.f32 v5, v2  }
0xb0: {  	[tilespmem:v6+s28+$0x0] =	vst.idx.msk $0xffff, v4  }
0xb1: {  	s13 =	sadd.s32 $0x2, s7;
	[tilespmem:v3+s28+$0x0] =	vst.idx.msk $0xffff, v5  }
0xb2: {  	v3 =	vmov s13;
	v4 =	vld [tilespmem:s19+$0x0]  }
0xb3: {  	v3 =	vand.u32 $0x1FE, v3;
	v5 =	vld [tilespmem:s19+$0x10]  }
0xb4: {  	v6 =	vadd.s32 v0, v3  }
0xb5: {  	v3 =	vadd.s32 v1, v3;
	_ =	sdelay $0x1  }
0xb6: {  	v4 =	vmul.f32 v4, v2  }
0xb7: {  	v5 =	vmul.f32 v5, v2  }
0xb8: {  	[tilespmem:v6+s28+$0x0] =	vst.idx.msk $0xffff, v4  }
0xb9: {  	s7 =	sadd.s32 $0x3, s7;
	[tilespmem:v3+s28+$0x0] =	vst.idx.msk $0xffff, v5  }
0xba: {  	v3 =	vmov s7;
	v4 =	vld [tilespmem:s19+$0x20]  }
0xbb: {  	v3 =	vand.u32 $0x1FF, v3;
	v5 =	vld [tilespmem:s19+$0x30]  }
0xbc: {  	v6 =	vadd.s32 v0, v3  }
.Ltmp2:
0xbd: {  	v3 =	vadd.s32 v1, v3;
	(pc) =	sbr.rel @p0 .LBB2_6-.Ltmp2, $4  }
0xbe: {  	_ = 	snop  }
0xbf: {  	v7 =	vmul.f32 v4, v2  }
0xc0: {  	v4 =	vmul.f32 v5, v2  }
0xc1: {  	[tilespmem:v6+s28+$0x0] =	vst.idx.msk $0xffff, v7  }
0xc2: {  	_ =	sdelay $0x2  }
0xc3: {  	s23 =	simm.s32 $0x0;
	s5 =	simm.s32 $0x12500  }
0xc4: {  	[tilespmem:v3+s28+$0x0] =	vst.idx.msk $0xffff, v4;
	s7 =	simm.s32 $0x800;
	s14 =	sadd.s32 $0x0, s9;
	s13 =	simm.s32 $0x12708  }
.LBB2_8:
0xc5: {  	[hbm4b:s14+s23] =	stream.linear.scatter [tilespmem:s5], [sflag:$0x4], $0x200, $0x38;
	[tilespmem:$0x16610] =	vst v63  }
0xc6: {  	s14 =	smov.u32 s7;
	s5 =	smov.u32 s13;
	p0 =	sne.s32 s7, $0xF800  }
.Ltmp3:
0xc7: {  	s7 =	sadd.s32 $0x800, s7;
	(pc) =	sbr.rel @p0 .LBB2_8-.Ltmp3, $2  }
0xc8: {  	_ =	sdelay $0x2  }
0xc9: {  	s13 =	sadd.s32 $0x208, s13;
	s14 =	sadd.s32 s14, s9  }
0xca: {  	[hbm4b:s14+s23] =	stream.linear.scatter [tilespmem:s5], [sflag:$0x4], $0x200, $0x38;
	[tilespmem:$0x16610] =	vst v63  }
.LBB2_10:
0xcb: {  	s5 =	sshll.u32 s23, $0x1  }
0xcc: {  	s19 =	sadd.s32 $0x3, s5  }
0xcd: {  	s5 =	sshll.u32 s19, $0x9  }
0xce: {  	s5 =	sand.u32 $0x3FFFFE00, s5  }
0xcf: {  	[tilespmem:s24], [sflag:$0x2] =	stream.indirect.gather [hbm4b:s3+s16], $0x20, s5, s16, $0xb8;
	[tilespmem:$0x16610] =	vst v63  }
0xd0: {  	s7 =	sor.u32 $0x80, s5  }
0xd1: {  	[tilespmem:s26], [sflag:$0x2] =	stream.indirect.gather [hbm4b:s3+s16], $0x20, s7, s16, $0xb8;
	[tilespmem:$0x16610] =	vst v63  }
0xd2: {  	s14 =	sor.u32 $0x100, s5  }
0xd3: {  	[tilespmem:s29], [sflag:$0x2] =	stream.indirect.gather [hbm4b:s3+s16], $0x20, s14, s16, $0xb8;
	[tilespmem:$0x16610] =	vst v63  }
0xd4: {  	s5 =	sor.u32 $0x180, s5  }
0xd5: {  	[tilespmem:s31], [sflag:$0x2] =	stream.indirect.gather [hbm4b:s3+s16], $0x20, s5, s16, $0xb8;
	[tilespmem:$0x16610] =	vst v63  }
0xd6: {  	_ =	swait.ge [sflag:s0], $0x4000  }
0xd7: {  	[sflag:s0] =	ssyncset.done $0x0  }
0xd8: {  	[sflag:s0] =	ssyncadd.s32 $0xFFFFC000  }
0xd9: {  	_ =	swait.ge [sflag:s30], $0x4000  }
0xda: {  	[sflag:s30] =	ssyncset.done $0x0  }
0xdb: {  	s21 =	simm.s32 $0x0;
	s5 =	simm.s32 $0x6440;
	[sflag:s30] =	ssyncadd.s32 $0xFFFFC000  }
0xdc: {  	v3 =	vmov s21;
	v4 =	vld [tilespmem:s5+$0xFFFFFFC0]  }
0xdd: {  	v3 =	vand.u32 $0x1FC, v3;
	v5 =	vld [tilespmem:s5+$0xFFFFFFD0]  }
0xde: {  	v6 =	vadd.s32 v0, v3  }
0xdf: {  	v3 =	vadd.s32 v1, v3;
	_ =	sdelay $0x1  }
0xe0: {  	v4 =	vmul.f32 v4, v2  }
0xe1: {  	v5 =	vmul.f32 v5, v2  }
0xe2: {  	[tilespmem:v6+s1+$0x0] =	vst.idx.msk $0xffff, v4  }
0xe3: {  	s13 =	simm.s32 $0x1;
	[tilespmem:v3+s1+$0x0] =	vst.idx.msk $0xffff, v5  }
0xe4: {  	v3 =	vmov s13;
	v4 =	vld [tilespmem:s5+$0xFFFFFFE0]  }
0xe5: {  	v5 =	vld [tilespmem:s5+$0xFFFFFFF0];
	v3 =	vand.u32 $0x1FD, v3  }
0xe6: {  	v6 =	vadd.s32 v0, v3  }
0xe7: {  	v3 =	vadd.s32 v1, v3;
	_ =	sdelay $0x1  }
0xe8: {  	v4 =	vmul.f32 v4, v2  }
0xe9: {  	v5 =	vmul.f32 v5, v2  }
0xea: {  	[tilespmem:v6+s1+$0x0] =	vst.idx.msk $0xffff, v4  }
0xeb: {  	s14 =	simm.s32 $0x2;
	[tilespmem:v3+s1+$0x0] =	vst.idx.msk $0xffff, v5  }
0xec: {  	v3 =	vmov s14;
	v4 =	vld [tilespmem:s5+$0x0]  }
0xed: {  	v5 =	vld [tilespmem:s5+$0x10];
	v3 =	vand.u32 $0x1FE, v3  }
0xee: {  	v6 =	vadd.s32 v0, v3  }
0xef: {  	v3 =	vadd.s32 v1, v3;
	_ =	sdelay $0x1  }
0xf0: {  	v4 =	vmul.f32 v4, v2  }
0xf1: {  	v5 =	vmul.f32 v5, v2  }
0xf2: {  	[tilespmem:v6+s1+$0x0] =	vst.idx.msk $0xffff, v4  }
0xf3: {  	s21 =	simm.s32 $0x3;
	[tilespmem:v3+s1+$0x0] =	vst.idx.msk $0xffff, v5  }
0xf4: {  	v3 =	vmov s21;
	v4 =	vld [tilespmem:s5+$0x20]  }
0xf5: {  	v3 =	vand.u32 $0x1FF, v3  }
0xf6: {  	v5 =	vld [tilespmem:s5+$0x30];
	v6 =	vadd.s32 v0, v3;
	_ =	sdelay $0x1  }
0xf7: {  	v3 =	vadd.s32 v1, v3  }
0xf8: {  	v7 =	vmul.f32 v4, v2;
	_ =	sdelay $0x1  }
0xf9: {  	s7 =	simm.s32 $0x4;
	v4 =	vmul.f32 v5, v2;
	[tilespmem:v6+s1+$0x0] =	vst.idx.msk $0xffff, v7  }
.LBB2_11:
0xfa: {  	p0 =	slt.u32 s7, $0x1FC  }
0xfb: {  	[tilespmem:v3+s1+$0x0] =	vst.idx.msk $0xffff, v4;
	s5 =	sadd.s32 $0x80, s5;
	s13 =	smov.u32 s7;
	s7 =	sadd.s32 $0x4, s7  }
0xfc: {  	v3 =	vmov s13;
	v4 =	vld [tilespmem:s5+$0xFFFFFFC0]  }
0xfd: {  	v5 =	vld [tilespmem:s5+$0xFFFFFFD0];
	v3 =	vand.u32 $0x1FC, v3  }
0xfe: {  	v6 =	vadd.s32 v0, v3  }
0xff: {  	v3 =	vadd.s32 v1, v3;
	_ =	sdelay $0x1  }
0x100: {  	v4 =	vmul.f32 v4, v2  }
0x101: {  	v5 =	vmul.f32 v5, v2  }
0x102: {  	[tilespmem:v6+s1+$0x0] =	vst.idx.msk $0xffff, v4  }
0x103: {  	s14 =	sadd.s32 $0x1, s13;
	[tilespmem:v3+s1+$0x0] =	vst.idx.msk $0xffff, v5  }
0x104: {  	v3 =	vmov s14;
	v4 =	vld [tilespmem:s5+$0xFFFFFFE0]  }
0x105: {  	v3 =	vand.u32 $0x1FD, v3;
	v5 =	vld [tilespmem:s5+$0xFFFFFFF0]  }
0x106: {  	v6 =	vadd.s32 v0, v3  }
0x107: {  	v3 =	vadd.s32 v1, v3;
	_ =	sdelay $0x1  }
0x108: {  	v4 =	vmul.f32 v4, v2  }
0x109: {  	v5 =	vmul.f32 v5, v2  }
0x10a: {  	[tilespmem:v6+s1+$0x0] =	vst.idx.msk $0xffff, v4  }
0x10b: {  	s14 =	sadd.s32 $0x2, s13;
	[tilespmem:v3+s1+$0x0] =	vst.idx.msk $0xffff, v5  }
0x10c: {  	v3 =	vmov s14;
	v4 =	vld [tilespmem:s5+$0x0]  }
0x10d: {  	v3 =	vand.u32 $0x1FE, v3;
	v5 =	vld [tilespmem:s5+$0x10]  }
0x10e: {  	v6 =	vadd.s32 v0, v3  }
0x10f: {  	v3 =	vadd.s32 v1, v3;
	_ =	sdelay $0x1  }
0x110: {  	v4 =	vmul.f32 v4, v2  }
0x111: {  	v5 =	vmul.f32 v5, v2  }
0x112: {  	[tilespmem:v6+s1+$0x0] =	vst.idx.msk $0xffff, v4  }
0x113: {  	s13 =	sadd.s32 $0x3, s13;
	[tilespmem:v3+s1+$0x0] =	vst.idx.msk $0xffff, v5  }
0x114: {  	v3 =	vmov s13;
	v4 =	vld [tilespmem:s5+$0x20]  }
0x115: {  	v3 =	vand.u32 $0x1FF, v3;
	v5 =	vld [tilespmem:s5+$0x30]  }
0x116: {  	v6 =	vadd.s32 v0, v3  }
.Ltmp4:
0x117: {  	v3 =	vadd.s32 v1, v3;
	(pc) =	sbr.rel @p0 .LBB2_11-.Ltmp4, $4  }
0x118: {  	_ = 	snop  }
0x119: {  	v7 =	vmul.f32 v4, v2  }
0x11a: {  	v4 =	vmul.f32 v5, v2  }
0x11b: {  	[tilespmem:v6+s1+$0x0] =	vst.idx.msk $0xffff, v7  }
0x11c: {  	s5 =	sshll.u32 s23, $0x14  }
0x11d: {  	s5 =	sadd.s32 s10, s5  }
0x11e: {  	s5 =	sshrl.u32 s5, $0x3  }
0x11f: {  	s7 =	simm.s32 $0xE400;
	s5 =	sadd.s32 s4, s5  }
0x120: {  	[tilespmem:v3+s1+$0x0] =	vst.idx.msk $0xffff, v4;
	s13 =	simm.s32 $0x800;
	s14 =	simm.s32 $0xE608;
	s21 =	sadd.s32 $0x0, s5  }
.LBB2_13:
0x121: {  	[hbm4b:s21+s2] =	stream.linear.scatter [tilespmem:s7], [sflag:$0x3], $0x200, $0x38;
	[tilespmem:$0x16610] =	vst v63  }
0x122: {  	s21 =	smov.u32 s13;
	s7 =	smov.u32 s14;
	p0 =	sne.s32 s13, $0xF800  }
.Ltmp5:
0x123: {  	s13 =	sadd.s32 $0x800, s13;
	(pc) =	sbr.rel @p0 .LBB2_13-.Ltmp5, $2  }
0x124: {  	_ =	sdelay $0x2  }
0x125: {  	s14 =	sadd.s32 $0x208, s14;
	s21 =	sadd.s32 s21, s5  }
0x126: {  	[hbm4b:s21+s2] =	stream.linear.scatter [tilespmem:s7], [sflag:$0x3], $0x200, $0x38;
	[tilespmem:$0x16610] =	vst v63  }
0x127: {  	s5 =	sshll.u32 s23, $0xA  }
0x128: {  	s5 =	sand.u32 $0x3FFFFC00, s5  }
0x129: {  	s21 =	sadd.s32 $0x800, s5  }
0x12a: {  	[tilespmem:s17], [sflag:$0x1] =	stream.indirect.gather [hbm4b:s3+s16], $0x20, s21, s16, $0xb8;
	[tilespmem:$0x16610] =	vst v63  }
0x12b: {  	s13 =	sadd.s32 $0x880, s5  }
0x12c: {  	[tilespmem:s18], [sflag:$0x1] =	stream.indirect.gather [hbm4b:s3+s16], $0x20, s13, s16, $0xb8;
	[tilespmem:$0x16610] =	vst v63  }
0x12d: {  	s14 =	sadd.s32 $0x900, s5  }
0x12e: {  	[tilespmem:s20], [sflag:$0x1] =	stream.indirect.gather [hbm4b:s3+s16], $0x20, s14, s16, $0xb8;
	[tilespmem:$0x16610] =	vst v63  }
0x12f: {  	s5 =	sadd.s32 $0x980, s5  }
0x130: {  	[tilespmem:s22], [sflag:$0x1] =	stream.indirect.gather [hbm4b:s3+s16], $0x20, s5, s16, $0xb8;
	[tilespmem:$0x16610] =	vst v63  }
0x131: {  	_ =	swait.ge [sflag:s25], $0x4000  }
0x132: {  	[sflag:s25] =	ssyncset.done $0x0  }
0x133: {  	[sflag:s25] =	ssyncadd.s32 $0xFFFFC000  }
0x134: {  	_ =	swait.ge [sflag:s15], $0x4000  }
0x135: {  	[sflag:s15] =	ssyncset.done $0x0  }
0x136: {  	s21 =	simm.s32 $0x0;
	s5 =	simm.s32 $0xA440;
	[sflag:s15] =	ssyncadd.s32 $0xFFFFC000  }
0x137: {  	v3 =	vmov s21;
	v4 =	vld [tilespmem:s5+$0xFFFFFFC0]  }
0x138: {  	v3 =	vand.u32 $0x1FC, v3;
	v5 =	vld [tilespmem:s5+$0xFFFFFFD0]  }
0x139: {  	v6 =	vadd.s32 v0, v3  }
0x13a: {  	v3 =	vadd.s32 v1, v3;
	_ =	sdelay $0x1  }
0x13b: {  	v4 =	vmul.f32 v4, v2  }
0x13c: {  	v5 =	vmul.f32 v5, v2  }
0x13d: {  	[tilespmem:v6+s28+$0x0] =	vst.idx.msk $0xffff, v4  }
0x13e: {  	s13 =	simm.s32 $0x1;
	[tilespmem:v3+s28+$0x0] =	vst.idx.msk $0xffff, v5  }
0x13f: {  	v3 =	vmov s13;
	v4 =	vld [tilespmem:s5+$0xFFFFFFE0]  }
0x140: {  	v5 =	vld [tilespmem:s5+$0xFFFFFFF0];
	v3 =	vand.u32 $0x1FD, v3  }
0x141: {  	v6 =	vadd.s32 v0, v3  }
0x142: {  	v3 =	vadd.s32 v1, v3;
	_ =	sdelay $0x1  }
0x143: {  	v4 =	vmul.f32 v4, v2  }
0x144: {  	v5 =	vmul.f32 v5, v2  }
0x145: {  	[tilespmem:v6+s28+$0x0] =	vst.idx.msk $0xffff, v4  }
0x146: {  	s14 =	simm.s32 $0x2;
	[tilespmem:v3+s28+$0x0] =	vst.idx.msk $0xffff, v5  }
0x147: {  	v3 =	vmov s14;
	v4 =	vld [tilespmem:s5+$0x0]  }
0x148: {  	v5 =	vld [tilespmem:s5+$0x10];
	v3 =	vand.u32 $0x1FE, v3  }
0x149: {  	v6 =	vadd.s32 v0, v3  }
0x14a: {  	v3 =	vadd.s32 v1, v3;
	_ =	sdelay $0x1  }
0x14b: {  	v4 =	vmul.f32 v4, v2  }
0x14c: {  	v5 =	vmul.f32 v5, v2  }
0x14d: {  	[tilespmem:v6+s28+$0x0] =	vst.idx.msk $0xffff, v4  }
0x14e: {  	s21 =	simm.s32 $0x3;
	[tilespmem:v3+s28+$0x0] =	vst.idx.msk $0xffff, v5  }
0x14f: {  	v3 =	vmov s21;
	v4 =	vld [tilespmem:s5+$0x20]  }
0x150: {  	v3 =	vand.u32 $0x1FF, v3  }
0x151: {  	v5 =	vld [tilespmem:s5+$0x30];
	v6 =	vadd.s32 v0, v3;
	_ =	sdelay $0x1  }
0x152: {  	v3 =	vadd.s32 v1, v3  }
0x153: {  	v7 =	vmul.f32 v4, v2;
	_ =	sdelay $0x1  }
0x154: {  	s7 =	simm.s32 $0x4;
	v4 =	vmul.f32 v5, v2;
	[tilespmem:v6+s28+$0x0] =	vst.idx.msk $0xffff, v7  }
.LBB2_15:
0x155: {  	p0 =	slt.u32 s7, $0x1FC  }
0x156: {  	[tilespmem:v3+s28+$0x0] =	vst.idx.msk $0xffff, v4;
	s5 =	sadd.s32 $0x80, s5;
	s13 =	smov.u32 s7;
	s7 =	sadd.s32 $0x4, s7  }
0x157: {  	v3 =	vmov s13;
	v4 =	vld [tilespmem:s5+$0xFFFFFFC0]  }
0x158: {  	v5 =	vld [tilespmem:s5+$0xFFFFFFD0];
	v3 =	vand.u32 $0x1FC, v3  }
0x159: {  	v6 =	vadd.s32 v0, v3  }
0x15a: {  	v3 =	vadd.s32 v1, v3;
	_ =	sdelay $0x1  }
0x15b: {  	v4 =	vmul.f32 v4, v2  }
0x15c: {  	v5 =	vmul.f32 v5, v2  }
0x15d: {  	[tilespmem:v6+s28+$0x0] =	vst.idx.msk $0xffff, v4  }
0x15e: {  	s14 =	sadd.s32 $0x1, s13;
	[tilespmem:v3+s28+$0x0] =	vst.idx.msk $0xffff, v5  }
0x15f: {  	v3 =	vmov s14;
	v4 =	vld [tilespmem:s5+$0xFFFFFFE0]  }
0x160: {  	v3 =	vand.u32 $0x1FD, v3;
	v5 =	vld [tilespmem:s5+$0xFFFFFFF0]  }
0x161: {  	v6 =	vadd.s32 v0, v3  }
0x162: {  	v3 =	vadd.s32 v1, v3;
	_ =	sdelay $0x1  }
0x163: {  	v4 =	vmul.f32 v4, v2  }
0x164: {  	v5 =	vmul.f32 v5, v2  }
0x165: {  	[tilespmem:v6+s28+$0x0] =	vst.idx.msk $0xffff, v4  }
0x166: {  	s14 =	sadd.s32 $0x2, s13;
	[tilespmem:v3+s28+$0x0] =	vst.idx.msk $0xffff, v5  }
0x167: {  	v3 =	vmov s14;
	v4 =	vld [tilespmem:s5+$0x0]  }
0x168: {  	v3 =	vand.u32 $0x1FE, v3;
	v5 =	vld [tilespmem:s5+$0x10]  }
0x169: {  	v6 =	vadd.s32 v0, v3  }
0x16a: {  	v3 =	vadd.s32 v1, v3;
	_ =	sdelay $0x1  }
0x16b: {  	v4 =	vmul.f32 v4, v2  }
0x16c: {  	v5 =	vmul.f32 v5, v2  }
0x16d: {  	[tilespmem:v6+s28+$0x0] =	vst.idx.msk $0xffff, v4  }
0x16e: {  	s13 =	sadd.s32 $0x3, s13;
	[tilespmem:v3+s28+$0x0] =	vst.idx.msk $0xffff, v5  }
0x16f: {  	v3 =	vmov s13;
	v4 =	vld [tilespmem:s5+$0x20]  }
0x170: {  	v3 =	vand.u32 $0x1FF, v3;
	v5 =	vld [tilespmem:s5+$0x30]  }
0x171: {  	v6 =	vadd.s32 v0, v3  }
.Ltmp6:
0x172: {  	v3 =	vadd.s32 v1, v3;
	(pc) =	sbr.rel @p0 .LBB2_15-.Ltmp6, $4  }
0x173: {  	_ = 	snop  }
0x174: {  	v7 =	vmul.f32 v4, v2  }
0x175: {  	v4 =	vmul.f32 v5, v2  }
0x176: {  	[tilespmem:v6+s28+$0x0] =	vst.idx.msk $0xffff, v7  }
0x177: {  	s5 =	sshll.u32 s19, $0x13  }
0x178: {  	s5 =	sor.u32 s8, s5  }
0x179: {  	s5 =	sshrl.u32 s5, $0x3  }
0x17a: {  	s7 =	simm.s32 $0x12500;
	s5 =	sadd.s32 s4, s5  }
0x17b: {  	[tilespmem:v3+s28+$0x0] =	vst.idx.msk $0xffff, v4;
	s13 =	simm.s32 $0x800;
	s14 =	simm.s32 $0x12708;
	s19 =	sadd.s32 $0x0, s5  }
.LBB2_17:
0x17c: {  	[hbm4b:s19+s2] =	stream.linear.scatter [tilespmem:s7], [sflag:$0x4], $0x200, $0x38;
	[tilespmem:$0x16610] =	vst v63  }
0x17d: {  	s19 =	smov.u32 s13;
	s7 =	smov.u32 s14;
	p0 =	sne.s32 s13, $0xF800  }
.Ltmp7:
0x17e: {  	s13 =	sadd.s32 $0x800, s13;
	(pc) =	sbr.rel @p0 .LBB2_17-.Ltmp7, $2  }
0x17f: {  	_ =	sdelay $0x2  }
0x180: {  	s14 =	sadd.s32 $0x208, s14;
	s19 =	sadd.s32 s19, s5  }
0x181: {  	s23 =	sadd.s32 $0x1, s23  }
0x182: {  	p0 =	sne.s32 s23, $0x17  }
.Ltmp8:
0x183: {  	_ = 	snop;
	(pc) =	sbr.rel @p0 .LBB2_10-.Ltmp8, $2  }
0x184: {  	_ =	sdelay $0x2  }
0x185: {  	[hbm4b:s19+s2] =	stream.linear.scatter [tilespmem:s7], [sflag:$0x4], $0x200, $0x38;
	[tilespmem:$0x16610] =	vst v63  }
0x186: {  	s5 =	simm.s32 $0x6200  }
0x187: {  	[tilespmem:s24], [sflag:$0x2] =	stream.indirect.gather [hbm4b:s3+s16], $0x20, s5, s16, $0xb8;
	[tilespmem:$0x16610] =	vst v63  }
0x188: {  	s7 =	simm.s32 $0x6280  }
0x189: {  	[tilespmem:s26], [sflag:$0x2] =	stream.indirect.gather [hbm4b:s3+s16], $0x20, s7, s16, $0xb8;
	[tilespmem:$0x16610] =	vst v63  }
0x18a: {  	s13 =	simm.s32 $0x6300  }
0x18b: {  	[tilespmem:s29], [sflag:$0x2] =	stream.indirect.gather [hbm4b:s3+s16], $0x20, s13, s16, $0xb8;
	[tilespmem:$0x16610] =	vst v63  }
0x18c: {  	s14 =	simm.s32 $0x6380  }
0x18d: {  	[tilespmem:s31], [sflag:$0x2] =	stream.indirect.gather [hbm4b:s3+s16], $0x20, s14, s16, $0xb8;
	[tilespmem:$0x16610] =	vst v63  }
0x18e: {  	_ =	swait.ge [sflag:s0], $0x4000  }
0x18f: {  	[sflag:s0] =	ssyncset.done $0x0  }
0x190: {  	[sflag:s0] =	ssyncadd.s32 $0xFFFFC000  }
0x191: {  	_ =	swait.ge [sflag:s30], $0x4000  }
0x192: {  	[sflag:s30] =	ssyncset.done $0x0  }
0x193: {  	s5 =	simm.s32 $0x6440;
	s7 =	simm.s32 $0x0;
	[sflag:s30] =	ssyncadd.s32 $0xFFFFC000  }
0x194: {  	v3 =	vmov s7;
	v4 =	vld [tilespmem:s5+$0xFFFFFFC0]  }
0x195: {  	v3 =	vand.u32 $0x1FC, v3;
	v5 =	vld [tilespmem:s5+$0xFFFFFFD0]  }
0x196: {  	v6 =	vadd.s32 v0, v3  }
0x197: {  	v3 =	vadd.s32 v1, v3;
	_ =	sdelay $0x1  }
0x198: {  	v4 =	vmul.f32 v4, v2  }
0x199: {  	v5 =	vmul.f32 v5, v2  }
0x19a: {  	[tilespmem:v6+s1+$0x0] =	vst.idx.msk $0xffff, v4  }
0x19b: {  	s19 =	simm.s32 $0x1;
	[tilespmem:v3+s1+$0x0] =	vst.idx.msk $0xffff, v5  }
0x19c: {  	v3 =	vmov s19;
	v4 =	vld [tilespmem:s5+$0xFFFFFFE0]  }
0x19d: {  	v5 =	vld [tilespmem:s5+$0xFFFFFFF0];
	v3 =	vand.u32 $0x1FD, v3  }
0x19e: {  	v6 =	vadd.s32 v0, v3  }
0x19f: {  	v3 =	vadd.s32 v1, v3;
	_ =	sdelay $0x1  }
0x1a0: {  	v4 =	vmul.f32 v4, v2  }
0x1a1: {  	v5 =	vmul.f32 v5, v2  }
0x1a2: {  	[tilespmem:v6+s1+$0x0] =	vst.idx.msk $0xffff, v4  }
0x1a3: {  	s21 =	simm.s32 $0x2;
	[tilespmem:v3+s1+$0x0] =	vst.idx.msk $0xffff, v5  }
0x1a4: {  	v3 =	vmov s21;
	v4 =	vld [tilespmem:s5+$0x0]  }
0x1a5: {  	v5 =	vld [tilespmem:s5+$0x10];
	v3 =	vand.u32 $0x1FE, v3  }
0x1a6: {  	v6 =	vadd.s32 v0, v3  }
0x1a7: {  	v3 =	vadd.s32 v1, v3;
	_ =	sdelay $0x1  }
0x1a8: {  	v4 =	vmul.f32 v4, v2  }
0x1a9: {  	v5 =	vmul.f32 v5, v2  }
0x1aa: {  	[tilespmem:v6+s1+$0x0] =	vst.idx.msk $0xffff, v4  }
0x1ab: {  	s23 =	simm.s32 $0x3;
	[tilespmem:v3+s1+$0x0] =	vst.idx.msk $0xffff, v5  }
0x1ac: {  	v3 =	vmov s23;
	v4 =	vld [tilespmem:s5+$0x20]  }
0x1ad: {  	v3 =	vand.u32 $0x1FF, v3  }
0x1ae: {  	v5 =	vld [tilespmem:s5+$0x30];
	v6 =	vadd.s32 v0, v3;
	_ =	sdelay $0x1  }
0x1af: {  	v3 =	vadd.s32 v1, v3  }
0x1b0: {  	v7 =	vmul.f32 v4, v2;
	_ =	sdelay $0x1  }
0x1b1: {  	s7 =	simm.s32 $0x4;
	v4 =	vmul.f32 v5, v2;
	[tilespmem:v6+s1+$0x0] =	vst.idx.msk $0xffff, v7  }
.LBB2_20:
0x1b2: {  	p0 =	slt.u32 s7, $0x1FC  }
0x1b3: {  	[tilespmem:v3+s1+$0x0] =	vst.idx.msk $0xffff, v4;
	s5 =	sadd.s32 $0x80, s5;
	s13 =	smov.u32 s7;
	s7 =	sadd.s32 $0x4, s7  }
0x1b4: {  	v3 =	vmov s13;
	v4 =	vld [tilespmem:s5+$0xFFFFFFC0]  }
0x1b5: {  	v5 =	vld [tilespmem:s5+$0xFFFFFFD0];
	v3 =	vand.u32 $0x1FC, v3  }
0x1b6: {  	v6 =	vadd.s32 v0, v3  }
0x1b7: {  	v3 =	vadd.s32 v1, v3;
	_ =	sdelay $0x1  }
0x1b8: {  	v4 =	vmul.f32 v4, v2  }
0x1b9: {  	v5 =	vmul.f32 v5, v2  }
0x1ba: {  	[tilespmem:v6+s1+$0x0] =	vst.idx.msk $0xffff, v4  }
0x1bb: {  	s14 =	sadd.s32 $0x1, s13;
	[tilespmem:v3+s1+$0x0] =	vst.idx.msk $0xffff, v5  }
0x1bc: {  	v3 =	vmov s14;
	v4 =	vld [tilespmem:s5+$0xFFFFFFE0]  }
0x1bd: {  	v3 =	vand.u32 $0x1FD, v3;
	v5 =	vld [tilespmem:s5+$0xFFFFFFF0]  }
0x1be: {  	v6 =	vadd.s32 v0, v3  }
0x1bf: {  	v3 =	vadd.s32 v1, v3;
	_ =	sdelay $0x1  }
0x1c0: {  	v4 =	vmul.f32 v4, v2  }
0x1c1: {  	v5 =	vmul.f32 v5, v2  }
0x1c2: {  	[tilespmem:v6+s1+$0x0] =	vst.idx.msk $0xffff, v4  }
0x1c3: {  	s14 =	sadd.s32 $0x2, s13;
	[tilespmem:v3+s1+$0x0] =	vst.idx.msk $0xffff, v5  }
0x1c4: {  	v3 =	vmov s14;
	v4 =	vld [tilespmem:s5+$0x0]  }
0x1c5: {  	v3 =	vand.u32 $0x1FE, v3;
	v5 =	vld [tilespmem:s5+$0x10]  }
0x1c6: {  	v6 =	vadd.s32 v0, v3  }
0x1c7: {  	v3 =	vadd.s32 v1, v3;
	_ =	sdelay $0x1  }
0x1c8: {  	v4 =	vmul.f32 v4, v2  }
0x1c9: {  	v5 =	vmul.f32 v5, v2  }
0x1ca: {  	[tilespmem:v6+s1+$0x0] =	vst.idx.msk $0xffff, v4  }
0x1cb: {  	s13 =	sadd.s32 $0x3, s13;
	[tilespmem:v3+s1+$0x0] =	vst.idx.msk $0xffff, v5  }
0x1cc: {  	v3 =	vmov s13;
	v4 =	vld [tilespmem:s5+$0x20]  }
0x1cd: {  	v3 =	vand.u32 $0x1FF, v3;
	v5 =	vld [tilespmem:s5+$0x30]  }
0x1ce: {  	v6 =	vadd.s32 v0, v3  }
.Ltmp9:
0x1cf: {  	v3 =	vadd.s32 v1, v3;
	(pc) =	sbr.rel @p0 .LBB2_20-.Ltmp9, $4  }
0x1d0: {  	_ = 	snop  }
0x1d1: {  	v7 =	vmul.f32 v4, v2  }
0x1d2: {  	v4 =	vmul.f32 v5, v2  }
0x1d3: {  	[tilespmem:v6+s1+$0x0] =	vst.idx.msk $0xffff, v7  }
0x1d4: {  	_ =	sdelay $0x2  }
0x1d5: {  	s5 =	simm.s32 $0xE400  }
0x1d6: {  	[tilespmem:v3+s1+$0x0] =	vst.idx.msk $0xffff, v4;
	s7 =	simm.s32 $0x800;
	s14 =	sadd.s32 $0x0, s11;
	s13 =	simm.s32 $0xE608  }
.LBB2_22:
0x1d7: {  	[hbm4b:s14+s2] =	stream.linear.scatter [tilespmem:s5], [sflag:$0x3], $0x200, $0x38;
	[tilespmem:$0x16610] =	vst v63  }
0x1d8: {  	s14 =	smov.u32 s7;
	s5 =	smov.u32 s13;
	p0 =	sne.s32 s7, $0xF800  }
.Ltmp10:
0x1d9: {  	s7 =	sadd.s32 $0x800, s7;
	(pc) =	sbr.rel @p0 .LBB2_22-.Ltmp10, $2  }
0x1da: {  	_ =	sdelay $0x2  }
0x1db: {  	s13 =	sadd.s32 $0x208, s13;
	s14 =	sadd.s32 s14, s11  }
0x1dc: {  	[hbm4b:s14+s2] =	stream.linear.scatter [tilespmem:s5], [sflag:$0x3], $0x200, $0x38;
	[tilespmem:$0x16610] =	vst v63  }
0x1dd: {  	_ =	swait.ge [sflag:s25], $0x4000  }
0x1de: {  	[sflag:s25] =	ssyncset.done $0x0  }
0x1df: {  	[sflag:s25] =	ssyncadd.s32 $0xFFFFC000  }
0x1e0: {  	_ =	swait.ge [sflag:s15], $0x4000  }
0x1e1: {  	[sflag:s15] =	ssyncset.done $0x0  }
0x1e2: {  	s7 =	simm.s32 $0x0;
	s5 =	simm.s32 $0xA440;
	[sflag:s15] =	ssyncadd.s32 $0xFFFFC000  }
0x1e3: {  	v3 =	vmov s7;
	v4 =	vld [tilespmem:s5+$0xFFFFFFC0]  }
0x1e4: {  	v3 =	vand.u32 $0x1FC, v3;
	v5 =	vld [tilespmem:s5+$0xFFFFFFD0]  }
0x1e5: {  	v6 =	vadd.s32 v0, v3  }
0x1e6: {  	v3 =	vadd.s32 v1, v3;
	_ =	sdelay $0x1  }
0x1e7: {  	v4 =	vmul.f32 v4, v2  }
0x1e8: {  	v5 =	vmul.f32 v5, v2  }
0x1e9: {  	[tilespmem:v6+s28+$0x0] =	vst.idx.msk $0xffff, v4  }
0x1ea: {  	s19 =	simm.s32 $0x1;
	[tilespmem:v3+s28+$0x0] =	vst.idx.msk $0xffff, v5  }
0x1eb: {  	v3 =	vmov s19;
	v4 =	vld [tilespmem:s5+$0xFFFFFFE0]  }
0x1ec: {  	v5 =	vld [tilespmem:s5+$0xFFFFFFF0];
	v3 =	vand.u32 $0x1FD, v3  }
0x1ed: {  	v6 =	vadd.s32 v0, v3  }
0x1ee: {  	v3 =	vadd.s32 v1, v3;
	_ =	sdelay $0x1  }
0x1ef: {  	v4 =	vmul.f32 v4, v2  }
0x1f0: {  	v5 =	vmul.f32 v5, v2  }
0x1f1: {  	[tilespmem:v6+s28+$0x0] =	vst.idx.msk $0xffff, v4  }
0x1f2: {  	s21 =	simm.s32 $0x2;
	[tilespmem:v3+s28+$0x0] =	vst.idx.msk $0xffff, v5  }
0x1f3: {  	v3 =	vmov s21;
	v4 =	vld [tilespmem:s5+$0x0]  }
0x1f4: {  	v5 =	vld [tilespmem:s5+$0x10];
	v3 =	vand.u32 $0x1FE, v3  }
0x1f5: {  	v6 =	vadd.s32 v0, v3  }
0x1f6: {  	v3 =	vadd.s32 v1, v3;
	_ =	sdelay $0x1  }
0x1f7: {  	v4 =	vmul.f32 v4, v2  }
0x1f8: {  	v5 =	vmul.f32 v5, v2  }
0x1f9: {  	[tilespmem:v6+s28+$0x0] =	vst.idx.msk $0xffff, v4  }
0x1fa: {  	s23 =	simm.s32 $0x3;
	[tilespmem:v3+s28+$0x0] =	vst.idx.msk $0xffff, v5  }
0x1fb: {  	v3 =	vmov s23;
	v4 =	vld [tilespmem:s5+$0x20]  }
0x1fc: {  	v3 =	vand.u32 $0x1FF, v3  }
0x1fd: {  	v5 =	vld [tilespmem:s5+$0x30];
	v6 =	vadd.s32 v0, v3;
	_ =	sdelay $0x1  }
0x1fe: {  	v3 =	vadd.s32 v1, v3  }
0x1ff: {  	v7 =	vmul.f32 v4, v2;
	_ =	sdelay $0x1  }
0x200: {  	s7 =	simm.s32 $0x4;
	v4 =	vmul.f32 v5, v2;
	[tilespmem:v6+s28+$0x0] =	vst.idx.msk $0xffff, v7  }
.LBB2_24:
0x201: {  	p0 =	slt.u32 s7, $0x1FC  }
0x202: {  	[tilespmem:v3+s28+$0x0] =	vst.idx.msk $0xffff, v4;
	s5 =	sadd.s32 $0x80, s5;
	s13 =	smov.u32 s7;
	s7 =	sadd.s32 $0x4, s7  }
0x203: {  	v3 =	vmov s13;
	v4 =	vld [tilespmem:s5+$0xFFFFFFC0]  }
0x204: {  	v5 =	vld [tilespmem:s5+$0xFFFFFFD0];
	v3 =	vand.u32 $0x1FC, v3  }
0x205: {  	v6 =	vadd.s32 v0, v3  }
0x206: {  	v3 =	vadd.s32 v1, v3;
	_ =	sdelay $0x1  }
0x207: {  	v4 =	vmul.f32 v4, v2  }
0x208: {  	v5 =	vmul.f32 v5, v2  }
0x209: {  	[tilespmem:v6+s28+$0x0] =	vst.idx.msk $0xffff, v4  }
0x20a: {  	s14 =	sadd.s32 $0x1, s13;
	[tilespmem:v3+s28+$0x0] =	vst.idx.msk $0xffff, v5  }
0x20b: {  	v3 =	vmov s14;
	v4 =	vld [tilespmem:s5+$0xFFFFFFE0]  }
0x20c: {  	v3 =	vand.u32 $0x1FD, v3;
	v5 =	vld [tilespmem:s5+$0xFFFFFFF0]  }
0x20d: {  	v6 =	vadd.s32 v0, v3  }
0x20e: {  	v3 =	vadd.s32 v1, v3;
	_ =	sdelay $0x1  }
0x20f: {  	v4 =	vmul.f32 v4, v2  }
0x210: {  	v5 =	vmul.f32 v5, v2  }
0x211: {  	[tilespmem:v6+s28+$0x0] =	vst.idx.msk $0xffff, v4  }
0x212: {  	s14 =	sadd.s32 $0x2, s13;
	[tilespmem:v3+s28+$0x0] =	vst.idx.msk $0xffff, v5  }
0x213: {  	v3 =	vmov s14;
	v4 =	vld [tilespmem:s5+$0x0]  }
0x214: {  	v3 =	vand.u32 $0x1FE, v3;
	v5 =	vld [tilespmem:s5+$0x10]  }
0x215: {  	v6 =	vadd.s32 v0, v3  }
0x216: {  	v3 =	vadd.s32 v1, v3;
	_ =	sdelay $0x1  }
0x217: {  	v4 =	vmul.f32 v4, v2  }
0x218: {  	v5 =	vmul.f32 v5, v2  }
0x219: {  	[tilespmem:v6+s28+$0x0] =	vst.idx.msk $0xffff, v4  }
0x21a: {  	s13 =	sadd.s32 $0x3, s13;
	[tilespmem:v3+s28+$0x0] =	vst.idx.msk $0xffff, v5  }
0x21b: {  	v3 =	vmov s13;
	v4 =	vld [tilespmem:s5+$0x20]  }
0x21c: {  	v3 =	vand.u32 $0x1FF, v3;
	v5 =	vld [tilespmem:s5+$0x30]  }
0x21d: {  	v6 =	vadd.s32 v0, v3  }
.Ltmp11:
0x21e: {  	v3 =	vadd.s32 v1, v3;
	(pc) =	sbr.rel @p0 .LBB2_24-.Ltmp11, $4  }
0x21f: {  	_ = 	snop  }
0x220: {  	v7 =	vmul.f32 v4, v2  }
0x221: {  	v4 =	vmul.f32 v5, v2  }
0x222: {  	[tilespmem:v6+s28+$0x0] =	vst.idx.msk $0xffff, v7  }
0x223: {  	_ =	sdelay $0x2  }
0x224: {  	s5 =	simm.s32 $0x12500  }
0x225: {  	[tilespmem:v3+s28+$0x0] =	vst.idx.msk $0xffff, v4;
	s7 =	simm.s32 $0x800;
	s14 =	sadd.s32 $0x0, s12;
	s13 =	simm.s32 $0x12708  }
.LBB2_26:
0x226: {  	[hbm4b:s14+s2] =	stream.linear.scatter [tilespmem:s5], [sflag:$0x4], $0x200, $0x38;
	[tilespmem:$0x16610] =	vst v63  }
0x227: {  	s14 =	smov.u32 s7;
	s5 =	smov.u32 s13;
	p0 =	sne.s32 s7, $0xF800  }
.Ltmp12:
0x228: {  	s7 =	sadd.s32 $0x800, s7;
	(pc) =	sbr.rel @p0 .LBB2_26-.Ltmp12, $2  }
0x229: {  	_ =	sdelay $0x2  }
0x22a: {  	s13 =	sadd.s32 $0x208, s13;
	s14 =	sadd.s32 s14, s12  }
0x22b: {  	[hbm4b:s14+s2] =	stream.linear.scatter [tilespmem:s5], [sflag:$0x4], $0x200, $0x38;
	[tilespmem:$0x16610] =	vst v63  }
0x22c: {  	_ =	swait.ge [sflag:s30], $0x4000  }
0x22d: {  	[sflag:s30] =	ssyncset.done $0x0  }
0x22e: {  	[sflag:s30] =	ssyncadd.s32 $0xFFFFC000  }
0x22f: {  	_ =	swait.ge [sflag:s15], $0x4000  }
0x230: {  	s7 =	rddreg [dreg:$0x6]  }
0x231: {  	s23 =	rddreg [dreg:$0x5];
	s7 =	sadd.s32 $0x1, s7  }
0x232: {  	p0 =	sne.s32 s7, s23  }
.Ltmp13:
0x233: {  	_ = 	snop;
	(pc) =	sbr.rel @p0 .LBB2_1-.Ltmp13, $3  }
0x234: {  	_ =	sdelay $0x1  }
0x235: {  	[sflag:s15] =	ssyncset.done $0x0  }
0x236: {  	[sflag:s15] =	ssyncadd.s32 $0xFFFFC000  }
0x237: {  	_ =	sfence.sel $0x180000  }
0x238: {  	[bflag:$0x0] =	sbarrier.arrive $0xFFFF  }
0x239: {  	_ =	strace $0x9000004A  }
0x23a: {  	s0 =	stileid.u32;
	[bflag:$0x2] =	sbarrier.arrive $0xFFFF  }
0x23b: {  	p0 =	sne.s32 s0, $0x0;
	s0 =	rddreg [dreg:$0x2]  }
0x23c: {  	s0 =	sadd.s32 @!p0 $0x100000, s0  }
0x23d: {  	[sflag:s0] =	ssyncadd.tile.s32 @!p0 $0x1;
	_ =	shalt  }
.Lfunc_end2:
_tile_overlayer_lowered:
.L_overlay_start_2:
0x23e: {  	(tag) =	ssettag $0x2  }
0x23f: {  	s0 =	rddreg [dreg:$0x0];
	s2 =	stileid.u32  }
0x240: {  	s1 =	rddreg [dreg:$0x1];
	p0 =	sne.s32 s2, $0x0  }
0x241: {  	s3 =	rddreg [dreg:$0x2];
	[bflag:$0x3] =	sbarrier.arrive $0xFFFF;
	s2 =	simm.s32 @!p0 $0x1C05  }
0x242: {  	[timem:s3], [sflag:s2] =	dma.local @!p0 [hbm:s0], s1  }
0x243: {  	s0 =	simm.s32 @!p0 $0x5  }
0x244: {  	_ =	swait.ge @!p0 [sflag:s0], s1  }
0x245: {  	s1 =	ssub.s32 @!p0 $0x0, s1;
	[sflag:s0] =	ssyncset.done @!p0 $0x0  }
0x246: {  	[sflag:s0] =	ssyncadd.s32 @!p0 s1  }
0x247: {  	[bflag:$0x3] =	sbarrier.arrive $0xFFFF  }
0x248: {  	_ =	shalt  }

</sc_bundles>
